<compile_context>
chip_gen: v7x
topology: tpu7x:2x2x1
jax: 0.10.2.dev20260603
libtpu: 0.0.44.dev20260713+nightly
codegen_flags: <defaults>
</compile_context>

<pallas_src>
import functools

import jax
import jax.numpy as jnp
from jax import lax
from jax.experimental import pallas as pl
from jax.experimental.pallas import tpu as pltpu
from jax.experimental.pallas import tpu_sc as plsc

N = 10000
E = 320000
D = 128
C = 64

NW = 32
NPW = 320
NPAD = NW * NPW
EB = 6400
NCHUNK = E // EB
G = 128
FB = 32
LCH = 2048
CAP = E + NCHUNK * FB + 4 * G + LCH


def _build_body(src_hbm, dst_hbm, lsrc_hbm, lldst_hbm, cnts_hbm,
                src_v, dst_v, cs_src, cs_ldst):
    cid = lax.axis_index("c")
    sid = lax.axis_index("s")
    wid = sid * 2 + cid
    lo = wid * NPW
    base = wid * CAP
    dump = jnp.full((16,), NPW, jnp.int32)
    zsrc = jnp.zeros((16,), jnp.int32)

    def chunk_body(ch, gblk):
        pltpu.sync_copy(src_hbm.at[pl.ds(ch * EB, EB)], src_v)
        pltpu.sync_copy(dst_hbm.at[pl.ds(ch * EB, EB)], dst_v)

        def compact(i, cnt):
            d = dst_v[pl.ds(i * 16, 16)]
            sv = src_v[pl.ds(i * 16, 16)]
            m = (d >= lo) & (d < lo + NPW)
            csum = plsc.cumsum(jnp.where(m, 1, 0))
            idx = cnt + csum - 1
            plsc.store_scatter(cs_src, [idx], sv, mask=m)
            plsc.store_scatter(cs_ldst, [idx], d - lo, mask=m)
            return cnt + csum[15]
        cnt = lax.fori_loop(0, EB // 16, compact, jnp.int32(0))

        cs_src[pl.ds(cnt, 16)] = zsrc
        cs_src[pl.ds(cnt + 16, 16)] = zsrc
        cs_ldst[pl.ds(cnt, 16)] = dump
        cs_ldst[pl.ds(cnt + 16, 16)] = dump
        nfl = (cnt + FB - 1) // FB

        def flush(f, carry):
            off = base + (gblk + f) * FB
            pltpu.sync_copy(cs_src.at[pl.ds(f * FB, FB)], lsrc_hbm.at[pl.ds(off, FB)])
            pltpu.sync_copy(cs_ldst.at[pl.ds(f * FB, FB)], lldst_hbm.at[pl.ds(off, FB)])
            return carry
        lax.fori_loop(0, nfl, flush, 0)
        return gblk + nfl
    gblk = lax.fori_loop(0, NCHUNK, chunk_body, jnp.int32(0))
    gcnt = gblk * FB

    for i in range(2 * G // 16):
        cs_src[pl.ds(i * 16, 16)] = zsrc
        cs_ldst[pl.ds(i * 16, 16)] = dump
    for f in range(2 * G // FB):
        off = base + (gblk + f) * FB
        pltpu.sync_copy(cs_src.at[pl.ds(f * FB, FB)],
                        lsrc_hbm.at[pl.ds(off, FB)])
        pltpu.sync_copy(cs_ldst.at[pl.ds(f * FB, FB)],
                        lldst_hbm.at[pl.ds(off, FB)])

    dst_v[pl.ds(0, 16)] = jnp.full((16,), gcnt, jnp.int32)
    pltpu.sync_copy(dst_v.at[pl.ds(0, 16)], cnts_hbm.at[pl.ds(wid * 16, 16)])


_build = pl.kernel(
    _build_body,
    mesh=plsc.VectorSubcoreMesh(core_axis_name="c", subcore_axis_name="s"),
    compiler_params=pltpu.CompilerParams(needs_layout_passes=False),
    out_type=(jax.ShapeDtypeStruct((NW * CAP,), jnp.int32),
              jax.ShapeDtypeStruct((NW * CAP,), jnp.int32),
              jax.ShapeDtypeStruct((NW * 16,), jnp.int32)),
    scratch_types=[
        pltpu.VMEM((EB,), jnp.int32),
        pltpu.VMEM((EB,), jnp.int32),
        pltpu.VMEM((EB + 48,), jnp.int32),
        pltpu.VMEM((EB + 48,), jnp.int32),
    ],
)


def _layer_body(h_hbm, lsrc_hbm, lldst_hbm, cnts_hbm, out_hbm,
                lsrc_v, lldst_v, gbuf0, gbuf1, agg, sem0, sem1):
    cid = lax.axis_index("c")
    sid = lax.axis_index("s")
    wid = sid * 2 + cid
    lo = wid * NPW
    base = wid * CAP

    zf = jnp.zeros((16,), jnp.float32)

    def zrow(r, carry):
        for cc in range(D // 16):
            agg[r, pl.ds(cc * 16, 16)] = zf
        return carry
    lax.fori_loop(0, NPW + 1, zrow, 0)

    pltpu.sync_copy(cnts_hbm.at[pl.ds(wid * 16, 16)], lldst_v.at[pl.ds(0, 16)])
    cnt = lldst_v[pl.ds(0, 16)][0]
    nch = (cnt + LCH - 1) // LCH

    def start(b, gb, sem):
        pltpu.async_copy(h_hbm.at[lsrc_v.at[pl.ds(b * G, G)]], gb, sem)

    def drain(gb, sem):
        pltpu.make_async_copy(h_hbm.at[lsrc_v.at[pl.ds(0, G)]], gb, sem).wait()

    def update(b, gb):
        def upd(j, carry3):
            ldj = lldst_v[pl.ds(b * G + j, 16)][0]
            for cc in range(D // 16):
                sl = pl.ds(cc * 16, 16)
                agg[ldj, sl] = jnp.maximum(agg[ldj, sl], gb[j, sl])
            return carry3
        lax.fori_loop(0, G, upd, 0)

    def chunk(ch, carry):
        cbase = ch * LCH
        pltpu.sync_copy(lsrc_hbm.at[pl.ds(base + cbase, LCH)], lsrc_v)
        pltpu.sync_copy(lldst_hbm.at[pl.ds(base + cbase, LCH)],
                        lldst_v.at[pl.ds(0, LCH)])
        nb = jnp.minimum((cnt - cbase + 2 * G - 1) // (2 * G) * 2, LCH // G)

        start(0, gbuf0, sem0)

        def pair(p, carry2):
            b0 = p * 2
            start(b0 + 1, gbuf1, sem1)
            drain(gbuf0, sem0)
            update(b0, gbuf0)

            @pl.when(b0 + 2 < nb)
            def _():
                start(b0 + 2, gbuf0, sem0)

            drain(gbuf1, sem1)
            update(b0 + 1, gbuf1)
            return carry2
        lax.fori_loop(0, nb // 2, pair, 0)
        return carry
    lax.fori_loop(0, nch, chunk, 0)

    pltpu.sync_copy(agg.at[pl.ds(0, NPW)], out_hbm.at[pl.ds(lo, NPW)])


_layer = pl.kernel(
    _layer_body,
    mesh=plsc.VectorSubcoreMesh(core_axis_name="c", subcore_axis_name="s"),
    compiler_params=pltpu.CompilerParams(needs_layout_passes=False),
    out_type=jax.ShapeDtypeStruct((NPAD, D), jnp.float32),
    scratch_types=[
        pltpu.VMEM((LCH,), jnp.int32),
        pltpu.VMEM((LCH + 16,), jnp.int32),
        pltpu.VMEM((G, D), jnp.float32),
        pltpu.VMEM((G, D), jnp.float32),
        pltpu.VMEM((NPW + 1, D), jnp.float32),
        pltpu.SemaphoreType.DMA,
        pltpu.SemaphoreType.DMA,
    ],
)


_DOT = functools.partial(
    lax.dot_general,
    dimension_numbers=(((1,), (1,)), ((), ())),
    preferred_element_type=jnp.float32,
)


def _lrelu(t):
    return jnp.where(t > 0, t, 0.01 * t)


def _mm_pool_body(x_ref, w_ref, b_ref, h_ref):
    h_ref[...] = jnp.maximum(_DOT(x_ref[...], w_ref[...]) + b_ref[...], 0.0)


def _mm_mid_body(x_ref, a_ref, ws_ref, wn_ref, b_ref, wp2_ref, bp2_ref,
                 y_ref, h2_ref):
    y = _lrelu(_DOT(x_ref[...], ws_ref[...]) + _DOT(a_ref[...], wn_ref[...])
               + b_ref[...])
    y_ref[...] = y
    h2_ref[...] = jnp.maximum(_DOT(y, wp2_ref[...]) + bp2_ref[...], 0.0)


def _mm_head_body(y1_ref, a2_ref, ws2_ref, wn2_ref, b2_ref,
                  l1w_ref, l1b_ref, l2w_ref, l2b_ref, l3w_ref, l3b_ref,
                  l4w_ref, l4b_ref, l5w_ref, l5b_ref, out_ref):
    h = _lrelu(_DOT(y1_ref[...], ws2_ref[...]) + _DOT(a2_ref[...], wn2_ref[...])
               + b2_ref[...])
    h = _lrelu(_DOT(h, l1w_ref[...]) + l1b_ref[...])
    h = _lrelu(_DOT(h, l2w_ref[...]) + l2b_ref[...])
    h = _lrelu(_DOT(h, l3w_ref[...]) + l3b_ref[...])
    h = _lrelu(_DOT(h, l4w_ref[...]) + l4b_ref[...])
    out_ref[...] = _DOT(h, l5w_ref[...]) + l5b_ref[...]


_RB = 2000


def _row_spec(width):
    return pl.BlockSpec((_RB, width), lambda i: (i, 0))


def _full_spec(shape):
    return pl.BlockSpec(shape, lambda i: (0,) * len(shape))


def _w():
    return _full_spec((D, D))


def _b():
    return _full_spec((1, D))


_mm_pool = pl.pallas_call(
    _mm_pool_body,
    grid=(N // _RB,),
    in_specs=[_row_spec(D), _w(), _b()],
    out_specs=_row_spec(D),
    out_shape=jax.ShapeDtypeStruct((N, D), jnp.float32),
)

_mm_mid = pl.pallas_call(
    _mm_mid_body,
    grid=(N // _RB,),
    in_specs=[_row_spec(D), _row_spec(D), _w(), _w(), _b(), _w(), _b()],
    out_specs=[_row_spec(D), _row_spec(D)],
    out_shape=[jax.ShapeDtypeStruct((N, D), jnp.float32),
               jax.ShapeDtypeStruct((N, D), jnp.float32)],
)

_mm_head = pl.pallas_call(
    _mm_head_body,
    grid=(N // _RB,),
    in_specs=[_row_spec(D), _row_spec(D), _w(), _w(), _b(),
              _w(), _b(), _w(), _b(), _w(), _b(), _w(), _b(),
              _full_spec((C, D)), _full_spec((1, C))],
    out_specs=_row_spec(C),
    out_shape=jax.ShapeDtypeStruct((N, C), jnp.float32),
)


def kernel(x, edge_index, Wp1, bp1, Wn1, Ws1, b1, Wp2, bp2, Wn2, Ws2, b2,
           L1W, L1b, L2W, L2b, L3W, L3b, L4W, L4b, L5W, L5b):
    src = edge_index[0]
    dst = edge_index[1]

    lsrc, lldst, cnts = _build(src, dst)
    h1 = _mm_pool(x, Wp1, bp1.reshape(1, D))
    agg1 = _layer(h1, lsrc, lldst, cnts)[:N]
    y1, h2 = _mm_mid(x, agg1, Ws1, Wn1, b1.reshape(1, D), Wp2,
                     bp2.reshape(1, D))
    agg2 = _layer(h2, lsrc, lldst, cnts)[:N]
    return _mm_head(y1, agg2, Ws2, Wn2, b2.reshape(1, D),
                    L1W, L1b.reshape(1, D), L2W, L2b.reshape(1, D),
                    L3W, L3b.reshape(1, D), L4W, L4b.reshape(1, D),
                    L5W, L5b.reshape(1, C))

# --- scband reference (transcript-rebuilt; emitter-appended) ---
"""Pipeline reference for scband-sage-13975823581723 (READ-ONLY COPY).

The authoritative reference and input builder live on the scoring server;
editing this copy changes nothing except your own understanding.
"""

import jax, jax.numpy as jnp
import numpy as np

N = 10000
E = 320000
D = 128
H = 128
C = 64

def _lin(key, out_f, in_f):
    bound = 1.0 / np.sqrt(in_f)
    return jax.random.uniform(key, (out_f, in_f), jnp.float32, -bound, bound)

def setup_inputs(seed: int = 0):
    key = jax.random.key(seed)
    ks = jax.random.split(key, 24)
    inp = {}
    inp['x'] = jax.random.normal(ks[0], (N, D), jnp.float32)
    inp['edge_index'] = jax.random.randint(ks[1], (2, E), 0, N)
    # SAGEConv layer 1 (pool aggregator)
    inp['Wp1'] = _lin(ks[2], D, D); inp['bp1'] = jnp.zeros((D,), jnp.float32)
    inp['Wn1'] = _lin(ks[3], H, D)
    inp['Ws1'] = _lin(ks[4], H, D)
    inp['b1'] = jnp.zeros((H,), jnp.float32)
    # SAGEConv layer 2 (pool aggregator)
    inp['Wp2'] = _lin(ks[5], H, H); inp['bp2'] = jnp.zeros((H,), jnp.float32)
    inp['Wn2'] = _lin(ks[6], H, H)
    inp['Ws2'] = _lin(ks[7], H, H)
    inp['b2'] = jnp.zeros((H,), jnp.float32)
    # MLP head lin1..lin5
    inp['L1W'] = _lin(ks[8], H, H);  inp['L1b'] = jnp.zeros((H,), jnp.float32)
    inp['L2W'] = _lin(ks[9], H, H);  inp['L2b'] = jnp.zeros((H,), jnp.float32)
    inp['L3W'] = _lin(ks[10], H, H); inp['L3b'] = jnp.zeros((H,), jnp.float32)
    inp['L4W'] = _lin(ks[11], H, H); inp['L4b'] = jnp.zeros((H,), jnp.float32)
    inp['L5W'] = _lin(ks[12], C, H); inp['L5b'] = jnp.zeros((C,), jnp.float32)
    return inp

def _sage_pool(x, src, dst, Wp, bp, Wn, Ws, b):
    # DGL SAGEConv('pool'): h_neigh = max_{u in N(v)} relu(fc_pool(x_u)); rst = fc_self(x_v) + fc_neigh(h_neigh) + bias
    h = jax.nn.relu(x @ Wp.T + bp)
    msgs = jnp.take(h, src, axis=0)
    agg = jax.ops.segment_max(msgs, dst, num_segments=N)
    agg = jnp.maximum(agg, 0.0)  # isolated nodes get 0 (DGL semantics); relu output is >= 0 anyway
    return x @ Ws.T + agg @ Wn.T + b

def reference(x, edge_index, Wp1, bp1, Wn1, Ws1, b1, Wp2, bp2, Wn2, Ws2, b2, L1W, L1b, L2W, L2b, L3W, L3b, L4W, L4b, L5W, L5b):
    src = edge_index[0]
    dst = edge_index[1]
    lrelu = lambda t: jax.nn.leaky_relu(t, 0.01)
    h = lrelu(_sage_pool(x, src, dst, Wp1, bp1, Wn1, Ws1, b1))
    h = lrelu(_sage_pool(h, src, dst, Wp2, bp2, Wn2, Ws2, b2))
    h = lrelu(h @ L1W.T + L1b)
    h = lrelu(h @ L2W.T + L2b)
    h = lrelu(h @ L3W.T + L3b)
    h = lrelu(h @ L4W.T + L4b)
    return h @ L5W.T + L5b

if __name__ == "__main__":
    import jax
    _d = setup_inputs()
    print(jax.jit(kernel)(*tuple(_d.values())))

</pallas_src>

<mosaic_0001>
#map = affine_map<(d0, d1) -> (0, 0)>
#map1 = affine_map<(d0, d1) -> (0)>
module attributes {stable_mosaic.version = 14 : i64} {
  func.func @_layer_body(%arg0: i32, %arg1: i32, %arg2: memref<10000x128xf32, #tpu.memory_space<hbm>>, %arg3: memref<10373120xi32, #tpu.memory_space<hbm>>, %arg4: memref<10373120xi32, #tpu.memory_space<hbm>>, %arg5: memref<512xi32, #tpu.memory_space<hbm>>, %arg6: memref<10240x128xf32, #tpu.memory_space<hbm>>, %arg7: memref<2048xi32, #tpu.memory_space<vmem>>, %arg8: memref<2064xi32, #tpu.memory_space<vmem>>, %arg9: memref<128x128xf32, #tpu.memory_space<vmem>>, %arg10: memref<128x128xf32, #tpu.memory_space<vmem>>, %arg11: memref<321x128xf32, #tpu.memory_space<vmem>>, %arg12: memref<!tpu.dma_semaphore, #tpu.memory_space<semaphore_mem>>, %arg13: memref<!tpu.dma_semaphore, #tpu.memory_space<semaphore_mem>>) attributes {dimension_semantics = [#tpu.dimension_semantics<core_parallel>, #tpu.dimension_semantics<subcore_parallel>], iteration_bounds = array<i64: 2, 16>, scalar_prefetch = 0 : i64, scratch_operands = 7 : i64, tpu.core_type = #tpu.core_type<sc_vector_subcore>, window_params = [{transform_indices = #map}, {transform_indices = #map1}, {transform_indices = #map1}, {transform_indices = #map1}, {transform_indices = #map}]} {
    %mul3A = arith.constant 2 : i32
    %mul3A_0 = arith.muli %arg1, %mul3A : i32
    %add3A = arith.addi %mul3A_0, %arg0 : i32
    %mul3A_1 = arith.constant 320 : i32
    %mul3A_2 = arith.muli %add3A, %mul3A_1 : i32
    %mul3A_3 = arith.constant 324160 : i32
    %mul3A_4 = arith.muli %add3A, %mul3A_3 : i32
    %broadcast_in_dim3A = arith.constant 0.000000e+00 : f32
    %broadcast_in_dim3A_5 = vector.broadcast %broadcast_in_dim3A : f32 to vector<16xf32>
    %scan3A = arith.constant 0 : i32
    %scan3A_6 = arith.constant 0 : i32
    %scan3A_7 = arith.constant 321 : i32
    %scan3A_8 = arith.addi %scan3A_6, %scan3A_7 : i32
    %scan3A_9 = arith.constant 1 : i32
    scf.for %scan3A_43 = %scan3A_6 to %scan3A_8 step %scan3A_9  : i32 {
      %swap3A = arith.index_cast %scan3A_43 : i32 to index
      %swap3A_44 = arith.constant 0 : index
      %swap3A_45 = tpu.vector_load %arg11[%swap3A, %swap3A_44] {strides = array<i32>} : memref<321x128xf32, #tpu.memory_space<vmem>>, vector<16xf32>,
      tpu.vector_store %arg11[%swap3A, %swap3A_44], %broadcast_in_dim3A_5 {strides = array<i32>} : memref<321x128xf32, #tpu.memory_space<vmem>>, vector<16xf32>,
      %swap3A_46 = arith.index_cast %scan3A_43 : i32 to index
      %swap3A_47 = arith.constant 16 : index
      %swap3A_48 = tpu.vector_load %arg11[%swap3A_46, %swap3A_47] {strides = array<i32>} : memref<321x128xf32, #tpu.memory_space<vmem>>, vector<16xf32>,
      tpu.vector_store %arg11[%swap3A_46, %swap3A_47], %broadcast_in_dim3A_5 {strides = array<i32>} : memref<321x128xf32, #tpu.memory_space<vmem>>, vector<16xf32>,
      %swap3A_49 = arith.index_cast %scan3A_43 : i32 to index
      %swap3A_50 = arith.constant 32 : index
      %swap3A_51 = tpu.vector_load %arg11[%swap3A_49, %swap3A_50] {strides = array<i32>} : memref<321x128xf32, #tpu.memory_space<vmem>>, vector<16xf32>,
      tpu.vector_store %arg11[%swap3A_49, %swap3A_50], %broadcast_in_dim3A_5 {strides = array<i32>} : memref<321x128xf32, #tpu.memory_space<vmem>>, vector<16xf32>,
      %swap3A_52 = arith.index_cast %scan3A_43 : i32 to index
      %swap3A_53 = arith.constant 48 : index
      %swap3A_54 = tpu.vector_load %arg11[%swap3A_52, %swap3A_53] {strides = array<i32>} : memref<321x128xf32, #tpu.memory_space<vmem>>, vector<16xf32>,
      tpu.vector_store %arg11[%swap3A_52, %swap3A_53], %broadcast_in_dim3A_5 {strides = array<i32>} : memref<321x128xf32, #tpu.memory_space<vmem>>, vector<16xf32>,
      %swap3A_55 = arith.index_cast %scan3A_43 : i32 to index
      %swap3A_56 = arith.constant 64 : index
      %swap3A_57 = tpu.vector_load %arg11[%swap3A_55, %swap3A_56] {strides = array<i32>} : memref<321x128xf32, #tpu.memory_space<vmem>>, vector<16xf32>,
      tpu.vector_store %arg11[%swap3A_55, %swap3A_56], %broadcast_in_dim3A_5 {strides = array<i32>} : memref<321x128xf32, #tpu.memory_space<vmem>>, vector<16xf32>,
      %swap3A_58 = arith.index_cast %scan3A_43 : i32 to index
      %swap3A_59 = arith.constant 80 : index
      %swap3A_60 = tpu.vector_load %arg11[%swap3A_58, %swap3A_59] {strides = array<i32>} : memref<321x128xf32, #tpu.memory_space<vmem>>, vector<16xf32>,
      tpu.vector_store %arg11[%swap3A_58, %swap3A_59], %broadcast_in_dim3A_5 {strides = array<i32>} : memref<321x128xf32, #tpu.memory_space<vmem>>, vector<16xf32>,
      %swap3A_61 = arith.index_cast %scan3A_43 : i32 to index
      %swap3A_62 = arith.constant 96 : index
      %swap3A_63 = tpu.vector_load %arg11[%swap3A_61, %swap3A_62] {strides = array<i32>} : memref<321x128xf32, #tpu.memory_space<vmem>>, vector<16xf32>,
      tpu.vector_store %arg11[%swap3A_61, %swap3A_62], %broadcast_in_dim3A_5 {strides = array<i32>} : memref<321x128xf32, #tpu.memory_space<vmem>>, vector<16xf32>,
      %swap3A_64 = arith.index_cast %scan3A_43 : i32 to index
      %swap3A_65 = arith.constant 112 : index
      %swap3A_66 = tpu.vector_load %arg11[%swap3A_64, %swap3A_65] {strides = array<i32>} : memref<321x128xf32, #tpu.memory_space<vmem>>, vector<16xf32>,
      tpu.vector_store %arg11[%swap3A_64, %swap3A_65], %broadcast_in_dim3A_5 {strides = array<i32>} : memref<321x128xf32, #tpu.memory_space<vmem>>, vector<16xf32>,
    }
    %scan3A_10 = arith.constant 321 : i32
    %mul3A_11 = arith.constant 16 : i32
    %mul3A_12 = arith.muli %add3A, %mul3A_11 : i32
    "tpu.region"() ({
      %run_scoped3A = tpu.sem_alloc : memref<!tpu.dma_semaphore, #tpu.memory_space<semaphore_mem>>
      %dma_start3A = arith.constant 0 : i32
      %dma_start3A_43 = tpu.memref_slice %arg8[%dma_start3A] : memref<2064xi32, #tpu.memory_space<vmem>> -> memref<16xi32, #tpu.memory_space<vmem>>
      %dma_start3A_44 = tpu.memref_slice %arg5[%mul3A_12] : memref<512xi32, #tpu.memory_space<hbm>> -> memref<16xi32, #tpu.memory_space<hbm>>
      %dma_start3A_45 = arith.constant 0 : i32
      %dma_start3A_46 = tpu.memref_slice %arg8[%dma_start3A_45] : memref<2064xi32, #tpu.memory_space<vmem>> -> memref<16xi32, #tpu.memory_space<vmem>>
      %dma_start3A_47 = tpu.memref_slice %arg5[%mul3A_12] : memref<512xi32, #tpu.memory_space<hbm>> -> memref<16xi32, #tpu.memory_space<hbm>>
      tpu.enqueue_dma source(%dma_start3A_47 : memref<16xi32, #tpu.memory_space<hbm>>) target(%dma_start3A_46 : memref<16xi32, #tpu.memory_space<vmem>>) target_semaphore(%run_scoped3A : memref<!tpu.dma_semaphore, #tpu.memory_space<semaphore_mem>>)
      %dma_wait3A = arith.constant 0 : i32
      %dma_wait3A_48 = tpu.memref_slice %arg8[%dma_wait3A] : memref<2064xi32, #tpu.memory_space<vmem>> -> memref<16xi32, #tpu.memory_space<vmem>>
      %dma_wait3A_49 = tpu.memref_slice %arg5[%mul3A_12] : memref<512xi32, #tpu.memory_space<hbm>> -> memref<16xi32, #tpu.memory_space<hbm>>
      %dma_wait3A_50 = arith.constant 0 : i32
      %dma_wait3A_51 = tpu.memref_slice %arg8[%dma_wait3A_50] : memref<2064xi32, #tpu.memory_space<vmem>> -> memref<16xi32, #tpu.memory_space<vmem>>
      %dma_wait3A_52 = tpu.memref_slice %arg5[%mul3A_12] : memref<512xi32, #tpu.memory_space<hbm>> -> memref<16xi32, #tpu.memory_space<hbm>>
      tpu.wait_dma2 semaphore(%run_scoped3A : memref<!tpu.dma_semaphore, #tpu.memory_space<semaphore_mem>>) src(%dma_wait3A_52 : memref<16xi32, #tpu.memory_space<hbm>>) dst(%dma_wait3A_51 : memref<16xi32, #tpu.memory_space<vmem>>)
      tpu.yield
    }) : () -> ()
    %get3A = arith.constant 0 : index
    %get3A_13 = tpu.vector_load %arg8[%get3A] {strides = array<i32>} : memref<2064xi32, #tpu.memory_space<vmem>>, vector<16xi32>,
    %slice3A = vector.extract_strided_slice %get3A_13 {offsets = [0], sizes = [1], strides = [1]} : vector<16xi32> to vector<1xi32>
    %squeeze3A = vector.extract %slice3A[0] : i32 from vector<1xi32>
    %add3A_14 = arith.constant 2048 : i32
    %add3A_15 = arith.addi %squeeze3A, %add3A_14 : i32
    %sub3A = arith.constant 1 : i32
    %sub3A_16 = arith.subi %add3A_15, %sub3A : i32
    %jit3A = arith.constant 2048 : i32
    %div3A = arith.divsi %sub3A_16, %jit3A : i32
    %sign3A = arith.constant 0 : i32
    %sign3A_17 = arith.cmpi sgt, %sub3A_16, %sign3A : i32
    %sign3A_18 = arith.extui %sign3A_17 : i1 to i32
    %sign3A_19 = arith.constant 0 : i32
    %sign3A_20 = arith.cmpi slt, %sub3A_16, %sign3A_19 : i32
    %sign3A_21 = arith.extui %sign3A_20 : i1 to i32
    %sign3A_22 = arith.subi %sign3A_18, %sign3A_21 : i32
    %sign3A_23 = arith.constant 0 : i32
    %sign3A_24 = arith.cmpi sgt, %jit3A, %sign3A_23 : i32
    %sign3A_25 = arith.extui %sign3A_24 : i1 to i32
    %sign3A_26 = arith.constant 0 : i32
    %sign3A_27 = arith.cmpi slt, %jit3A, %sign3A_26 : i32
    %sign3A_28 = arith.extui %sign3A_27 : i1 to i32
    %sign3A_29 = arith.subi %sign3A_25, %sign3A_28 : i32
    %ne3A = arith.cmpi ne, %sign3A_22, %sign3A_29 : i32
    %rem3A = arith.remsi %sub3A_16, %jit3A : i32
    %ne3A_30 = arith.constant 0 : i32
    %ne3A_31 = arith.cmpi ne, %rem3A, %ne3A_30 : i32
    %and3A = arith.andi %ne3A, %ne3A_31 : i1
    %sub3A_32 = arith.constant 1 : i32
    %sub3A_33 = arith.subi %div3A, %sub3A_32 : i32
    %select_n3A = arith.select %and3A, %sub3A_33, %div3A : i32
    %while3A = arith.constant 0 : i32
    %while3A_34 = arith.constant 0 : i32
    %while3A_35 = arith.subi %select_n3A, %while3A_34 : i32
    %while3A_36 = arith.addi %while3A_34, %while3A_35 : i32
    %while3A_37 = arith.constant 1 : i32
    %while3A_38 = arith.divsi %while3A_35, %while3A_37 : i32
    %while3A_39 = arith.muli %while3A_38, %while3A_37 : i32
    %while3A_40 = arith.addi %while3A_34, %while3A_39 : i32
    %while3A_41 = arith.constant 1 : i32
    scf.for %while3A_43 = %while3A_34 to %while3A_40 step %while3A_41  : i32 {
      %mul3A_44 = arith.constant 2048 : i32
      %mul3A_45 = arith.muli %while3A_43, %mul3A_44 : i32
      %add3A_46 = arith.addi %mul3A_4, %mul3A_45 : i32
      "tpu.region"() ({
        %run_scoped3A = tpu.sem_alloc : memref<!tpu.dma_semaphore, #tpu.memory_space<semaphore_mem>>
        %dma_start3A_118 = tpu.memref_slice %arg3[%add3A_46] : memref<10373120xi32, #tpu.memory_space<hbm>> -> memref<2048xi32, #tpu.memory_space<hbm>>
        %dma_start3A_119 = tpu.memref_slice %arg3[%add3A_46] : memref<10373120xi32, #tpu.memory_space<hbm>> -> memref<2048xi32, #tpu.memory_space<hbm>>
        tpu.enqueue_dma source(%dma_start3A_119 : memref<2048xi32, #tpu.memory_space<hbm>>) target(%arg7 : memref<2048xi32, #tpu.memory_space<vmem>>) target_semaphore(%run_scoped3A : memref<!tpu.dma_semaphore, #tpu.memory_space<semaphore_mem>>)
        %dma_wait3A = tpu.memref_slice %arg3[%add3A_46] : memref<10373120xi32, #tpu.memory_space<hbm>> -> memref<2048xi32, #tpu.memory_space<hbm>>
        %dma_wait3A_120 = tpu.memref_slice %arg3[%add3A_46] : memref<10373120xi32, #tpu.memory_space<hbm>> -> memref<2048xi32, #tpu.memory_space<hbm>>
        tpu.wait_dma2 semaphore(%run_scoped3A : memref<!tpu.dma_semaphore, #tpu.memory_space<semaphore_mem>>) src(%dma_wait3A_120 : memref<2048xi32, #tpu.memory_space<hbm>>) dst(%arg7 : memref<2048xi32, #tpu.memory_space<vmem>>)
        tpu.yield
      }) : () -> ()
      %add3A_47 = arith.addi %mul3A_4, %mul3A_45 : i32
      "tpu.region"() ({
        %run_scoped3A = tpu.sem_alloc : memref<!tpu.dma_semaphore, #tpu.memory_space<semaphore_mem>>
        %dma_start3A_118 = arith.constant 0 : i32
        %dma_start3A_119 = tpu.memref_slice %arg8[%dma_start3A_118] : memref<2064xi32, #tpu.memory_space<vmem>> -> memref<2048xi32, #tpu.memory_space<vmem>>
        %dma_start3A_120 = tpu.memref_slice %arg4[%add3A_47] : memref<10373120xi32, #tpu.memory_space<hbm>> -> memref<2048xi32, #tpu.memory_space<hbm>>
        %dma_start3A_121 = arith.constant 0 : i32
        %dma_start3A_122 = tpu.memref_slice %arg8[%dma_start3A_121] : memref<2064xi32, #tpu.memory_space<vmem>> -> memref<2048xi32, #tpu.memory_space<vmem>>
        %dma_start3A_123 = tpu.memref_slice %arg4[%add3A_47] : memref<10373120xi32, #tpu.memory_space<hbm>> -> memref<2048xi32, #tpu.memory_space<hbm>>
        tpu.enqueue_dma source(%dma_start3A_123 : memref<2048xi32, #tpu.memory_space<hbm>>) target(%dma_start3A_122 : memref<2048xi32, #tpu.memory_space<vmem>>) target_semaphore(%run_scoped3A : memref<!tpu.dma_semaphore, #tpu.memory_space<semaphore_mem>>)
        %dma_wait3A = arith.constant 0 : i32
        %dma_wait3A_124 = tpu.memref_slice %arg8[%dma_wait3A] : memref<2064xi32, #tpu.memory_space<vmem>> -> memref<2048xi32, #tpu.memory_space<vmem>>
        %dma_wait3A_125 = tpu.memref_slice %arg4[%add3A_47] : memref<10373120xi32, #tpu.memory_space<hbm>> -> memref<2048xi32, #tpu.memory_space<hbm>>
        %dma_wait3A_126 = arith.constant 0 : i32
        %dma_wait3A_127 = tpu.memref_slice %arg8[%dma_wait3A_126] : memref<2064xi32, #tpu.memory_space<vmem>> -> memref<2048xi32, #tpu.memory_space<vmem>>
        %dma_wait3A_128 = tpu.memref_slice %arg4[%add3A_47] : memref<10373120xi32, #tpu.memory_space<hbm>> -> memref<2048xi32, #tpu.memory_space<hbm>>
        tpu.wait_dma2 semaphore(%run_scoped3A : memref<!tpu.dma_semaphore, #tpu.memory_space<semaphore_mem>>) src(%dma_wait3A_128 : memref<2048xi32, #tpu.memory_space<hbm>>) dst(%dma_wait3A_127 : memref<2048xi32, #tpu.memory_space<vmem>>)
        tpu.yield
      }) : () -> ()
      %sub3A_48 = arith.subi %squeeze3A, %mul3A_45 : i32
      %add3A_49 = arith.constant 256 : i32
      %add3A_50 = arith.addi %sub3A_48, %add3A_49 : i32
      %sub3A_51 = arith.constant 1 : i32
      %sub3A_52 = arith.subi %add3A_50, %sub3A_51 : i32
      %jit3A_53 = arith.constant 256 : i32
      %div3A_54 = arith.divsi %sub3A_52, %jit3A_53 : i32
      %sign3A_55 = arith.constant 0 : i32
      %sign3A_56 = arith.cmpi sgt, %sub3A_52, %sign3A_55 : i32
      %sign3A_57 = arith.extui %sign3A_56 : i1 to i32
      %sign3A_58 = arith.constant 0 : i32
      %sign3A_59 = arith.cmpi slt, %sub3A_52, %sign3A_58 : i32
      %sign3A_60 = arith.extui %sign3A_59 : i1 to i32
      %sign3A_61 = arith.subi %sign3A_57, %sign3A_60 : i32
      %sign3A_62 = arith.constant 0 : i32
      %sign3A_63 = arith.cmpi sgt, %jit3A_53, %sign3A_62 : i32
      %sign3A_64 = arith.extui %sign3A_63 : i1 to i32
      %sign3A_65 = arith.constant 0 : i32
      %sign3A_66 = arith.cmpi slt, %jit3A_53, %sign3A_65 : i32
      %sign3A_67 = arith.extui %sign3A_66 : i1 to i32
      %sign3A_68 = arith.subi %sign3A_64, %sign3A_67 : i32
      %ne3A_69 = arith.cmpi ne, %sign3A_61, %sign3A_68 : i32
      %rem3A_70 = arith.remsi %sub3A_52, %jit3A_53 : i32
      %ne3A_71 = arith.constant 0 : i32
      %ne3A_72 = arith.cmpi ne, %rem3A_70, %ne3A_71 : i32
      %and3A_73 = arith.andi %ne3A_69, %ne3A_72 : i1
      %sub3A_74 = arith.constant 1 : i32
      %sub3A_75 = arith.subi %div3A_54, %sub3A_74 : i32
      %select_n3A_76 = arith.select %and3A_73, %sub3A_75, %div3A_54 : i32
      %mul3A_77 = arith.constant 2 : i32
      %mul3A_78 = arith.muli %select_n3A_76, %mul3A_77 : i32
      %min3A = arith.constant 16 : i32
      %min3A_79 = arith.minsi %mul3A_78, %min3A : i32
      %dma_start3A = arith.constant 0 : i32
      %dma_start3A_80 = tpu.memref_slice %arg7[%dma_start3A] : memref<2048xi32, #tpu.memory_space<vmem>> -> memref<128xi32, #tpu.memory_space<vmem>>
      %dma_start3A_81 = arith.constant 0 : i32
      %dma_start3A_82 = arith.constant 0 : i32
      %dma_start3A_83 = tpu.memref_slice %arg2[%dma_start3A_81, %dma_start3A_82] : memref<10000x128xf32, #tpu.memory_space<hbm>> -> memref<10000x128xf32, #tpu.memory_space<hbm>>
      tpu.enqueue_indirect_dma source(%dma_start3A_83 : memref<10000x128xf32, #tpu.memory_space<hbm>>) target(%arg9 : memref<128x128xf32, #tpu.memory_space<vmem>>) offsets(%dma_start3A_80 : memref<128xi32, #tpu.memory_space<vmem>>) semaphore(%arg12 : memref<!tpu.dma_semaphore, #tpu.memory_space<semaphore_mem>>)
      %jit3A_84 = arith.constant 2 : i32
      %div3A_85 = arith.divsi %min3A_79, %jit3A_84 : i32
      %sign3A_86 = arith.constant 0 : i32
      %sign3A_87 = arith.cmpi sgt, %min3A_79, %sign3A_86 : i32
      %sign3A_88 = arith.extui %sign3A_87 : i1 to i32
      %sign3A_89 = arith.constant 0 : i32
      %sign3A_90 = arith.cmpi slt, %min3A_79, %sign3A_89 : i32
      %sign3A_91 = arith.extui %sign3A_90 : i1 to i32
      %sign3A_92 = arith.subi %sign3A_88, %sign3A_91 : i32
      %sign3A_93 = arith.constant 0 : i32
      %sign3A_94 = arith.cmpi sgt, %jit3A_84, %sign3A_93 : i32
      %sign3A_95 = arith.extui %sign3A_94 : i1 to i32
      %sign3A_96 = arith.constant 0 : i32
      %sign3A_97 = arith.cmpi slt, %jit3A_84, %sign3A_96 : i32
      %sign3A_98 = arith.extui %sign3A_97 : i1 to i32
      %sign3A_99 = arith.subi %sign3A_95, %sign3A_98 : i32
      %ne3A_100 = arith.cmpi ne, %sign3A_92, %sign3A_99 : i32
      %rem3A_101 = arith.remsi %min3A_79, %jit3A_84 : i32
      %ne3A_102 = arith.constant 0 : i32
      %ne3A_103 = arith.cmpi ne, %rem3A_101, %ne3A_102 : i32
      %and3A_104 = arith.andi %ne3A_100, %ne3A_103 : i1
      %sub3A_105 = arith.constant 1 : i32
      %sub3A_106 = arith.subi %div3A_85, %sub3A_105 : i32
      %select_n3A_107 = arith.select %and3A_104, %sub3A_106, %div3A_85 : i32
      %while3A_108 = arith.constant 0 : i32
      %while3A_109 = arith.constant 0 : i32
      %while3A_110 = arith.subi %select_n3A_107, %while3A_109 : i32
      %while3A_111 = arith.addi %while3A_109, %while3A_110 : i32
      %while3A_112 = arith.constant 1 : i32
      %while3A_113 = arith.divsi %while3A_110, %while3A_112 : i32
      %while3A_114 = arith.muli %while3A_113, %while3A_112 : i32
      %while3A_115 = arith.addi %while3A_109, %while3A_114 : i32
      %while3A_116 = arith.constant 1 : i32
      scf.for %while3A_118 = %while3A_109 to %while3A_115 step %while3A_116  : i32 {
        %mul3A_119 = arith.constant 2 : i32
        %mul3A_120 = arith.muli %while3A_118, %mul3A_119 : i32
        %add3A_121 = arith.constant 1 : i32
        %add3A_122 = arith.addi %mul3A_120, %add3A_121 : i32
        %mul3A_123 = arith.constant 128 : i32
        %mul3A_124 = arith.muli %add3A_122, %mul3A_123 : i32
        %dma_start3A_125 = tpu.memref_slice %arg7[%mul3A_124] : memref<2048xi32, #tpu.memory_space<vmem>> -> memref<128xi32, #tpu.memory_space<vmem>>
        %dma_start3A_126 = arith.constant 0 : i32
        %dma_start3A_127 = arith.constant 0 : i32
        %dma_start3A_128 = tpu.memref_slice %arg2[%dma_start3A_126, %dma_start3A_127] : memref<10000x128xf32, #tpu.memory_space<hbm>> -> memref<10000x128xf32, #tpu.memory_space<hbm>>
        tpu.enqueue_indirect_dma source(%dma_start3A_128 : memref<10000x128xf32, #tpu.memory_space<hbm>>) target(%arg10 : memref<128x128xf32, #tpu.memory_space<vmem>>) offsets(%dma_start3A_125 : memref<128xi32, #tpu.memory_space<vmem>>) semaphore(%arg13 : memref<!tpu.dma_semaphore, #tpu.memory_space<semaphore_mem>>)
        %dma_wait3A = arith.constant 0 : i32
        %dma_wait3A_129 = tpu.memref_slice %arg7[%dma_wait3A] : memref<2048xi32, #tpu.memory_space<vmem>> -> memref<128xi32, #tpu.memory_space<vmem>>
        %dma_wait3A_130 = arith.constant 0 : i32
        %dma_wait3A_131 = arith.constant 0 : i32
        %dma_wait3A_132 = tpu.memref_slice %arg2[%dma_wait3A_130, %dma_wait3A_131] : memref<10000x128xf32, #tpu.memory_space<hbm>> -> memref<10000x128xf32, #tpu.memory_space<hbm>>
        tpu.wait_indirect_dma semaphore(%arg12 : memref<!tpu.dma_semaphore, #tpu.memory_space<semaphore_mem>>) src(%dma_wait3A_132 : memref<10000x128xf32, #tpu.memory_space<hbm>>) dst(%arg9 : memref<128x128xf32, #tpu.memory_space<vmem>>)
        %scan3A_133 = arith.constant 0 : i32
        %scan3A_134 = arith.constant 0 : i32
        %scan3A_135 = arith.constant 128 : i32
        %scan3A_136 = arith.addi %scan3A_134, %scan3A_135 : i32
        %scan3A_137 = arith.constant 1 : i32
        scf.for %scan3A_155 = %scan3A_134 to %scan3A_136 step %scan3A_137  : i32 {
          %mul3A_156 = arith.constant 128 : i32
          %mul3A_157 = arith.muli %mul3A_120, %mul3A_156 : i32
          %add3A_158 = arith.addi %mul3A_157, %scan3A_155 : i32
          %get3A_159 = arith.index_cast %add3A_158 : i32 to index
          %get3A_160 = tpu.vector_load %arg8[%get3A_159] {strides = array<i32>} : memref<2064xi32, #tpu.memory_space<vmem>>, vector<16xi32>,
          %slice3A_161 = vector.extract_strided_slice %get3A_160 {offsets = [0], sizes = [1], strides = [1]} : vector<16xi32> to vector<1xi32>
          %squeeze3A_162 = vector.extract %slice3A_161[0] : i32 from vector<1xi32>
          %get3A_163 = arith.index_cast %squeeze3A_162 : i32 to index
          %get3A_164 = arith.constant 0 : index
          %get3A_165 = tpu.vector_load %arg11[%get3A_163, %get3A_164] {strides = array<i32>} : memref<321x128xf32, #tpu.memory_space<vmem>>, vector<16xf32>,
          %get3A_166 = arith.index_cast %scan3A_155 : i32 to index
          %get3A_167 = arith.constant 0 : index
          %get3A_168 = tpu.vector_load %arg9[%get3A_166, %get3A_167] {strides = array<i32>} : memref<128x128xf32, #tpu.memory_space<vmem>>, vector<16xf32>,
          %max3A = arith.maximumf %get3A_165, %get3A_168 : vector<16xf32>
          %swap3A = arith.index_cast %squeeze3A_162 : i32 to index
          %swap3A_169 = arith.constant 0 : index
          %swap3A_170 = tpu.vector_load %arg11[%swap3A, %swap3A_169] {strides = array<i32>} : memref<321x128xf32, #tpu.memory_space<vmem>>, vector<16xf32>,
          tpu.vector_store %arg11[%swap3A, %swap3A_169], %max3A {strides = array<i32>} : memref<321x128xf32, #tpu.memory_space<vmem>>, vector<16xf32>,
          %get3A_171 = arith.index_cast %squeeze3A_162 : i32 to index
          %get3A_172 = arith.constant 16 : index
          %get3A_173 = tpu.vector_load %arg11[%get3A_171, %get3A_172] {strides = array<i32>} : memref<321x128xf32, #tpu.memory_space<vmem>>, vector<16xf32>,
          %get3A_174 = arith.index_cast %scan3A_155 : i32 to index
          %get3A_175 = arith.constant 16 : index
          %get3A_176 = tpu.vector_load %arg9[%get3A_174, %get3A_175] {strides = array<i32>} : memref<128x128xf32, #tpu.memory_space<vmem>>, vector<16xf32>,
          %max3A_177 = arith.maximumf %get3A_173, %get3A_176 : vector<16xf32>
          %swap3A_178 = arith.index_cast %squeeze3A_162 : i32 to index
          %swap3A_179 = arith.constant 16 : index
          %swap3A_180 = tpu.vector_load %arg11[%swap3A_178, %swap3A_179] {strides = array<i32>} : memref<321x128xf32, #tpu.memory_space<vmem>>, vector<16xf32>,
          tpu.vector_store %arg11[%swap3A_178, %swap3A_179], %max3A_177 {strides = array<i32>} : memref<321x128xf32, #tpu.memory_space<vmem>>, vector<16xf32>,
          %get3A_181 = arith.index_cast %squeeze3A_162 : i32 to index
          %get3A_182 = arith.constant 32 : index
          %get3A_183 = tpu.vector_load %arg11[%get3A_181, %get3A_182] {strides = array<i32>} : memref<321x128xf32, #tpu.memory_space<vmem>>, vector<16xf32>,
          %get3A_184 = arith.index_cast %scan3A_155 : i32 to index
          %get3A_185 = arith.constant 32 : index
          %get3A_186 = tpu.vector_load %arg9[%get3A_184, %get3A_185] {strides = array<i32>} : memref<128x128xf32, #tpu.memory_space<vmem>>, vector<16xf32>,
          %max3A_187 = arith.maximumf %get3A_183, %get3A_186 : vector<16xf32>
          %swap3A_188 = arith.index_cast %squeeze3A_162 : i32 to index
          %swap3A_189 = arith.constant 32 : index
          %swap3A_190 = tpu.vector_load %arg11[%swap3A_188, %swap3A_189] {strides = array<i32>} : memref<321x128xf32, #tpu.memory_space<vmem>>, vector<16xf32>,
          tpu.vector_store %arg11[%swap3A_188, %swap3A_189], %max3A_187 {strides = array<i32>} : memref<321x128xf32, #tpu.memory_space<vmem>>, vector<16xf32>,
          %get3A_191 = arith.index_cast %squeeze3A_162 : i32 to index
          %get3A_192 = arith.constant 48 : index
          %get3A_193 = tpu.vector_load %arg11[%get3A_191, %get3A_192] {strides = array<i32>} : memref<321x128xf32, #tpu.memory_space<vmem>>, vector<16xf32>,
          %get3A_194 = arith.index_cast %scan3A_155 : i32 to index
          %get3A_195 = arith.constant 48 : index
          %get3A_196 = tpu.vector_load %arg9[%get3A_194, %get3A_195] {strides = array<i32>} : memref<128x128xf32, #tpu.memory_space<vmem>>, vector<16xf32>,
          %max3A_197 = arith.maximumf %get3A_193, %get3A_196 : vector<16xf32>
          %swap3A_198 = arith.index_cast %squeeze3A_162 : i32 to index
          %swap3A_199 = arith.constant 48 : index
          %swap3A_200 = tpu.vector_load %arg11[%swap3A_198, %swap3A_199] {strides = array<i32>} : memref<321x128xf32, #tpu.memory_space<vmem>>, vector<16xf32>,
          tpu.vector_store %arg11[%swap3A_198, %swap3A_199], %max3A_197 {strides = array<i32>} : memref<321x128xf32, #tpu.memory_space<vmem>>, vector<16xf32>,
          %get3A_201 = arith.index_cast %squeeze3A_162 : i32 to index
          %get3A_202 = arith.constant 64 : index
          %get3A_203 = tpu.vector_load %arg11[%get3A_201, %get3A_202] {strides = array<i32>} : memref<321x128xf32, #tpu.memory_space<vmem>>, vector<16xf32>,
          %get3A_204 = arith.index_cast %scan3A_155 : i32 to index
          %get3A_205 = arith.constant 64 : index
          %get3A_206 = tpu.vector_load %arg9[%get3A_204, %get3A_205] {strides = array<i32>} : memref<128x128xf32, #tpu.memory_space<vmem>>, vector<16xf32>,
          %max3A_207 = arith.maximumf %get3A_203, %get3A_206 : vector<16xf32>
          %swap3A_208 = arith.index_cast %squeeze3A_162 : i32 to index
          %swap3A_209 = arith.constant 64 : index
          %swap3A_210 = tpu.vector_load %arg11[%swap3A_208, %swap3A_209] {strides = array<i32>} : memref<321x128xf32, #tpu.memory_space<vmem>>, vector<16xf32>,
          tpu.vector_store %arg11[%swap3A_208, %swap3A_209], %max3A_207 {strides = array<i32>} : memref<321x128xf32, #tpu.memory_space<vmem>>, vector<16xf32>,
          %get3A_211 = arith.index_cast %squeeze3A_162 : i32 to index
          %get3A_212 = arith.constant 80 : index
          %get3A_213 = tpu.vector_load %arg11[%get3A_211, %get3A_212] {strides = array<i32>} : memref<321x128xf32, #tpu.memory_space<vmem>>, vector<16xf32>,
          %get3A_214 = arith.index_cast %scan3A_155 : i32 to index
          %get3A_215 = arith.constant 80 : index
          %get3A_216 = tpu.vector_load %arg9[%get3A_214, %get3A_215] {strides = array<i32>} : memref<128x128xf32, #tpu.memory_space<vmem>>, vector<16xf32>,
          %max3A_217 = arith.maximumf %get3A_213, %get3A_216 : vector<16xf32>
          %swap3A_218 = arith.index_cast %squeeze3A_162 : i32 to index
          %swap3A_219 = arith.constant 80 : index
          %swap3A_220 = tpu.vector_load %arg11[%swap3A_218, %swap3A_219] {strides = array<i32>} : memref<321x128xf32, #tpu.memory_space<vmem>>, vector<16xf32>,
          tpu.vector_store %arg11[%swap3A_218, %swap3A_219], %max3A_217 {strides = array<i32>} : memref<321x128xf32, #tpu.memory_space<vmem>>, vector<16xf32>,
          %get3A_221 = arith.index_cast %squeeze3A_162 : i32 to index
          %get3A_222 = arith.constant 96 : index
          %get3A_223 = tpu.vector_load %arg11[%get3A_221, %get3A_222] {strides = array<i32>} : memref<321x128xf32, #tpu.memory_space<vmem>>, vector<16xf32>,
          %get3A_224 = arith.index_cast %scan3A_155 : i32 to index
          %get3A_225 = arith.constant 96 : index
          %get3A_226 = tpu.vector_load %arg9[%get3A_224, %get3A_225] {strides = array<i32>} : memref<128x128xf32, #tpu.memory_space<vmem>>, vector<16xf32>,
          %max3A_227 = arith.maximumf %get3A_223, %get3A_226 : vector<16xf32>
          %swap3A_228 = arith.index_cast %squeeze3A_162 : i32 to index
          %swap3A_229 = arith.constant 96 : index
          %swap3A_230 = tpu.vector_load %arg11[%swap3A_228, %swap3A_229] {strides = array<i32>} : memref<321x128xf32, #tpu.memory_space<vmem>>, vector<16xf32>,
          tpu.vector_store %arg11[%swap3A_228, %swap3A_229], %max3A_227 {strides = array<i32>} : memref<321x128xf32, #tpu.memory_space<vmem>>, vector<16xf32>,
          %get3A_231 = arith.index_cast %squeeze3A_162 : i32 to index
          %get3A_232 = arith.constant 112 : index
          %get3A_233 = tpu.vector_load %arg11[%get3A_231, %get3A_232] {strides = array<i32>} : memref<321x128xf32, #tpu.memory_space<vmem>>, vector<16xf32>,
          %get3A_234 = arith.index_cast %scan3A_155 : i32 to index
          %get3A_235 = arith.constant 112 : index
          %get3A_236 = tpu.vector_load %arg9[%get3A_234, %get3A_235] {strides = array<i32>} : memref<128x128xf32, #tpu.memory_space<vmem>>, vector<16xf32>,
          %max3A_237 = arith.maximumf %get3A_233, %get3A_236 : vector<16xf32>
          %swap3A_238 = arith.index_cast %squeeze3A_162 : i32 to index
          %swap3A_239 = arith.constant 112 : index
          %swap3A_240 = tpu.vector_load %arg11[%swap3A_238, %swap3A_239] {strides = array<i32>} : memref<321x128xf32, #tpu.memory_space<vmem>>, vector<16xf32>,
          tpu.vector_store %arg11[%swap3A_238, %swap3A_239], %max3A_237 {strides = array<i32>} : memref<321x128xf32, #tpu.memory_space<vmem>>, vector<16xf32>,
        }
        %scan3A_138 = arith.constant 128 : i32
        %add3A_139 = arith.constant 2 : i32
        %add3A_140 = arith.addi %mul3A_120, %add3A_139 : i32
        %lt3A = arith.cmpi slt, %add3A_140, %min3A_79 : i32
        %convert_element_type3A = arith.extui %lt3A : i1 to i32
        %cond3A = arith.constant 0 : i32
        %cond3A_141 = arith.cmpi ne, %convert_element_type3A, %cond3A : i32
        scf.if %cond3A_141 {
          %add3A_155 = arith.constant 2 : i32
          %add3A_156 = arith.addi %mul3A_120, %add3A_155 : i32
          %mul3A_157 = arith.constant 128 : i32
          %mul3A_158 = arith.muli %add3A_156, %mul3A_157 : i32
          %dma_start3A_159 = tpu.memref_slice %arg7[%mul3A_158] : memref<2048xi32, #tpu.memory_space<vmem>> -> memref<128xi32, #tpu.memory_space<vmem>>
          %dma_start3A_160 = arith.constant 0 : i32
          %dma_start3A_161 = arith.constant 0 : i32
          %dma_start3A_162 = tpu.memref_slice %arg2[%dma_start3A_160, %dma_start3A_161] : memref<10000x128xf32, #tpu.memory_space<hbm>> -> memref<10000x128xf32, #tpu.memory_space<hbm>>
          tpu.enqueue_indirect_dma source(%dma_start3A_162 : memref<10000x128xf32, #tpu.memory_space<hbm>>) target(%arg9 : memref<128x128xf32, #tpu.memory_space<vmem>>) offsets(%dma_start3A_159 : memref<128xi32, #tpu.memory_space<vmem>>) semaphore(%arg12 : memref<!tpu.dma_semaphore, #tpu.memory_space<semaphore_mem>>)
        } else {
        }
        %dma_wait3A_142 = arith.constant 0 : i32
        %dma_wait3A_143 = tpu.memref_slice %arg7[%dma_wait3A_142] : memref<2048xi32, #tpu.memory_space<vmem>> -> memref<128xi32, #tpu.memory_space<vmem>>
        %dma_wait3A_144 = arith.constant 0 : i32
        %dma_wait3A_145 = arith.constant 0 : i32
        %dma_wait3A_146 = tpu.memref_slice %arg2[%dma_wait3A_144, %dma_wait3A_145] : memref<10000x128xf32, #tpu.memory_space<hbm>> -> memref<10000x128xf32, #tpu.memory_space<hbm>>
        tpu.wait_indirect_dma semaphore(%arg13 : memref<!tpu.dma_semaphore, #tpu.memory_space<semaphore_mem>>) src(%dma_wait3A_146 : memref<10000x128xf32, #tpu.memory_space<hbm>>) dst(%arg10 : memref<128x128xf32, #tpu.memory_space<vmem>>)
        %add3A_147 = arith.constant 1 : i32
        %add3A_148 = arith.addi %mul3A_120, %add3A_147 : i32
        %scan3A_149 = arith.constant 0 : i32
        %scan3A_150 = arith.constant 0 : i32
        %scan3A_151 = arith.constant 128 : i32
        %scan3A_152 = arith.addi %scan3A_150, %scan3A_151 : i32
        %scan3A_153 = arith.constant 1 : i32
        scf.for %scan3A_155 = %scan3A_150 to %scan3A_152 step %scan3A_153  : i32 {
          %mul3A_156 = arith.constant 128 : i32
          %mul3A_157 = arith.muli %add3A_148, %mul3A_156 : i32
          %add3A_158 = arith.addi %mul3A_157, %scan3A_155 : i32
          %get3A_159 = arith.index_cast %add3A_158 : i32 to index
          %get3A_160 = tpu.vector_load %arg8[%get3A_159] {strides = array<i32>} : memref<2064xi32, #tpu.memory_space<vmem>>, vector<16xi32>,
          %slice3A_161 = vector.extract_strided_slice %get3A_160 {offsets = [0], sizes = [1], strides = [1]} : vector<16xi32> to vector<1xi32>
          %squeeze3A_162 = vector.extract %slice3A_161[0] : i32 from vector<1xi32>
          %get3A_163 = arith.index_cast %squeeze3A_162 : i32 to index
          %get3A_164 = arith.constant 0 : index
          %get3A_165 = tpu.vector_load %arg11[%get3A_163, %get3A_164] {strides = array<i32>} : memref<321x128xf32, #tpu.memory_space<vmem>>, vector<16xf32>,
          %get3A_166 = arith.index_cast %scan3A_155 : i32 to index
          %get3A_167 = arith.constant 0 : index
          %get3A_168 = tpu.vector_load %arg10[%get3A_166, %get3A_167] {strides = array<i32>} : memref<128x128xf32, #tpu.memory_space<vmem>>, vector<16xf32>,
          %max3A = arith.maximumf %get3A_165, %get3A_168 : vector<16xf32>
          %swap3A = arith.index_cast %squeeze3A_162 : i32 to index
          %swap3A_169 = arith.constant 0 : index
          %swap3A_170 = tpu.vector_load %arg11[%swap3A, %swap3A_169] {strides = array<i32>} : memref<321x128xf32, #tpu.memory_space<vmem>>, vector<16xf32>,
          tpu.vector_store %arg11[%swap3A, %swap3A_169], %max3A {strides = array<i32>} : memref<321x128xf32, #tpu.memory_space<vmem>>, vector<16xf32>,
          %get3A_171 = arith.index_cast %squeeze3A_162 : i32 to index
          %get3A_172 = arith.constant 16 : index
          %get3A_173 = tpu.vector_load %arg11[%get3A_171, %get3A_172] {strides = array<i32>} : memref<321x128xf32, #tpu.memory_space<vmem>>, vector<16xf32>,
          %get3A_174 = arith.index_cast %scan3A_155 : i32 to index
          %get3A_175 = arith.constant 16 : index
          %get3A_176 = tpu.vector_load %arg10[%get3A_174, %get3A_175] {strides = array<i32>} : memref<128x128xf32, #tpu.memory_space<vmem>>, vector<16xf32>,
          %max3A_177 = arith.maximumf %get3A_173, %get3A_176 : vector<16xf32>
          %swap3A_178 = arith.index_cast %squeeze3A_162 : i32 to index
          %swap3A_179 = arith.constant 16 : index
          %swap3A_180 = tpu.vector_load %arg11[%swap3A_178, %swap3A_179] {strides = array<i32>} : memref<321x128xf32, #tpu.memory_space<vmem>>, vector<16xf32>,
          tpu.vector_store %arg11[%swap3A_178, %swap3A_179], %max3A_177 {strides = array<i32>} : memref<321x128xf32, #tpu.memory_space<vmem>>, vector<16xf32>,
          %get3A_181 = arith.index_cast %squeeze3A_162 : i32 to index
          %get3A_182 = arith.constant 32 : index
          %get3A_183 = tpu.vector_load %arg11[%get3A_181, %get3A_182] {strides = array<i32>} : memref<321x128xf32, #tpu.memory_space<vmem>>, vector<16xf32>,
          %get3A_184 = arith.index_cast %scan3A_155 : i32 to index
          %get3A_185 = arith.constant 32 : index
          %get3A_186 = tpu.vector_load %arg10[%get3A_184, %get3A_185] {strides = array<i32>} : memref<128x128xf32, #tpu.memory_space<vmem>>, vector<16xf32>,
          %max3A_187 = arith.maximumf %get3A_183, %get3A_186 : vector<16xf32>
          %swap3A_188 = arith.index_cast %squeeze3A_162 : i32 to index
          %swap3A_189 = arith.constant 32 : index
          %swap3A_190 = tpu.vector_load %arg11[%swap3A_188, %swap3A_189] {strides = array<i32>} : memref<321x128xf32, #tpu.memory_space<vmem>>, vector<16xf32>,
          tpu.vector_store %arg11[%swap3A_188, %swap3A_189], %max3A_187 {strides = array<i32>} : memref<321x128xf32, #tpu.memory_space<vmem>>, vector<16xf32>,
          %get3A_191 = arith.index_cast %squeeze3A_162 : i32 to index
          %get3A_192 = arith.constant 48 : index
          %get3A_193 = tpu.vector_load %arg11[%get3A_191, %get3A_192] {strides = array<i32>} : memref<321x128xf32, #tpu.memory_space<vmem>>, vector<16xf32>,
          %get3A_194 = arith.index_cast %scan3A_155 : i32 to index
          %get3A_195 = arith.constant 48 : index
          %get3A_196 = tpu.vector_load %arg10[%get3A_194, %get3A_195] {strides = array<i32>} : memref<128x128xf32, #tpu.memory_space<vmem>>, vector<16xf32>,
          %max3A_197 = arith.maximumf %get3A_193, %get3A_196 : vector<16xf32>
          %swap3A_198 = arith.index_cast %squeeze3A_162 : i32 to index
          %swap3A_199 = arith.constant 48 : index
          %swap3A_200 = tpu.vector_load %arg11[%swap3A_198, %swap3A_199] {strides = array<i32>} : memref<321x128xf32, #tpu.memory_space<vmem>>, vector<16xf32>,
          tpu.vector_store %arg11[%swap3A_198, %swap3A_199], %max3A_197 {strides = array<i32>} : memref<321x128xf32, #tpu.memory_space<vmem>>, vector<16xf32>,
          %get3A_201 = arith.index_cast %squeeze3A_162 : i32 to index
          %get3A_202 = arith.constant 64 : index
          %get3A_203 = tpu.vector_load %arg11[%get3A_201, %get3A_202] {strides = array<i32>} : memref<321x128xf32, #tpu.memory_space<vmem>>, vector<16xf32>,
          %get3A_204 = arith.index_cast %scan3A_155 : i32 to index
          %get3A_205 = arith.constant 64 : index
          %get3A_206 = tpu.vector_load %arg10[%get3A_204, %get3A_205] {strides = array<i32>} : memref<128x128xf32, #tpu.memory_space<vmem>>, vector<16xf32>,
          %max3A_207 = arith.maximumf %get3A_203, %get3A_206 : vector<16xf32>
          %swap3A_208 = arith.index_cast %squeeze3A_162 : i32 to index
          %swap3A_209 = arith.constant 64 : index
          %swap3A_210 = tpu.vector_load %arg11[%swap3A_208, %swap3A_209] {strides = array<i32>} : memref<321x128xf32, #tpu.memory_space<vmem>>, vector<16xf32>,
          tpu.vector_store %arg11[%swap3A_208, %swap3A_209], %max3A_207 {strides = array<i32>} : memref<321x128xf32, #tpu.memory_space<vmem>>, vector<16xf32>,
          %get3A_211 = arith.index_cast %squeeze3A_162 : i32 to index
          %get3A_212 = arith.constant 80 : index
          %get3A_213 = tpu.vector_load %arg11[%get3A_211, %get3A_212] {strides = array<i32>} : memref<321x128xf32, #tpu.memory_space<vmem>>, vector<16xf32>,
          %get3A_214 = arith.index_cast %scan3A_155 : i32 to index
          %get3A_215 = arith.constant 80 : index
          %get3A_216 = tpu.vector_load %arg10[%get3A_214, %get3A_215] {strides = array<i32>} : memref<128x128xf32, #tpu.memory_space<vmem>>, vector<16xf32>,
          %max3A_217 = arith.maximumf %get3A_213, %get3A_216 : vector<16xf32>
          %swap3A_218 = arith.index_cast %squeeze3A_162 : i32 to index
          %swap3A_219 = arith.constant 80 : index
          %swap3A_220 = tpu.vector_load %arg11[%swap3A_218, %swap3A_219] {strides = array<i32>} : memref<321x128xf32, #tpu.memory_space<vmem>>, vector<16xf32>,
          tpu.vector_store %arg11[%swap3A_218, %swap3A_219], %max3A_217 {strides = array<i32>} : memref<321x128xf32, #tpu.memory_space<vmem>>, vector<16xf32>,
          %get3A_221 = arith.index_cast %squeeze3A_162 : i32 to index
          %get3A_222 = arith.constant 96 : index
          %get3A_223 = tpu.vector_load %arg11[%get3A_221, %get3A_222] {strides = array<i32>} : memref<321x128xf32, #tpu.memory_space<vmem>>, vector<16xf32>,
          %get3A_224 = arith.index_cast %scan3A_155 : i32 to index
          %get3A_225 = arith.constant 96 : index
          %get3A_226 = tpu.vector_load %arg10[%get3A_224, %get3A_225] {strides = array<i32>} : memref<128x128xf32, #tpu.memory_space<vmem>>, vector<16xf32>,
          %max3A_227 = arith.maximumf %get3A_223, %get3A_226 : vector<16xf32>
          %swap3A_228 = arith.index_cast %squeeze3A_162 : i32 to index
          %swap3A_229 = arith.constant 96 : index
          %swap3A_230 = tpu.vector_load %arg11[%swap3A_228, %swap3A_229] {strides = array<i32>} : memref<321x128xf32, #tpu.memory_space<vmem>>, vector<16xf32>,
          tpu.vector_store %arg11[%swap3A_228, %swap3A_229], %max3A_227 {strides = array<i32>} : memref<321x128xf32, #tpu.memory_space<vmem>>, vector<16xf32>,
          %get3A_231 = arith.index_cast %squeeze3A_162 : i32 to index
          %get3A_232 = arith.constant 112 : index
          %get3A_233 = tpu.vector_load %arg11[%get3A_231, %get3A_232] {strides = array<i32>} : memref<321x128xf32, #tpu.memory_space<vmem>>, vector<16xf32>,
          %get3A_234 = arith.index_cast %scan3A_155 : i32 to index
          %get3A_235 = arith.constant 112 : index
          %get3A_236 = tpu.vector_load %arg10[%get3A_234, %get3A_235] {strides = array<i32>} : memref<128x128xf32, #tpu.memory_space<vmem>>, vector<16xf32>,
          %max3A_237 = arith.maximumf %get3A_233, %get3A_236 : vector<16xf32>
          %swap3A_238 = arith.index_cast %squeeze3A_162 : i32 to index
          %swap3A_239 = arith.constant 112 : index
          %swap3A_240 = tpu.vector_load %arg11[%swap3A_238, %swap3A_239] {strides = array<i32>} : memref<321x128xf32, #tpu.memory_space<vmem>>, vector<16xf32>,
          tpu.vector_store %arg11[%swap3A_238, %swap3A_239], %max3A_237 {strides = array<i32>} : memref<321x128xf32, #tpu.memory_space<vmem>>, vector<16xf32>,
        }
        %scan3A_154 = arith.constant 128 : i32
      }
      %while3A_117 = arith.constant 1 : i32
      scf.for %while3A_118 = %while3A_115 to %while3A_111 step %while3A_117  : i32 {
        %mul3A_119 = arith.constant 2 : i32
        %mul3A_120 = arith.muli %while3A_118, %mul3A_119 : i32
        %add3A_121 = arith.constant 1 : i32
        %add3A_122 = arith.addi %mul3A_120, %add3A_121 : i32
        %mul3A_123 = arith.constant 128 : i32
        %mul3A_124 = arith.muli %add3A_122, %mul3A_123 : i32
        %dma_start3A_125 = tpu.memref_slice %arg7[%mul3A_124] : memref<2048xi32, #tpu.memory_space<vmem>> -> memref<128xi32, #tpu.memory_space<vmem>>
        %dma_start3A_126 = arith.constant 0 : i32
        %dma_start3A_127 = arith.constant 0 : i32
        %dma_start3A_128 = tpu.memref_slice %arg2[%dma_start3A_126, %dma_start3A_127] : memref<10000x128xf32, #tpu.memory_space<hbm>> -> memref<10000x128xf32, #tpu.memory_space<hbm>>
        tpu.enqueue_indirect_dma source(%dma_start3A_128 : memref<10000x128xf32, #tpu.memory_space<hbm>>) target(%arg10 : memref<128x128xf32, #tpu.memory_space<vmem>>) offsets(%dma_start3A_125 : memref<128xi32, #tpu.memory_space<vmem>>) semaphore(%arg13 : memref<!tpu.dma_semaphore, #tpu.memory_space<semaphore_mem>>)
        %dma_wait3A = arith.constant 0 : i32
        %dma_wait3A_129 = tpu.memref_slice %arg7[%dma_wait3A] : memref<2048xi32, #tpu.memory_space<vmem>> -> memref<128xi32, #tpu.memory_space<vmem>>
        %dma_wait3A_130 = arith.constant 0 : i32
        %dma_wait3A_131 = arith.constant 0 : i32
        %dma_wait3A_132 = tpu.memref_slice %arg2[%dma_wait3A_130, %dma_wait3A_131] : memref<10000x128xf32, #tpu.memory_space<hbm>> -> memref<10000x128xf32, #tpu.memory_space<hbm>>
        tpu.wait_indirect_dma semaphore(%arg12 : memref<!tpu.dma_semaphore, #tpu.memory_space<semaphore_mem>>) src(%dma_wait3A_132 : memref<10000x128xf32, #tpu.memory_space<hbm>>) dst(%arg9 : memref<128x128xf32, #tpu.memory_space<vmem>>)
        %scan3A_133 = arith.constant 0 : i32
        %scan3A_134 = arith.constant 0 : i32
        %scan3A_135 = arith.constant 128 : i32
        %scan3A_136 = arith.addi %scan3A_134, %scan3A_135 : i32
        %scan3A_137 = arith.constant 1 : i32
        scf.for %scan3A_155 = %scan3A_134 to %scan3A_136 step %scan3A_137  : i32 {
          %mul3A_156 = arith.constant 128 : i32
          %mul3A_157 = arith.muli %mul3A_120, %mul3A_156 : i32
          %add3A_158 = arith.addi %mul3A_157, %scan3A_155 : i32
          %get3A_159 = arith.index_cast %add3A_158 : i32 to index
          %get3A_160 = tpu.vector_load %arg8[%get3A_159] {strides = array<i32>} : memref<2064xi32, #tpu.memory_space<vmem>>, vector<16xi32>,
          %slice3A_161 = vector.extract_strided_slice %get3A_160 {offsets = [0], sizes = [1], strides = [1]} : vector<16xi32> to vector<1xi32>
          %squeeze3A_162 = vector.extract %slice3A_161[0] : i32 from vector<1xi32>
          %get3A_163 = arith.index_cast %squeeze3A_162 : i32 to index
          %get3A_164 = arith.constant 0 : index
          %get3A_165 = tpu.vector_load %arg11[%get3A_163, %get3A_164] {strides = array<i32>} : memref<321x128xf32, #tpu.memory_space<vmem>>, vector<16xf32>,
          %get3A_166 = arith.index_cast %scan3A_155 : i32 to index
          %get3A_167 = arith.constant 0 : index
          %get3A_168 = tpu.vector_load %arg9[%get3A_166, %get3A_167] {strides = array<i32>} : memref<128x128xf32, #tpu.memory_space<vmem>>, vector<16xf32>,
          %max3A = arith.maximumf %get3A_165, %get3A_168 : vector<16xf32>
          %swap3A = arith.index_cast %squeeze3A_162 : i32 to index
          %swap3A_169 = arith.constant 0 : index
          %swap3A_170 = tpu.vector_load %arg11[%swap3A, %swap3A_169] {strides = array<i32>} : memref<321x128xf32, #tpu.memory_space<vmem>>, vector<16xf32>,
          tpu.vector_store %arg11[%swap3A, %swap3A_169], %max3A {strides = array<i32>} : memref<321x128xf32, #tpu.memory_space<vmem>>, vector<16xf32>,
          %get3A_171 = arith.index_cast %squeeze3A_162 : i32 to index
          %get3A_172 = arith.constant 16 : index
          %get3A_173 = tpu.vector_load %arg11[%get3A_171, %get3A_172] {strides = array<i32>} : memref<321x128xf32, #tpu.memory_space<vmem>>, vector<16xf32>,
          %get3A_174 = arith.index_cast %scan3A_155 : i32 to index
          %get3A_175 = arith.constant 16 : index
          %get3A_176 = tpu.vector_load %arg9[%get3A_174, %get3A_175] {strides = array<i32>} : memref<128x128xf32, #tpu.memory_space<vmem>>, vector<16xf32>,
          %max3A_177 = arith.maximumf %get3A_173, %get3A_176 : vector<16xf32>
          %swap3A_178 = arith.index_cast %squeeze3A_162 : i32 to index
          %swap3A_179 = arith.constant 16 : index
          %swap3A_180 = tpu.vector_load %arg11[%swap3A_178, %swap3A_179] {strides = array<i32>} : memref<321x128xf32, #tpu.memory_space<vmem>>, vector<16xf32>,
          tpu.vector_store %arg11[%swap3A_178, %swap3A_179], %max3A_177 {strides = array<i32>} : memref<321x128xf32, #tpu.memory_space<vmem>>, vector<16xf32>,
          %get3A_181 = arith.index_cast %squeeze3A_162 : i32 to index
          %get3A_182 = arith.constant 32 : index
          %get3A_183 = tpu.vector_load %arg11[%get3A_181, %get3A_182] {strides = array<i32>} : memref<321x128xf32, #tpu.memory_space<vmem>>, vector<16xf32>,
          %get3A_184 = arith.index_cast %scan3A_155 : i32 to index
          %get3A_185 = arith.constant 32 : index
          %get3A_186 = tpu.vector_load %arg9[%get3A_184, %get3A_185] {strides = array<i32>} : memref<128x128xf32, #tpu.memory_space<vmem>>, vector<16xf32>,
          %max3A_187 = arith.maximumf %get3A_183, %get3A_186 : vector<16xf32>
          %swap3A_188 = arith.index_cast %squeeze3A_162 : i32 to index
          %swap3A_189 = arith.constant 32 : index
          %swap3A_190 = tpu.vector_load %arg11[%swap3A_188, %swap3A_189] {strides = array<i32>} : memref<321x128xf32, #tpu.memory_space<vmem>>, vector<16xf32>,
          tpu.vector_store %arg11[%swap3A_188, %swap3A_189], %max3A_187 {strides = array<i32>} : memref<321x128xf32, #tpu.memory_space<vmem>>, vector<16xf32>,
          %get3A_191 = arith.index_cast %squeeze3A_162 : i32 to index
          %get3A_192 = arith.constant 48 : index
          %get3A_193 = tpu.vector_load %arg11[%get3A_191, %get3A_192] {strides = array<i32>} : memref<321x128xf32, #tpu.memory_space<vmem>>, vector<16xf32>,
          %get3A_194 = arith.index_cast %scan3A_155 : i32 to index
          %get3A_195 = arith.constant 48 : index
          %get3A_196 = tpu.vector_load %arg9[%get3A_194, %get3A_195] {strides = array<i32>} : memref<128x128xf32, #tpu.memory_space<vmem>>, vector<16xf32>,
          %max3A_197 = arith.maximumf %get3A_193, %get3A_196 : vector<16xf32>
          %swap3A_198 = arith.index_cast %squeeze3A_162 : i32 to index
          %swap3A_199 = arith.constant 48 : index
          %swap3A_200 = tpu.vector_load %arg11[%swap3A_198, %swap3A_199] {strides = array<i32>} : memref<321x128xf32, #tpu.memory_space<vmem>>, vector<16xf32>,
          tpu.vector_store %arg11[%swap3A_198, %swap3A_199], %max3A_197 {strides = array<i32>} : memref<321x128xf32, #tpu.memory_space<vmem>>, vector<16xf32>,
          %get3A_201 = arith.index_cast %squeeze3A_162 : i32 to index
          %get3A_202 = arith.constant 64 : index
          %get3A_203 = tpu.vector_load %arg11[%get3A_201, %get3A_202] {strides = array<i32>} : memref<321x128xf32, #tpu.memory_space<vmem>>, vector<16xf32>,
          %get3A_204 = arith.index_cast %scan3A_155 : i32 to index
          %get3A_205 = arith.constant 64 : index
          %get3A_206 = tpu.vector_load %arg9[%get3A_204, %get3A_205] {strides = array<i32>} : memref<128x128xf32, #tpu.memory_space<vmem>>, vector<16xf32>,
          %max3A_207 = arith.maximumf %get3A_203, %get3A_206 : vector<16xf32>
          %swap3A_208 = arith.index_cast %squeeze3A_162 : i32 to index
          %swap3A_209 = arith.constant 64 : index
          %swap3A_210 = tpu.vector_load %arg11[%swap3A_208, %swap3A_209] {strides = array<i32>} : memref<321x128xf32, #tpu.memory_space<vmem>>, vector<16xf32>,
          tpu.vector_store %arg11[%swap3A_208, %swap3A_209], %max3A_207 {strides = array<i32>} : memref<321x128xf32, #tpu.memory_space<vmem>>, vector<16xf32>,
          %get3A_211 = arith.index_cast %squeeze3A_162 : i32 to index
          %get3A_212 = arith.constant 80 : index
          %get3A_213 = tpu.vector_load %arg11[%get3A_211, %get3A_212] {strides = array<i32>} : memref<321x128xf32, #tpu.memory_space<vmem>>, vector<16xf32>,
          %get3A_214 = arith.index_cast %scan3A_155 : i32 to index
          %get3A_215 = arith.constant 80 : index
          %get3A_216 = tpu.vector_load %arg9[%get3A_214, %get3A_215] {strides = array<i32>} : memref<128x128xf32, #tpu.memory_space<vmem>>, vector<16xf32>,
          %max3A_217 = arith.maximumf %get3A_213, %get3A_216 : vector<16xf32>
          %swap3A_218 = arith.index_cast %squeeze3A_162 : i32 to index
          %swap3A_219 = arith.constant 80 : index
          %swap3A_220 = tpu.vector_load %arg11[%swap3A_218, %swap3A_219] {strides = array<i32>} : memref<321x128xf32, #tpu.memory_space<vmem>>, vector<16xf32>,
          tpu.vector_store %arg11[%swap3A_218, %swap3A_219], %max3A_217 {strides = array<i32>} : memref<321x128xf32, #tpu.memory_space<vmem>>, vector<16xf32>,
          %get3A_221 = arith.index_cast %squeeze3A_162 : i32 to index
          %get3A_222 = arith.constant 96 : index
          %get3A_223 = tpu.vector_load %arg11[%get3A_221, %get3A_222] {strides = array<i32>} : memref<321x128xf32, #tpu.memory_space<vmem>>, vector<16xf32>,
          %get3A_224 = arith.index_cast %scan3A_155 : i32 to index
          %get3A_225 = arith.constant 96 : index
          %get3A_226 = tpu.vector_load %arg9[%get3A_224, %get3A_225] {strides = array<i32>} : memref<128x128xf32, #tpu.memory_space<vmem>>, vector<16xf32>,
          %max3A_227 = arith.maximumf %get3A_223, %get3A_226 : vector<16xf32>
          %swap3A_228 = arith.index_cast %squeeze3A_162 : i32 to index
          %swap3A_229 = arith.constant 96 : index
          %swap3A_230 = tpu.vector_load %arg11[%swap3A_228, %swap3A_229] {strides = array<i32>} : memref<321x128xf32, #tpu.memory_space<vmem>>, vector<16xf32>,
          tpu.vector_store %arg11[%swap3A_228, %swap3A_229], %max3A_227 {strides = array<i32>} : memref<321x128xf32, #tpu.memory_space<vmem>>, vector<16xf32>,
          %get3A_231 = arith.index_cast %squeeze3A_162 : i32 to index
          %get3A_232 = arith.constant 112 : index
          %get3A_233 = tpu.vector_load %arg11[%get3A_231, %get3A_232] {strides = array<i32>} : memref<321x128xf32, #tpu.memory_space<vmem>>, vector<16xf32>,
          %get3A_234 = arith.index_cast %scan3A_155 : i32 to index
          %get3A_235 = arith.constant 112 : index
          %get3A_236 = tpu.vector_load %arg9[%get3A_234, %get3A_235] {strides = array<i32>} : memref<128x128xf32, #tpu.memory_space<vmem>>, vector<16xf32>,
          %max3A_237 = arith.maximumf %get3A_233, %get3A_236 : vector<16xf32>
          %swap3A_238 = arith.index_cast %squeeze3A_162 : i32 to index
          %swap3A_239 = arith.constant 112 : index
          %swap3A_240 = tpu.vector_load %arg11[%swap3A_238, %swap3A_239] {strides = array<i32>} : memref<321x128xf32, #tpu.memory_space<vmem>>, vector<16xf32>,
          tpu.vector_store %arg11[%swap3A_238, %swap3A_239], %max3A_237 {strides = array<i32>} : memref<321x128xf32, #tpu.memory_space<vmem>>, vector<16xf32>,
        }
        %scan3A_138 = arith.constant 128 : i32
        %add3A_139 = arith.constant 2 : i32
        %add3A_140 = arith.addi %mul3A_120, %add3A_139 : i32
        %lt3A = arith.cmpi slt, %add3A_140, %min3A_79 : i32
        %convert_element_type3A = arith.extui %lt3A : i1 to i32
        %cond3A = arith.constant 0 : i32
        %cond3A_141 = arith.cmpi ne, %convert_element_type3A, %cond3A : i32
        scf.if %cond3A_141 {
          %add3A_155 = arith.constant 2 : i32
          %add3A_156 = arith.addi %mul3A_120, %add3A_155 : i32
          %mul3A_157 = arith.constant 128 : i32
          %mul3A_158 = arith.muli %add3A_156, %mul3A_157 : i32
          %dma_start3A_159 = tpu.memref_slice %arg7[%mul3A_158] : memref<2048xi32, #tpu.memory_space<vmem>> -> memref<128xi32, #tpu.memory_space<vmem>>
          %dma_start3A_160 = arith.constant 0 : i32
          %dma_start3A_161 = arith.constant 0 : i32
          %dma_start3A_162 = tpu.memref_slice %arg2[%dma_start3A_160, %dma_start3A_161] : memref<10000x128xf32, #tpu.memory_space<hbm>> -> memref<10000x128xf32, #tpu.memory_space<hbm>>
          tpu.enqueue_indirect_dma source(%dma_start3A_162 : memref<10000x128xf32, #tpu.memory_space<hbm>>) target(%arg9 : memref<128x128xf32, #tpu.memory_space<vmem>>) offsets(%dma_start3A_159 : memref<128xi32, #tpu.memory_space<vmem>>) semaphore(%arg12 : memref<!tpu.dma_semaphore, #tpu.memory_space<semaphore_mem>>)
        } else {
        }
        %dma_wait3A_142 = arith.constant 0 : i32
        %dma_wait3A_143 = tpu.memref_slice %arg7[%dma_wait3A_142] : memref<2048xi32, #tpu.memory_space<vmem>> -> memref<128xi32, #tpu.memory_space<vmem>>
        %dma_wait3A_144 = arith.constant 0 : i32
        %dma_wait3A_145 = arith.constant 0 : i32
        %dma_wait3A_146 = tpu.memref_slice %arg2[%dma_wait3A_144, %dma_wait3A_145] : memref<10000x128xf32, #tpu.memory_space<hbm>> -> memref<10000x128xf32, #tpu.memory_space<hbm>>
        tpu.wait_indirect_dma semaphore(%arg13 : memref<!tpu.dma_semaphore, #tpu.memory_space<semaphore_mem>>) src(%dma_wait3A_146 : memref<10000x128xf32, #tpu.memory_space<hbm>>) dst(%arg10 : memref<128x128xf32, #tpu.memory_space<vmem>>)
        %add3A_147 = arith.constant 1 : i32
        %add3A_148 = arith.addi %mul3A_120, %add3A_147 : i32
        %scan3A_149 = arith.constant 0 : i32
        %scan3A_150 = arith.constant 0 : i32
        %scan3A_151 = arith.constant 128 : i32
        %scan3A_152 = arith.addi %scan3A_150, %scan3A_151 : i32
        %scan3A_153 = arith.constant 1 : i32
        scf.for %scan3A_155 = %scan3A_150 to %scan3A_152 step %scan3A_153  : i32 {
          %mul3A_156 = arith.constant 128 : i32
          %mul3A_157 = arith.muli %add3A_148, %mul3A_156 : i32
          %add3A_158 = arith.addi %mul3A_157, %scan3A_155 : i32
          %get3A_159 = arith.index_cast %add3A_158 : i32 to index
          %get3A_160 = tpu.vector_load %arg8[%get3A_159] {strides = array<i32>} : memref<2064xi32, #tpu.memory_space<vmem>>, vector<16xi32>,
          %slice3A_161 = vector.extract_strided_slice %get3A_160 {offsets = [0], sizes = [1], strides = [1]} : vector<16xi32> to vector<1xi32>
          %squeeze3A_162 = vector.extract %slice3A_161[0] : i32 from vector<1xi32>
          %get3A_163 = arith.index_cast %squeeze3A_162 : i32 to index
          %get3A_164 = arith.constant 0 : index
          %get3A_165 = tpu.vector_load %arg11[%get3A_163, %get3A_164] {strides = array<i32>} : memref<321x128xf32, #tpu.memory_space<vmem>>, vector<16xf32>,
          %get3A_166 = arith.index_cast %scan3A_155 : i32 to index
          %get3A_167 = arith.constant 0 : index
          %get3A_168 = tpu.vector_load %arg10[%get3A_166, %get3A_167] {strides = array<i32>} : memref<128x128xf32, #tpu.memory_space<vmem>>, vector<16xf32>,
          %max3A = arith.maximumf %get3A_165, %get3A_168 : vector<16xf32>
          %swap3A = arith.index_cast %squeeze3A_162 : i32 to index
          %swap3A_169 = arith.constant 0 : index
          %swap3A_170 = tpu.vector_load %arg11[%swap3A, %swap3A_169] {strides = array<i32>} : memref<321x128xf32, #tpu.memory_space<vmem>>, vector<16xf32>,
          tpu.vector_store %arg11[%swap3A, %swap3A_169], %max3A {strides = array<i32>} : memref<321x128xf32, #tpu.memory_space<vmem>>, vector<16xf32>,
          %get3A_171 = arith.index_cast %squeeze3A_162 : i32 to index
          %get3A_172 = arith.constant 16 : index
          %get3A_173 = tpu.vector_load %arg11[%get3A_171, %get3A_172] {strides = array<i32>} : memref<321x128xf32, #tpu.memory_space<vmem>>, vector<16xf32>,
          %get3A_174 = arith.index_cast %scan3A_155 : i32 to index
          %get3A_175 = arith.constant 16 : index
          %get3A_176 = tpu.vector_load %arg10[%get3A_174, %get3A_175] {strides = array<i32>} : memref<128x128xf32, #tpu.memory_space<vmem>>, vector<16xf32>,
          %max3A_177 = arith.maximumf %get3A_173, %get3A_176 : vector<16xf32>
          %swap3A_178 = arith.index_cast %squeeze3A_162 : i32 to index
          %swap3A_179 = arith.constant 16 : index
          %swap3A_180 = tpu.vector_load %arg11[%swap3A_178, %swap3A_179] {strides = array<i32>} : memref<321x128xf32, #tpu.memory_space<vmem>>, vector<16xf32>,
          tpu.vector_store %arg11[%swap3A_178, %swap3A_179], %max3A_177 {strides = array<i32>} : memref<321x128xf32, #tpu.memory_space<vmem>>, vector<16xf32>,
          %get3A_181 = arith.index_cast %squeeze3A_162 : i32 to index
          %get3A_182 = arith.constant 32 : index
          %get3A_183 = tpu.vector_load %arg11[%get3A_181, %get3A_182] {strides = array<i32>} : memref<321x128xf32, #tpu.memory_space<vmem>>, vector<16xf32>,
          %get3A_184 = arith.index_cast %scan3A_155 : i32 to index
          %get3A_185 = arith.constant 32 : index
          %get3A_186 = tpu.vector_load %arg10[%get3A_184, %get3A_185] {strides = array<i32>} : memref<128x128xf32, #tpu.memory_space<vmem>>, vector<16xf32>,
          %max3A_187 = arith.maximumf %get3A_183, %get3A_186 : vector<16xf32>
          %swap3A_188 = arith.index_cast %squeeze3A_162 : i32 to index
          %swap3A_189 = arith.constant 32 : index
          %swap3A_190 = tpu.vector_load %arg11[%swap3A_188, %swap3A_189] {strides = array<i32>} : memref<321x128xf32, #tpu.memory_space<vmem>>, vector<16xf32>,
          tpu.vector_store %arg11[%swap3A_188, %swap3A_189], %max3A_187 {strides = array<i32>} : memref<321x128xf32, #tpu.memory_space<vmem>>, vector<16xf32>,
          %get3A_191 = arith.index_cast %squeeze3A_162 : i32 to index
          %get3A_192 = arith.constant 48 : index
          %get3A_193 = tpu.vector_load %arg11[%get3A_191, %get3A_192] {strides = array<i32>} : memref<321x128xf32, #tpu.memory_space<vmem>>, vector<16xf32>,
          %get3A_194 = arith.index_cast %scan3A_155 : i32 to index
          %get3A_195 = arith.constant 48 : index
          %get3A_196 = tpu.vector_load %arg10[%get3A_194, %get3A_195] {strides = array<i32>} : memref<128x128xf32, #tpu.memory_space<vmem>>, vector<16xf32>,
          %max3A_197 = arith.maximumf %get3A_193, %get3A_196 : vector<16xf32>
          %swap3A_198 = arith.index_cast %squeeze3A_162 : i32 to index
          %swap3A_199 = arith.constant 48 : index
          %swap3A_200 = tpu.vector_load %arg11[%swap3A_198, %swap3A_199] {strides = array<i32>} : memref<321x128xf32, #tpu.memory_space<vmem>>, vector<16xf32>,
          tpu.vector_store %arg11[%swap3A_198, %swap3A_199], %max3A_197 {strides = array<i32>} : memref<321x128xf32, #tpu.memory_space<vmem>>, vector<16xf32>,
          %get3A_201 = arith.index_cast %squeeze3A_162 : i32 to index
          %get3A_202 = arith.constant 64 : index
          %get3A_203 = tpu.vector_load %arg11[%get3A_201, %get3A_202] {strides = array<i32>} : memref<321x128xf32, #tpu.memory_space<vmem>>, vector<16xf32>,
          %get3A_204 = arith.index_cast %scan3A_155 : i32 to index
          %get3A_205 = arith.constant 64 : index
          %get3A_206 = tpu.vector_load %arg10[%get3A_204, %get3A_205] {strides = array<i32>} : memref<128x128xf32, #tpu.memory_space<vmem>>, vector<16xf32>,
          %max3A_207 = arith.maximumf %get3A_203, %get3A_206 : vector<16xf32>
          %swap3A_208 = arith.index_cast %squeeze3A_162 : i32 to index
          %swap3A_209 = arith.constant 64 : index
          %swap3A_210 = tpu.vector_load %arg11[%swap3A_208, %swap3A_209] {strides = array<i32>} : memref<321x128xf32, #tpu.memory_space<vmem>>, vector<16xf32>,
          tpu.vector_store %arg11[%swap3A_208, %swap3A_209], %max3A_207 {strides = array<i32>} : memref<321x128xf32, #tpu.memory_space<vmem>>, vector<16xf32>,
          %get3A_211 = arith.index_cast %squeeze3A_162 : i32 to index
          %get3A_212 = arith.constant 80 : index
          %get3A_213 = tpu.vector_load %arg11[%get3A_211, %get3A_212] {strides = array<i32>} : memref<321x128xf32, #tpu.memory_space<vmem>>, vector<16xf32>,
          %get3A_214 = arith.index_cast %scan3A_155 : i32 to index
          %get3A_215 = arith.constant 80 : index
          %get3A_216 = tpu.vector_load %arg10[%get3A_214, %get3A_215] {strides = array<i32>} : memref<128x128xf32, #tpu.memory_space<vmem>>, vector<16xf32>,
          %max3A_217 = arith.maximumf %get3A_213, %get3A_216 : vector<16xf32>
          %swap3A_218 = arith.index_cast %squeeze3A_162 : i32 to index
          %swap3A_219 = arith.constant 80 : index
          %swap3A_220 = tpu.vector_load %arg11[%swap3A_218, %swap3A_219] {strides = array<i32>} : memref<321x128xf32, #tpu.memory_space<vmem>>, vector<16xf32>,
          tpu.vector_store %arg11[%swap3A_218, %swap3A_219], %max3A_217 {strides = array<i32>} : memref<321x128xf32, #tpu.memory_space<vmem>>, vector<16xf32>,
          %get3A_221 = arith.index_cast %squeeze3A_162 : i32 to index
          %get3A_222 = arith.constant 96 : index
          %get3A_223 = tpu.vector_load %arg11[%get3A_221, %get3A_222] {strides = array<i32>} : memref<321x128xf32, #tpu.memory_space<vmem>>, vector<16xf32>,
          %get3A_224 = arith.index_cast %scan3A_155 : i32 to index
          %get3A_225 = arith.constant 96 : index
          %get3A_226 = tpu.vector_load %arg10[%get3A_224, %get3A_225] {strides = array<i32>} : memref<128x128xf32, #tpu.memory_space<vmem>>, vector<16xf32>,
          %max3A_227 = arith.maximumf %get3A_223, %get3A_226 : vector<16xf32>
          %swap3A_228 = arith.index_cast %squeeze3A_162 : i32 to index
          %swap3A_229 = arith.constant 96 : index
          %swap3A_230 = tpu.vector_load %arg11[%swap3A_228, %swap3A_229] {strides = array<i32>} : memref<321x128xf32, #tpu.memory_space<vmem>>, vector<16xf32>,
          tpu.vector_store %arg11[%swap3A_228, %swap3A_229], %max3A_227 {strides = array<i32>} : memref<321x128xf32, #tpu.memory_space<vmem>>, vector<16xf32>,
          %get3A_231 = arith.index_cast %squeeze3A_162 : i32 to index
          %get3A_232 = arith.constant 112 : index
          %get3A_233 = tpu.vector_load %arg11[%get3A_231, %get3A_232] {strides = array<i32>} : memref<321x128xf32, #tpu.memory_space<vmem>>, vector<16xf32>,
          %get3A_234 = arith.index_cast %scan3A_155 : i32 to index
          %get3A_235 = arith.constant 112 : index
          %get3A_236 = tpu.vector_load %arg10[%get3A_234, %get3A_235] {strides = array<i32>} : memref<128x128xf32, #tpu.memory_space<vmem>>, vector<16xf32>,
          %max3A_237 = arith.maximumf %get3A_233, %get3A_236 : vector<16xf32>
          %swap3A_238 = arith.index_cast %squeeze3A_162 : i32 to index
          %swap3A_239 = arith.constant 112 : index
          %swap3A_240 = tpu.vector_load %arg11[%swap3A_238, %swap3A_239] {strides = array<i32>} : memref<321x128xf32, #tpu.memory_space<vmem>>, vector<16xf32>,
          tpu.vector_store %arg11[%swap3A_238, %swap3A_239], %max3A_237 {strides = array<i32>} : memref<321x128xf32, #tpu.memory_space<vmem>>, vector<16xf32>,
        }
        %scan3A_154 = arith.constant 128 : i32
      }
    }
    %while3A_42 = arith.constant 1 : i32
    scf.for %while3A_43 = %while3A_40 to %while3A_36 step %while3A_42  : i32 {
      %mul3A_44 = arith.constant 2048 : i32
      %mul3A_45 = arith.muli %while3A_43, %mul3A_44 : i32
      %add3A_46 = arith.addi %mul3A_4, %mul3A_45 : i32
      "tpu.region"() ({
        %run_scoped3A = tpu.sem_alloc : memref<!tpu.dma_semaphore, #tpu.memory_space<semaphore_mem>>
        %dma_start3A_118 = tpu.memref_slice %arg3[%add3A_46] : memref<10373120xi32, #tpu.memory_space<hbm>> -> memref<2048xi32, #tpu.memory_space<hbm>>
        %dma_start3A_119 = tpu.memref_slice %arg3[%add3A_46] : memref<10373120xi32, #tpu.memory_space<hbm>> -> memref<2048xi32, #tpu.memory_space<hbm>>
        tpu.enqueue_dma source(%dma_start3A_119 : memref<2048xi32, #tpu.memory_space<hbm>>) target(%arg7 : memref<2048xi32, #tpu.memory_space<vmem>>) target_semaphore(%run_scoped3A : memref<!tpu.dma_semaphore, #tpu.memory_space<semaphore_mem>>)
        %dma_wait3A = tpu.memref_slice %arg3[%add3A_46] : memref<10373120xi32, #tpu.memory_space<hbm>> -> memref<2048xi32, #tpu.memory_space<hbm>>
        %dma_wait3A_120 = tpu.memref_slice %arg3[%add3A_46] : memref<10373120xi32, #tpu.memory_space<hbm>> -> memref<2048xi32, #tpu.memory_space<hbm>>
        tpu.wait_dma2 semaphore(%run_scoped3A : memref<!tpu.dma_semaphore, #tpu.memory_space<semaphore_mem>>) src(%dma_wait3A_120 : memref<2048xi32, #tpu.memory_space<hbm>>) dst(%arg7 : memref<2048xi32, #tpu.memory_space<vmem>>)
        tpu.yield
      }) : () -> ()
      %add3A_47 = arith.addi %mul3A_4, %mul3A_45 : i32
      "tpu.region"() ({
        %run_scoped3A = tpu.sem_alloc : memref<!tpu.dma_semaphore, #tpu.memory_space<semaphore_mem>>
        %dma_start3A_118 = arith.constant 0 : i32
        %dma_start3A_119 = tpu.memref_slice %arg8[%dma_start3A_118] : memref<2064xi32, #tpu.memory_space<vmem>> -> memref<2048xi32, #tpu.memory_space<vmem>>
        %dma_start3A_120 = tpu.memref_slice %arg4[%add3A_47] : memref<10373120xi32, #tpu.memory_space<hbm>> -> memref<2048xi32, #tpu.memory_space<hbm>>
        %dma_start3A_121 = arith.constant 0 : i32
        %dma_start3A_122 = tpu.memref_slice %arg8[%dma_start3A_121] : memref<2064xi32, #tpu.memory_space<vmem>> -> memref<2048xi32, #tpu.memory_space<vmem>>
        %dma_start3A_123 = tpu.memref_slice %arg4[%add3A_47] : memref<10373120xi32, #tpu.memory_space<hbm>> -> memref<2048xi32, #tpu.memory_space<hbm>>
        tpu.enqueue_dma source(%dma_start3A_123 : memref<2048xi32, #tpu.memory_space<hbm>>) target(%dma_start3A_122 : memref<2048xi32, #tpu.memory_space<vmem>>) target_semaphore(%run_scoped3A : memref<!tpu.dma_semaphore, #tpu.memory_space<semaphore_mem>>)
        %dma_wait3A = arith.constant 0 : i32
        %dma_wait3A_124 = tpu.memref_slice %arg8[%dma_wait3A] : memref<2064xi32, #tpu.memory_space<vmem>> -> memref<2048xi32, #tpu.memory_space<vmem>>
        %dma_wait3A_125 = tpu.memref_slice %arg4[%add3A_47] : memref<10373120xi32, #tpu.memory_space<hbm>> -> memref<2048xi32, #tpu.memory_space<hbm>>
        %dma_wait3A_126 = arith.constant 0 : i32
        %dma_wait3A_127 = tpu.memref_slice %arg8[%dma_wait3A_126] : memref<2064xi32, #tpu.memory_space<vmem>> -> memref<2048xi32, #tpu.memory_space<vmem>>
        %dma_wait3A_128 = tpu.memref_slice %arg4[%add3A_47] : memref<10373120xi32, #tpu.memory_space<hbm>> -> memref<2048xi32, #tpu.memory_space<hbm>>
        tpu.wait_dma2 semaphore(%run_scoped3A : memref<!tpu.dma_semaphore, #tpu.memory_space<semaphore_mem>>) src(%dma_wait3A_128 : memref<2048xi32, #tpu.memory_space<hbm>>) dst(%dma_wait3A_127 : memref<2048xi32, #tpu.memory_space<vmem>>)
        tpu.yield
      }) : () -> ()
      %sub3A_48 = arith.subi %squeeze3A, %mul3A_45 : i32
      %add3A_49 = arith.constant 256 : i32
      %add3A_50 = arith.addi %sub3A_48, %add3A_49 : i32
      %sub3A_51 = arith.constant 1 : i32
      %sub3A_52 = arith.subi %add3A_50, %sub3A_51 : i32
      %jit3A_53 = arith.constant 256 : i32
      %div3A_54 = arith.divsi %sub3A_52, %jit3A_53 : i32
      %sign3A_55 = arith.constant 0 : i32
      %sign3A_56 = arith.cmpi sgt, %sub3A_52, %sign3A_55 : i32
      %sign3A_57 = arith.extui %sign3A_56 : i1 to i32
      %sign3A_58 = arith.constant 0 : i32
      %sign3A_59 = arith.cmpi slt, %sub3A_52, %sign3A_58 : i32
      %sign3A_60 = arith.extui %sign3A_59 : i1 to i32
      %sign3A_61 = arith.subi %sign3A_57, %sign3A_60 : i32
      %sign3A_62 = arith.constant 0 : i32
      %sign3A_63 = arith.cmpi sgt, %jit3A_53, %sign3A_62 : i32
      %sign3A_64 = arith.extui %sign3A_63 : i1 to i32
      %sign3A_65 = arith.constant 0 : i32
      %sign3A_66 = arith.cmpi slt, %jit3A_53, %sign3A_65 : i32
      %sign3A_67 = arith.extui %sign3A_66 : i1 to i32
      %sign3A_68 = arith.subi %sign3A_64, %sign3A_67 : i32
      %ne3A_69 = arith.cmpi ne, %sign3A_61, %sign3A_68 : i32
      %rem3A_70 = arith.remsi %sub3A_52, %jit3A_53 : i32
      %ne3A_71 = arith.constant 0 : i32
      %ne3A_72 = arith.cmpi ne, %rem3A_70, %ne3A_71 : i32
      %and3A_73 = arith.andi %ne3A_69, %ne3A_72 : i1
      %sub3A_74 = arith.constant 1 : i32
      %sub3A_75 = arith.subi %div3A_54, %sub3A_74 : i32
      %select_n3A_76 = arith.select %and3A_73, %sub3A_75, %div3A_54 : i32
      %mul3A_77 = arith.constant 2 : i32
      %mul3A_78 = arith.muli %select_n3A_76, %mul3A_77 : i32
      %min3A = arith.constant 16 : i32
      %min3A_79 = arith.minsi %mul3A_78, %min3A : i32
      %dma_start3A = arith.constant 0 : i32
      %dma_start3A_80 = tpu.memref_slice %arg7[%dma_start3A] : memref<2048xi32, #tpu.memory_space<vmem>> -> memref<128xi32, #tpu.memory_space<vmem>>
      %dma_start3A_81 = arith.constant 0 : i32
      %dma_start3A_82 = arith.constant 0 : i32
      %dma_start3A_83 = tpu.memref_slice %arg2[%dma_start3A_81, %dma_start3A_82] : memref<10000x128xf32, #tpu.memory_space<hbm>> -> memref<10000x128xf32, #tpu.memory_space<hbm>>
      tpu.enqueue_indirect_dma source(%dma_start3A_83 : memref<10000x128xf32, #tpu.memory_space<hbm>>) target(%arg9 : memref<128x128xf32, #tpu.memory_space<vmem>>) offsets(%dma_start3A_80 : memref<128xi32, #tpu.memory_space<vmem>>) semaphore(%arg12 : memref<!tpu.dma_semaphore, #tpu.memory_space<semaphore_mem>>)
      %jit3A_84 = arith.constant 2 : i32
      %div3A_85 = arith.divsi %min3A_79, %jit3A_84 : i32
      %sign3A_86 = arith.constant 0 : i32
      %sign3A_87 = arith.cmpi sgt, %min3A_79, %sign3A_86 : i32
      %sign3A_88 = arith.extui %sign3A_87 : i1 to i32
      %sign3A_89 = arith.constant 0 : i32
      %sign3A_90 = arith.cmpi slt, %min3A_79, %sign3A_89 : i32
      %sign3A_91 = arith.extui %sign3A_90 : i1 to i32
      %sign3A_92 = arith.subi %sign3A_88, %sign3A_91 : i32
      %sign3A_93 = arith.constant 0 : i32
      %sign3A_94 = arith.cmpi sgt, %jit3A_84, %sign3A_93 : i32
      %sign3A_95 = arith.extui %sign3A_94 : i1 to i32
      %sign3A_96 = arith.constant 0 : i32
      %sign3A_97 = arith.cmpi slt, %jit3A_84, %sign3A_96 : i32
      %sign3A_98 = arith.extui %sign3A_97 : i1 to i32
      %sign3A_99 = arith.subi %sign3A_95, %sign3A_98 : i32
      %ne3A_100 = arith.cmpi ne, %sign3A_92, %sign3A_99 : i32
      %rem3A_101 = arith.remsi %min3A_79, %jit3A_84 : i32
      %ne3A_102 = arith.constant 0 : i32
      %ne3A_103 = arith.cmpi ne, %rem3A_101, %ne3A_102 : i32
      %and3A_104 = arith.andi %ne3A_100, %ne3A_103 : i1
      %sub3A_105 = arith.constant 1 : i32
      %sub3A_106 = arith.subi %div3A_85, %sub3A_105 : i32
      %select_n3A_107 = arith.select %and3A_104, %sub3A_106, %div3A_85 : i32
      %while3A_108 = arith.constant 0 : i32
      %while3A_109 = arith.constant 0 : i32
      %while3A_110 = arith.subi %select_n3A_107, %while3A_109 : i32
      %while3A_111 = arith.addi %while3A_109, %while3A_110 : i32
      %while3A_112 = arith.constant 1 : i32
      %while3A_113 = arith.divsi %while3A_110, %while3A_112 : i32
      %while3A_114 = arith.muli %while3A_113, %while3A_112 : i32
      %while3A_115 = arith.addi %while3A_109, %while3A_114 : i32
      %while3A_116 = arith.constant 1 : i32
      scf.for %while3A_118 = %while3A_109 to %while3A_115 step %while3A_116  : i32 {
        %mul3A_119 = arith.constant 2 : i32
        %mul3A_120 = arith.muli %while3A_118, %mul3A_119 : i32
        %add3A_121 = arith.constant 1 : i32
        %add3A_122 = arith.addi %mul3A_120, %add3A_121 : i32
        %mul3A_123 = arith.constant 128 : i32
        %mul3A_124 = arith.muli %add3A_122, %mul3A_123 : i32
        %dma_start3A_125 = tpu.memref_slice %arg7[%mul3A_124] : memref<2048xi32, #tpu.memory_space<vmem>> -> memref<128xi32, #tpu.memory_space<vmem>>
        %dma_start3A_126 = arith.constant 0 : i32
        %dma_start3A_127 = arith.constant 0 : i32
        %dma_start3A_128 = tpu.memref_slice %arg2[%dma_start3A_126, %dma_start3A_127] : memref<10000x128xf32, #tpu.memory_space<hbm>> -> memref<10000x128xf32, #tpu.memory_space<hbm>>
        tpu.enqueue_indirect_dma source(%dma_start3A_128 : memref<10000x128xf32, #tpu.memory_space<hbm>>) target(%arg10 : memref<128x128xf32, #tpu.memory_space<vmem>>) offsets(%dma_start3A_125 : memref<128xi32, #tpu.memory_space<vmem>>) semaphore(%arg13 : memref<!tpu.dma_semaphore, #tpu.memory_space<semaphore_mem>>)
        %dma_wait3A = arith.constant 0 : i32
        %dma_wait3A_129 = tpu.memref_slice %arg7[%dma_wait3A] : memref<2048xi32, #tpu.memory_space<vmem>> -> memref<128xi32, #tpu.memory_space<vmem>>
        %dma_wait3A_130 = arith.constant 0 : i32
        %dma_wait3A_131 = arith.constant 0 : i32
        %dma_wait3A_132 = tpu.memref_slice %arg2[%dma_wait3A_130, %dma_wait3A_131] : memref<10000x128xf32, #tpu.memory_space<hbm>> -> memref<10000x128xf32, #tpu.memory_space<hbm>>
        tpu.wait_indirect_dma semaphore(%arg12 : memref<!tpu.dma_semaphore, #tpu.memory_space<semaphore_mem>>) src(%dma_wait3A_132 : memref<10000x128xf32, #tpu.memory_space<hbm>>) dst(%arg9 : memref<128x128xf32, #tpu.memory_space<vmem>>)
        %scan3A_133 = arith.constant 0 : i32
        %scan3A_134 = arith.constant 0 : i32
        %scan3A_135 = arith.constant 128 : i32
        %scan3A_136 = arith.addi %scan3A_134, %scan3A_135 : i32
        %scan3A_137 = arith.constant 1 : i32
        scf.for %scan3A_155 = %scan3A_134 to %scan3A_136 step %scan3A_137  : i32 {
          %mul3A_156 = arith.constant 128 : i32
          %mul3A_157 = arith.muli %mul3A_120, %mul3A_156 : i32
          %add3A_158 = arith.addi %mul3A_157, %scan3A_155 : i32
          %get3A_159 = arith.index_cast %add3A_158 : i32 to index
          %get3A_160 = tpu.vector_load %arg8[%get3A_159] {strides = array<i32>} : memref<2064xi32, #tpu.memory_space<vmem>>, vector<16xi32>,
          %slice3A_161 = vector.extract_strided_slice %get3A_160 {offsets = [0], sizes = [1], strides = [1]} : vector<16xi32> to vector<1xi32>
          %squeeze3A_162 = vector.extract %slice3A_161[0] : i32 from vector<1xi32>
          %get3A_163 = arith.index_cast %squeeze3A_162 : i32 to index
          %get3A_164 = arith.constant 0 : index
          %get3A_165 = tpu.vector_load %arg11[%get3A_163, %get3A_164] {strides = array<i32>} : memref<321x128xf32, #tpu.memory_space<vmem>>, vector<16xf32>,
          %get3A_166 = arith.index_cast %scan3A_155 : i32 to index
          %get3A_167 = arith.constant 0 : index
          %get3A_168 = tpu.vector_load %arg9[%get3A_166, %get3A_167] {strides = array<i32>} : memref<128x128xf32, #tpu.memory_space<vmem>>, vector<16xf32>,
          %max3A = arith.maximumf %get3A_165, %get3A_168 : vector<16xf32>
          %swap3A = arith.index_cast %squeeze3A_162 : i32 to index
          %swap3A_169 = arith.constant 0 : index
          %swap3A_170 = tpu.vector_load %arg11[%swap3A, %swap3A_169] {strides = array<i32>} : memref<321x128xf32, #tpu.memory_space<vmem>>, vector<16xf32>,
          tpu.vector_store %arg11[%swap3A, %swap3A_169], %max3A {strides = array<i32>} : memref<321x128xf32, #tpu.memory_space<vmem>>, vector<16xf32>,
          %get3A_171 = arith.index_cast %squeeze3A_162 : i32 to index
          %get3A_172 = arith.constant 16 : index
          %get3A_173 = tpu.vector_load %arg11[%get3A_171, %get3A_172] {strides = array<i32>} : memref<321x128xf32, #tpu.memory_space<vmem>>, vector<16xf32>,
          %get3A_174 = arith.index_cast %scan3A_155 : i32 to index
          %get3A_175 = arith.constant 16 : index
          %get3A_176 = tpu.vector_load %arg9[%get3A_174, %get3A_175] {strides = array<i32>} : memref<128x128xf32, #tpu.memory_space<vmem>>, vector<16xf32>,
          %max3A_177 = arith.maximumf %get3A_173, %get3A_176 : vector<16xf32>
          %swap3A_178 = arith.index_cast %squeeze3A_162 : i32 to index
          %swap3A_179 = arith.constant 16 : index
          %swap3A_180 = tpu.vector_load %arg11[%swap3A_178, %swap3A_179] {strides = array<i32>} : memref<321x128xf32, #tpu.memory_space<vmem>>, vector<16xf32>,
          tpu.vector_store %arg11[%swap3A_178, %swap3A_179], %max3A_177 {strides = array<i32>} : memref<321x128xf32, #tpu.memory_space<vmem>>, vector<16xf32>,
          %get3A_181 = arith.index_cast %squeeze3A_162 : i32 to index
          %get3A_182 = arith.constant 32 : index
          %get3A_183 = tpu.vector_load %arg11[%get3A_181, %get3A_182] {strides = array<i32>} : memref<321x128xf32, #tpu.memory_space<vmem>>, vector<16xf32>,
          %get3A_184 = arith.index_cast %scan3A_155 : i32 to index
          %get3A_185 = arith.constant 32 : index
          %get3A_186 = tpu.vector_load %arg9[%get3A_184, %get3A_185] {strides = array<i32>} : memref<128x128xf32, #tpu.memory_space<vmem>>, vector<16xf32>,
          %max3A_187 = arith.maximumf %get3A_183, %get3A_186 : vector<16xf32>
          %swap3A_188 = arith.index_cast %squeeze3A_162 : i32 to index
          %swap3A_189 = arith.constant 32 : index
          %swap3A_190 = tpu.vector_load %arg11[%swap3A_188, %swap3A_189] {strides = array<i32>} : memref<321x128xf32, #tpu.memory_space<vmem>>, vector<16xf32>,
          tpu.vector_store %arg11[%swap3A_188, %swap3A_189], %max3A_187 {strides = array<i32>} : memref<321x128xf32, #tpu.memory_space<vmem>>, vector<16xf32>,
          %get3A_191 = arith.index_cast %squeeze3A_162 : i32 to index
          %get3A_192 = arith.constant 48 : index
          %get3A_193 = tpu.vector_load %arg11[%get3A_191, %get3A_192] {strides = array<i32>} : memref<321x128xf32, #tpu.memory_space<vmem>>, vector<16xf32>,
          %get3A_194 = arith.index_cast %scan3A_155 : i32 to index
          %get3A_195 = arith.constant 48 : index
          %get3A_196 = tpu.vector_load %arg9[%get3A_194, %get3A_195] {strides = array<i32>} : memref<128x128xf32, #tpu.memory_space<vmem>>, vector<16xf32>,
          %max3A_197 = arith.maximumf %get3A_193, %get3A_196 : vector<16xf32>
          %swap3A_198 = arith.index_cast %squeeze3A_162 : i32 to index
          %swap3A_199 = arith.constant 48 : index
          %swap3A_200 = tpu.vector_load %arg11[%swap3A_198, %swap3A_199] {strides = array<i32>} : memref<321x128xf32, #tpu.memory_space<vmem>>, vector<16xf32>,
          tpu.vector_store %arg11[%swap3A_198, %swap3A_199], %max3A_197 {strides = array<i32>} : memref<321x128xf32, #tpu.memory_space<vmem>>, vector<16xf32>,
          %get3A_201 = arith.index_cast %squeeze3A_162 : i32 to index
          %get3A_202 = arith.constant 64 : index
          %get3A_203 = tpu.vector_load %arg11[%get3A_201, %get3A_202] {strides = array<i32>} : memref<321x128xf32, #tpu.memory_space<vmem>>, vector<16xf32>,
          %get3A_204 = arith.index_cast %scan3A_155 : i32 to index
          %get3A_205 = arith.constant 64 : index
          %get3A_206 = tpu.vector_load %arg9[%get3A_204, %get3A_205] {strides = array<i32>} : memref<128x128xf32, #tpu.memory_space<vmem>>, vector<16xf32>,
          %max3A_207 = arith.maximumf %get3A_203, %get3A_206 : vector<16xf32>
          %swap3A_208 = arith.index_cast %squeeze3A_162 : i32 to index
          %swap3A_209 = arith.constant 64 : index
          %swap3A_210 = tpu.vector_load %arg11[%swap3A_208, %swap3A_209] {strides = array<i32>} : memref<321x128xf32, #tpu.memory_space<vmem>>, vector<16xf32>,
          tpu.vector_store %arg11[%swap3A_208, %swap3A_209], %max3A_207 {strides = array<i32>} : memref<321x128xf32, #tpu.memory_space<vmem>>, vector<16xf32>,
          %get3A_211 = arith.index_cast %squeeze3A_162 : i32 to index
          %get3A_212 = arith.constant 80 : index
          %get3A_213 = tpu.vector_load %arg11[%get3A_211, %get3A_212] {strides = array<i32>} : memref<321x128xf32, #tpu.memory_space<vmem>>, vector<16xf32>,
          %get3A_214 = arith.index_cast %scan3A_155 : i32 to index
          %get3A_215 = arith.constant 80 : index
          %get3A_216 = tpu.vector_load %arg9[%get3A_214, %get3A_215] {strides = array<i32>} : memref<128x128xf32, #tpu.memory_space<vmem>>, vector<16xf32>,
          %max3A_217 = arith.maximumf %get3A_213, %get3A_216 : vector<16xf32>
          %swap3A_218 = arith.index_cast %squeeze3A_162 : i32 to index
          %swap3A_219 = arith.constant 80 : index
          %swap3A_220 = tpu.vector_load %arg11[%swap3A_218, %swap3A_219] {strides = array<i32>} : memref<321x128xf32, #tpu.memory_space<vmem>>, vector<16xf32>,
          tpu.vector_store %arg11[%swap3A_218, %swap3A_219], %max3A_217 {strides = array<i32>} : memref<321x128xf32, #tpu.memory_space<vmem>>, vector<16xf32>,
          %get3A_221 = arith.index_cast %squeeze3A_162 : i32 to index
          %get3A_222 = arith.constant 96 : index
          %get3A_223 = tpu.vector_load %arg11[%get3A_221, %get3A_222] {strides = array<i32>} : memref<321x128xf32, #tpu.memory_space<vmem>>, vector<16xf32>,
          %get3A_224 = arith.index_cast %scan3A_155 : i32 to index
          %get3A_225 = arith.constant 96 : index
          %get3A_226 = tpu.vector_load %arg9[%get3A_224, %get3A_225] {strides = array<i32>} : memref<128x128xf32, #tpu.memory_space<vmem>>, vector<16xf32>,
          %max3A_227 = arith.maximumf %get3A_223, %get3A_226 : vector<16xf32>
          %swap3A_228 = arith.index_cast %squeeze3A_162 : i32 to index
          %swap3A_229 = arith.constant 96 : index
          %swap3A_230 = tpu.vector_load %arg11[%swap3A_228, %swap3A_229] {strides = array<i32>} : memref<321x128xf32, #tpu.memory_space<vmem>>, vector<16xf32>,
          tpu.vector_store %arg11[%swap3A_228, %swap3A_229], %max3A_227 {strides = array<i32>} : memref<321x128xf32, #tpu.memory_space<vmem>>, vector<16xf32>,
          %get3A_231 = arith.index_cast %squeeze3A_162 : i32 to index
          %get3A_232 = arith.constant 112 : index
          %get3A_233 = tpu.vector_load %arg11[%get3A_231, %get3A_232] {strides = array<i32>} : memref<321x128xf32, #tpu.memory_space<vmem>>, vector<16xf32>,
          %get3A_234 = arith.index_cast %scan3A_155 : i32 to index
          %get3A_235 = arith.constant 112 : index
          %get3A_236 = tpu.vector_load %arg9[%get3A_234, %get3A_235] {strides = array<i32>} : memref<128x128xf32, #tpu.memory_space<vmem>>, vector<16xf32>,
          %max3A_237 = arith.maximumf %get3A_233, %get3A_236 : vector<16xf32>
          %swap3A_238 = arith.index_cast %squeeze3A_162 : i32 to index
          %swap3A_239 = arith.constant 112 : index
          %swap3A_240 = tpu.vector_load %arg11[%swap3A_238, %swap3A_239] {strides = array<i32>} : memref<321x128xf32, #tpu.memory_space<vmem>>, vector<16xf32>,
          tpu.vector_store %arg11[%swap3A_238, %swap3A_239], %max3A_237 {strides = array<i32>} : memref<321x128xf32, #tpu.memory_space<vmem>>, vector<16xf32>,
        }
        %scan3A_138 = arith.constant 128 : i32
        %add3A_139 = arith.constant 2 : i32
        %add3A_140 = arith.addi %mul3A_120, %add3A_139 : i32
        %lt3A = arith.cmpi slt, %add3A_140, %min3A_79 : i32
        %convert_element_type3A = arith.extui %lt3A : i1 to i32
        %cond3A = arith.constant 0 : i32
        %cond3A_141 = arith.cmpi ne, %convert_element_type3A, %cond3A : i32
        scf.if %cond3A_141 {
          %add3A_155 = arith.constant 2 : i32
          %add3A_156 = arith.addi %mul3A_120, %add3A_155 : i32
          %mul3A_157 = arith.constant 128 : i32
          %mul3A_158 = arith.muli %add3A_156, %mul3A_157 : i32
          %dma_start3A_159 = tpu.memref_slice %arg7[%mul3A_158] : memref<2048xi32, #tpu.memory_space<vmem>> -> memref<128xi32, #tpu.memory_space<vmem>>
          %dma_start3A_160 = arith.constant 0 : i32
          %dma_start3A_161 = arith.constant 0 : i32
          %dma_start3A_162 = tpu.memref_slice %arg2[%dma_start3A_160, %dma_start3A_161] : memref<10000x128xf32, #tpu.memory_space<hbm>> -> memref<10000x128xf32, #tpu.memory_space<hbm>>
          tpu.enqueue_indirect_dma source(%dma_start3A_162 : memref<10000x128xf32, #tpu.memory_space<hbm>>) target(%arg9 : memref<128x128xf32, #tpu.memory_space<vmem>>) offsets(%dma_start3A_159 : memref<128xi32, #tpu.memory_space<vmem>>) semaphore(%arg12 : memref<!tpu.dma_semaphore, #tpu.memory_space<semaphore_mem>>)
        } else {
        }
        %dma_wait3A_142 = arith.constant 0 : i32
        %dma_wait3A_143 = tpu.memref_slice %arg7[%dma_wait3A_142] : memref<2048xi32, #tpu.memory_space<vmem>> -> memref<128xi32, #tpu.memory_space<vmem>>
        %dma_wait3A_144 = arith.constant 0 : i32
        %dma_wait3A_145 = arith.constant 0 : i32
        %dma_wait3A_146 = tpu.memref_slice %arg2[%dma_wait3A_144, %dma_wait3A_145] : memref<10000x128xf32, #tpu.memory_space<hbm>> -> memref<10000x128xf32, #tpu.memory_space<hbm>>
        tpu.wait_indirect_dma semaphore(%arg13 : memref<!tpu.dma_semaphore, #tpu.memory_space<semaphore_mem>>) src(%dma_wait3A_146 : memref<10000x128xf32, #tpu.memory_space<hbm>>) dst(%arg10 : memref<128x128xf32, #tpu.memory_space<vmem>>)
        %add3A_147 = arith.constant 1 : i32
        %add3A_148 = arith.addi %mul3A_120, %add3A_147 : i32
        %scan3A_149 = arith.constant 0 : i32
        %scan3A_150 = arith.constant 0 : i32
        %scan3A_151 = arith.constant 128 : i32
        %scan3A_152 = arith.addi %scan3A_150, %scan3A_151 : i32
        %scan3A_153 = arith.constant 1 : i32
        scf.for %scan3A_155 = %scan3A_150 to %scan3A_152 step %scan3A_153  : i32 {
          %mul3A_156 = arith.constant 128 : i32
          %mul3A_157 = arith.muli %add3A_148, %mul3A_156 : i32
          %add3A_158 = arith.addi %mul3A_157, %scan3A_155 : i32
          %get3A_159 = arith.index_cast %add3A_158 : i32 to index
          %get3A_160 = tpu.vector_load %arg8[%get3A_159] {strides = array<i32>} : memref<2064xi32, #tpu.memory_space<vmem>>, vector<16xi32>,
          %slice3A_161 = vector.extract_strided_slice %get3A_160 {offsets = [0], sizes = [1], strides = [1]} : vector<16xi32> to vector<1xi32>
          %squeeze3A_162 = vector.extract %slice3A_161[0] : i32 from vector<1xi32>
          %get3A_163 = arith.index_cast %squeeze3A_162 : i32 to index
          %get3A_164 = arith.constant 0 : index
          %get3A_165 = tpu.vector_load %arg11[%get3A_163, %get3A_164] {strides = array<i32>} : memref<321x128xf32, #tpu.memory_space<vmem>>, vector<16xf32>,
          %get3A_166 = arith.index_cast %scan3A_155 : i32 to index
          %get3A_167 = arith.constant 0 : index
          %get3A_168 = tpu.vector_load %arg10[%get3A_166, %get3A_167] {strides = array<i32>} : memref<128x128xf32, #tpu.memory_space<vmem>>, vector<16xf32>,
          %max3A = arith.maximumf %get3A_165, %get3A_168 : vector<16xf32>
          %swap3A = arith.index_cast %squeeze3A_162 : i32 to index
          %swap3A_169 = arith.constant 0 : index
          %swap3A_170 = tpu.vector_load %arg11[%swap3A, %swap3A_169] {strides = array<i32>} : memref<321x128xf32, #tpu.memory_space<vmem>>, vector<16xf32>,
          tpu.vector_store %arg11[%swap3A, %swap3A_169], %max3A {strides = array<i32>} : memref<321x128xf32, #tpu.memory_space<vmem>>, vector<16xf32>,
          %get3A_171 = arith.index_cast %squeeze3A_162 : i32 to index
          %get3A_172 = arith.constant 16 : index
          %get3A_173 = tpu.vector_load %arg11[%get3A_171, %get3A_172] {strides = array<i32>} : memref<321x128xf32, #tpu.memory_space<vmem>>, vector<16xf32>,
          %get3A_174 = arith.index_cast %scan3A_155 : i32 to index
          %get3A_175 = arith.constant 16 : index
          %get3A_176 = tpu.vector_load %arg10[%get3A_174, %get3A_175] {strides = array<i32>} : memref<128x128xf32, #tpu.memory_space<vmem>>, vector<16xf32>,
          %max3A_177 = arith.maximumf %get3A_173, %get3A_176 : vector<16xf32>
          %swap3A_178 = arith.index_cast %squeeze3A_162 : i32 to index
          %swap3A_179 = arith.constant 16 : index
          %swap3A_180 = tpu.vector_load %arg11[%swap3A_178, %swap3A_179] {strides = array<i32>} : memref<321x128xf32, #tpu.memory_space<vmem>>, vector<16xf32>,
          tpu.vector_store %arg11[%swap3A_178, %swap3A_179], %max3A_177 {strides = array<i32>} : memref<321x128xf32, #tpu.memory_space<vmem>>, vector<16xf32>,
          %get3A_181 = arith.index_cast %squeeze3A_162 : i32 to index
          %get3A_182 = arith.constant 32 : index
          %get3A_183 = tpu.vector_load %arg11[%get3A_181, %get3A_182] {strides = array<i32>} : memref<321x128xf32, #tpu.memory_space<vmem>>, vector<16xf32>,
          %get3A_184 = arith.index_cast %scan3A_155 : i32 to index
          %get3A_185 = arith.constant 32 : index
          %get3A_186 = tpu.vector_load %arg10[%get3A_184, %get3A_185] {strides = array<i32>} : memref<128x128xf32, #tpu.memory_space<vmem>>, vector<16xf32>,
          %max3A_187 = arith.maximumf %get3A_183, %get3A_186 : vector<16xf32>
          %swap3A_188 = arith.index_cast %squeeze3A_162 : i32 to index
          %swap3A_189 = arith.constant 32 : index
          %swap3A_190 = tpu.vector_load %arg11[%swap3A_188, %swap3A_189] {strides = array<i32>} : memref<321x128xf32, #tpu.memory_space<vmem>>, vector<16xf32>,
          tpu.vector_store %arg11[%swap3A_188, %swap3A_189], %max3A_187 {strides = array<i32>} : memref<321x128xf32, #tpu.memory_space<vmem>>, vector<16xf32>,
          %get3A_191 = arith.index_cast %squeeze3A_162 : i32 to index
          %get3A_192 = arith.constant 48 : index
          %get3A_193 = tpu.vector_load %arg11[%get3A_191, %get3A_192] {strides = array<i32>} : memref<321x128xf32, #tpu.memory_space<vmem>>, vector<16xf32>,
          %get3A_194 = arith.index_cast %scan3A_155 : i32 to index
          %get3A_195 = arith.constant 48 : index
          %get3A_196 = tpu.vector_load %arg10[%get3A_194, %get3A_195] {strides = array<i32>} : memref<128x128xf32, #tpu.memory_space<vmem>>, vector<16xf32>,
          %max3A_197 = arith.maximumf %get3A_193, %get3A_196 : vector<16xf32>
          %swap3A_198 = arith.index_cast %squeeze3A_162 : i32 to index
          %swap3A_199 = arith.constant 48 : index
          %swap3A_200 = tpu.vector_load %arg11[%swap3A_198, %swap3A_199] {strides = array<i32>} : memref<321x128xf32, #tpu.memory_space<vmem>>, vector<16xf32>,
          tpu.vector_store %arg11[%swap3A_198, %swap3A_199], %max3A_197 {strides = array<i32>} : memref<321x128xf32, #tpu.memory_space<vmem>>, vector<16xf32>,
          %get3A_201 = arith.index_cast %squeeze3A_162 : i32 to index
          %get3A_202 = arith.constant 64 : index
          %get3A_203 = tpu.vector_load %arg11[%get3A_201, %get3A_202] {strides = array<i32>} : memref<321x128xf32, #tpu.memory_space<vmem>>, vector<16xf32>,
          %get3A_204 = arith.index_cast %scan3A_155 : i32 to index
          %get3A_205 = arith.constant 64 : index
          %get3A_206 = tpu.vector_load %arg10[%get3A_204, %get3A_205] {strides = array<i32>} : memref<128x128xf32, #tpu.memory_space<vmem>>, vector<16xf32>,
          %max3A_207 = arith.maximumf %get3A_203, %get3A_206 : vector<16xf32>
          %swap3A_208 = arith.index_cast %squeeze3A_162 : i32 to index
          %swap3A_209 = arith.constant 64 : index
          %swap3A_210 = tpu.vector_load %arg11[%swap3A_208, %swap3A_209] {strides = array<i32>} : memref<321x128xf32, #tpu.memory_space<vmem>>, vector<16xf32>,
          tpu.vector_store %arg11[%swap3A_208, %swap3A_209], %max3A_207 {strides = array<i32>} : memref<321x128xf32, #tpu.memory_space<vmem>>, vector<16xf32>,
          %get3A_211 = arith.index_cast %squeeze3A_162 : i32 to index
          %get3A_212 = arith.constant 80 : index
          %get3A_213 = tpu.vector_load %arg11[%get3A_211, %get3A_212] {strides = array<i32>} : memref<321x128xf32, #tpu.memory_space<vmem>>, vector<16xf32>,
          %get3A_214 = arith.index_cast %scan3A_155 : i32 to index
          %get3A_215 = arith.constant 80 : index
          %get3A_216 = tpu.vector_load %arg10[%get3A_214, %get3A_215] {strides = array<i32>} : memref<128x128xf32, #tpu.memory_space<vmem>>, vector<16xf32>,
          %max3A_217 = arith.maximumf %get3A_213, %get3A_216 : vector<16xf32>
          %swap3A_218 = arith.index_cast %squeeze3A_162 : i32 to index
          %swap3A_219 = arith.constant 80 : index
          %swap3A_220 = tpu.vector_load %arg11[%swap3A_218, %swap3A_219] {strides = array<i32>} : memref<321x128xf32, #tpu.memory_space<vmem>>, vector<16xf32>,
          tpu.vector_store %arg11[%swap3A_218, %swap3A_219], %max3A_217 {strides = array<i32>} : memref<321x128xf32, #tpu.memory_space<vmem>>, vector<16xf32>,
          %get3A_221 = arith.index_cast %squeeze3A_162 : i32 to index
          %get3A_222 = arith.constant 96 : index
          %get3A_223 = tpu.vector_load %arg11[%get3A_221, %get3A_222] {strides = array<i32>} : memref<321x128xf32, #tpu.memory_space<vmem>>, vector<16xf32>,
          %get3A_224 = arith.index_cast %scan3A_155 : i32 to index
          %get3A_225 = arith.constant 96 : index
          %get3A_226 = tpu.vector_load %arg10[%get3A_224, %get3A_225] {strides = array<i32>} : memref<128x128xf32, #tpu.memory_space<vmem>>, vector<16xf32>,
          %max3A_227 = arith.maximumf %get3A_223, %get3A_226 : vector<16xf32>
          %swap3A_228 = arith.index_cast %squeeze3A_162 : i32 to index
          %swap3A_229 = arith.constant 96 : index
          %swap3A_230 = tpu.vector_load %arg11[%swap3A_228, %swap3A_229] {strides = array<i32>} : memref<321x128xf32, #tpu.memory_space<vmem>>, vector<16xf32>,
          tpu.vector_store %arg11[%swap3A_228, %swap3A_229], %max3A_227 {strides = array<i32>} : memref<321x128xf32, #tpu.memory_space<vmem>>, vector<16xf32>,
          %get3A_231 = arith.index_cast %squeeze3A_162 : i32 to index
          %get3A_232 = arith.constant 112 : index
          %get3A_233 = tpu.vector_load %arg11[%get3A_231, %get3A_232] {strides = array<i32>} : memref<321x128xf32, #tpu.memory_space<vmem>>, vector<16xf32>,
          %get3A_234 = arith.index_cast %scan3A_155 : i32 to index
          %get3A_235 = arith.constant 112 : index
          %get3A_236 = tpu.vector_load %arg10[%get3A_234, %get3A_235] {strides = array<i32>} : memref<128x128xf32, #tpu.memory_space<vmem>>, vector<16xf32>,
          %max3A_237 = arith.maximumf %get3A_233, %get3A_236 : vector<16xf32>
          %swap3A_238 = arith.index_cast %squeeze3A_162 : i32 to index
          %swap3A_239 = arith.constant 112 : index
          %swap3A_240 = tpu.vector_load %arg11[%swap3A_238, %swap3A_239] {strides = array<i32>} : memref<321x128xf32, #tpu.memory_space<vmem>>, vector<16xf32>,
          tpu.vector_store %arg11[%swap3A_238, %swap3A_239], %max3A_237 {strides = array<i32>} : memref<321x128xf32, #tpu.memory_space<vmem>>, vector<16xf32>,
        }
        %scan3A_154 = arith.constant 128 : i32
      }
      %while3A_117 = arith.constant 1 : i32
      scf.for %while3A_118 = %while3A_115 to %while3A_111 step %while3A_117  : i32 {
        %mul3A_119 = arith.constant 2 : i32
        %mul3A_120 = arith.muli %while3A_118, %mul3A_119 : i32
        %add3A_121 = arith.constant 1 : i32
        %add3A_122 = arith.addi %mul3A_120, %add3A_121 : i32
        %mul3A_123 = arith.constant 128 : i32
        %mul3A_124 = arith.muli %add3A_122, %mul3A_123 : i32
        %dma_start3A_125 = tpu.memref_slice %arg7[%mul3A_124] : memref<2048xi32, #tpu.memory_space<vmem>> -> memref<128xi32, #tpu.memory_space<vmem>>
        %dma_start3A_126 = arith.constant 0 : i32
        %dma_start3A_127 = arith.constant 0 : i32
        %dma_start3A_128 = tpu.memref_slice %arg2[%dma_start3A_126, %dma_start3A_127] : memref<10000x128xf32, #tpu.memory_space<hbm>> -> memref<10000x128xf32, #tpu.memory_space<hbm>>
        tpu.enqueue_indirect_dma source(%dma_start3A_128 : memref<10000x128xf32, #tpu.memory_space<hbm>>) target(%arg10 : memref<128x128xf32, #tpu.memory_space<vmem>>) offsets(%dma_start3A_125 : memref<128xi32, #tpu.memory_space<vmem>>) semaphore(%arg13 : memref<!tpu.dma_semaphore, #tpu.memory_space<semaphore_mem>>)
        %dma_wait3A = arith.constant 0 : i32
        %dma_wait3A_129 = tpu.memref_slice %arg7[%dma_wait3A] : memref<2048xi32, #tpu.memory_space<vmem>> -> memref<128xi32, #tpu.memory_space<vmem>>
        %dma_wait3A_130 = arith.constant 0 : i32
        %dma_wait3A_131 = arith.constant 0 : i32
        %dma_wait3A_132 = tpu.memref_slice %arg2[%dma_wait3A_130, %dma_wait3A_131] : memref<10000x128xf32, #tpu.memory_space<hbm>> -> memref<10000x128xf32, #tpu.memory_space<hbm>>
        tpu.wait_indirect_dma semaphore(%arg12 : memref<!tpu.dma_semaphore, #tpu.memory_space<semaphore_mem>>) src(%dma_wait3A_132 : memref<10000x128xf32, #tpu.memory_space<hbm>>) dst(%arg9 : memref<128x128xf32, #tpu.memory_space<vmem>>)
        %scan3A_133 = arith.constant 0 : i32
        %scan3A_134 = arith.constant 0 : i32
        %scan3A_135 = arith.constant 128 : i32
        %scan3A_136 = arith.addi %scan3A_134, %scan3A_135 : i32
        %scan3A_137 = arith.constant 1 : i32
        scf.for %scan3A_155 = %scan3A_134 to %scan3A_136 step %scan3A_137  : i32 {
          %mul3A_156 = arith.constant 128 : i32
          %mul3A_157 = arith.muli %mul3A_120, %mul3A_156 : i32
          %add3A_158 = arith.addi %mul3A_157, %scan3A_155 : i32
          %get3A_159 = arith.index_cast %add3A_158 : i32 to index
          %get3A_160 = tpu.vector_load %arg8[%get3A_159] {strides = array<i32>} : memref<2064xi32, #tpu.memory_space<vmem>>, vector<16xi32>,
          %slice3A_161 = vector.extract_strided_slice %get3A_160 {offsets = [0], sizes = [1], strides = [1]} : vector<16xi32> to vector<1xi32>
          %squeeze3A_162 = vector.extract %slice3A_161[0] : i32 from vector<1xi32>
          %get3A_163 = arith.index_cast %squeeze3A_162 : i32 to index
          %get3A_164 = arith.constant 0 : index
          %get3A_165 = tpu.vector_load %arg11[%get3A_163, %get3A_164] {strides = array<i32>} : memref<321x128xf32, #tpu.memory_space<vmem>>, vector<16xf32>,
          %get3A_166 = arith.index_cast %scan3A_155 : i32 to index
          %get3A_167 = arith.constant 0 : index
          %get3A_168 = tpu.vector_load %arg9[%get3A_166, %get3A_167] {strides = array<i32>} : memref<128x128xf32, #tpu.memory_space<vmem>>, vector<16xf32>,
          %max3A = arith.maximumf %get3A_165, %get3A_168 : vector<16xf32>
          %swap3A = arith.index_cast %squeeze3A_162 : i32 to index
          %swap3A_169 = arith.constant 0 : index
          %swap3A_170 = tpu.vector_load %arg11[%swap3A, %swap3A_169] {strides = array<i32>} : memref<321x128xf32, #tpu.memory_space<vmem>>, vector<16xf32>,
          tpu.vector_store %arg11[%swap3A, %swap3A_169], %max3A {strides = array<i32>} : memref<321x128xf32, #tpu.memory_space<vmem>>, vector<16xf32>,
          %get3A_171 = arith.index_cast %squeeze3A_162 : i32 to index
          %get3A_172 = arith.constant 16 : index
          %get3A_173 = tpu.vector_load %arg11[%get3A_171, %get3A_172] {strides = array<i32>} : memref<321x128xf32, #tpu.memory_space<vmem>>, vector<16xf32>,
          %get3A_174 = arith.index_cast %scan3A_155 : i32 to index
          %get3A_175 = arith.constant 16 : index
          %get3A_176 = tpu.vector_load %arg9[%get3A_174, %get3A_175] {strides = array<i32>} : memref<128x128xf32, #tpu.memory_space<vmem>>, vector<16xf32>,
          %max3A_177 = arith.maximumf %get3A_173, %get3A_176 : vector<16xf32>
          %swap3A_178 = arith.index_cast %squeeze3A_162 : i32 to index
          %swap3A_179 = arith.constant 16 : index
          %swap3A_180 = tpu.vector_load %arg11[%swap3A_178, %swap3A_179] {strides = array<i32>} : memref<321x128xf32, #tpu.memory_space<vmem>>, vector<16xf32>,
          tpu.vector_store %arg11[%swap3A_178, %swap3A_179], %max3A_177 {strides = array<i32>} : memref<321x128xf32, #tpu.memory_space<vmem>>, vector<16xf32>,
          %get3A_181 = arith.index_cast %squeeze3A_162 : i32 to index
          %get3A_182 = arith.constant 32 : index
          %get3A_183 = tpu.vector_load %arg11[%get3A_181, %get3A_182] {strides = array<i32>} : memref<321x128xf32, #tpu.memory_space<vmem>>, vector<16xf32>,
          %get3A_184 = arith.index_cast %scan3A_155 : i32 to index
          %get3A_185 = arith.constant 32 : index
          %get3A_186 = tpu.vector_load %arg9[%get3A_184, %get3A_185] {strides = array<i32>} : memref<128x128xf32, #tpu.memory_space<vmem>>, vector<16xf32>,
          %max3A_187 = arith.maximumf %get3A_183, %get3A_186 : vector<16xf32>
          %swap3A_188 = arith.index_cast %squeeze3A_162 : i32 to index
          %swap3A_189 = arith.constant 32 : index
          %swap3A_190 = tpu.vector_load %arg11[%swap3A_188, %swap3A_189] {strides = array<i32>} : memref<321x128xf32, #tpu.memory_space<vmem>>, vector<16xf32>,
          tpu.vector_store %arg11[%swap3A_188, %swap3A_189], %max3A_187 {strides = array<i32>} : memref<321x128xf32, #tpu.memory_space<vmem>>, vector<16xf32>,
          %get3A_191 = arith.index_cast %squeeze3A_162 : i32 to index
          %get3A_192 = arith.constant 48 : index
          %get3A_193 = tpu.vector_load %arg11[%get3A_191, %get3A_192] {strides = array<i32>} : memref<321x128xf32, #tpu.memory_space<vmem>>, vector<16xf32>,
          %get3A_194 = arith.index_cast %scan3A_155 : i32 to index
          %get3A_195 = arith.constant 48 : index
          %get3A_196 = tpu.vector_load %arg9[%get3A_194, %get3A_195] {strides = array<i32>} : memref<128x128xf32, #tpu.memory_space<vmem>>, vector<16xf32>,
          %max3A_197 = arith.maximumf %get3A_193, %get3A_196 : vector<16xf32>
          %swap3A_198 = arith.index_cast %squeeze3A_162 : i32 to index
          %swap3A_199 = arith.constant 48 : index
          %swap3A_200 = tpu.vector_load %arg11[%swap3A_198, %swap3A_199] {strides = array<i32>} : memref<321x128xf32, #tpu.memory_space<vmem>>, vector<16xf32>,
          tpu.vector_store %arg11[%swap3A_198, %swap3A_199], %max3A_197 {strides = array<i32>} : memref<321x128xf32, #tpu.memory_space<vmem>>, vector<16xf32>,
          %get3A_201 = arith.index_cast %squeeze3A_162 : i32 to index
          %get3A_202 = arith.constant 64 : index
          %get3A_203 = tpu.vector_load %arg11[%get3A_201, %get3A_202] {strides = array<i32>} : memref<321x128xf32, #tpu.memory_space<vmem>>, vector<16xf32>,
          %get3A_204 = arith.index_cast %scan3A_155 : i32 to index
          %get3A_205 = arith.constant 64 : index
          %get3A_206 = tpu.vector_load %arg9[%get3A_204, %get3A_205] {strides = array<i32>} : memref<128x128xf32, #tpu.memory_space<vmem>>, vector<16xf32>,
          %max3A_207 = arith.maximumf %get3A_203, %get3A_206 : vector<16xf32>
          %swap3A_208 = arith.index_cast %squeeze3A_162 : i32 to index
          %swap3A_209 = arith.constant 64 : index
          %swap3A_210 = tpu.vector_load %arg11[%swap3A_208, %swap3A_209] {strides = array<i32>} : memref<321x128xf32, #tpu.memory_space<vmem>>, vector<16xf32>,
          tpu.vector_store %arg11[%swap3A_208, %swap3A_209], %max3A_207 {strides = array<i32>} : memref<321x128xf32, #tpu.memory_space<vmem>>, vector<16xf32>,
          %get3A_211 = arith.index_cast %squeeze3A_162 : i32 to index
          %get3A_212 = arith.constant 80 : index
          %get3A_213 = tpu.vector_load %arg11[%get3A_211, %get3A_212] {strides = array<i32>} : memref<321x128xf32, #tpu.memory_space<vmem>>, vector<16xf32>,
          %get3A_214 = arith.index_cast %scan3A_155 : i32 to index
          %get3A_215 = arith.constant 80 : index
          %get3A_216 = tpu.vector_load %arg9[%get3A_214, %get3A_215] {strides = array<i32>} : memref<128x128xf32, #tpu.memory_space<vmem>>, vector<16xf32>,
          %max3A_217 = arith.maximumf %get3A_213, %get3A_216 : vector<16xf32>
          %swap3A_218 = arith.index_cast %squeeze3A_162 : i32 to index
          %swap3A_219 = arith.constant 80 : index
          %swap3A_220 = tpu.vector_load %arg11[%swap3A_218, %swap3A_219] {strides = array<i32>} : memref<321x128xf32, #tpu.memory_space<vmem>>, vector<16xf32>,
          tpu.vector_store %arg11[%swap3A_218, %swap3A_219], %max3A_217 {strides = array<i32>} : memref<321x128xf32, #tpu.memory_space<vmem>>, vector<16xf32>,
          %get3A_221 = arith.index_cast %squeeze3A_162 : i32 to index
          %get3A_222 = arith.constant 96 : index
          %get3A_223 = tpu.vector_load %arg11[%get3A_221, %get3A_222] {strides = array<i32>} : memref<321x128xf32, #tpu.memory_space<vmem>>, vector<16xf32>,
          %get3A_224 = arith.index_cast %scan3A_155 : i32 to index
          %get3A_225 = arith.constant 96 : index
          %get3A_226 = tpu.vector_load %arg9[%get3A_224, %get3A_225] {strides = array<i32>} : memref<128x128xf32, #tpu.memory_space<vmem>>, vector<16xf32>,
          %max3A_227 = arith.maximumf %get3A_223, %get3A_226 : vector<16xf32>
          %swap3A_228 = arith.index_cast %squeeze3A_162 : i32 to index
          %swap3A_229 = arith.constant 96 : index
          %swap3A_230 = tpu.vector_load %arg11[%swap3A_228, %swap3A_229] {strides = array<i32>} : memref<321x128xf32, #tpu.memory_space<vmem>>, vector<16xf32>,
          tpu.vector_store %arg11[%swap3A_228, %swap3A_229], %max3A_227 {strides = array<i32>} : memref<321x128xf32, #tpu.memory_space<vmem>>, vector<16xf32>,
          %get3A_231 = arith.index_cast %squeeze3A_162 : i32 to index
          %get3A_232 = arith.constant 112 : index
          %get3A_233 = tpu.vector_load %arg11[%get3A_231, %get3A_232] {strides = array<i32>} : memref<321x128xf32, #tpu.memory_space<vmem>>, vector<16xf32>,
          %get3A_234 = arith.index_cast %scan3A_155 : i32 to index
          %get3A_235 = arith.constant 112 : index
          %get3A_236 = tpu.vector_load %arg9[%get3A_234, %get3A_235] {strides = array<i32>} : memref<128x128xf32, #tpu.memory_space<vmem>>, vector<16xf32>,
          %max3A_237 = arith.maximumf %get3A_233, %get3A_236 : vector<16xf32>
          %swap3A_238 = arith.index_cast %squeeze3A_162 : i32 to index
          %swap3A_239 = arith.constant 112 : index
          %swap3A_240 = tpu.vector_load %arg11[%swap3A_238, %swap3A_239] {strides = array<i32>} : memref<321x128xf32, #tpu.memory_space<vmem>>, vector<16xf32>,
          tpu.vector_store %arg11[%swap3A_238, %swap3A_239], %max3A_237 {strides = array<i32>} : memref<321x128xf32, #tpu.memory_space<vmem>>, vector<16xf32>,
        }
        %scan3A_138 = arith.constant 128 : i32
        %add3A_139 = arith.constant 2 : i32
        %add3A_140 = arith.addi %mul3A_120, %add3A_139 : i32
        %lt3A = arith.cmpi slt, %add3A_140, %min3A_79 : i32
        %convert_element_type3A = arith.extui %lt3A : i1 to i32
        %cond3A = arith.constant 0 : i32
        %cond3A_141 = arith.cmpi ne, %convert_element_type3A, %cond3A : i32
        scf.if %cond3A_141 {
          %add3A_155 = arith.constant 2 : i32
          %add3A_156 = arith.addi %mul3A_120, %add3A_155 : i32
          %mul3A_157 = arith.constant 128 : i32
          %mul3A_158 = arith.muli %add3A_156, %mul3A_157 : i32
          %dma_start3A_159 = tpu.memref_slice %arg7[%mul3A_158] : memref<2048xi32, #tpu.memory_space<vmem>> -> memref<128xi32, #tpu.memory_space<vmem>>
          %dma_start3A_160 = arith.constant 0 : i32
          %dma_start3A_161 = arith.constant 0 : i32
          %dma_start3A_162 = tpu.memref_slice %arg2[%dma_start3A_160, %dma_start3A_161] : memref<10000x128xf32, #tpu.memory_space<hbm>> -> memref<10000x128xf32, #tpu.memory_space<hbm>>
          tpu.enqueue_indirect_dma source(%dma_start3A_162 : memref<10000x128xf32, #tpu.memory_space<hbm>>) target(%arg9 : memref<128x128xf32, #tpu.memory_space<vmem>>) offsets(%dma_start3A_159 : memref<128xi32, #tpu.memory_space<vmem>>) semaphore(%arg12 : memref<!tpu.dma_semaphore, #tpu.memory_space<semaphore_mem>>)
        } else {
        }
        %dma_wait3A_142 = arith.constant 0 : i32
        %dma_wait3A_143 = tpu.memref_slice %arg7[%dma_wait3A_142] : memref<2048xi32, #tpu.memory_space<vmem>> -> memref<128xi32, #tpu.memory_space<vmem>>
        %dma_wait3A_144 = arith.constant 0 : i32
        %dma_wait3A_145 = arith.constant 0 : i32
        %dma_wait3A_146 = tpu.memref_slice %arg2[%dma_wait3A_144, %dma_wait3A_145] : memref<10000x128xf32, #tpu.memory_space<hbm>> -> memref<10000x128xf32, #tpu.memory_space<hbm>>
        tpu.wait_indirect_dma semaphore(%arg13 : memref<!tpu.dma_semaphore, #tpu.memory_space<semaphore_mem>>) src(%dma_wait3A_146 : memref<10000x128xf32, #tpu.memory_space<hbm>>) dst(%arg10 : memref<128x128xf32, #tpu.memory_space<vmem>>)
        %add3A_147 = arith.constant 1 : i32
        %add3A_148 = arith.addi %mul3A_120, %add3A_147 : i32
        %scan3A_149 = arith.constant 0 : i32
        %scan3A_150 = arith.constant 0 : i32
        %scan3A_151 = arith.constant 128 : i32
        %scan3A_152 = arith.addi %scan3A_150, %scan3A_151 : i32
        %scan3A_153 = arith.constant 1 : i32
        scf.for %scan3A_155 = %scan3A_150 to %scan3A_152 step %scan3A_153  : i32 {
          %mul3A_156 = arith.constant 128 : i32
          %mul3A_157 = arith.muli %add3A_148, %mul3A_156 : i32
          %add3A_158 = arith.addi %mul3A_157, %scan3A_155 : i32
          %get3A_159 = arith.index_cast %add3A_158 : i32 to index
          %get3A_160 = tpu.vector_load %arg8[%get3A_159] {strides = array<i32>} : memref<2064xi32, #tpu.memory_space<vmem>>, vector<16xi32>,
          %slice3A_161 = vector.extract_strided_slice %get3A_160 {offsets = [0], sizes = [1], strides = [1]} : vector<16xi32> to vector<1xi32>
          %squeeze3A_162 = vector.extract %slice3A_161[0] : i32 from vector<1xi32>
          %get3A_163 = arith.index_cast %squeeze3A_162 : i32 to index
          %get3A_164 = arith.constant 0 : index
          %get3A_165 = tpu.vector_load %arg11[%get3A_163, %get3A_164] {strides = array<i32>} : memref<321x128xf32, #tpu.memory_space<vmem>>, vector<16xf32>,
          %get3A_166 = arith.index_cast %scan3A_155 : i32 to index
          %get3A_167 = arith.constant 0 : index
          %get3A_168 = tpu.vector_load %arg10[%get3A_166, %get3A_167] {strides = array<i32>} : memref<128x128xf32, #tpu.memory_space<vmem>>, vector<16xf32>,
          %max3A = arith.maximumf %get3A_165, %get3A_168 : vector<16xf32>
          %swap3A = arith.index_cast %squeeze3A_162 : i32 to index
          %swap3A_169 = arith.constant 0 : index
          %swap3A_170 = tpu.vector_load %arg11[%swap3A, %swap3A_169] {strides = array<i32>} : memref<321x128xf32, #tpu.memory_space<vmem>>, vector<16xf32>,
          tpu.vector_store %arg11[%swap3A, %swap3A_169], %max3A {strides = array<i32>} : memref<321x128xf32, #tpu.memory_space<vmem>>, vector<16xf32>,
          %get3A_171 = arith.index_cast %squeeze3A_162 : i32 to index
          %get3A_172 = arith.constant 16 : index
          %get3A_173 = tpu.vector_load %arg11[%get3A_171, %get3A_172] {strides = array<i32>} : memref<321x128xf32, #tpu.memory_space<vmem>>, vector<16xf32>,
          %get3A_174 = arith.index_cast %scan3A_155 : i32 to index
          %get3A_175 = arith.constant 16 : index
          %get3A_176 = tpu.vector_load %arg10[%get3A_174, %get3A_175] {strides = array<i32>} : memref<128x128xf32, #tpu.memory_space<vmem>>, vector<16xf32>,
          %max3A_177 = arith.maximumf %get3A_173, %get3A_176 : vector<16xf32>
          %swap3A_178 = arith.index_cast %squeeze3A_162 : i32 to index
          %swap3A_179 = arith.constant 16 : index
          %swap3A_180 = tpu.vector_load %arg11[%swap3A_178, %swap3A_179] {strides = array<i32>} : memref<321x128xf32, #tpu.memory_space<vmem>>, vector<16xf32>,
          tpu.vector_store %arg11[%swap3A_178, %swap3A_179], %max3A_177 {strides = array<i32>} : memref<321x128xf32, #tpu.memory_space<vmem>>, vector<16xf32>,
          %get3A_181 = arith.index_cast %squeeze3A_162 : i32 to index
          %get3A_182 = arith.constant 32 : index
          %get3A_183 = tpu.vector_load %arg11[%get3A_181, %get3A_182] {strides = array<i32>} : memref<321x128xf32, #tpu.memory_space<vmem>>, vector<16xf32>,
          %get3A_184 = arith.index_cast %scan3A_155 : i32 to index
          %get3A_185 = arith.constant 32 : index
          %get3A_186 = tpu.vector_load %arg10[%get3A_184, %get3A_185] {strides = array<i32>} : memref<128x128xf32, #tpu.memory_space<vmem>>, vector<16xf32>,
          %max3A_187 = arith.maximumf %get3A_183, %get3A_186 : vector<16xf32>
          %swap3A_188 = arith.index_cast %squeeze3A_162 : i32 to index
          %swap3A_189 = arith.constant 32 : index
          %swap3A_190 = tpu.vector_load %arg11[%swap3A_188, %swap3A_189] {strides = array<i32>} : memref<321x128xf32, #tpu.memory_space<vmem>>, vector<16xf32>,
          tpu.vector_store %arg11[%swap3A_188, %swap3A_189], %max3A_187 {strides = array<i32>} : memref<321x128xf32, #tpu.memory_space<vmem>>, vector<16xf32>,
          %get3A_191 = arith.index_cast %squeeze3A_162 : i32 to index
          %get3A_192 = arith.constant 48 : index
          %get3A_193 = tpu.vector_load %arg11[%get3A_191, %get3A_192] {strides = array<i32>} : memref<321x128xf32, #tpu.memory_space<vmem>>, vector<16xf32>,
          %get3A_194 = arith.index_cast %scan3A_155 : i32 to index
          %get3A_195 = arith.constant 48 : index
          %get3A_196 = tpu.vector_load %arg10[%get3A_194, %get3A_195] {strides = array<i32>} : memref<128x128xf32, #tpu.memory_space<vmem>>, vector<16xf32>,
          %max3A_197 = arith.maximumf %get3A_193, %get3A_196 : vector<16xf32>
          %swap3A_198 = arith.index_cast %squeeze3A_162 : i32 to index
          %swap3A_199 = arith.constant 48 : index
          %swap3A_200 = tpu.vector_load %arg11[%swap3A_198, %swap3A_199] {strides = array<i32>} : memref<321x128xf32, #tpu.memory_space<vmem>>, vector<16xf32>,
          tpu.vector_store %arg11[%swap3A_198, %swap3A_199], %max3A_197 {strides = array<i32>} : memref<321x128xf32, #tpu.memory_space<vmem>>, vector<16xf32>,
          %get3A_201 = arith.index_cast %squeeze3A_162 : i32 to index
          %get3A_202 = arith.constant 64 : index
          %get3A_203 = tpu.vector_load %arg11[%get3A_201, %get3A_202] {strides = array<i32>} : memref<321x128xf32, #tpu.memory_space<vmem>>, vector<16xf32>,
          %get3A_204 = arith.index_cast %scan3A_155 : i32 to index
          %get3A_205 = arith.constant 64 : index
          %get3A_206 = tpu.vector_load %arg10[%get3A_204, %get3A_205] {strides = array<i32>} : memref<128x128xf32, #tpu.memory_space<vmem>>, vector<16xf32>,
          %max3A_207 = arith.maximumf %get3A_203, %get3A_206 : vector<16xf32>
          %swap3A_208 = arith.index_cast %squeeze3A_162 : i32 to index
          %swap3A_209 = arith.constant 64 : index
          %swap3A_210 = tpu.vector_load %arg11[%swap3A_208, %swap3A_209] {strides = array<i32>} : memref<321x128xf32, #tpu.memory_space<vmem>>, vector<16xf32>,
          tpu.vector_store %arg11[%swap3A_208, %swap3A_209], %max3A_207 {strides = array<i32>} : memref<321x128xf32, #tpu.memory_space<vmem>>, vector<16xf32>,
          %get3A_211 = arith.index_cast %squeeze3A_162 : i32 to index
          %get3A_212 = arith.constant 80 : index
          %get3A_213 = tpu.vector_load %arg11[%get3A_211, %get3A_212] {strides = array<i32>} : memref<321x128xf32, #tpu.memory_space<vmem>>, vector<16xf32>,
          %get3A_214 = arith.index_cast %scan3A_155 : i32 to index
          %get3A_215 = arith.constant 80 : index
          %get3A_216 = tpu.vector_load %arg10[%get3A_214, %get3A_215] {strides = array<i32>} : memref<128x128xf32, #tpu.memory_space<vmem>>, vector<16xf32>,
          %max3A_217 = arith.maximumf %get3A_213, %get3A_216 : vector<16xf32>
          %swap3A_218 = arith.index_cast %squeeze3A_162 : i32 to index
          %swap3A_219 = arith.constant 80 : index
          %swap3A_220 = tpu.vector_load %arg11[%swap3A_218, %swap3A_219] {strides = array<i32>} : memref<321x128xf32, #tpu.memory_space<vmem>>, vector<16xf32>,
          tpu.vector_store %arg11[%swap3A_218, %swap3A_219], %max3A_217 {strides = array<i32>} : memref<321x128xf32, #tpu.memory_space<vmem>>, vector<16xf32>,
          %get3A_221 = arith.index_cast %squeeze3A_162 : i32 to index
          %get3A_222 = arith.constant 96 : index
          %get3A_223 = tpu.vector_load %arg11[%get3A_221, %get3A_222] {strides = array<i32>} : memref<321x128xf32, #tpu.memory_space<vmem>>, vector<16xf32>,
          %get3A_224 = arith.index_cast %scan3A_155 : i32 to index
          %get3A_225 = arith.constant 96 : index
          %get3A_226 = tpu.vector_load %arg10[%get3A_224, %get3A_225] {strides = array<i32>} : memref<128x128xf32, #tpu.memory_space<vmem>>, vector<16xf32>,
          %max3A_227 = arith.maximumf %get3A_223, %get3A_226 : vector<16xf32>
          %swap3A_228 = arith.index_cast %squeeze3A_162 : i32 to index
          %swap3A_229 = arith.constant 96 : index
          %swap3A_230 = tpu.vector_load %arg11[%swap3A_228, %swap3A_229] {strides = array<i32>} : memref<321x128xf32, #tpu.memory_space<vmem>>, vector<16xf32>,
          tpu.vector_store %arg11[%swap3A_228, %swap3A_229], %max3A_227 {strides = array<i32>} : memref<321x128xf32, #tpu.memory_space<vmem>>, vector<16xf32>,
          %get3A_231 = arith.index_cast %squeeze3A_162 : i32 to index
          %get3A_232 = arith.constant 112 : index
          %get3A_233 = tpu.vector_load %arg11[%get3A_231, %get3A_232] {strides = array<i32>} : memref<321x128xf32, #tpu.memory_space<vmem>>, vector<16xf32>,
          %get3A_234 = arith.index_cast %scan3A_155 : i32 to index
          %get3A_235 = arith.constant 112 : index
          %get3A_236 = tpu.vector_load %arg10[%get3A_234, %get3A_235] {strides = array<i32>} : memref<128x128xf32, #tpu.memory_space<vmem>>, vector<16xf32>,
          %max3A_237 = arith.maximumf %get3A_233, %get3A_236 : vector<16xf32>
          %swap3A_238 = arith.index_cast %squeeze3A_162 : i32 to index
          %swap3A_239 = arith.constant 112 : index
          %swap3A_240 = tpu.vector_load %arg11[%swap3A_238, %swap3A_239] {strides = array<i32>} : memref<321x128xf32, #tpu.memory_space<vmem>>, vector<16xf32>,
          tpu.vector_store %arg11[%swap3A_238, %swap3A_239], %max3A_237 {strides = array<i32>} : memref<321x128xf32, #tpu.memory_space<vmem>>, vector<16xf32>,
        }
        %scan3A_154 = arith.constant 128 : i32
      }
    }
    "tpu.region"() ({
      %run_scoped3A = tpu.sem_alloc : memref<!tpu.dma_semaphore, #tpu.memory_space<semaphore_mem>>
      %dma_start3A = arith.constant 0 : i32
      %dma_start3A_43 = arith.constant 0 : i32
      %dma_start3A_44 = tpu.memref_slice %arg11[%dma_start3A, %dma_start3A_43] : memref<321x128xf32, #tpu.memory_space<vmem>> -> memref<320x128xf32, #tpu.memory_space<vmem>>
      %dma_start3A_45 = arith.constant 0 : i32
      %dma_start3A_46 = tpu.memref_slice %arg6[%mul3A_2, %dma_start3A_45] : memref<10240x128xf32, #tpu.memory_space<hbm>> -> memref<320x128xf32, #tpu.memory_space<hbm>>
      %dma_start3A_47 = arith.constant 0 : i32
      %dma_start3A_48 = tpu.memref_slice %arg6[%mul3A_2, %dma_start3A_47] : memref<10240x128xf32, #tpu.memory_space<hbm>> -> memref<320x128xf32, #tpu.memory_space<hbm>>
      %dma_start3A_49 = arith.constant 0 : i32
      %dma_start3A_50 = arith.constant 0 : i32
      %dma_start3A_51 = tpu.memref_slice %arg11[%dma_start3A_49, %dma_start3A_50] : memref<321x128xf32, #tpu.memory_space<vmem>> -> memref<320x128xf32, #tpu.memory_space<vmem>>
      tpu.enqueue_dma source(%dma_start3A_51 : memref<320x128xf32, #tpu.memory_space<vmem>>) target(%dma_start3A_48 : memref<320x128xf32, #tpu.memory_space<hbm>>) target_semaphore(%run_scoped3A : memref<!tpu.dma_semaphore, #tpu.memory_space<semaphore_mem>>)
      %dma_wait3A = arith.constant 0 : i32
      %dma_wait3A_52 = arith.constant 0 : i32
      %dma_wait3A_53 = tpu.memref_slice %arg11[%dma_wait3A, %dma_wait3A_52] : memref<321x128xf32, #tpu.memory_space<vmem>> -> memref<320x128xf32, #tpu.memory_space<vmem>>
      %dma_wait3A_54 = arith.constant 0 : i32
      %dma_wait3A_55 = tpu.memref_slice %arg6[%mul3A_2, %dma_wait3A_54] : memref<10240x128xf32, #tpu.memory_space<hbm>> -> memref<320x128xf32, #tpu.memory_space<hbm>>
      %dma_wait3A_56 = arith.constant 0 : i32
      %dma_wait3A_57 = tpu.memref_slice %arg6[%mul3A_2, %dma_wait3A_56] : memref<10240x128xf32, #tpu.memory_space<hbm>> -> memref<320x128xf32, #tpu.memory_space<hbm>>
      %dma_wait3A_58 = arith.constant 0 : i32
      %dma_wait3A_59 = arith.constant 0 : i32
      %dma_wait3A_60 = tpu.memref_slice %arg11[%dma_wait3A_58, %dma_wait3A_59] : memref<321x128xf32, #tpu.memory_space<vmem>> -> memref<320x128xf32, #tpu.memory_space<vmem>>
      tpu.wait_dma2 semaphore(%run_scoped3A : memref<!tpu.dma_semaphore, #tpu.memory_space<semaphore_mem>>) src(%dma_wait3A_60 : memref<320x128xf32, #tpu.memory_space<vmem>>) dst(%dma_wait3A_57 : memref<320x128xf32, #tpu.memory_space<hbm>>)
      tpu.yield
    }) : () -> ()
    return
  }
}

#map = affine_map<(d0, d1) -> (0, 0)>
#map1 = affine_map<(d0, d1) -> (0)>
module attributes {stable_mosaic.version = 14 : i64} {
  func.func @_layer_body(%arg0: i32, %arg1: i32, %arg2: memref<10000x128xf32, #tpu.memory_space<hbm>>, %arg3: memref<10373120xi32, #tpu.memory_space<hbm>>, %arg4: memref<10373120xi32, #tpu.memory_space<hbm>>, %arg5: memref<512xi32, #tpu.memory_space<hbm>>, %arg6: memref<10240x128xf32, #tpu.memory_space<hbm>>, %arg7: memref<2048xi32, #tpu.memory_space<vmem>>, %arg8: memref<2064xi32, #tpu.memory_space<vmem>>, %arg9: memref<128x128xf32, #tpu.memory_space<vmem>>, %arg10: memref<128x128xf32, #tpu.memory_space<vmem>>, %arg11: memref<321x128xf32, #tpu.memory_space<vmem>>, %arg12: memref<!tpu.dma_semaphore, #tpu.memory_space<semaphore_mem>>, %arg13: memref<!tpu.dma_semaphore, #tpu.memory_space<semaphore_mem>>) attributes {dimension_semantics = [#tpu.dimension_semantics<core_parallel>, #tpu.dimension_semantics<subcore_parallel>], iteration_bounds = array<i64: 2, 16>, scalar_prefetch = 0 : i64, scratch_operands = 7 : i64, tpu.core_type = #tpu.core_type<sc_vector_subcore>, window_params = [{transform_indices = #map}, {transform_indices = #map1}, {transform_indices = #map1}, {transform_indices = #map1}, {transform_indices = #map}]} {
    %mul3A = arith.constant 2 : i32
    %mul3A_0 = arith.muli %arg1, %mul3A : i32
    %add3A = arith.addi %mul3A_0, %arg0 : i32
    %mul3A_1 = arith.constant 320 : i32
    %mul3A_2 = arith.muli %add3A, %mul3A_1 : i32
    %mul3A_3 = arith.constant 324160 : i32
    %mul3A_4 = arith.muli %add3A, %mul3A_3 : i32
    %broadcast_in_dim3A = arith.constant 0.000000e+00 : f32
    %broadcast_in_dim3A_5 = vector.broadcast %broadcast_in_dim3A : f32 to vector<16xf32>
    %scan3A = arith.constant 0 : i32
    %scan3A_6 = arith.constant 0 : i32
    %scan3A_7 = arith.constant 321 : i32
    %scan3A_8 = arith.addi %scan3A_6, %scan3A_7 : i32
    %scan3A_9 = arith.constant 1 : i32
    scf.for %scan3A_43 = %scan3A_6 to %scan3A_8 step %scan3A_9  : i32 {
      %swap3A = arith.index_cast %scan3A_43 : i32 to index
      %swap3A_44 = arith.constant 0 : index
      %swap3A_45 = tpu.vector_load %arg11[%swap3A, %swap3A_44] {strides = array<i32>} : memref<321x128xf32, #tpu.memory_space<vmem>>, vector<16xf32>,
      tpu.vector_store %arg11[%swap3A, %swap3A_44], %broadcast_in_dim3A_5 {strides = array<i32>} : memref<321x128xf32, #tpu.memory_space<vmem>>, vector<16xf32>,
      %swap3A_46 = arith.index_cast %scan3A_43 : i32 to index
      %swap3A_47 = arith.constant 16 : index
      %swap3A_48 = tpu.vector_load %arg11[%swap3A_46, %swap3A_47] {strides = array<i32>} : memref<321x128xf32, #tpu.memory_space<vmem>>, vector<16xf32>,
      tpu.vector_store %arg11[%swap3A_46, %swap3A_47], %broadcast_in_dim3A_5 {strides = array<i32>} : memref<321x128xf32, #tpu.memory_space<vmem>>, vector<16xf32>,
      %swap3A_49 = arith.index_cast %scan3A_43 : i32 to index
      %swap3A_50 = arith.constant 32 : index
      %swap3A_51 = tpu.vector_load %arg11[%swap3A_49, %swap3A_50] {strides = array<i32>} : memref<321x128xf32, #tpu.memory_space<vmem>>, vector<16xf32>,
      tpu.vector_store %arg11[%swap3A_49, %swap3A_50], %broadcast_in_dim3A_5 {strides = array<i32>} : memref<321x128xf32, #tpu.memory_space<vmem>>, vector<16xf32>,
      %swap3A_52 = arith.index_cast %scan3A_43 : i32 to index
      %swap3A_53 = arith.constant 48 : index
      %swap3A_54 = tpu.vector_load %arg11[%swap3A_52, %swap3A_53] {strides = array<i32>} : memref<321x128xf32, #tpu.memory_space<vmem>>, vector<16xf32>,
      tpu.vector_store %arg11[%swap3A_52, %swap3A_53], %broadcast_in_dim3A_5 {strides = array<i32>} : memref<321x128xf32, #tpu.memory_space<vmem>>, vector<16xf32>,
      %swap3A_55 = arith.index_cast %scan3A_43 : i32 to index
      %swap3A_56 = arith.constant 64 : index
      %swap3A_57 = tpu.vector_load %arg11[%swap3A_55, %swap3A_56] {strides = array<i32>} : memref<321x128xf32, #tpu.memory_space<vmem>>, vector<16xf32>,
      tpu.vector_store %arg11[%swap3A_55, %swap3A_56], %broadcast_in_dim3A_5 {strides = array<i32>} : memref<321x128xf32, #tpu.memory_space<vmem>>, vector<16xf32>,
      %swap3A_58 = arith.index_cast %scan3A_43 : i32 to index
      %swap3A_59 = arith.constant 80 : index
      %swap3A_60 = tpu.vector_load %arg11[%swap3A_58, %swap3A_59] {strides = array<i32>} : memref<321x128xf32, #tpu.memory_space<vmem>>, vector<16xf32>,
      tpu.vector_store %arg11[%swap3A_58, %swap3A_59], %broadcast_in_dim3A_5 {strides = array<i32>} : memref<321x128xf32, #tpu.memory_space<vmem>>, vector<16xf32>,
      %swap3A_61 = arith.index_cast %scan3A_43 : i32 to index
      %swap3A_62 = arith.constant 96 : index
      %swap3A_63 = tpu.vector_load %arg11[%swap3A_61, %swap3A_62] {strides = array<i32>} : memref<321x128xf32, #tpu.memory_space<vmem>>, vector<16xf32>,
      tpu.vector_store %arg11[%swap3A_61, %swap3A_62], %broadcast_in_dim3A_5 {strides = array<i32>} : memref<321x128xf32, #tpu.memory_space<vmem>>, vector<16xf32>,
      %swap3A_64 = arith.index_cast %scan3A_43 : i32 to index
      %swap3A_65 = arith.constant 112 : index
      %swap3A_66 = tpu.vector_load %arg11[%swap3A_64, %swap3A_65] {strides = array<i32>} : memref<321x128xf32, #tpu.memory_space<vmem>>, vector<16xf32>,
      tpu.vector_store %arg11[%swap3A_64, %swap3A_65], %broadcast_in_dim3A_5 {strides = array<i32>} : memref<321x128xf32, #tpu.memory_space<vmem>>, vector<16xf32>,
    }
    %scan3A_10 = arith.constant 321 : i32
    %mul3A_11 = arith.constant 16 : i32
    %mul3A_12 = arith.muli %add3A, %mul3A_11 : i32
    "tpu.region"() ({
      %run_scoped3A = tpu.sem_alloc : memref<!tpu.dma_semaphore, #tpu.memory_space<semaphore_mem>>
      %dma_start3A = arith.constant 0 : i32
      %dma_start3A_43 = tpu.memref_slice %arg8[%dma_start3A] : memref<2064xi32, #tpu.memory_space<vmem>> -> memref<16xi32, #tpu.memory_space<vmem>>
      %dma_start3A_44 = tpu.memref_slice %arg5[%mul3A_12] : memref<512xi32, #tpu.memory_space<hbm>> -> memref<16xi32, #tpu.memory_space<hbm>>
      %dma_start3A_45 = arith.constant 0 : i32
      %dma_start3A_46 = tpu.memref_slice %arg8[%dma_start3A_45] : memref<2064xi32, #tpu.memory_space<vmem>> -> memref<16xi32, #tpu.memory_space<vmem>>
      %dma_start3A_47 = tpu.memref_slice %arg5[%mul3A_12] : memref<512xi32, #tpu.memory_space<hbm>> -> memref<16xi32, #tpu.memory_space<hbm>>
      tpu.enqueue_dma source(%dma_start3A_47 : memref<16xi32, #tpu.memory_space<hbm>>) target(%dma_start3A_46 : memref<16xi32, #tpu.memory_space<vmem>>) target_semaphore(%run_scoped3A : memref<!tpu.dma_semaphore, #tpu.memory_space<semaphore_mem>>)
      %dma_wait3A = arith.constant 0 : i32
      %dma_wait3A_48 = tpu.memref_slice %arg8[%dma_wait3A] : memref<2064xi32, #tpu.memory_space<vmem>> -> memref<16xi32, #tpu.memory_space<vmem>>
      %dma_wait3A_49 = tpu.memref_slice %arg5[%mul3A_12] : memref<512xi32, #tpu.memory_space<hbm>> -> memref<16xi32, #tpu.memory_space<hbm>>
      %dma_wait3A_50 = arith.constant 0 : i32
      %dma_wait3A_51 = tpu.memref_slice %arg8[%dma_wait3A_50] : memref<2064xi32, #tpu.memory_space<vmem>> -> memref<16xi32, #tpu.memory_space<vmem>>
      %dma_wait3A_52 = tpu.memref_slice %arg5[%mul3A_12] : memref<512xi32, #tpu.memory_space<hbm>> -> memref<16xi32, #tpu.memory_space<hbm>>
      tpu.wait_dma2 semaphore(%run_scoped3A : memref<!tpu.dma_semaphore, #tpu.memory_space<semaphore_mem>>) src(%dma_wait3A_52 : memref<16xi32, #tpu.memory_space<hbm>>) dst(%dma_wait3A_51 : memref<16xi32, #tpu.memory_space<vmem>>)
      tpu.yield
    }) : () -> ()
    %get3A = arith.constant 0 : index
    %get3A_13 = tpu.vector_load %arg8[%get3A] {strides = array<i32>} : memref<2064xi32, #tpu.memory_space<vmem>>, vector<16xi32>,
    %slice3A = vector.extract_strided_slice %get3A_13 {offsets = [0], sizes = [1], strides = [1]} : vector<16xi32> to vector<1xi32>
    %squeeze3A = vector.extract %slice3A[0] : i32 from vector<1xi32>
    %add3A_14 = arith.constant 2048 : i32
    %add3A_15 = arith.addi %squeeze3A, %add3A_14 : i32
    %sub3A = arith.constant 1 : i32
    %sub3A_16 = arith.subi %add3A_15, %sub3A : i32
    %jit3A = arith.constant 2048 : i32
    %div3A = arith.divsi %sub3A_16, %jit3A : i32
    %sign3A = arith.constant 0 : i32
    %sign3A_17 = arith.cmpi sgt, %sub3A_16, %sign3A : i32
    %sign3A_18 = arith.extui %sign3A_17 : i1 to i32
    %sign3A_19 = arith.constant 0 : i32
    %sign3A_20 = arith.cmpi slt, %sub3A_16, %sign3A_19 : i32
    %sign3A_21 = arith.extui %sign3A_20 : i1 to i32
    %sign3A_22 = arith.subi %sign3A_18, %sign3A_21 : i32
    %sign3A_23 = arith.constant 0 : i32
    %sign3A_24 = arith.cmpi sgt, %jit3A, %sign3A_23 : i32
    %sign3A_25 = arith.extui %sign3A_24 : i1 to i32
    %sign3A_26 = arith.constant 0 : i32
    %sign3A_27 = arith.cmpi slt, %jit3A, %sign3A_26 : i32
    %sign3A_28 = arith.extui %sign3A_27 : i1 to i32
    %sign3A_29 = arith.subi %sign3A_25, %sign3A_28 : i32
    %ne3A = arith.cmpi ne, %sign3A_22, %sign3A_29 : i32
    %rem3A = arith.remsi %sub3A_16, %jit3A : i32
    %ne3A_30 = arith.constant 0 : i32
    %ne3A_31 = arith.cmpi ne, %rem3A, %ne3A_30 : i32
    %and3A = arith.andi %ne3A, %ne3A_31 : i1
    %sub3A_32 = arith.constant 1 : i32
    %sub3A_33 = arith.subi %div3A, %sub3A_32 : i32
    %select_n3A = arith.select %and3A, %sub3A_33, %div3A : i32
    %while3A = arith.constant 0 : i32
    %while3A_34 = arith.constant 0 : i32
    %while3A_35 = arith.subi %select_n3A, %while3A_34 : i32
    %while3A_36 = arith.addi %while3A_34, %while3A_35 : i32
    %while3A_37 = arith.constant 1 : i32
    %while3A_38 = arith.divsi %while3A_35, %while3A_37 : i32
    %while3A_39 = arith.muli %while3A_38, %while3A_37 : i32
    %while3A_40 = arith.addi %while3A_34, %while3A_39 : i32
    %while3A_41 = arith.constant 1 : i32
    scf.for %while3A_43 = %while3A_34 to %while3A_40 step %while3A_41  : i32 {
      %mul3A_44 = arith.constant 2048 : i32
      %mul3A_45 = arith.muli %while3A_43, %mul3A_44 : i32
      %add3A_46 = arith.addi %mul3A_4, %mul3A_45 : i32
      "tpu.region"() ({
        %run_scoped3A = tpu.sem_alloc : memref<!tpu.dma_semaphore, #tpu.memory_space<semaphore_mem>>
        %dma_start3A_118 = tpu.memref_slice %arg3[%add3A_46] : memref<10373120xi32, #tpu.memory_space<hbm>> -> memref<2048xi32, #tpu.memory_space<hbm>>
        %dma_start3A_119 = tpu.memref_slice %arg3[%add3A_46] : memref<10373120xi32, #tpu.memory_space<hbm>> -> memref<2048xi32, #tpu.memory_space<hbm>>
        tpu.enqueue_dma source(%dma_start3A_119 : memref<2048xi32, #tpu.memory_space<hbm>>) target(%arg7 : memref<2048xi32, #tpu.memory_space<vmem>>) target_semaphore(%run_scoped3A : memref<!tpu.dma_semaphore, #tpu.memory_space<semaphore_mem>>)
        %dma_wait3A = tpu.memref_slice %arg3[%add3A_46] : memref<10373120xi32, #tpu.memory_space<hbm>> -> memref<2048xi32, #tpu.memory_space<hbm>>
        %dma_wait3A_120 = tpu.memref_slice %arg3[%add3A_46] : memref<10373120xi32, #tpu.memory_space<hbm>> -> memref<2048xi32, #tpu.memory_space<hbm>>
        tpu.wait_dma2 semaphore(%run_scoped3A : memref<!tpu.dma_semaphore, #tpu.memory_space<semaphore_mem>>) src(%dma_wait3A_120 : memref<2048xi32, #tpu.memory_space<hbm>>) dst(%arg7 : memref<2048xi32, #tpu.memory_space<vmem>>)
        tpu.yield
      }) : () -> ()
      %add3A_47 = arith.addi %mul3A_4, %mul3A_45 : i32
      "tpu.region"() ({
        %run_scoped3A = tpu.sem_alloc : memref<!tpu.dma_semaphore, #tpu.memory_space<semaphore_mem>>
        %dma_start3A_118 = arith.constant 0 : i32
        %dma_start3A_119 = tpu.memref_slice %arg8[%dma_start3A_118] : memref<2064xi32, #tpu.memory_space<vmem>> -> memref<2048xi32, #tpu.memory_space<vmem>>
        %dma_start3A_120 = tpu.memref_slice %arg4[%add3A_47] : memref<10373120xi32, #tpu.memory_space<hbm>> -> memref<2048xi32, #tpu.memory_space<hbm>>
        %dma_start3A_121 = arith.constant 0 : i32
        %dma_start3A_122 = tpu.memref_slice %arg8[%dma_start3A_121] : memref<2064xi32, #tpu.memory_space<vmem>> -> memref<2048xi32, #tpu.memory_space<vmem>>
        %dma_start3A_123 = tpu.memref_slice %arg4[%add3A_47] : memref<10373120xi32, #tpu.memory_space<hbm>> -> memref<2048xi32, #tpu.memory_space<hbm>>
        tpu.enqueue_dma source(%dma_start3A_123 : memref<2048xi32, #tpu.memory_space<hbm>>) target(%dma_start3A_122 : memref<2048xi32, #tpu.memory_space<vmem>>) target_semaphore(%run_scoped3A : memref<!tpu.dma_semaphore, #tpu.memory_space<semaphore_mem>>)
        %dma_wait3A = arith.constant 0 : i32
        %dma_wait3A_124 = tpu.memref_slice %arg8[%dma_wait3A] : memref<2064xi32, #tpu.memory_space<vmem>> -> memref<2048xi32, #tpu.memory_space<vmem>>
        %dma_wait3A_125 = tpu.memref_slice %arg4[%add3A_47] : memref<10373120xi32, #tpu.memory_space<hbm>> -> memref<2048xi32, #tpu.memory_space<hbm>>
        %dma_wait3A_126 = arith.constant 0 : i32
        %dma_wait3A_127 = tpu.memref_slice %arg8[%dma_wait3A_126] : memref<2064xi32, #tpu.memory_space<vmem>> -> memref<2048xi32, #tpu.memory_space<vmem>>
        %dma_wait3A_128 = tpu.memref_slice %arg4[%add3A_47] : memref<10373120xi32, #tpu.memory_space<hbm>> -> memref<2048xi32, #tpu.memory_space<hbm>>
        tpu.wait_dma2 semaphore(%run_scoped3A : memref<!tpu.dma_semaphore, #tpu.memory_space<semaphore_mem>>) src(%dma_wait3A_128 : memref<2048xi32, #tpu.memory_space<hbm>>) dst(%dma_wait3A_127 : memref<2048xi32, #tpu.memory_space<vmem>>)
        tpu.yield
      }) : () -> ()
      %sub3A_48 = arith.subi %squeeze3A, %mul3A_45 : i32
      %add3A_49 = arith.constant 256 : i32
      %add3A_50 = arith.addi %sub3A_48, %add3A_49 : i32
      %sub3A_51 = arith.constant 1 : i32
      %sub3A_52 = arith.subi %add3A_50, %sub3A_51 : i32
      %jit3A_53 = arith.constant 256 : i32
      %div3A_54 = arith.divsi %sub3A_52, %jit3A_53 : i32
      %sign3A_55 = arith.constant 0 : i32
      %sign3A_56 = arith.cmpi sgt, %sub3A_52, %sign3A_55 : i32
      %sign3A_57 = arith.extui %sign3A_56 : i1 to i32
      %sign3A_58 = arith.constant 0 : i32
      %sign3A_59 = arith.cmpi slt, %sub3A_52, %sign3A_58 : i32
      %sign3A_60 = arith.extui %sign3A_59 : i1 to i32
      %sign3A_61 = arith.subi %sign3A_57, %sign3A_60 : i32
      %sign3A_62 = arith.constant 0 : i32
      %sign3A_63 = arith.cmpi sgt, %jit3A_53, %sign3A_62 : i32
      %sign3A_64 = arith.extui %sign3A_63 : i1 to i32
      %sign3A_65 = arith.constant 0 : i32
      %sign3A_66 = arith.cmpi slt, %jit3A_53, %sign3A_65 : i32
      %sign3A_67 = arith.extui %sign3A_66 : i1 to i32
      %sign3A_68 = arith.subi %sign3A_64, %sign3A_67 : i32
      %ne3A_69 = arith.cmpi ne, %sign3A_61, %sign3A_68 : i32
      %rem3A_70 = arith.remsi %sub3A_52, %jit3A_53 : i32
      %ne3A_71 = arith.constant 0 : i32
      %ne3A_72 = arith.cmpi ne, %rem3A_70, %ne3A_71 : i32
      %and3A_73 = arith.andi %ne3A_69, %ne3A_72 : i1
      %sub3A_74 = arith.constant 1 : i32
      %sub3A_75 = arith.subi %div3A_54, %sub3A_74 : i32
      %select_n3A_76 = arith.select %and3A_73, %sub3A_75, %div3A_54 : i32
      %mul3A_77 = arith.constant 2 : i32
      %mul3A_78 = arith.muli %select_n3A_76, %mul3A_77 : i32
      %min3A = arith.constant 16 : i32
      %min3A_79 = arith.minsi %mul3A_78, %min3A : i32
      %dma_start3A = arith.constant 0 : i32
      %dma_start3A_80 = tpu.memref_slice %arg7[%dma_start3A] : memref<2048xi32, #tpu.memory_space<vmem>> -> memref<128xi32, #tpu.memory_space<vmem>>
      %dma_start3A_81 = arith.constant 0 : i32
      %dma_start3A_82 = arith.constant 0 : i32
      %dma_start3A_83 = tpu.memref_slice %arg2[%dma_start3A_81, %dma_start3A_82] : memref<10000x128xf32, #tpu.memory_space<hbm>> -> memref<10000x128xf32, #tpu.memory_space<hbm>>
      tpu.enqueue_indirect_dma source(%dma_start3A_83 : memref<10000x128xf32, #tpu.memory_space<hbm>>) target(%arg9 : memref<128x128xf32, #tpu.memory_space<vmem>>) offsets(%dma_start3A_80 : memref<128xi32, #tpu.memory_space<vmem>>) semaphore(%arg12 : memref<!tpu.dma_semaphore, #tpu.memory_space<semaphore_mem>>)
      %jit3A_84 = arith.constant 2 : i32
      %div3A_85 = arith.divsi %min3A_79, %jit3A_84 : i32
      %sign3A_86 = arith.constant 0 : i32
      %sign3A_87 = arith.cmpi sgt, %min3A_79, %sign3A_86 : i32
      %sign3A_88 = arith.extui %sign3A_87 : i1 to i32
      %sign3A_89 = arith.constant 0 : i32
      %sign3A_90 = arith.cmpi slt, %min3A_79, %sign3A_89 : i32
      %sign3A_91 = arith.extui %sign3A_90 : i1 to i32
      %sign3A_92 = arith.subi %sign3A_88, %sign3A_91 : i32
      %sign3A_93 = arith.constant 0 : i32
      %sign3A_94 = arith.cmpi sgt, %jit3A_84, %sign3A_93 : i32
      %sign3A_95 = arith.extui %sign3A_94 : i1 to i32
      %sign3A_96 = arith.constant 0 : i32
      %sign3A_97 = arith.cmpi slt, %jit3A_84, %sign3A_96 : i32
      %sign3A_98 = arith.extui %sign3A_97 : i1 to i32
      %sign3A_99 = arith.subi %sign3A_95, %sign3A_98 : i32
      %ne3A_100 = arith.cmpi ne, %sign3A_92, %sign3A_99 : i32
      %rem3A_101 = arith.remsi %min3A_79, %jit3A_84 : i32
      %ne3A_102 = arith.constant 0 : i32
      %ne3A_103 = arith.cmpi ne, %rem3A_101, %ne3A_102 : i32
      %and3A_104 = arith.andi %ne3A_100, %ne3A_103 : i1
      %sub3A_105 = arith.constant 1 : i32
      %sub3A_106 = arith.subi %div3A_85, %sub3A_105 : i32
      %select_n3A_107 = arith.select %and3A_104, %sub3A_106, %div3A_85 : i32
      %while3A_108 = arith.constant 0 : i32
      %while3A_109 = arith.constant 0 : i32
      %while3A_110 = arith.subi %select_n3A_107, %while3A_109 : i32
      %while3A_111 = arith.addi %while3A_109, %while3A_110 : i32
      %while3A_112 = arith.constant 1 : i32
      %while3A_113 = arith.divsi %while3A_110, %while3A_112 : i32
      %while3A_114 = arith.muli %while3A_113, %while3A_112 : i32
      %while3A_115 = arith.addi %while3A_109, %while3A_114 : i32
      %while3A_116 = arith.constant 1 : i32
      scf.for %while3A_118 = %while3A_109 to %while3A_115 step %while3A_116  : i32 {
        %mul3A_119 = arith.constant 2 : i32
        %mul3A_120 = arith.muli %while3A_118, %mul3A_119 : i32
        %add3A_121 = arith.constant 1 : i32
        %add3A_122 = arith.addi %mul3A_120, %add3A_121 : i32
        %mul3A_123 = arith.constant 128 : i32
        %mul3A_124 = arith.muli %add3A_122, %mul3A_123 : i32
        %dma_start3A_125 = tpu.memref_slice %arg7[%mul3A_124] : memref<2048xi32, #tpu.memory_space<vmem>> -> memref<128xi32, #tpu.memory_space<vmem>>
        %dma_start3A_126 = arith.constant 0 : i32
        %dma_start3A_127 = arith.constant 0 : i32
        %dma_start3A_128 = tpu.memref_slice %arg2[%dma_start3A_126, %dma_start3A_127] : memref<10000x128xf32, #tpu.memory_space<hbm>> -> memref<10000x128xf32, #tpu.memory_space<hbm>>
        tpu.enqueue_indirect_dma source(%dma_start3A_128 : memref<10000x128xf32, #tpu.memory_space<hbm>>) target(%arg10 : memref<128x128xf32, #tpu.memory_space<vmem>>) offsets(%dma_start3A_125 : memref<128xi32, #tpu.memory_space<vmem>>) semaphore(%arg13 : memref<!tpu.dma_semaphore, #tpu.memory_space<semaphore_mem>>)
        %dma_wait3A = arith.constant 0 : i32
        %dma_wait3A_129 = tpu.memref_slice %arg7[%dma_wait3A] : memref<2048xi32, #tpu.memory_space<vmem>> -> memref<128xi32, #tpu.memory_space<vmem>>
        %dma_wait3A_130 = arith.constant 0 : i32
        %dma_wait3A_131 = arith.constant 0 : i32
        %dma_wait3A_132 = tpu.memref_slice %arg2[%dma_wait3A_130, %dma_wait3A_131] : memref<10000x128xf32, #tpu.memory_space<hbm>> -> memref<10000x128xf32, #tpu.memory_space<hbm>>
        tpu.wait_indirect_dma semaphore(%arg12 : memref<!tpu.dma_semaphore, #tpu.memory_space<semaphore_mem>>) src(%dma_wait3A_132 : memref<10000x128xf32, #tpu.memory_space<hbm>>) dst(%arg9 : memref<128x128xf32, #tpu.memory_space<vmem>>)
        %scan3A_133 = arith.constant 0 : i32
        %scan3A_134 = arith.constant 0 : i32
        %scan3A_135 = arith.constant 128 : i32
        %scan3A_136 = arith.addi %scan3A_134, %scan3A_135 : i32
        %scan3A_137 = arith.constant 1 : i32
        scf.for %scan3A_155 = %scan3A_134 to %scan3A_136 step %scan3A_137  : i32 {
          %mul3A_156 = arith.constant 128 : i32
          %mul3A_157 = arith.muli %mul3A_120, %mul3A_156 : i32
          %add3A_158 = arith.addi %mul3A_157, %scan3A_155 : i32
          %get3A_159 = arith.index_cast %add3A_158 : i32 to index
          %get3A_160 = tpu.vector_load %arg8[%get3A_159] {strides = array<i32>} : memref<2064xi32, #tpu.memory_space<vmem>>, vector<16xi32>,
          %slice3A_161 = vector.extract_strided_slice %get3A_160 {offsets = [0], sizes = [1], strides = [1]} : vector<16xi32> to vector<1xi32>
          %squeeze3A_162 = vector.extract %slice3A_161[0] : i32 from vector<1xi32>
          %get3A_163 = arith.index_cast %squeeze3A_162 : i32 to index
          %get3A_164 = arith.constant 0 : index
          %get3A_165 = tpu.vector_load %arg11[%get3A_163, %get3A_164] {strides = array<i32>} : memref<321x128xf32, #tpu.memory_space<vmem>>, vector<16xf32>,
          %get3A_166 = arith.index_cast %scan3A_155 : i32 to index
          %get3A_167 = arith.constant 0 : index
          %get3A_168 = tpu.vector_load %arg9[%get3A_166, %get3A_167] {strides = array<i32>} : memref<128x128xf32, #tpu.memory_space<vmem>>, vector<16xf32>,
          %max3A = arith.maximumf %get3A_165, %get3A_168 : vector<16xf32>
          %swap3A = arith.index_cast %squeeze3A_162 : i32 to index
          %swap3A_169 = arith.constant 0 : index
          %swap3A_170 = tpu.vector_load %arg11[%swap3A, %swap3A_169] {strides = array<i32>} : memref<321x128xf32, #tpu.memory_space<vmem>>, vector<16xf32>,
          tpu.vector_store %arg11[%swap3A, %swap3A_169], %max3A {strides = array<i32>} : memref<321x128xf32, #tpu.memory_space<vmem>>, vector<16xf32>,
          %get3A_171 = arith.index_cast %squeeze3A_162 : i32 to index
          %get3A_172 = arith.constant 16 : index
          %get3A_173 = tpu.vector_load %arg11[%get3A_171, %get3A_172] {strides = array<i32>} : memref<321x128xf32, #tpu.memory_space<vmem>>, vector<16xf32>,
          %get3A_174 = arith.index_cast %scan3A_155 : i32 to index
          %get3A_175 = arith.constant 16 : index
          %get3A_176 = tpu.vector_load %arg9[%get3A_174, %get3A_175] {strides = array<i32>} : memref<128x128xf32, #tpu.memory_space<vmem>>, vector<16xf32>,
          %max3A_177 = arith.maximumf %get3A_173, %get3A_176 : vector<16xf32>
          %swap3A_178 = arith.index_cast %squeeze3A_162 : i32 to index
          %swap3A_179 = arith.constant 16 : index
          %swap3A_180 = tpu.vector_load %arg11[%swap3A_178, %swap3A_179] {strides = array<i32>} : memref<321x128xf32, #tpu.memory_space<vmem>>, vector<16xf32>,
          tpu.vector_store %arg11[%swap3A_178, %swap3A_179], %max3A_177 {strides = array<i32>} : memref<321x128xf32, #tpu.memory_space<vmem>>, vector<16xf32>,
          %get3A_181 = arith.index_cast %squeeze3A_162 : i32 to index
          %get3A_182 = arith.constant 32 : index
          %get3A_183 = tpu.vector_load %arg11[%get3A_181, %get3A_182] {strides = array<i32>} : memref<321x128xf32, #tpu.memory_space<vmem>>, vector<16xf32>,
          %get3A_184 = arith.index_cast %scan3A_155 : i32 to index
          %get3A_185 = arith.constant 32 : index
          %get3A_186 = tpu.vector_load %arg9[%get3A_184, %get3A_185] {strides = array<i32>} : memref<128x128xf32, #tpu.memory_space<vmem>>, vector<16xf32>,
          %max3A_187 = arith.maximumf %get3A_183, %get3A_186 : vector<16xf32>
          %swap3A_188 = arith.index_cast %squeeze3A_162 : i32 to index
          %swap3A_189 = arith.constant 32 : index
          %swap3A_190 = tpu.vector_load %arg11[%swap3A_188, %swap3A_189] {strides = array<i32>} : memref<321x128xf32, #tpu.memory_space<vmem>>, vector<16xf32>,
          tpu.vector_store %arg11[%swap3A_188, %swap3A_189], %max3A_187 {strides = array<i32>} : memref<321x128xf32, #tpu.memory_space<vmem>>, vector<16xf32>,
          %get3A_191 = arith.index_cast %squeeze3A_162 : i32 to index
          %get3A_192 = arith.constant 48 : index
          %get3A_193 = tpu.vector_load %arg11[%get3A_191, %get3A_192] {strides = array<i32>} : memref<321x128xf32, #tpu.memory_space<vmem>>, vector<16xf32>,
          %get3A_194 = arith.index_cast %scan3A_155 : i32 to index
          %get3A_195 = arith.constant 48 : index
          %get3A_196 = tpu.vector_load %arg9[%get3A_194, %get3A_195] {strides = array<i32>} : memref<128x128xf32, #tpu.memory_space<vmem>>, vector<16xf32>,
          %max3A_197 = arith.maximumf %get3A_193, %get3A_196 : vector<16xf32>
          %swap3A_198 = arith.index_cast %squeeze3A_162 : i32 to index
          %swap3A_199 = arith.constant 48 : index
          %swap3A_200 = tpu.vector_load %arg11[%swap3A_198, %swap3A_199] {strides = array<i32>} : memref<321x128xf32, #tpu.memory_space<vmem>>, vector<16xf32>,
          tpu.vector_store %arg11[%swap3A_198, %swap3A_199], %max3A_197 {strides = array<i32>} : memref<321x128xf32, #tpu.memory_space<vmem>>, vector<16xf32>,
          %get3A_201 = arith.index_cast %squeeze3A_162 : i32 to index
          %get3A_202 = arith.constant 64 : index
          %get3A_203 = tpu.vector_load %arg11[%get3A_201, %get3A_202] {strides = array<i32>} : memref<321x128xf32, #tpu.memory_space<vmem>>, vector<16xf32>,
          %get3A_204 = arith.index_cast %scan3A_155 : i32 to index
          %get3A_205 = arith.constant 64 : index
          %get3A_206 = tpu.vector_load %arg9[%get3A_204, %get3A_205] {strides = array<i32>} : memref<128x128xf32, #tpu.memory_space<vmem>>, vector<16xf32>,
          %max3A_207 = arith.maximumf %get3A_203, %get3A_206 : vector<16xf32>
          %swap3A_208 = arith.index_cast %squeeze3A_162 : i32 to index
          %swap3A_209 = arith.constant 64 : index
          %swap3A_210 = tpu.vector_load %arg11[%swap3A_208, %swap3A_209] {strides = array<i32>} : memref<321x128xf32, #tpu.memory_space<vmem>>, vector<16xf32>,
          tpu.vector_store %arg11[%swap3A_208, %swap3A_209], %max3A_207 {strides = array<i32>} : memref<321x128xf32, #tpu.memory_space<vmem>>, vector<16xf32>,
          %get3A_211 = arith.index_cast %squeeze3A_162 : i32 to index
          %get3A_212 = arith.constant 80 : index
          %get3A_213 = tpu.vector_load %arg11[%get3A_211, %get3A_212] {strides = array<i32>} : memref<321x128xf32, #tpu.memory_space<vmem>>, vector<16xf32>,
          %get3A_214 = arith.index_cast %scan3A_155 : i32 to index
          %get3A_215 = arith.constant 80 : index
          %get3A_216 = tpu.vector_load %arg9[%get3A_214, %get3A_215] {strides = array<i32>} : memref<128x128xf32, #tpu.memory_space<vmem>>, vector<16xf32>,
          %max3A_217 = arith.maximumf %get3A_213, %get3A_216 : vector<16xf32>
          %swap3A_218 = arith.index_cast %squeeze3A_162 : i32 to index
          %swap3A_219 = arith.constant 80 : index
          %swap3A_220 = tpu.vector_load %arg11[%swap3A_218, %swap3A_219] {strides = array<i32>} : memref<321x128xf32, #tpu.memory_space<vmem>>, vector<16xf32>,
          tpu.vector_store %arg11[%swap3A_218, %swap3A_219], %max3A_217 {strides = array<i32>} : memref<321x128xf32, #tpu.memory_space<vmem>>, vector<16xf32>,
          %get3A_221 = arith.index_cast %squeeze3A_162 : i32 to index
          %get3A_222 = arith.constant 96 : index
          %get3A_223 = tpu.vector_load %arg11[%get3A_221, %get3A_222] {strides = array<i32>} : memref<321x128xf32, #tpu.memory_space<vmem>>, vector<16xf32>,
          %get3A_224 = arith.index_cast %scan3A_155 : i32 to index
          %get3A_225 = arith.constant 96 : index
          %get3A_226 = tpu.vector_load %arg9[%get3A_224, %get3A_225] {strides = array<i32>} : memref<128x128xf32, #tpu.memory_space<vmem>>, vector<16xf32>,
          %max3A_227 = arith.maximumf %get3A_223, %get3A_226 : vector<16xf32>
          %swap3A_228 = arith.index_cast %squeeze3A_162 : i32 to index
          %swap3A_229 = arith.constant 96 : index
          %swap3A_230 = tpu.vector_load %arg11[%swap3A_228, %swap3A_229] {strides = array<i32>} : memref<321x128xf32, #tpu.memory_space<vmem>>, vector<16xf32>,
          tpu.vector_store %arg11[%swap3A_228, %swap3A_229], %max3A_227 {strides = array<i32>} : memref<321x128xf32, #tpu.memory_space<vmem>>, vector<16xf32>,
          %get3A_231 = arith.index_cast %squeeze3A_162 : i32 to index
          %get3A_232 = arith.constant 112 : index
          %get3A_233 = tpu.vector_load %arg11[%get3A_231, %get3A_232] {strides = array<i32>} : memref<321x128xf32, #tpu.memory_space<vmem>>, vector<16xf32>,
          %get3A_234 = arith.index_cast %scan3A_155 : i32 to index
          %get3A_235 = arith.constant 112 : index
          %get3A_236 = tpu.vector_load %arg9[%get3A_234, %get3A_235] {strides = array<i32>} : memref<128x128xf32, #tpu.memory_space<vmem>>, vector<16xf32>,
          %max3A_237 = arith.maximumf %get3A_233, %get3A_236 : vector<16xf32>
          %swap3A_238 = arith.index_cast %squeeze3A_162 : i32 to index
          %swap3A_239 = arith.constant 112 : index
          %swap3A_240 = tpu.vector_load %arg11[%swap3A_238, %swap3A_239] {strides = array<i32>} : memref<321x128xf32, #tpu.memory_space<vmem>>, vector<16xf32>,
          tpu.vector_store %arg11[%swap3A_238, %swap3A_239], %max3A_237 {strides = array<i32>} : memref<321x128xf32, #tpu.memory_space<vmem>>, vector<16xf32>,
        }
        %scan3A_138 = arith.constant 128 : i32
        %add3A_139 = arith.constant 2 : i32
        %add3A_140 = arith.addi %mul3A_120, %add3A_139 : i32
        %lt3A = arith.cmpi slt, %add3A_140, %min3A_79 : i32
        %convert_element_type3A = arith.extui %lt3A : i1 to i32
        %cond3A = arith.constant 0 : i32
        %cond3A_141 = arith.cmpi ne, %convert_element_type3A, %cond3A : i32
        scf.if %cond3A_141 {
          %add3A_155 = arith.constant 2 : i32
          %add3A_156 = arith.addi %mul3A_120, %add3A_155 : i32
          %mul3A_157 = arith.constant 128 : i32
          %mul3A_158 = arith.muli %add3A_156, %mul3A_157 : i32
          %dma_start3A_159 = tpu.memref_slice %arg7[%mul3A_158] : memref<2048xi32, #tpu.memory_space<vmem>> -> memref<128xi32, #tpu.memory_space<vmem>>
          %dma_start3A_160 = arith.constant 0 : i32
          %dma_start3A_161 = arith.constant 0 : i32
          %dma_start3A_162 = tpu.memref_slice %arg2[%dma_start3A_160, %dma_start3A_161] : memref<10000x128xf32, #tpu.memory_space<hbm>> -> memref<10000x128xf32, #tpu.memory_space<hbm>>
          tpu.enqueue_indirect_dma source(%dma_start3A_162 : memref<10000x128xf32, #tpu.memory_space<hbm>>) target(%arg9 : memref<128x128xf32, #tpu.memory_space<vmem>>) offsets(%dma_start3A_159 : memref<128xi32, #tpu.memory_space<vmem>>) semaphore(%arg12 : memref<!tpu.dma_semaphore, #tpu.memory_space<semaphore_mem>>)
        } else {
        }
        %dma_wait3A_142 = arith.constant 0 : i32
        %dma_wait3A_143 = tpu.memref_slice %arg7[%dma_wait3A_142] : memref<2048xi32, #tpu.memory_space<vmem>> -> memref<128xi32, #tpu.memory_space<vmem>>
        %dma_wait3A_144 = arith.constant 0 : i32
        %dma_wait3A_145 = arith.constant 0 : i32
        %dma_wait3A_146 = tpu.memref_slice %arg2[%dma_wait3A_144, %dma_wait3A_145] : memref<10000x128xf32, #tpu.memory_space<hbm>> -> memref<10000x128xf32, #tpu.memory_space<hbm>>
        tpu.wait_indirect_dma semaphore(%arg13 : memref<!tpu.dma_semaphore, #tpu.memory_space<semaphore_mem>>) src(%dma_wait3A_146 : memref<10000x128xf32, #tpu.memory_space<hbm>>) dst(%arg10 : memref<128x128xf32, #tpu.memory_space<vmem>>)
        %add3A_147 = arith.constant 1 : i32
        %add3A_148 = arith.addi %mul3A_120, %add3A_147 : i32
        %scan3A_149 = arith.constant 0 : i32
        %scan3A_150 = arith.constant 0 : i32
        %scan3A_151 = arith.constant 128 : i32
        %scan3A_152 = arith.addi %scan3A_150, %scan3A_151 : i32
        %scan3A_153 = arith.constant 1 : i32
        scf.for %scan3A_155 = %scan3A_150 to %scan3A_152 step %scan3A_153  : i32 {
          %mul3A_156 = arith.constant 128 : i32
          %mul3A_157 = arith.muli %add3A_148, %mul3A_156 : i32
          %add3A_158 = arith.addi %mul3A_157, %scan3A_155 : i32
          %get3A_159 = arith.index_cast %add3A_158 : i32 to index
          %get3A_160 = tpu.vector_load %arg8[%get3A_159] {strides = array<i32>} : memref<2064xi32, #tpu.memory_space<vmem>>, vector<16xi32>,
          %slice3A_161 = vector.extract_strided_slice %get3A_160 {offsets = [0], sizes = [1], strides = [1]} : vector<16xi32> to vector<1xi32>
          %squeeze3A_162 = vector.extract %slice3A_161[0] : i32 from vector<1xi32>
          %get3A_163 = arith.index_cast %squeeze3A_162 : i32 to index
          %get3A_164 = arith.constant 0 : index
          %get3A_165 = tpu.vector_load %arg11[%get3A_163, %get3A_164] {strides = array<i32>} : memref<321x128xf32, #tpu.memory_space<vmem>>, vector<16xf32>,
          %get3A_166 = arith.index_cast %scan3A_155 : i32 to index
          %get3A_167 = arith.constant 0 : index
          %get3A_168 = tpu.vector_load %arg10[%get3A_166, %get3A_167] {strides = array<i32>} : memref<128x128xf32, #tpu.memory_space<vmem>>, vector<16xf32>,
          %max3A = arith.maximumf %get3A_165, %get3A_168 : vector<16xf32>
          %swap3A = arith.index_cast %squeeze3A_162 : i32 to index
          %swap3A_169 = arith.constant 0 : index
          %swap3A_170 = tpu.vector_load %arg11[%swap3A, %swap3A_169] {strides = array<i32>} : memref<321x128xf32, #tpu.memory_space<vmem>>, vector<16xf32>,
          tpu.vector_store %arg11[%swap3A, %swap3A_169], %max3A {strides = array<i32>} : memref<321x128xf32, #tpu.memory_space<vmem>>, vector<16xf32>,
          %get3A_171 = arith.index_cast %squeeze3A_162 : i32 to index
          %get3A_172 = arith.constant 16 : index
          %get3A_173 = tpu.vector_load %arg11[%get3A_171, %get3A_172] {strides = array<i32>} : memref<321x128xf32, #tpu.memory_space<vmem>>, vector<16xf32>,
          %get3A_174 = arith.index_cast %scan3A_155 : i32 to index
          %get3A_175 = arith.constant 16 : index
          %get3A_176 = tpu.vector_load %arg10[%get3A_174, %get3A_175] {strides = array<i32>} : memref<128x128xf32, #tpu.memory_space<vmem>>, vector<16xf32>,
          %max3A_177 = arith.maximumf %get3A_173, %get3A_176 : vector<16xf32>
          %swap3A_178 = arith.index_cast %squeeze3A_162 : i32 to index
          %swap3A_179 = arith.constant 16 : index
          %swap3A_180 = tpu.vector_load %arg11[%swap3A_178, %swap3A_179] {strides = array<i32>} : memref<321x128xf32, #tpu.memory_space<vmem>>, vector<16xf32>,
          tpu.vector_store %arg11[%swap3A_178, %swap3A_179], %max3A_177 {strides = array<i32>} : memref<321x128xf32, #tpu.memory_space<vmem>>, vector<16xf32>,
          %get3A_181 = arith.index_cast %squeeze3A_162 : i32 to index
          %get3A_182 = arith.constant 32 : index
          %get3A_183 = tpu.vector_load %arg11[%get3A_181, %get3A_182] {strides = array<i32>} : memref<321x128xf32, #tpu.memory_space<vmem>>, vector<16xf32>,
          %get3A_184 = arith.index_cast %scan3A_155 : i32 to index
          %get3A_185 = arith.constant 32 : index
          %get3A_186 = tpu.vector_load %arg10[%get3A_184, %get3A_185] {strides = array<i32>} : memref<128x128xf32, #tpu.memory_space<vmem>>, vector<16xf32>,
          %max3A_187 = arith.maximumf %get3A_183, %get3A_186 : vector<16xf32>
          %swap3A_188 = arith.index_cast %squeeze3A_162 : i32 to index
          %swap3A_189 = arith.constant 32 : index
          %swap3A_190 = tpu.vector_load %arg11[%swap3A_188, %swap3A_189] {strides = array<i32>} : memref<321x128xf32, #tpu.memory_space<vmem>>, vector<16xf32>,
          tpu.vector_store %arg11[%swap3A_188, %swap3A_189], %max3A_187 {strides = array<i32>} : memref<321x128xf32, #tpu.memory_space<vmem>>, vector<16xf32>,
          %get3A_191 = arith.index_cast %squeeze3A_162 : i32 to index
          %get3A_192 = arith.constant 48 : index
          %get3A_193 = tpu.vector_load %arg11[%get3A_191, %get3A_192] {strides = array<i32>} : memref<321x128xf32, #tpu.memory_space<vmem>>, vector<16xf32>,
          %get3A_194 = arith.index_cast %scan3A_155 : i32 to index
          %get3A_195 = arith.constant 48 : index
          %get3A_196 = tpu.vector_load %arg10[%get3A_194, %get3A_195] {strides = array<i32>} : memref<128x128xf32, #tpu.memory_space<vmem>>, vector<16xf32>,
          %max3A_197 = arith.maximumf %get3A_193, %get3A_196 : vector<16xf32>
          %swap3A_198 = arith.index_cast %squeeze3A_162 : i32 to index
          %swap3A_199 = arith.constant 48 : index
          %swap3A_200 = tpu.vector_load %arg11[%swap3A_198, %swap3A_199] {strides = array<i32>} : memref<321x128xf32, #tpu.memory_space<vmem>>, vector<16xf32>,
          tpu.vector_store %arg11[%swap3A_198, %swap3A_199], %max3A_197 {strides = array<i32>} : memref<321x128xf32, #tpu.memory_space<vmem>>, vector<16xf32>,
          %get3A_201 = arith.index_cast %squeeze3A_162 : i32 to index
          %get3A_202 = arith.constant 64 : index
          %get3A_203 = tpu.vector_load %arg11[%get3A_201, %get3A_202] {strides = array<i32>} : memref<321x128xf32, #tpu.memory_space<vmem>>, vector<16xf32>,
          %get3A_204 = arith.index_cast %scan3A_155 : i32 to index
          %get3A_205 = arith.constant 64 : index
          %get3A_206 = tpu.vector_load %arg10[%get3A_204, %get3A_205] {strides = array<i32>} : memref<128x128xf32, #tpu.memory_space<vmem>>, vector<16xf32>,
          %max3A_207 = arith.maximumf %get3A_203, %get3A_206 : vector<16xf32>
          %swap3A_208 = arith.index_cast %squeeze3A_162 : i32 to index
          %swap3A_209 = arith.constant 64 : index
          %swap3A_210 = tpu.vector_load %arg11[%swap3A_208, %swap3A_209] {strides = array<i32>} : memref<321x128xf32, #tpu.memory_space<vmem>>, vector<16xf32>,
          tpu.vector_store %arg11[%swap3A_208, %swap3A_209], %max3A_207 {strides = array<i32>} : memref<321x128xf32, #tpu.memory_space<vmem>>, vector<16xf32>,
          %get3A_211 = arith.index_cast %squeeze3A_162 : i32 to index
          %get3A_212 = arith.constant 80 : index
          %get3A_213 = tpu.vector_load %arg11[%get3A_211, %get3A_212] {strides = array<i32>} : memref<321x128xf32, #tpu.memory_space<vmem>>, vector<16xf32>,
          %get3A_214 = arith.index_cast %scan3A_155 : i32 to index
          %get3A_215 = arith.constant 80 : index
          %get3A_216 = tpu.vector_load %arg10[%get3A_214, %get3A_215] {strides = array<i32>} : memref<128x128xf32, #tpu.memory_space<vmem>>, vector<16xf32>,
          %max3A_217 = arith.maximumf %get3A_213, %get3A_216 : vector<16xf32>
          %swap3A_218 = arith.index_cast %squeeze3A_162 : i32 to index
          %swap3A_219 = arith.constant 80 : index
          %swap3A_220 = tpu.vector_load %arg11[%swap3A_218, %swap3A_219] {strides = array<i32>} : memref<321x128xf32, #tpu.memory_space<vmem>>, vector<16xf32>,
          tpu.vector_store %arg11[%swap3A_218, %swap3A_219], %max3A_217 {strides = array<i32>} : memref<321x128xf32, #tpu.memory_space<vmem>>, vector<16xf32>,
          %get3A_221 = arith.index_cast %squeeze3A_162 : i32 to index
          %get3A_222 = arith.constant 96 : index
          %get3A_223 = tpu.vector_load %arg11[%get3A_221, %get3A_222] {strides = array<i32>} : memref<321x128xf32, #tpu.memory_space<vmem>>, vector<16xf32>,
          %get3A_224 = arith.index_cast %scan3A_155 : i32 to index
          %get3A_225 = arith.constant 96 : index
          %get3A_226 = tpu.vector_load %arg10[%get3A_224, %get3A_225] {strides = array<i32>} : memref<128x128xf32, #tpu.memory_space<vmem>>, vector<16xf32>,
          %max3A_227 = arith.maximumf %get3A_223, %get3A_226 : vector<16xf32>
          %swap3A_228 = arith.index_cast %squeeze3A_162 : i32 to index
          %swap3A_229 = arith.constant 96 : index
          %swap3A_230 = tpu.vector_load %arg11[%swap3A_228, %swap3A_229] {strides = array<i32>} : memref<321x128xf32, #tpu.memory_space<vmem>>, vector<16xf32>,
          tpu.vector_store %arg11[%swap3A_228, %swap3A_229], %max3A_227 {strides = array<i32>} : memref<321x128xf32, #tpu.memory_space<vmem>>, vector<16xf32>,
          %get3A_231 = arith.index_cast %squeeze3A_162 : i32 to index
          %get3A_232 = arith.constant 112 : index
          %get3A_233 = tpu.vector_load %arg11[%get3A_231, %get3A_232] {strides = array<i32>} : memref<321x128xf32, #tpu.memory_space<vmem>>, vector<16xf32>,
          %get3A_234 = arith.index_cast %scan3A_155 : i32 to index
          %get3A_235 = arith.constant 112 : index
          %get3A_236 = tpu.vector_load %arg10[%get3A_234, %get3A_235] {strides = array<i32>} : memref<128x128xf32, #tpu.memory_space<vmem>>, vector<16xf32>,
          %max3A_237 = arith.maximumf %get3A_233, %get3A_236 : vector<16xf32>
          %swap3A_238 = arith.index_cast %squeeze3A_162 : i32 to index
          %swap3A_239 = arith.constant 112 : index
          %swap3A_240 = tpu.vector_load %arg11[%swap3A_238, %swap3A_239] {strides = array<i32>} : memref<321x128xf32, #tpu.memory_space<vmem>>, vector<16xf32>,
          tpu.vector_store %arg11[%swap3A_238, %swap3A_239], %max3A_237 {strides = array<i32>} : memref<321x128xf32, #tpu.memory_space<vmem>>, vector<16xf32>,
        }
        %scan3A_154 = arith.constant 128 : i32
      }
      %while3A_117 = arith.constant 1 : i32
      scf.for %while3A_118 = %while3A_115 to %while3A_111 step %while3A_117  : i32 {
        %mul3A_119 = arith.constant 2 : i32
        %mul3A_120 = arith.muli %while3A_118, %mul3A_119 : i32
        %add3A_121 = arith.constant 1 : i32
        %add3A_122 = arith.addi %mul3A_120, %add3A_121 : i32
        %mul3A_123 = arith.constant 128 : i32
        %mul3A_124 = arith.muli %add3A_122, %mul3A_123 : i32
        %dma_start3A_125 = tpu.memref_slice %arg7[%mul3A_124] : memref<2048xi32, #tpu.memory_space<vmem>> -> memref<128xi32, #tpu.memory_space<vmem>>
        %dma_start3A_126 = arith.constant 0 : i32
        %dma_start3A_127 = arith.constant 0 : i32
        %dma_start3A_128 = tpu.memref_slice %arg2[%dma_start3A_126, %dma_start3A_127] : memref<10000x128xf32, #tpu.memory_space<hbm>> -> memref<10000x128xf32, #tpu.memory_space<hbm>>
        tpu.enqueue_indirect_dma source(%dma_start3A_128 : memref<10000x128xf32, #tpu.memory_space<hbm>>) target(%arg10 : memref<128x128xf32, #tpu.memory_space<vmem>>) offsets(%dma_start3A_125 : memref<128xi32, #tpu.memory_space<vmem>>) semaphore(%arg13 : memref<!tpu.dma_semaphore, #tpu.memory_space<semaphore_mem>>)
        %dma_wait3A = arith.constant 0 : i32
        %dma_wait3A_129 = tpu.memref_slice %arg7[%dma_wait3A] : memref<2048xi32, #tpu.memory_space<vmem>> -> memref<128xi32, #tpu.memory_space<vmem>>
        %dma_wait3A_130 = arith.constant 0 : i32
        %dma_wait3A_131 = arith.constant 0 : i32
        %dma_wait3A_132 = tpu.memref_slice %arg2[%dma_wait3A_130, %dma_wait3A_131] : memref<10000x128xf32, #tpu.memory_space<hbm>> -> memref<10000x128xf32, #tpu.memory_space<hbm>>
        tpu.wait_indirect_dma semaphore(%arg12 : memref<!tpu.dma_semaphore, #tpu.memory_space<semaphore_mem>>) src(%dma_wait3A_132 : memref<10000x128xf32, #tpu.memory_space<hbm>>) dst(%arg9 : memref<128x128xf32, #tpu.memory_space<vmem>>)
        %scan3A_133 = arith.constant 0 : i32
        %scan3A_134 = arith.constant 0 : i32
        %scan3A_135 = arith.constant 128 : i32
        %scan3A_136 = arith.addi %scan3A_134, %scan3A_135 : i32
        %scan3A_137 = arith.constant 1 : i32
        scf.for %scan3A_155 = %scan3A_134 to %scan3A_136 step %scan3A_137  : i32 {
          %mul3A_156 = arith.constant 128 : i32
          %mul3A_157 = arith.muli %mul3A_120, %mul3A_156 : i32
          %add3A_158 = arith.addi %mul3A_157, %scan3A_155 : i32
          %get3A_159 = arith.index_cast %add3A_158 : i32 to index
          %get3A_160 = tpu.vector_load %arg8[%get3A_159] {strides = array<i32>} : memref<2064xi32, #tpu.memory_space<vmem>>, vector<16xi32>,
          %slice3A_161 = vector.extract_strided_slice %get3A_160 {offsets = [0], sizes = [1], strides = [1]} : vector<16xi32> to vector<1xi32>
          %squeeze3A_162 = vector.extract %slice3A_161[0] : i32 from vector<1xi32>
          %get3A_163 = arith.index_cast %squeeze3A_162 : i32 to index
          %get3A_164 = arith.constant 0 : index
          %get3A_165 = tpu.vector_load %arg11[%get3A_163, %get3A_164] {strides = array<i32>} : memref<321x128xf32, #tpu.memory_space<vmem>>, vector<16xf32>,
          %get3A_166 = arith.index_cast %scan3A_155 : i32 to index
          %get3A_167 = arith.constant 0 : index
          %get3A_168 = tpu.vector_load %arg9[%get3A_166, %get3A_167] {strides = array<i32>} : memref<128x128xf32, #tpu.memory_space<vmem>>, vector<16xf32>,
          %max3A = arith.maximumf %get3A_165, %get3A_168 : vector<16xf32>
          %swap3A = arith.index_cast %squeeze3A_162 : i32 to index
          %swap3A_169 = arith.constant 0 : index
          %swap3A_170 = tpu.vector_load %arg11[%swap3A, %swap3A_169] {strides = array<i32>} : memref<321x128xf32, #tpu.memory_space<vmem>>, vector<16xf32>,
          tpu.vector_store %arg11[%swap3A, %swap3A_169], %max3A {strides = array<i32>} : memref<321x128xf32, #tpu.memory_space<vmem>>, vector<16xf32>,
          %get3A_171 = arith.index_cast %squeeze3A_162 : i32 to index
          %get3A_172 = arith.constant 16 : index
          %get3A_173 = tpu.vector_load %arg11[%get3A_171, %get3A_172] {strides = array<i32>} : memref<321x128xf32, #tpu.memory_space<vmem>>, vector<16xf32>,
          %get3A_174 = arith.index_cast %scan3A_155 : i32 to index
          %get3A_175 = arith.constant 16 : index
          %get3A_176 = tpu.vector_load %arg9[%get3A_174, %get3A_175] {strides = array<i32>} : memref<128x128xf32, #tpu.memory_space<vmem>>, vector<16xf32>,
          %max3A_177 = arith.maximumf %get3A_173, %get3A_176 : vector<16xf32>
          %swap3A_178 = arith.index_cast %squeeze3A_162 : i32 to index
          %swap3A_179 = arith.constant 16 : index
          %swap3A_180 = tpu.vector_load %arg11[%swap3A_178, %swap3A_179] {strides = array<i32>} : memref<321x128xf32, #tpu.memory_space<vmem>>, vector<16xf32>,
          tpu.vector_store %arg11[%swap3A_178, %swap3A_179], %max3A_177 {strides = array<i32>} : memref<321x128xf32, #tpu.memory_space<vmem>>, vector<16xf32>,
          %get3A_181 = arith.index_cast %squeeze3A_162 : i32 to index
          %get3A_182 = arith.constant 32 : index
          %get3A_183 = tpu.vector_load %arg11[%get3A_181, %get3A_182] {strides = array<i32>} : memref<321x128xf32, #tpu.memory_space<vmem>>, vector<16xf32>,
          %get3A_184 = arith.index_cast %scan3A_155 : i32 to index
          %get3A_185 = arith.constant 32 : index
          %get3A_186 = tpu.vector_load %arg9[%get3A_184, %get3A_185] {strides = array<i32>} : memref<128x128xf32, #tpu.memory_space<vmem>>, vector<16xf32>,
          %max3A_187 = arith.maximumf %get3A_183, %get3A_186 : vector<16xf32>
          %swap3A_188 = arith.index_cast %squeeze3A_162 : i32 to index
          %swap3A_189 = arith.constant 32 : index
          %swap3A_190 = tpu.vector_load %arg11[%swap3A_188, %swap3A_189] {strides = array<i32>} : memref<321x128xf32, #tpu.memory_space<vmem>>, vector<16xf32>,
          tpu.vector_store %arg11[%swap3A_188, %swap3A_189], %max3A_187 {strides = array<i32>} : memref<321x128xf32, #tpu.memory_space<vmem>>, vector<16xf32>,
          %get3A_191 = arith.index_cast %squeeze3A_162 : i32 to index
          %get3A_192 = arith.constant 48 : index
          %get3A_193 = tpu.vector_load %arg11[%get3A_191, %get3A_192] {strides = array<i32>} : memref<321x128xf32, #tpu.memory_space<vmem>>, vector<16xf32>,
          %get3A_194 = arith.index_cast %scan3A_155 : i32 to index
          %get3A_195 = arith.constant 48 : index
          %get3A_196 = tpu.vector_load %arg9[%get3A_194, %get3A_195] {strides = array<i32>} : memref<128x128xf32, #tpu.memory_space<vmem>>, vector<16xf32>,
          %max3A_197 = arith.maximumf %get3A_193, %get3A_196 : vector<16xf32>
          %swap3A_198 = arith.index_cast %squeeze3A_162 : i32 to index
          %swap3A_199 = arith.constant 48 : index
          %swap3A_200 = tpu.vector_load %arg11[%swap3A_198, %swap3A_199] {strides = array<i32>} : memref<321x128xf32, #tpu.memory_space<vmem>>, vector<16xf32>,
          tpu.vector_store %arg11[%swap3A_198, %swap3A_199], %max3A_197 {strides = array<i32>} : memref<321x128xf32, #tpu.memory_space<vmem>>, vector<16xf32>,
          %get3A_201 = arith.index_cast %squeeze3A_162 : i32 to index
          %get3A_202 = arith.constant 64 : index
          %get3A_203 = tpu.vector_load %arg11[%get3A_201, %get3A_202] {strides = array<i32>} : memref<321x128xf32, #tpu.memory_space<vmem>>, vector<16xf32>,
          %get3A_204 = arith.index_cast %scan3A_155 : i32 to index
          %get3A_205 = arith.constant 64 : index
          %get3A_206 = tpu.vector_load %arg9[%get3A_204, %get3A_205] {strides = array<i32>} : memref<128x128xf32, #tpu.memory_space<vmem>>, vector<16xf32>,
          %max3A_207 = arith.maximumf %get3A_203, %get3A_206 : vector<16xf32>
          %swap3A_208 = arith.index_cast %squeeze3A_162 : i32 to index
          %swap3A_209 = arith.constant 64 : index
          %swap3A_210 = tpu.vector_load %arg11[%swap3A_208, %swap3A_209] {strides = array<i32>} : memref<321x128xf32, #tpu.memory_space<vmem>>, vector<16xf32>,
          tpu.vector_store %arg11[%swap3A_208, %swap3A_209], %max3A_207 {strides = array<i32>} : memref<321x128xf32, #tpu.memory_space<vmem>>, vector<16xf32>,
          %get3A_211 = arith.index_cast %squeeze3A_162 : i32 to index
          %get3A_212 = arith.constant 80 : index
          %get3A_213 = tpu.vector_load %arg11[%get3A_211, %get3A_212] {strides = array<i32>} : memref<321x128xf32, #tpu.memory_space<vmem>>, vector<16xf32>,
          %get3A_214 = arith.index_cast %scan3A_155 : i32 to index
          %get3A_215 = arith.constant 80 : index
          %get3A_216 = tpu.vector_load %arg9[%get3A_214, %get3A_215] {strides = array<i32>} : memref<128x128xf32, #tpu.memory_space<vmem>>, vector<16xf32>,
          %max3A_217 = arith.maximumf %get3A_213, %get3A_216 : vector<16xf32>
          %swap3A_218 = arith.index_cast %squeeze3A_162 : i32 to index
          %swap3A_219 = arith.constant 80 : index
          %swap3A_220 = tpu.vector_load %arg11[%swap3A_218, %swap3A_219] {strides = array<i32>} : memref<321x128xf32, #tpu.memory_space<vmem>>, vector<16xf32>,
          tpu.vector_store %arg11[%swap3A_218, %swap3A_219], %max3A_217 {strides = array<i32>} : memref<321x128xf32, #tpu.memory_space<vmem>>, vector<16xf32>,
          %get3A_221 = arith.index_cast %squeeze3A_162 : i32 to index
          %get3A_222 = arith.constant 96 : index
          %get3A_223 = tpu.vector_load %arg11[%get3A_221, %get3A_222] {strides = array<i32>} : memref<321x128xf32, #tpu.memory_space<vmem>>, vector<16xf32>,
          %get3A_224 = arith.index_cast %scan3A_155 : i32 to index
          %get3A_225 = arith.constant 96 : index
          %get3A_226 = tpu.vector_load %arg9[%get3A_224, %get3A_225] {strides = array<i32>} : memref<128x128xf32, #tpu.memory_space<vmem>>, vector<16xf32>,
          %max3A_227 = arith.maximumf %get3A_223, %get3A_226 : vector<16xf32>
          %swap3A_228 = arith.index_cast %squeeze3A_162 : i32 to index
          %swap3A_229 = arith.constant 96 : index
          %swap3A_230 = tpu.vector_load %arg11[%swap3A_228, %swap3A_229] {strides = array<i32>} : memref<321x128xf32, #tpu.memory_space<vmem>>, vector<16xf32>,
          tpu.vector_store %arg11[%swap3A_228, %swap3A_229], %max3A_227 {strides = array<i32>} : memref<321x128xf32, #tpu.memory_space<vmem>>, vector<16xf32>,
          %get3A_231 = arith.index_cast %squeeze3A_162 : i32 to index
          %get3A_232 = arith.constant 112 : index
          %get3A_233 = tpu.vector_load %arg11[%get3A_231, %get3A_232] {strides = array<i32>} : memref<321x128xf32, #tpu.memory_space<vmem>>, vector<16xf32>,
          %get3A_234 = arith.index_cast %scan3A_155 : i32 to index
          %get3A_235 = arith.constant 112 : index
          %get3A_236 = tpu.vector_load %arg9[%get3A_234, %get3A_235] {strides = array<i32>} : memref<128x128xf32, #tpu.memory_space<vmem>>, vector<16xf32>,
          %max3A_237 = arith.maximumf %get3A_233, %get3A_236 : vector<16xf32>
          %swap3A_238 = arith.index_cast %squeeze3A_162 : i32 to index
          %swap3A_239 = arith.constant 112 : index
          %swap3A_240 = tpu.vector_load %arg11[%swap3A_238, %swap3A_239] {strides = array<i32>} : memref<321x128xf32, #tpu.memory_space<vmem>>, vector<16xf32>,
          tpu.vector_store %arg11[%swap3A_238, %swap3A_239], %max3A_237 {strides = array<i32>} : memref<321x128xf32, #tpu.memory_space<vmem>>, vector<16xf32>,
        }
        %scan3A_138 = arith.constant 128 : i32
        %add3A_139 = arith.constant 2 : i32
        %add3A_140 = arith.addi %mul3A_120, %add3A_139 : i32
        %lt3A = arith.cmpi slt, %add3A_140, %min3A_79 : i32
        %convert_element_type3A = arith.extui %lt3A : i1 to i32
        %cond3A = arith.constant 0 : i32
        %cond3A_141 = arith.cmpi ne, %convert_element_type3A, %cond3A : i32
        scf.if %cond3A_141 {
          %add3A_155 = arith.constant 2 : i32
          %add3A_156 = arith.addi %mul3A_120, %add3A_155 : i32
          %mul3A_157 = arith.constant 128 : i32
          %mul3A_158 = arith.muli %add3A_156, %mul3A_157 : i32
          %dma_start3A_159 = tpu.memref_slice %arg7[%mul3A_158] : memref<2048xi32, #tpu.memory_space<vmem>> -> memref<128xi32, #tpu.memory_space<vmem>>
          %dma_start3A_160 = arith.constant 0 : i32
          %dma_start3A_161 = arith.constant 0 : i32
          %dma_start3A_162 = tpu.memref_slice %arg2[%dma_start3A_160, %dma_start3A_161] : memref<10000x128xf32, #tpu.memory_space<hbm>> -> memref<10000x128xf32, #tpu.memory_space<hbm>>
          tpu.enqueue_indirect_dma source(%dma_start3A_162 : memref<10000x128xf32, #tpu.memory_space<hbm>>) target(%arg9 : memref<128x128xf32, #tpu.memory_space<vmem>>) offsets(%dma_start3A_159 : memref<128xi32, #tpu.memory_space<vmem>>) semaphore(%arg12 : memref<!tpu.dma_semaphore, #tpu.memory_space<semaphore_mem>>)
        } else {
        }
        %dma_wait3A_142 = arith.constant 0 : i32
        %dma_wait3A_143 = tpu.memref_slice %arg7[%dma_wait3A_142] : memref<2048xi32, #tpu.memory_space<vmem>> -> memref<128xi32, #tpu.memory_space<vmem>>
        %dma_wait3A_144 = arith.constant 0 : i32
        %dma_wait3A_145 = arith.constant 0 : i32
        %dma_wait3A_146 = tpu.memref_slice %arg2[%dma_wait3A_144, %dma_wait3A_145] : memref<10000x128xf32, #tpu.memory_space<hbm>> -> memref<10000x128xf32, #tpu.memory_space<hbm>>
        tpu.wait_indirect_dma semaphore(%arg13 : memref<!tpu.dma_semaphore, #tpu.memory_space<semaphore_mem>>) src(%dma_wait3A_146 : memref<10000x128xf32, #tpu.memory_space<hbm>>) dst(%arg10 : memref<128x128xf32, #tpu.memory_space<vmem>>)
        %add3A_147 = arith.constant 1 : i32
        %add3A_148 = arith.addi %mul3A_120, %add3A_147 : i32
        %scan3A_149 = arith.constant 0 : i32
        %scan3A_150 = arith.constant 0 : i32
        %scan3A_151 = arith.constant 128 : i32
        %scan3A_152 = arith.addi %scan3A_150, %scan3A_151 : i32
        %scan3A_153 = arith.constant 1 : i32
        scf.for %scan3A_155 = %scan3A_150 to %scan3A_152 step %scan3A_153  : i32 {
          %mul3A_156 = arith.constant 128 : i32
          %mul3A_157 = arith.muli %add3A_148, %mul3A_156 : i32
          %add3A_158 = arith.addi %mul3A_157, %scan3A_155 : i32
          %get3A_159 = arith.index_cast %add3A_158 : i32 to index
          %get3A_160 = tpu.vector_load %arg8[%get3A_159] {strides = array<i32>} : memref<2064xi32, #tpu.memory_space<vmem>>, vector<16xi32>,
          %slice3A_161 = vector.extract_strided_slice %get3A_160 {offsets = [0], sizes = [1], strides = [1]} : vector<16xi32> to vector<1xi32>
          %squeeze3A_162 = vector.extract %slice3A_161[0] : i32 from vector<1xi32>
          %get3A_163 = arith.index_cast %squeeze3A_162 : i32 to index
          %get3A_164 = arith.constant 0 : index
          %get3A_165 = tpu.vector_load %arg11[%get3A_163, %get3A_164] {strides = array<i32>} : memref<321x128xf32, #tpu.memory_space<vmem>>, vector<16xf32>,
          %get3A_166 = arith.index_cast %scan3A_155 : i32 to index
          %get3A_167 = arith.constant 0 : index
          %get3A_168 = tpu.vector_load %arg10[%get3A_166, %get3A_167] {strides = array<i32>} : memref<128x128xf32, #tpu.memory_space<vmem>>, vector<16xf32>,
          %max3A = arith.maximumf %get3A_165, %get3A_168 : vector<16xf32>
          %swap3A = arith.index_cast %squeeze3A_162 : i32 to index
          %swap3A_169 = arith.constant 0 : index
          %swap3A_170 = tpu.vector_load %arg11[%swap3A, %swap3A_169] {strides = array<i32>} : memref<321x128xf32, #tpu.memory_space<vmem>>, vector<16xf32>,
          tpu.vector_store %arg11[%swap3A, %swap3A_169], %max3A {strides = array<i32>} : memref<321x128xf32, #tpu.memory_space<vmem>>, vector<16xf32>,
          %get3A_171 = arith.index_cast %squeeze3A_162 : i32 to index
          %get3A_172 = arith.constant 16 : index
          %get3A_173 = tpu.vector_load %arg11[%get3A_171, %get3A_172] {strides = array<i32>} : memref<321x128xf32, #tpu.memory_space<vmem>>, vector<16xf32>,
          %get3A_174 = arith.index_cast %scan3A_155 : i32 to index
          %get3A_175 = arith.constant 16 : index
          %get3A_176 = tpu.vector_load %arg10[%get3A_174, %get3A_175] {strides = array<i32>} : memref<128x128xf32, #tpu.memory_space<vmem>>, vector<16xf32>,
          %max3A_177 = arith.maximumf %get3A_173, %get3A_176 : vector<16xf32>
          %swap3A_178 = arith.index_cast %squeeze3A_162 : i32 to index
          %swap3A_179 = arith.constant 16 : index
          %swap3A_180 = tpu.vector_load %arg11[%swap3A_178, %swap3A_179] {strides = array<i32>} : memref<321x128xf32, #tpu.memory_space<vmem>>, vector<16xf32>,
          tpu.vector_store %arg11[%swap3A_178, %swap3A_179], %max3A_177 {strides = array<i32>} : memref<321x128xf32, #tpu.memory_space<vmem>>, vector<16xf32>,
          %get3A_181 = arith.index_cast %squeeze3A_162 : i32 to index
          %get3A_182 = arith.constant 32 : index
          %get3A_183 = tpu.vector_load %arg11[%get3A_181, %get3A_182] {strides = array<i32>} : memref<321x128xf32, #tpu.memory_space<vmem>>, vector<16xf32>,
          %get3A_184 = arith.index_cast %scan3A_155 : i32 to index
          %get3A_185 = arith.constant 32 : index
          %get3A_186 = tpu.vector_load %arg10[%get3A_184, %get3A_185] {strides = array<i32>} : memref<128x128xf32, #tpu.memory_space<vmem>>, vector<16xf32>,
          %max3A_187 = arith.maximumf %get3A_183, %get3A_186 : vector<16xf32>
          %swap3A_188 = arith.index_cast %squeeze3A_162 : i32 to index
          %swap3A_189 = arith.constant 32 : index
          %swap3A_190 = tpu.vector_load %arg11[%swap3A_188, %swap3A_189] {strides = array<i32>} : memref<321x128xf32, #tpu.memory_space<vmem>>, vector<16xf32>,
          tpu.vector_store %arg11[%swap3A_188, %swap3A_189], %max3A_187 {strides = array<i32>} : memref<321x128xf32, #tpu.memory_space<vmem>>, vector<16xf32>,
          %get3A_191 = arith.index_cast %squeeze3A_162 : i32 to index
          %get3A_192 = arith.constant 48 : index
          %get3A_193 = tpu.vector_load %arg11[%get3A_191, %get3A_192] {strides = array<i32>} : memref<321x128xf32, #tpu.memory_space<vmem>>, vector<16xf32>,
          %get3A_194 = arith.index_cast %scan3A_155 : i32 to index
          %get3A_195 = arith.constant 48 : index
          %get3A_196 = tpu.vector_load %arg10[%get3A_194, %get3A_195] {strides = array<i32>} : memref<128x128xf32, #tpu.memory_space<vmem>>, vector<16xf32>,
          %max3A_197 = arith.maximumf %get3A_193, %get3A_196 : vector<16xf32>
          %swap3A_198 = arith.index_cast %squeeze3A_162 : i32 to index
          %swap3A_199 = arith.constant 48 : index
          %swap3A_200 = tpu.vector_load %arg11[%swap3A_198, %swap3A_199] {strides = array<i32>} : memref<321x128xf32, #tpu.memory_space<vmem>>, vector<16xf32>,
          tpu.vector_store %arg11[%swap3A_198, %swap3A_199], %max3A_197 {strides = array<i32>} : memref<321x128xf32, #tpu.memory_space<vmem>>, vector<16xf32>,
          %get3A_201 = arith.index_cast %squeeze3A_162 : i32 to index
          %get3A_202 = arith.constant 64 : index
          %get3A_203 = tpu.vector_load %arg11[%get3A_201, %get3A_202] {strides = array<i32>} : memref<321x128xf32, #tpu.memory_space<vmem>>, vector<16xf32>,
          %get3A_204 = arith.index_cast %scan3A_155 : i32 to index
          %get3A_205 = arith.constant 64 : index
          %get3A_206 = tpu.vector_load %arg10[%get3A_204, %get3A_205] {strides = array<i32>} : memref<128x128xf32, #tpu.memory_space<vmem>>, vector<16xf32>,
          %max3A_207 = arith.maximumf %get3A_203, %get3A_206 : vector<16xf32>
          %swap3A_208 = arith.index_cast %squeeze3A_162 : i32 to index
          %swap3A_209 = arith.constant 64 : index
          %swap3A_210 = tpu.vector_load %arg11[%swap3A_208, %swap3A_209] {strides = array<i32>} : memref<321x128xf32, #tpu.memory_space<vmem>>, vector<16xf32>,
          tpu.vector_store %arg11[%swap3A_208, %swap3A_209], %max3A_207 {strides = array<i32>} : memref<321x128xf32, #tpu.memory_space<vmem>>, vector<16xf32>,
          %get3A_211 = arith.index_cast %squeeze3A_162 : i32 to index
          %get3A_212 = arith.constant 80 : index
          %get3A_213 = tpu.vector_load %arg11[%get3A_211, %get3A_212] {strides = array<i32>} : memref<321x128xf32, #tpu.memory_space<vmem>>, vector<16xf32>,
          %get3A_214 = arith.index_cast %scan3A_155 : i32 to index
          %get3A_215 = arith.constant 80 : index
          %get3A_216 = tpu.vector_load %arg10[%get3A_214, %get3A_215] {strides = array<i32>} : memref<128x128xf32, #tpu.memory_space<vmem>>, vector<16xf32>,
          %max3A_217 = arith.maximumf %get3A_213, %get3A_216 : vector<16xf32>
          %swap3A_218 = arith.index_cast %squeeze3A_162 : i32 to index
          %swap3A_219 = arith.constant 80 : index
          %swap3A_220 = tpu.vector_load %arg11[%swap3A_218, %swap3A_219] {strides = array<i32>} : memref<321x128xf32, #tpu.memory_space<vmem>>, vector<16xf32>,
          tpu.vector_store %arg11[%swap3A_218, %swap3A_219], %max3A_217 {strides = array<i32>} : memref<321x128xf32, #tpu.memory_space<vmem>>, vector<16xf32>,
          %get3A_221 = arith.index_cast %squeeze3A_162 : i32 to index
          %get3A_222 = arith.constant 96 : index
          %get3A_223 = tpu.vector_load %arg11[%get3A_221, %get3A_222] {strides = array<i32>} : memref<321x128xf32, #tpu.memory_space<vmem>>, vector<16xf32>,
          %get3A_224 = arith.index_cast %scan3A_155 : i32 to index
          %get3A_225 = arith.constant 96 : index
          %get3A_226 = tpu.vector_load %arg10[%get3A_224, %get3A_225] {strides = array<i32>} : memref<128x128xf32, #tpu.memory_space<vmem>>, vector<16xf32>,
          %max3A_227 = arith.maximumf %get3A_223, %get3A_226 : vector<16xf32>
          %swap3A_228 = arith.index_cast %squeeze3A_162 : i32 to index
          %swap3A_229 = arith.constant 96 : index
          %swap3A_230 = tpu.vector_load %arg11[%swap3A_228, %swap3A_229] {strides = array<i32>} : memref<321x128xf32, #tpu.memory_space<vmem>>, vector<16xf32>,
          tpu.vector_store %arg11[%swap3A_228, %swap3A_229], %max3A_227 {strides = array<i32>} : memref<321x128xf32, #tpu.memory_space<vmem>>, vector<16xf32>,
          %get3A_231 = arith.index_cast %squeeze3A_162 : i32 to index
          %get3A_232 = arith.constant 112 : index
          %get3A_233 = tpu.vector_load %arg11[%get3A_231, %get3A_232] {strides = array<i32>} : memref<321x128xf32, #tpu.memory_space<vmem>>, vector<16xf32>,
          %get3A_234 = arith.index_cast %scan3A_155 : i32 to index
          %get3A_235 = arith.constant 112 : index
          %get3A_236 = tpu.vector_load %arg10[%get3A_234, %get3A_235] {strides = array<i32>} : memref<128x128xf32, #tpu.memory_space<vmem>>, vector<16xf32>,
          %max3A_237 = arith.maximumf %get3A_233, %get3A_236 : vector<16xf32>
          %swap3A_238 = arith.index_cast %squeeze3A_162 : i32 to index
          %swap3A_239 = arith.constant 112 : index
          %swap3A_240 = tpu.vector_load %arg11[%swap3A_238, %swap3A_239] {strides = array<i32>} : memref<321x128xf32, #tpu.memory_space<vmem>>, vector<16xf32>,
          tpu.vector_store %arg11[%swap3A_238, %swap3A_239], %max3A_237 {strides = array<i32>} : memref<321x128xf32, #tpu.memory_space<vmem>>, vector<16xf32>,
        }
        %scan3A_154 = arith.constant 128 : i32
      }
    }
    %while3A_42 = arith.constant 1 : i32
    scf.for %while3A_43 = %while3A_40 to %while3A_36 step %while3A_42  : i32 {
      %mul3A_44 = arith.constant 2048 : i32
      %mul3A_45 = arith.muli %while3A_43, %mul3A_44 : i32
      %add3A_46 = arith.addi %mul3A_4, %mul3A_45 : i32
      "tpu.region"() ({
        %run_scoped3A = tpu.sem_alloc : memref<!tpu.dma_semaphore, #tpu.memory_space<semaphore_mem>>
        %dma_start3A_118 = tpu.memref_slice %arg3[%add3A_46] : memref<10373120xi32, #tpu.memory_space<hbm>> -> memref<2048xi32, #tpu.memory_space<hbm>>
        %dma_start3A_119 = tpu.memref_slice %arg3[%add3A_46] : memref<10373120xi32, #tpu.memory_space<hbm>> -> memref<2048xi32, #tpu.memory_space<hbm>>
        tpu.enqueue_dma source(%dma_start3A_119 : memref<2048xi32, #tpu.memory_space<hbm>>) target(%arg7 : memref<2048xi32, #tpu.memory_space<vmem>>) target_semaphore(%run_scoped3A : memref<!tpu.dma_semaphore, #tpu.memory_space<semaphore_mem>>)
        %dma_wait3A = tpu.memref_slice %arg3[%add3A_46] : memref<10373120xi32, #tpu.memory_space<hbm>> -> memref<2048xi32, #tpu.memory_space<hbm>>
        %dma_wait3A_120 = tpu.memref_slice %arg3[%add3A_46] : memref<10373120xi32, #tpu.memory_space<hbm>> -> memref<2048xi32, #tpu.memory_space<hbm>>
        tpu.wait_dma2 semaphore(%run_scoped3A : memref<!tpu.dma_semaphore, #tpu.memory_space<semaphore_mem>>) src(%dma_wait3A_120 : memref<2048xi32, #tpu.memory_space<hbm>>) dst(%arg7 : memref<2048xi32, #tpu.memory_space<vmem>>)
        tpu.yield
      }) : () -> ()
      %add3A_47 = arith.addi %mul3A_4, %mul3A_45 : i32
      "tpu.region"() ({
        %run_scoped3A = tpu.sem_alloc : memref<!tpu.dma_semaphore, #tpu.memory_space<semaphore_mem>>
        %dma_start3A_118 = arith.constant 0 : i32
        %dma_start3A_119 = tpu.memref_slice %arg8[%dma_start3A_118] : memref<2064xi32, #tpu.memory_space<vmem>> -> memref<2048xi32, #tpu.memory_space<vmem>>
        %dma_start3A_120 = tpu.memref_slice %arg4[%add3A_47] : memref<10373120xi32, #tpu.memory_space<hbm>> -> memref<2048xi32, #tpu.memory_space<hbm>>
        %dma_start3A_121 = arith.constant 0 : i32
        %dma_start3A_122 = tpu.memref_slice %arg8[%dma_start3A_121] : memref<2064xi32, #tpu.memory_space<vmem>> -> memref<2048xi32, #tpu.memory_space<vmem>>
        %dma_start3A_123 = tpu.memref_slice %arg4[%add3A_47] : memref<10373120xi32, #tpu.memory_space<hbm>> -> memref<2048xi32, #tpu.memory_space<hbm>>
        tpu.enqueue_dma source(%dma_start3A_123 : memref<2048xi32, #tpu.memory_space<hbm>>) target(%dma_start3A_122 : memref<2048xi32, #tpu.memory_space<vmem>>) target_semaphore(%run_scoped3A : memref<!tpu.dma_semaphore, #tpu.memory_space<semaphore_mem>>)
        %dma_wait3A = arith.constant 0 : i32
        %dma_wait3A_124 = tpu.memref_slice %arg8[%dma_wait3A] : memref<2064xi32, #tpu.memory_space<vmem>> -> memref<2048xi32, #tpu.memory_space<vmem>>
        %dma_wait3A_125 = tpu.memref_slice %arg4[%add3A_47] : memref<10373120xi32, #tpu.memory_space<hbm>> -> memref<2048xi32, #tpu.memory_space<hbm>>
        %dma_wait3A_126 = arith.constant 0 : i32
        %dma_wait3A_127 = tpu.memref_slice %arg8[%dma_wait3A_126] : memref<2064xi32, #tpu.memory_space<vmem>> -> memref<2048xi32, #tpu.memory_space<vmem>>
        %dma_wait3A_128 = tpu.memref_slice %arg4[%add3A_47] : memref<10373120xi32, #tpu.memory_space<hbm>> -> memref<2048xi32, #tpu.memory_space<hbm>>
        tpu.wait_dma2 semaphore(%run_scoped3A : memref<!tpu.dma_semaphore, #tpu.memory_space<semaphore_mem>>) src(%dma_wait3A_128 : memref<2048xi32, #tpu.memory_space<hbm>>) dst(%dma_wait3A_127 : memref<2048xi32, #tpu.memory_space<vmem>>)
        tpu.yield
      }) : () -> ()
      %sub3A_48 = arith.subi %squeeze3A, %mul3A_45 : i32
      %add3A_49 = arith.constant 256 : i32
      %add3A_50 = arith.addi %sub3A_48, %add3A_49 : i32
      %sub3A_51 = arith.constant 1 : i32
      %sub3A_52 = arith.subi %add3A_50, %sub3A_51 : i32
      %jit3A_53 = arith.constant 256 : i32
      %div3A_54 = arith.divsi %sub3A_52, %jit3A_53 : i32
      %sign3A_55 = arith.constant 0 : i32
      %sign3A_56 = arith.cmpi sgt, %sub3A_52, %sign3A_55 : i32
      %sign3A_57 = arith.extui %sign3A_56 : i1 to i32
      %sign3A_58 = arith.constant 0 : i32
      %sign3A_59 = arith.cmpi slt, %sub3A_52, %sign3A_58 : i32
      %sign3A_60 = arith.extui %sign3A_59 : i1 to i32
      %sign3A_61 = arith.subi %sign3A_57, %sign3A_60 : i32
      %sign3A_62 = arith.constant 0 : i32
      %sign3A_63 = arith.cmpi sgt, %jit3A_53, %sign3A_62 : i32
      %sign3A_64 = arith.extui %sign3A_63 : i1 to i32
      %sign3A_65 = arith.constant 0 : i32
      %sign3A_66 = arith.cmpi slt, %jit3A_53, %sign3A_65 : i32
      %sign3A_67 = arith.extui %sign3A_66 : i1 to i32
      %sign3A_68 = arith.subi %sign3A_64, %sign3A_67 : i32
      %ne3A_69 = arith.cmpi ne, %sign3A_61, %sign3A_68 : i32
      %rem3A_70 = arith.remsi %sub3A_52, %jit3A_53 : i32
      %ne3A_71 = arith.constant 0 : i32
      %ne3A_72 = arith.cmpi ne, %rem3A_70, %ne3A_71 : i32
      %and3A_73 = arith.andi %ne3A_69, %ne3A_72 : i1
      %sub3A_74 = arith.constant 1 : i32
      %sub3A_75 = arith.subi %div3A_54, %sub3A_74 : i32
      %select_n3A_76 = arith.select %and3A_73, %sub3A_75, %div3A_54 : i32
      %mul3A_77 = arith.constant 2 : i32
      %mul3A_78 = arith.muli %select_n3A_76, %mul3A_77 : i32
      %min3A = arith.constant 16 : i32
      %min3A_79 = arith.minsi %mul3A_78, %min3A : i32
      %dma_start3A = arith.constant 0 : i32
      %dma_start3A_80 = tpu.memref_slice %arg7[%dma_start3A] : memref<2048xi32, #tpu.memory_space<vmem>> -> memref<128xi32, #tpu.memory_space<vmem>>
      %dma_start3A_81 = arith.constant 0 : i32
      %dma_start3A_82 = arith.constant 0 : i32
      %dma_start3A_83 = tpu.memref_slice %arg2[%dma_start3A_81, %dma_start3A_82] : memref<10000x128xf32, #tpu.memory_space<hbm>> -> memref<10000x128xf32, #tpu.memory_space<hbm>>
      tpu.enqueue_indirect_dma source(%dma_start3A_83 : memref<10000x128xf32, #tpu.memory_space<hbm>>) target(%arg9 : memref<128x128xf32, #tpu.memory_space<vmem>>) offsets(%dma_start3A_80 : memref<128xi32, #tpu.memory_space<vmem>>) semaphore(%arg12 : memref<!tpu.dma_semaphore, #tpu.memory_space<semaphore_mem>>)
      %jit3A_84 = arith.constant 2 : i32
      %div3A_85 = arith.divsi %min3A_79, %jit3A_84 : i32
      %sign3A_86 = arith.constant 0 : i32
      %sign3A_87 = arith.cmpi sgt, %min3A_79, %sign3A_86 : i32
      %sign3A_88 = arith.extui %sign3A_87 : i1 to i32
      %sign3A_89 = arith.constant 0 : i32
      %sign3A_90 = arith.cmpi slt, %min3A_79, %sign3A_89 : i32
      %sign3A_91 = arith.extui %sign3A_90 : i1 to i32
      %sign3A_92 = arith.subi %sign3A_88, %sign3A_91 : i32
      %sign3A_93 = arith.constant 0 : i32
      %sign3A_94 = arith.cmpi sgt, %jit3A_84, %sign3A_93 : i32
      %sign3A_95 = arith.extui %sign3A_94 : i1 to i32
      %sign3A_96 = arith.constant 0 : i32
      %sign3A_97 = arith.cmpi slt, %jit3A_84, %sign3A_96 : i32
      %sign3A_98 = arith.extui %sign3A_97 : i1 to i32
      %sign3A_99 = arith.subi %sign3A_95, %sign3A_98 : i32
      %ne3A_100 = arith.cmpi ne, %sign3A_92, %sign3A_99 : i32
      %rem3A_101 = arith.remsi %min3A_79, %jit3A_84 : i32
      %ne3A_102 = arith.constant 0 : i32
      %ne3A_103 = arith.cmpi ne, %rem3A_101, %ne3A_102 : i32
      %and3A_104 = arith.andi %ne3A_100, %ne3A_103 : i1
      %sub3A_105 = arith.constant 1 : i32
      %sub3A_106 = arith.subi %div3A_85, %sub3A_105 : i32
      %select_n3A_107 = arith.select %and3A_104, %sub3A_106, %div3A_85 : i32
      %while3A_108 = arith.constant 0 : i32
      %while3A_109 = arith.constant 0 : i32
      %while3A_110 = arith.subi %select_n3A_107, %while3A_109 : i32
      %while3A_111 = arith.addi %while3A_109, %while3A_110 : i32
      %while3A_112 = arith.constant 1 : i32
      %while3A_113 = arith.divsi %while3A_110, %while3A_112 : i32
      %while3A_114 = arith.muli %while3A_113, %while3A_112 : i32
      %while3A_115 = arith.addi %while3A_109, %while3A_114 : i32
      %while3A_116 = arith.constant 1 : i32
      scf.for %while3A_118 = %while3A_109 to %while3A_115 step %while3A_116  : i32 {
        %mul3A_119 = arith.constant 2 : i32
        %mul3A_120 = arith.muli %while3A_118, %mul3A_119 : i32
        %add3A_121 = arith.constant 1 : i32
        %add3A_122 = arith.addi %mul3A_120, %add3A_121 : i32
        %mul3A_123 = arith.constant 128 : i32
        %mul3A_124 = arith.muli %add3A_122, %mul3A_123 : i32
        %dma_start3A_125 = tpu.memref_slice %arg7[%mul3A_124] : memref<2048xi32, #tpu.memory_space<vmem>> -> memref<128xi32, #tpu.memory_space<vmem>>
        %dma_start3A_126 = arith.constant 0 : i32
        %dma_start3A_127 = arith.constant 0 : i32
        %dma_start3A_128 = tpu.memref_slice %arg2[%dma_start3A_126, %dma_start3A_127] : memref<10000x128xf32, #tpu.memory_space<hbm>> -> memref<10000x128xf32, #tpu.memory_space<hbm>>
        tpu.enqueue_indirect_dma source(%dma_start3A_128 : memref<10000x128xf32, #tpu.memory_space<hbm>>) target(%arg10 : memref<128x128xf32, #tpu.memory_space<vmem>>) offsets(%dma_start3A_125 : memref<128xi32, #tpu.memory_space<vmem>>) semaphore(%arg13 : memref<!tpu.dma_semaphore, #tpu.memory_space<semaphore_mem>>)
        %dma_wait3A = arith.constant 0 : i32
        %dma_wait3A_129 = tpu.memref_slice %arg7[%dma_wait3A] : memref<2048xi32, #tpu.memory_space<vmem>> -> memref<128xi32, #tpu.memory_space<vmem>>
        %dma_wait3A_130 = arith.constant 0 : i32
        %dma_wait3A_131 = arith.constant 0 : i32
        %dma_wait3A_132 = tpu.memref_slice %arg2[%dma_wait3A_130, %dma_wait3A_131] : memref<10000x128xf32, #tpu.memory_space<hbm>> -> memref<10000x128xf32, #tpu.memory_space<hbm>>
        tpu.wait_indirect_dma semaphore(%arg12 : memref<!tpu.dma_semaphore, #tpu.memory_space<semaphore_mem>>) src(%dma_wait3A_132 : memref<10000x128xf32, #tpu.memory_space<hbm>>) dst(%arg9 : memref<128x128xf32, #tpu.memory_space<vmem>>)
        %scan3A_133 = arith.constant 0 : i32
        %scan3A_134 = arith.constant 0 : i32
        %scan3A_135 = arith.constant 128 : i32
        %scan3A_136 = arith.addi %scan3A_134, %scan3A_135 : i32
        %scan3A_137 = arith.constant 1 : i32
        scf.for %scan3A_155 = %scan3A_134 to %scan3A_136 step %scan3A_137  : i32 {
          %mul3A_156 = arith.constant 128 : i32
          %mul3A_157 = arith.muli %mul3A_120, %mul3A_156 : i32
          %add3A_158 = arith.addi %mul3A_157, %scan3A_155 : i32
          %get3A_159 = arith.index_cast %add3A_158 : i32 to index
          %get3A_160 = tpu.vector_load %arg8[%get3A_159] {strides = array<i32>} : memref<2064xi32, #tpu.memory_space<vmem>>, vector<16xi32>,
          %slice3A_161 = vector.extract_strided_slice %get3A_160 {offsets = [0], sizes = [1], strides = [1]} : vector<16xi32> to vector<1xi32>
          %squeeze3A_162 = vector.extract %slice3A_161[0] : i32 from vector<1xi32>
          %get3A_163 = arith.index_cast %squeeze3A_162 : i32 to index
          %get3A_164 = arith.constant 0 : index
          %get3A_165 = tpu.vector_load %arg11[%get3A_163, %get3A_164] {strides = array<i32>} : memref<321x128xf32, #tpu.memory_space<vmem>>, vector<16xf32>,
          %get3A_166 = arith.index_cast %scan3A_155 : i32 to index
          %get3A_167 = arith.constant 0 : index
          %get3A_168 = tpu.vector_load %arg9[%get3A_166, %get3A_167] {strides = array<i32>} : memref<128x128xf32, #tpu.memory_space<vmem>>, vector<16xf32>,
          %max3A = arith.maximumf %get3A_165, %get3A_168 : vector<16xf32>
          %swap3A = arith.index_cast %squeeze3A_162 : i32 to index
          %swap3A_169 = arith.constant 0 : index
          %swap3A_170 = tpu.vector_load %arg11[%swap3A, %swap3A_169] {strides = array<i32>} : memref<321x128xf32, #tpu.memory_space<vmem>>, vector<16xf32>,
          tpu.vector_store %arg11[%swap3A, %swap3A_169], %max3A {strides = array<i32>} : memref<321x128xf32, #tpu.memory_space<vmem>>, vector<16xf32>,
          %get3A_171 = arith.index_cast %squeeze3A_162 : i32 to index
          %get3A_172 = arith.constant 16 : index
          %get3A_173 = tpu.vector_load %arg11[%get3A_171, %get3A_172] {strides = array<i32>} : memref<321x128xf32, #tpu.memory_space<vmem>>, vector<16xf32>,
          %get3A_174 = arith.index_cast %scan3A_155 : i32 to index
          %get3A_175 = arith.constant 16 : index
          %get3A_176 = tpu.vector_load %arg9[%get3A_174, %get3A_175] {strides = array<i32>} : memref<128x128xf32, #tpu.memory_space<vmem>>, vector<16xf32>,
          %max3A_177 = arith.maximumf %get3A_173, %get3A_176 : vector<16xf32>
          %swap3A_178 = arith.index_cast %squeeze3A_162 : i32 to index
          %swap3A_179 = arith.constant 16 : index
          %swap3A_180 = tpu.vector_load %arg11[%swap3A_178, %swap3A_179] {strides = array<i32>} : memref<321x128xf32, #tpu.memory_space<vmem>>, vector<16xf32>,
          tpu.vector_store %arg11[%swap3A_178, %swap3A_179], %max3A_177 {strides = array<i32>} : memref<321x128xf32, #tpu.memory_space<vmem>>, vector<16xf32>,
          %get3A_181 = arith.index_cast %squeeze3A_162 : i32 to index
          %get3A_182 = arith.constant 32 : index
          %get3A_183 = tpu.vector_load %arg11[%get3A_181, %get3A_182] {strides = array<i32>} : memref<321x128xf32, #tpu.memory_space<vmem>>, vector<16xf32>,
          %get3A_184 = arith.index_cast %scan3A_155 : i32 to index
          %get3A_185 = arith.constant 32 : index
          %get3A_186 = tpu.vector_load %arg9[%get3A_184, %get3A_185] {strides = array<i32>} : memref<128x128xf32, #tpu.memory_space<vmem>>, vector<16xf32>,
          %max3A_187 = arith.maximumf %get3A_183, %get3A_186 : vector<16xf32>
          %swap3A_188 = arith.index_cast %squeeze3A_162 : i32 to index
          %swap3A_189 = arith.constant 32 : index
          %swap3A_190 = tpu.vector_load %arg11[%swap3A_188, %swap3A_189] {strides = array<i32>} : memref<321x128xf32, #tpu.memory_space<vmem>>, vector<16xf32>,
          tpu.vector_store %arg11[%swap3A_188, %swap3A_189], %max3A_187 {strides = array<i32>} : memref<321x128xf32, #tpu.memory_space<vmem>>, vector<16xf32>,
          %get3A_191 = arith.index_cast %squeeze3A_162 : i32 to index
          %get3A_192 = arith.constant 48 : index
          %get3A_193 = tpu.vector_load %arg11[%get3A_191, %get3A_192] {strides = array<i32>} : memref<321x128xf32, #tpu.memory_space<vmem>>, vector<16xf32>,
          %get3A_194 = arith.index_cast %scan3A_155 : i32 to index
          %get3A_195 = arith.constant 48 : index
          %get3A_196 = tpu.vector_load %arg9[%get3A_194, %get3A_195] {strides = array<i32>} : memref<128x128xf32, #tpu.memory_space<vmem>>, vector<16xf32>,
          %max3A_197 = arith.maximumf %get3A_193, %get3A_196 : vector<16xf32>
          %swap3A_198 = arith.index_cast %squeeze3A_162 : i32 to index
          %swap3A_199 = arith.constant 48 : index
          %swap3A_200 = tpu.vector_load %arg11[%swap3A_198, %swap3A_199] {strides = array<i32>} : memref<321x128xf32, #tpu.memory_space<vmem>>, vector<16xf32>,
          tpu.vector_store %arg11[%swap3A_198, %swap3A_199], %max3A_197 {strides = array<i32>} : memref<321x128xf32, #tpu.memory_space<vmem>>, vector<16xf32>,
          %get3A_201 = arith.index_cast %squeeze3A_162 : i32 to index
          %get3A_202 = arith.constant 64 : index
          %get3A_203 = tpu.vector_load %arg11[%get3A_201, %get3A_202] {strides = array<i32>} : memref<321x128xf32, #tpu.memory_space<vmem>>, vector<16xf32>,
          %get3A_204 = arith.index_cast %scan3A_155 : i32 to index
          %get3A_205 = arith.constant 64 : index
          %get3A_206 = tpu.vector_load %arg9[%get3A_204, %get3A_205] {strides = array<i32>} : memref<128x128xf32, #tpu.memory_space<vmem>>, vector<16xf32>,
          %max3A_207 = arith.maximumf %get3A_203, %get3A_206 : vector<16xf32>
          %swap3A_208 = arith.index_cast %squeeze3A_162 : i32 to index
          %swap3A_209 = arith.constant 64 : index
          %swap3A_210 = tpu.vector_load %arg11[%swap3A_208, %swap3A_209] {strides = array<i32>} : memref<321x128xf32, #tpu.memory_space<vmem>>, vector<16xf32>,
          tpu.vector_store %arg11[%swap3A_208, %swap3A_209], %max3A_207 {strides = array<i32>} : memref<321x128xf32, #tpu.memory_space<vmem>>, vector<16xf32>,
          %get3A_211 = arith.index_cast %squeeze3A_162 : i32 to index
          %get3A_212 = arith.constant 80 : index
          %get3A_213 = tpu.vector_load %arg11[%get3A_211, %get3A_212] {strides = array<i32>} : memref<321x128xf32, #tpu.memory_space<vmem>>, vector<16xf32>,
          %get3A_214 = arith.index_cast %scan3A_155 : i32 to index
          %get3A_215 = arith.constant 80 : index
          %get3A_216 = tpu.vector_load %arg9[%get3A_214, %get3A_215] {strides = array<i32>} : memref<128x128xf32, #tpu.memory_space<vmem>>, vector<16xf32>,
          %max3A_217 = arith.maximumf %get3A_213, %get3A_216 : vector<16xf32>
          %swap3A_218 = arith.index_cast %squeeze3A_162 : i32 to index
          %swap3A_219 = arith.constant 80 : index
          %swap3A_220 = tpu.vector_load %arg11[%swap3A_218, %swap3A_219] {strides = array<i32>} : memref<321x128xf32, #tpu.memory_space<vmem>>, vector<16xf32>,
          tpu.vector_store %arg11[%swap3A_218, %swap3A_219], %max3A_217 {strides = array<i32>} : memref<321x128xf32, #tpu.memory_space<vmem>>, vector<16xf32>,
          %get3A_221 = arith.index_cast %squeeze3A_162 : i32 to index
          %get3A_222 = arith.constant 96 : index
          %get3A_223 = tpu.vector_load %arg11[%get3A_221, %get3A_222] {strides = array<i32>} : memref<321x128xf32, #tpu.memory_space<vmem>>, vector<16xf32>,
          %get3A_224 = arith.index_cast %scan3A_155 : i32 to index
          %get3A_225 = arith.constant 96 : index
          %get3A_226 = tpu.vector_load %arg9[%get3A_224, %get3A_225] {strides = array<i32>} : memref<128x128xf32, #tpu.memory_space<vmem>>, vector<16xf32>,
          %max3A_227 = arith.maximumf %get3A_223, %get3A_226 : vector<16xf32>
          %swap3A_228 = arith.index_cast %squeeze3A_162 : i32 to index
          %swap3A_229 = arith.constant 96 : index
          %swap3A_230 = tpu.vector_load %arg11[%swap3A_228, %swap3A_229] {strides = array<i32>} : memref<321x128xf32, #tpu.memory_space<vmem>>, vector<16xf32>,
          tpu.vector_store %arg11[%swap3A_228, %swap3A_229], %max3A_227 {strides = array<i32>} : memref<321x128xf32, #tpu.memory_space<vmem>>, vector<16xf32>,
          %get3A_231 = arith.index_cast %squeeze3A_162 : i32 to index
          %get3A_232 = arith.constant 112 : index
          %get3A_233 = tpu.vector_load %arg11[%get3A_231, %get3A_232] {strides = array<i32>} : memref<321x128xf32, #tpu.memory_space<vmem>>, vector<16xf32>,
          %get3A_234 = arith.index_cast %scan3A_155 : i32 to index
          %get3A_235 = arith.constant 112 : index
          %get3A_236 = tpu.vector_load %arg9[%get3A_234, %get3A_235] {strides = array<i32>} : memref<128x128xf32, #tpu.memory_space<vmem>>, vector<16xf32>,
          %max3A_237 = arith.maximumf %get3A_233, %get3A_236 : vector<16xf32>
          %swap3A_238 = arith.index_cast %squeeze3A_162 : i32 to index
          %swap3A_239 = arith.constant 112 : index
          %swap3A_240 = tpu.vector_load %arg11[%swap3A_238, %swap3A_239] {strides = array<i32>} : memref<321x128xf32, #tpu.memory_space<vmem>>, vector<16xf32>,
          tpu.vector_store %arg11[%swap3A_238, %swap3A_239], %max3A_237 {strides = array<i32>} : memref<321x128xf32, #tpu.memory_space<vmem>>, vector<16xf32>,
        }
        %scan3A_138 = arith.constant 128 : i32
        %add3A_139 = arith.constant 2 : i32
        %add3A_140 = arith.addi %mul3A_120, %add3A_139 : i32
        %lt3A = arith.cmpi slt, %add3A_140, %min3A_79 : i32
        %convert_element_type3A = arith.extui %lt3A : i1 to i32
        %cond3A = arith.constant 0 : i32
        %cond3A_141 = arith.cmpi ne, %convert_element_type3A, %cond3A : i32
        scf.if %cond3A_141 {
          %add3A_155 = arith.constant 2 : i32
          %add3A_156 = arith.addi %mul3A_120, %add3A_155 : i32
          %mul3A_157 = arith.constant 128 : i32
          %mul3A_158 = arith.muli %add3A_156, %mul3A_157 : i32
          %dma_start3A_159 = tpu.memref_slice %arg7[%mul3A_158] : memref<2048xi32, #tpu.memory_space<vmem>> -> memref<128xi32, #tpu.memory_space<vmem>>
          %dma_start3A_160 = arith.constant 0 : i32
          %dma_start3A_161 = arith.constant 0 : i32
          %dma_start3A_162 = tpu.memref_slice %arg2[%dma_start3A_160, %dma_start3A_161] : memref<10000x128xf32, #tpu.memory_space<hbm>> -> memref<10000x128xf32, #tpu.memory_space<hbm>>
          tpu.enqueue_indirect_dma source(%dma_start3A_162 : memref<10000x128xf32, #tpu.memory_space<hbm>>) target(%arg9 : memref<128x128xf32, #tpu.memory_space<vmem>>) offsets(%dma_start3A_159 : memref<128xi32, #tpu.memory_space<vmem>>) semaphore(%arg12 : memref<!tpu.dma_semaphore, #tpu.memory_space<semaphore_mem>>)
        } else {
        }
        %dma_wait3A_142 = arith.constant 0 : i32
        %dma_wait3A_143 = tpu.memref_slice %arg7[%dma_wait3A_142] : memref<2048xi32, #tpu.memory_space<vmem>> -> memref<128xi32, #tpu.memory_space<vmem>>
        %dma_wait3A_144 = arith.constant 0 : i32
        %dma_wait3A_145 = arith.constant 0 : i32
        %dma_wait3A_146 = tpu.memref_slice %arg2[%dma_wait3A_144, %dma_wait3A_145] : memref<10000x128xf32, #tpu.memory_space<hbm>> -> memref<10000x128xf32, #tpu.memory_space<hbm>>
        tpu.wait_indirect_dma semaphore(%arg13 : memref<!tpu.dma_semaphore, #tpu.memory_space<semaphore_mem>>) src(%dma_wait3A_146 : memref<10000x128xf32, #tpu.memory_space<hbm>>) dst(%arg10 : memref<128x128xf32, #tpu.memory_space<vmem>>)
        %add3A_147 = arith.constant 1 : i32
        %add3A_148 = arith.addi %mul3A_120, %add3A_147 : i32
        %scan3A_149 = arith.constant 0 : i32
        %scan3A_150 = arith.constant 0 : i32
        %scan3A_151 = arith.constant 128 : i32
        %scan3A_152 = arith.addi %scan3A_150, %scan3A_151 : i32
        %scan3A_153 = arith.constant 1 : i32
        scf.for %scan3A_155 = %scan3A_150 to %scan3A_152 step %scan3A_153  : i32 {
          %mul3A_156 = arith.constant 128 : i32
          %mul3A_157 = arith.muli %add3A_148, %mul3A_156 : i32
          %add3A_158 = arith.addi %mul3A_157, %scan3A_155 : i32
          %get3A_159 = arith.index_cast %add3A_158 : i32 to index
          %get3A_160 = tpu.vector_load %arg8[%get3A_159] {strides = array<i32>} : memref<2064xi32, #tpu.memory_space<vmem>>, vector<16xi32>,
          %slice3A_161 = vector.extract_strided_slice %get3A_160 {offsets = [0], sizes = [1], strides = [1]} : vector<16xi32> to vector<1xi32>
          %squeeze3A_162 = vector.extract %slice3A_161[0] : i32 from vector<1xi32>
          %get3A_163 = arith.index_cast %squeeze3A_162 : i32 to index
          %get3A_164 = arith.constant 0 : index
          %get3A_165 = tpu.vector_load %arg11[%get3A_163, %get3A_164] {strides = array<i32>} : memref<321x128xf32, #tpu.memory_space<vmem>>, vector<16xf32>,
          %get3A_166 = arith.index_cast %scan3A_155 : i32 to index
          %get3A_167 = arith.constant 0 : index
          %get3A_168 = tpu.vector_load %arg10[%get3A_166, %get3A_167] {strides = array<i32>} : memref<128x128xf32, #tpu.memory_space<vmem>>, vector<16xf32>,
          %max3A = arith.maximumf %get3A_165, %get3A_168 : vector<16xf32>
          %swap3A = arith.index_cast %squeeze3A_162 : i32 to index
          %swap3A_169 = arith.constant 0 : index
          %swap3A_170 = tpu.vector_load %arg11[%swap3A, %swap3A_169] {strides = array<i32>} : memref<321x128xf32, #tpu.memory_space<vmem>>, vector<16xf32>,
          tpu.vector_store %arg11[%swap3A, %swap3A_169], %max3A {strides = array<i32>} : memref<321x128xf32, #tpu.memory_space<vmem>>, vector<16xf32>,
          %get3A_171 = arith.index_cast %squeeze3A_162 : i32 to index
          %get3A_172 = arith.constant 16 : index
          %get3A_173 = tpu.vector_load %arg11[%get3A_171, %get3A_172] {strides = array<i32>} : memref<321x128xf32, #tpu.memory_space<vmem>>, vector<16xf32>,
          %get3A_174 = arith.index_cast %scan3A_155 : i32 to index
          %get3A_175 = arith.constant 16 : index
          %get3A_176 = tpu.vector_load %arg10[%get3A_174, %get3A_175] {strides = array<i32>} : memref<128x128xf32, #tpu.memory_space<vmem>>, vector<16xf32>,
          %max3A_177 = arith.maximumf %get3A_173, %get3A_176 : vector<16xf32>
          %swap3A_178 = arith.index_cast %squeeze3A_162 : i32 to index
          %swap3A_179 = arith.constant 16 : index
          %swap3A_180 = tpu.vector_load %arg11[%swap3A_178, %swap3A_179] {strides = array<i32>} : memref<321x128xf32, #tpu.memory_space<vmem>>, vector<16xf32>,
          tpu.vector_store %arg11[%swap3A_178, %swap3A_179], %max3A_177 {strides = array<i32>} : memref<321x128xf32, #tpu.memory_space<vmem>>, vector<16xf32>,
          %get3A_181 = arith.index_cast %squeeze3A_162 : i32 to index
          %get3A_182 = arith.constant 32 : index
          %get3A_183 = tpu.vector_load %arg11[%get3A_181, %get3A_182] {strides = array<i32>} : memref<321x128xf32, #tpu.memory_space<vmem>>, vector<16xf32>,
          %get3A_184 = arith.index_cast %scan3A_155 : i32 to index
          %get3A_185 = arith.constant 32 : index
          %get3A_186 = tpu.vector_load %arg10[%get3A_184, %get3A_185] {strides = array<i32>} : memref<128x128xf32, #tpu.memory_space<vmem>>, vector<16xf32>,
          %max3A_187 = arith.maximumf %get3A_183, %get3A_186 : vector<16xf32>
          %swap3A_188 = arith.index_cast %squeeze3A_162 : i32 to index
          %swap3A_189 = arith.constant 32 : index
          %swap3A_190 = tpu.vector_load %arg11[%swap3A_188, %swap3A_189] {strides = array<i32>} : memref<321x128xf32, #tpu.memory_space<vmem>>, vector<16xf32>,
          tpu.vector_store %arg11[%swap3A_188, %swap3A_189], %max3A_187 {strides = array<i32>} : memref<321x128xf32, #tpu.memory_space<vmem>>, vector<16xf32>,
          %get3A_191 = arith.index_cast %squeeze3A_162 : i32 to index
          %get3A_192 = arith.constant 48 : index
          %get3A_193 = tpu.vector_load %arg11[%get3A_191, %get3A_192] {strides = array<i32>} : memref<321x128xf32, #tpu.memory_space<vmem>>, vector<16xf32>,
          %get3A_194 = arith.index_cast %scan3A_155 : i32 to index
          %get3A_195 = arith.constant 48 : index
          %get3A_196 = tpu.vector_load %arg10[%get3A_194, %get3A_195] {strides = array<i32>} : memref<128x128xf32, #tpu.memory_space<vmem>>, vector<16xf32>,
          %max3A_197 = arith.maximumf %get3A_193, %get3A_196 : vector<16xf32>
          %swap3A_198 = arith.index_cast %squeeze3A_162 : i32 to index
          %swap3A_199 = arith.constant 48 : index
          %swap3A_200 = tpu.vector_load %arg11[%swap3A_198, %swap3A_199] {strides = array<i32>} : memref<321x128xf32, #tpu.memory_space<vmem>>, vector<16xf32>,
          tpu.vector_store %arg11[%swap3A_198, %swap3A_199], %max3A_197 {strides = array<i32>} : memref<321x128xf32, #tpu.memory_space<vmem>>, vector<16xf32>,
          %get3A_201 = arith.index_cast %squeeze3A_162 : i32 to index
          %get3A_202 = arith.constant 64 : index
          %get3A_203 = tpu.vector_load %arg11[%get3A_201, %get3A_202] {strides = array<i32>} : memref<321x128xf32, #tpu.memory_space<vmem>>, vector<16xf32>,
          %get3A_204 = arith.index_cast %scan3A_155 : i32 to index
          %get3A_205 = arith.constant 64 : index
          %get3A_206 = tpu.vector_load %arg10[%get3A_204, %get3A_205] {strides = array<i32>} : memref<128x128xf32, #tpu.memory_space<vmem>>, vector<16xf32>,
          %max3A_207 = arith.maximumf %get3A_203, %get3A_206 : vector<16xf32>
          %swap3A_208 = arith.index_cast %squeeze3A_162 : i32 to index
          %swap3A_209 = arith.constant 64 : index
          %swap3A_210 = tpu.vector_load %arg11[%swap3A_208, %swap3A_209] {strides = array<i32>} : memref<321x128xf32, #tpu.memory_space<vmem>>, vector<16xf32>,
          tpu.vector_store %arg11[%swap3A_208, %swap3A_209], %max3A_207 {strides = array<i32>} : memref<321x128xf32, #tpu.memory_space<vmem>>, vector<16xf32>,
          %get3A_211 = arith.index_cast %squeeze3A_162 : i32 to index
          %get3A_212 = arith.constant 80 : index
          %get3A_213 = tpu.vector_load %arg11[%get3A_211, %get3A_212] {strides = array<i32>} : memref<321x128xf32, #tpu.memory_space<vmem>>, vector<16xf32>,
          %get3A_214 = arith.index_cast %scan3A_155 : i32 to index
          %get3A_215 = arith.constant 80 : index
          %get3A_216 = tpu.vector_load %arg10[%get3A_214, %get3A_215] {strides = array<i32>} : memref<128x128xf32, #tpu.memory_space<vmem>>, vector<16xf32>,
          %max3A_217 = arith.maximumf %get3A_213, %get3A_216 : vector<16xf32>
          %swap3A_218 = arith.index_cast %squeeze3A_162 : i32 to index
          %swap3A_219 = arith.constant 80 : index
          %swap3A_220 = tpu.vector_load %arg11[%swap3A_218, %swap3A_219] {strides = array<i32>} : memref<321x128xf32, #tpu.memory_space<vmem>>, vector<16xf32>,
          tpu.vector_store %arg11[%swap3A_218, %swap3A_219], %max3A_217 {strides = array<i32>} : memref<321x128xf32, #tpu.memory_space<vmem>>, vector<16xf32>,
          %get3A_221 = arith.index_cast %squeeze3A_162 : i32 to index
          %get3A_222 = arith.constant 96 : index
          %get3A_223 = tpu.vector_load %arg11[%get3A_221, %get3A_222] {strides = array<i32>} : memref<321x128xf32, #tpu.memory_space<vmem>>, vector<16xf32>,
          %get3A_224 = arith.index_cast %scan3A_155 : i32 to index
          %get3A_225 = arith.constant 96 : index
          %get3A_226 = tpu.vector_load %arg10[%get3A_224, %get3A_225] {strides = array<i32>} : memref<128x128xf32, #tpu.memory_space<vmem>>, vector<16xf32>,
          %max3A_227 = arith.maximumf %get3A_223, %get3A_226 : vector<16xf32>
          %swap3A_228 = arith.index_cast %squeeze3A_162 : i32 to index
          %swap3A_229 = arith.constant 96 : index
          %swap3A_230 = tpu.vector_load %arg11[%swap3A_228, %swap3A_229] {strides = array<i32>} : memref<321x128xf32, #tpu.memory_space<vmem>>, vector<16xf32>,
          tpu.vector_store %arg11[%swap3A_228, %swap3A_229], %max3A_227 {strides = array<i32>} : memref<321x128xf32, #tpu.memory_space<vmem>>, vector<16xf32>,
          %get3A_231 = arith.index_cast %squeeze3A_162 : i32 to index
          %get3A_232 = arith.constant 112 : index
          %get3A_233 = tpu.vector_load %arg11[%get3A_231, %get3A_232] {strides = array<i32>} : memref<321x128xf32, #tpu.memory_space<vmem>>, vector<16xf32>,
          %get3A_234 = arith.index_cast %scan3A_155 : i32 to index
          %get3A_235 = arith.constant 112 : index
          %get3A_236 = tpu.vector_load %arg10[%get3A_234, %get3A_235] {strides = array<i32>} : memref<128x128xf32, #tpu.memory_space<vmem>>, vector<16xf32>,
          %max3A_237 = arith.maximumf %get3A_233, %get3A_236 : vector<16xf32>
          %swap3A_238 = arith.index_cast %squeeze3A_162 : i32 to index
          %swap3A_239 = arith.constant 112 : index
          %swap3A_240 = tpu.vector_load %arg11[%swap3A_238, %swap3A_239] {strides = array<i32>} : memref<321x128xf32, #tpu.memory_space<vmem>>, vector<16xf32>,
          tpu.vector_store %arg11[%swap3A_238, %swap3A_239], %max3A_237 {strides = array<i32>} : memref<321x128xf32, #tpu.memory_space<vmem>>, vector<16xf32>,
        }
        %scan3A_154 = arith.constant 128 : i32
      }
      %while3A_117 = arith.constant 1 : i32
      scf.for %while3A_118 = %while3A_115 to %while3A_111 step %while3A_117  : i32 {
        %mul3A_119 = arith.constant 2 : i32
        %mul3A_120 = arith.muli %while3A_118, %mul3A_119 : i32
        %add3A_121 = arith.constant 1 : i32
        %add3A_122 = arith.addi %mul3A_120, %add3A_121 : i32
        %mul3A_123 = arith.constant 128 : i32
        %mul3A_124 = arith.muli %add3A_122, %mul3A_123 : i32
        %dma_start3A_125 = tpu.memref_slice %arg7[%mul3A_124] : memref<2048xi32, #tpu.memory_space<vmem>> -> memref<128xi32, #tpu.memory_space<vmem>>
        %dma_start3A_126 = arith.constant 0 : i32
        %dma_start3A_127 = arith.constant 0 : i32
        %dma_start3A_128 = tpu.memref_slice %arg2[%dma_start3A_126, %dma_start3A_127] : memref<10000x128xf32, #tpu.memory_space<hbm>> -> memref<10000x128xf32, #tpu.memory_space<hbm>>
        tpu.enqueue_indirect_dma source(%dma_start3A_128 : memref<10000x128xf32, #tpu.memory_space<hbm>>) target(%arg10 : memref<128x128xf32, #tpu.memory_space<vmem>>) offsets(%dma_start3A_125 : memref<128xi32, #tpu.memory_space<vmem>>) semaphore(%arg13 : memref<!tpu.dma_semaphore, #tpu.memory_space<semaphore_mem>>)
        %dma_wait3A = arith.constant 0 : i32
        %dma_wait3A_129 = tpu.memref_slice %arg7[%dma_wait3A] : memref<2048xi32, #tpu.memory_space<vmem>> -> memref<128xi32, #tpu.memory_space<vmem>>
        %dma_wait3A_130 = arith.constant 0 : i32
        %dma_wait3A_131 = arith.constant 0 : i32
        %dma_wait3A_132 = tpu.memref_slice %arg2[%dma_wait3A_130, %dma_wait3A_131] : memref<10000x128xf32, #tpu.memory_space<hbm>> -> memref<10000x128xf32, #tpu.memory_space<hbm>>
        tpu.wait_indirect_dma semaphore(%arg12 : memref<!tpu.dma_semaphore, #tpu.memory_space<semaphore_mem>>) src(%dma_wait3A_132 : memref<10000x128xf32, #tpu.memory_space<hbm>>) dst(%arg9 : memref<128x128xf32, #tpu.memory_space<vmem>>)
        %scan3A_133 = arith.constant 0 : i32
        %scan3A_134 = arith.constant 0 : i32
        %scan3A_135 = arith.constant 128 : i32
        %scan3A_136 = arith.addi %scan3A_134, %scan3A_135 : i32
        %scan3A_137 = arith.constant 1 : i32
        scf.for %scan3A_155 = %scan3A_134 to %scan3A_136 step %scan3A_137  : i32 {
          %mul3A_156 = arith.constant 128 : i32
          %mul3A_157 = arith.muli %mul3A_120, %mul3A_156 : i32
          %add3A_158 = arith.addi %mul3A_157, %scan3A_155 : i32
          %get3A_159 = arith.index_cast %add3A_158 : i32 to index
          %get3A_160 = tpu.vector_load %arg8[%get3A_159] {strides = array<i32>} : memref<2064xi32, #tpu.memory_space<vmem>>, vector<16xi32>,
          %slice3A_161 = vector.extract_strided_slice %get3A_160 {offsets = [0], sizes = [1], strides = [1]} : vector<16xi32> to vector<1xi32>
          %squeeze3A_162 = vector.extract %slice3A_161[0] : i32 from vector<1xi32>
          %get3A_163 = arith.index_cast %squeeze3A_162 : i32 to index
          %get3A_164 = arith.constant 0 : index
          %get3A_165 = tpu.vector_load %arg11[%get3A_163, %get3A_164] {strides = array<i32>} : memref<321x128xf32, #tpu.memory_space<vmem>>, vector<16xf32>,
          %get3A_166 = arith.index_cast %scan3A_155 : i32 to index
          %get3A_167 = arith.constant 0 : index
          %get3A_168 = tpu.vector_load %arg9[%get3A_166, %get3A_167] {strides = array<i32>} : memref<128x128xf32, #tpu.memory_space<vmem>>, vector<16xf32>,
          %max3A = arith.maximumf %get3A_165, %get3A_168 : vector<16xf32>
          %swap3A = arith.index_cast %squeeze3A_162 : i32 to index
          %swap3A_169 = arith.constant 0 : index
          %swap3A_170 = tpu.vector_load %arg11[%swap3A, %swap3A_169] {strides = array<i32>} : memref<321x128xf32, #tpu.memory_space<vmem>>, vector<16xf32>,
          tpu.vector_store %arg11[%swap3A, %swap3A_169], %max3A {strides = array<i32>} : memref<321x128xf32, #tpu.memory_space<vmem>>, vector<16xf32>,
          %get3A_171 = arith.index_cast %squeeze3A_162 : i32 to index
          %get3A_172 = arith.constant 16 : index
          %get3A_173 = tpu.vector_load %arg11[%get3A_171, %get3A_172] {strides = array<i32>} : memref<321x128xf32, #tpu.memory_space<vmem>>, vector<16xf32>,
          %get3A_174 = arith.index_cast %scan3A_155 : i32 to index
          %get3A_175 = arith.constant 16 : index
          %get3A_176 = tpu.vector_load %arg9[%get3A_174, %get3A_175] {strides = array<i32>} : memref<128x128xf32, #tpu.memory_space<vmem>>, vector<16xf32>,
          %max3A_177 = arith.maximumf %get3A_173, %get3A_176 : vector<16xf32>
          %swap3A_178 = arith.index_cast %squeeze3A_162 : i32 to index
          %swap3A_179 = arith.constant 16 : index
          %swap3A_180 = tpu.vector_load %arg11[%swap3A_178, %swap3A_179] {strides = array<i32>} : memref<321x128xf32, #tpu.memory_space<vmem>>, vector<16xf32>,
          tpu.vector_store %arg11[%swap3A_178, %swap3A_179], %max3A_177 {strides = array<i32>} : memref<321x128xf32, #tpu.memory_space<vmem>>, vector<16xf32>,
          %get3A_181 = arith.index_cast %squeeze3A_162 : i32 to index
          %get3A_182 = arith.constant 32 : index
          %get3A_183 = tpu.vector_load %arg11[%get3A_181, %get3A_182] {strides = array<i32>} : memref<321x128xf32, #tpu.memory_space<vmem>>, vector<16xf32>,
          %get3A_184 = arith.index_cast %scan3A_155 : i32 to index
          %get3A_185 = arith.constant 32 : index
          %get3A_186 = tpu.vector_load %arg9[%get3A_184, %get3A_185] {strides = array<i32>} : memref<128x128xf32, #tpu.memory_space<vmem>>, vector<16xf32>,
          %max3A_187 = arith.maximumf %get3A_183, %get3A_186 : vector<16xf32>
          %swap3A_188 = arith.index_cast %squeeze3A_162 : i32 to index
          %swap3A_189 = arith.constant 32 : index
          %swap3A_190 = tpu.vector_load %arg11[%swap3A_188, %swap3A_189] {strides = array<i32>} : memref<321x128xf32, #tpu.memory_space<vmem>>, vector<16xf32>,
          tpu.vector_store %arg11[%swap3A_188, %swap3A_189], %max3A_187 {strides = array<i32>} : memref<321x128xf32, #tpu.memory_space<vmem>>, vector<16xf32>,
          %get3A_191 = arith.index_cast %squeeze3A_162 : i32 to index
          %get3A_192 = arith.constant 48 : index
          %get3A_193 = tpu.vector_load %arg11[%get3A_191, %get3A_192] {strides = array<i32>} : memref<321x128xf32, #tpu.memory_space<vmem>>, vector<16xf32>,
          %get3A_194 = arith.index_cast %scan3A_155 : i32 to index
          %get3A_195 = arith.constant 48 : index
          %get3A_196 = tpu.vector_load %arg9[%get3A_194, %get3A_195] {strides = array<i32>} : memref<128x128xf32, #tpu.memory_space<vmem>>, vector<16xf32>,
          %max3A_197 = arith.maximumf %get3A_193, %get3A_196 : vector<16xf32>
          %swap3A_198 = arith.index_cast %squeeze3A_162 : i32 to index
          %swap3A_199 = arith.constant 48 : index
          %swap3A_200 = tpu.vector_load %arg11[%swap3A_198, %swap3A_199] {strides = array<i32>} : memref<321x128xf32, #tpu.memory_space<vmem>>, vector<16xf32>,
          tpu.vector_store %arg11[%swap3A_198, %swap3A_199], %max3A_197 {strides = array<i32>} : memref<321x128xf32, #tpu.memory_space<vmem>>, vector<16xf32>,
          %get3A_201 = arith.index_cast %squeeze3A_162 : i32 to index
          %get3A_202 = arith.constant 64 : index
          %get3A_203 = tpu.vector_load %arg11[%get3A_201, %get3A_202] {strides = array<i32>} : memref<321x128xf32, #tpu.memory_space<vmem>>, vector<16xf32>,
          %get3A_204 = arith.index_cast %scan3A_155 : i32 to index
          %get3A_205 = arith.constant 64 : index
          %get3A_206 = tpu.vector_load %arg9[%get3A_204, %get3A_205] {strides = array<i32>} : memref<128x128xf32, #tpu.memory_space<vmem>>, vector<16xf32>,
          %max3A_207 = arith.maximumf %get3A_203, %get3A_206 : vector<16xf32>
          %swap3A_208 = arith.index_cast %squeeze3A_162 : i32 to index
          %swap3A_209 = arith.constant 64 : index
          %swap3A_210 = tpu.vector_load %arg11[%swap3A_208, %swap3A_209] {strides = array<i32>} : memref<321x128xf32, #tpu.memory_space<vmem>>, vector<16xf32>,
          tpu.vector_store %arg11[%swap3A_208, %swap3A_209], %max3A_207 {strides = array<i32>} : memref<321x128xf32, #tpu.memory_space<vmem>>, vector<16xf32>,
          %get3A_211 = arith.index_cast %squeeze3A_162 : i32 to index
          %get3A_212 = arith.constant 80 : index
          %get3A_213 = tpu.vector_load %arg11[%get3A_211, %get3A_212] {strides = array<i32>} : memref<321x128xf32, #tpu.memory_space<vmem>>, vector<16xf32>,
          %get3A_214 = arith.index_cast %scan3A_155 : i32 to index
          %get3A_215 = arith.constant 80 : index
          %get3A_216 = tpu.vector_load %arg9[%get3A_214, %get3A_215] {strides = array<i32>} : memref<128x128xf32, #tpu.memory_space<vmem>>, vector<16xf32>,
          %max3A_217 = arith.maximumf %get3A_213, %get3A_216 : vector<16xf32>
          %swap3A_218 = arith.index_cast %squeeze3A_162 : i32 to index
          %swap3A_219 = arith.constant 80 : index
          %swap3A_220 = tpu.vector_load %arg11[%swap3A_218, %swap3A_219] {strides = array<i32>} : memref<321x128xf32, #tpu.memory_space<vmem>>, vector<16xf32>,
          tpu.vector_store %arg11[%swap3A_218, %swap3A_219], %max3A_217 {strides = array<i32>} : memref<321x128xf32, #tpu.memory_space<vmem>>, vector<16xf32>,
          %get3A_221 = arith.index_cast %squeeze3A_162 : i32 to index
          %get3A_222 = arith.constant 96 : index
          %get3A_223 = tpu.vector_load %arg11[%get3A_221, %get3A_222] {strides = array<i32>} : memref<321x128xf32, #tpu.memory_space<vmem>>, vector<16xf32>,
          %get3A_224 = arith.index_cast %scan3A_155 : i32 to index
          %get3A_225 = arith.constant 96 : index
          %get3A_226 = tpu.vector_load %arg9[%get3A_224, %get3A_225] {strides = array<i32>} : memref<128x128xf32, #tpu.memory_space<vmem>>, vector<16xf32>,
          %max3A_227 = arith.maximumf %get3A_223, %get3A_226 : vector<16xf32>
          %swap3A_228 = arith.index_cast %squeeze3A_162 : i32 to index
          %swap3A_229 = arith.constant 96 : index
          %swap3A_230 = tpu.vector_load %arg11[%swap3A_228, %swap3A_229] {strides = array<i32>} : memref<321x128xf32, #tpu.memory_space<vmem>>, vector<16xf32>,
          tpu.vector_store %arg11[%swap3A_228, %swap3A_229], %max3A_227 {strides = array<i32>} : memref<321x128xf32, #tpu.memory_space<vmem>>, vector<16xf32>,
          %get3A_231 = arith.index_cast %squeeze3A_162 : i32 to index
          %get3A_232 = arith.constant 112 : index
          %get3A_233 = tpu.vector_load %arg11[%get3A_231, %get3A_232] {strides = array<i32>} : memref<321x128xf32, #tpu.memory_space<vmem>>, vector<16xf32>,
          %get3A_234 = arith.index_cast %scan3A_155 : i32 to index
          %get3A_235 = arith.constant 112 : index
          %get3A_236 = tpu.vector_load %arg9[%get3A_234, %get3A_235] {strides = array<i32>} : memref<128x128xf32, #tpu.memory_space<vmem>>, vector<16xf32>,
          %max3A_237 = arith.maximumf %get3A_233, %get3A_236 : vector<16xf32>
          %swap3A_238 = arith.index_cast %squeeze3A_162 : i32 to index
          %swap3A_239 = arith.constant 112 : index
          %swap3A_240 = tpu.vector_load %arg11[%swap3A_238, %swap3A_239] {strides = array<i32>} : memref<321x128xf32, #tpu.memory_space<vmem>>, vector<16xf32>,
          tpu.vector_store %arg11[%swap3A_238, %swap3A_239], %max3A_237 {strides = array<i32>} : memref<321x128xf32, #tpu.memory_space<vmem>>, vector<16xf32>,
        }
        %scan3A_138 = arith.constant 128 : i32
        %add3A_139 = arith.constant 2 : i32
        %add3A_140 = arith.addi %mul3A_120, %add3A_139 : i32
        %lt3A = arith.cmpi slt, %add3A_140, %min3A_79 : i32
        %convert_element_type3A = arith.extui %lt3A : i1 to i32
        %cond3A = arith.constant 0 : i32
        %cond3A_141 = arith.cmpi ne, %convert_element_type3A, %cond3A : i32
        scf.if %cond3A_141 {
          %add3A_155 = arith.constant 2 : i32
          %add3A_156 = arith.addi %mul3A_120, %add3A_155 : i32
          %mul3A_157 = arith.constant 128 : i32
          %mul3A_158 = arith.muli %add3A_156, %mul3A_157 : i32
          %dma_start3A_159 = tpu.memref_slice %arg7[%mul3A_158] : memref<2048xi32, #tpu.memory_space<vmem>> -> memref<128xi32, #tpu.memory_space<vmem>>
          %dma_start3A_160 = arith.constant 0 : i32
          %dma_start3A_161 = arith.constant 0 : i32
          %dma_start3A_162 = tpu.memref_slice %arg2[%dma_start3A_160, %dma_start3A_161] : memref<10000x128xf32, #tpu.memory_space<hbm>> -> memref<10000x128xf32, #tpu.memory_space<hbm>>
          tpu.enqueue_indirect_dma source(%dma_start3A_162 : memref<10000x128xf32, #tpu.memory_space<hbm>>) target(%arg9 : memref<128x128xf32, #tpu.memory_space<vmem>>) offsets(%dma_start3A_159 : memref<128xi32, #tpu.memory_space<vmem>>) semaphore(%arg12 : memref<!tpu.dma_semaphore, #tpu.memory_space<semaphore_mem>>)
        } else {
        }
        %dma_wait3A_142 = arith.constant 0 : i32
        %dma_wait3A_143 = tpu.memref_slice %arg7[%dma_wait3A_142] : memref<2048xi32, #tpu.memory_space<vmem>> -> memref<128xi32, #tpu.memory_space<vmem>>
        %dma_wait3A_144 = arith.constant 0 : i32
        %dma_wait3A_145 = arith.constant 0 : i32
        %dma_wait3A_146 = tpu.memref_slice %arg2[%dma_wait3A_144, %dma_wait3A_145] : memref<10000x128xf32, #tpu.memory_space<hbm>> -> memref<10000x128xf32, #tpu.memory_space<hbm>>
        tpu.wait_indirect_dma semaphore(%arg13 : memref<!tpu.dma_semaphore, #tpu.memory_space<semaphore_mem>>) src(%dma_wait3A_146 : memref<10000x128xf32, #tpu.memory_space<hbm>>) dst(%arg10 : memref<128x128xf32, #tpu.memory_space<vmem>>)
        %add3A_147 = arith.constant 1 : i32
        %add3A_148 = arith.addi %mul3A_120, %add3A_147 : i32
        %scan3A_149 = arith.constant 0 : i32
        %scan3A_150 = arith.constant 0 : i32
        %scan3A_151 = arith.constant 128 : i32
        %scan3A_152 = arith.addi %scan3A_150, %scan3A_151 : i32
        %scan3A_153 = arith.constant 1 : i32
        scf.for %scan3A_155 = %scan3A_150 to %scan3A_152 step %scan3A_153  : i32 {
          %mul3A_156 = arith.constant 128 : i32
          %mul3A_157 = arith.muli %add3A_148, %mul3A_156 : i32
          %add3A_158 = arith.addi %mul3A_157, %scan3A_155 : i32
          %get3A_159 = arith.index_cast %add3A_158 : i32 to index
          %get3A_160 = tpu.vector_load %arg8[%get3A_159] {strides = array<i32>} : memref<2064xi32, #tpu.memory_space<vmem>>, vector<16xi32>,
          %slice3A_161 = vector.extract_strided_slice %get3A_160 {offsets = [0], sizes = [1], strides = [1]} : vector<16xi32> to vector<1xi32>
          %squeeze3A_162 = vector.extract %slice3A_161[0] : i32 from vector<1xi32>
          %get3A_163 = arith.index_cast %squeeze3A_162 : i32 to index
          %get3A_164 = arith.constant 0 : index
          %get3A_165 = tpu.vector_load %arg11[%get3A_163, %get3A_164] {strides = array<i32>} : memref<321x128xf32, #tpu.memory_space<vmem>>, vector<16xf32>,
          %get3A_166 = arith.index_cast %scan3A_155 : i32 to index
          %get3A_167 = arith.constant 0 : index
          %get3A_168 = tpu.vector_load %arg10[%get3A_166, %get3A_167] {strides = array<i32>} : memref<128x128xf32, #tpu.memory_space<vmem>>, vector<16xf32>,
          %max3A = arith.maximumf %get3A_165, %get3A_168 : vector<16xf32>
          %swap3A = arith.index_cast %squeeze3A_162 : i32 to index
          %swap3A_169 = arith.constant 0 : index
          %swap3A_170 = tpu.vector_load %arg11[%swap3A, %swap3A_169] {strides = array<i32>} : memref<321x128xf32, #tpu.memory_space<vmem>>, vector<16xf32>,
          tpu.vector_store %arg11[%swap3A, %swap3A_169], %max3A {strides = array<i32>} : memref<321x128xf32, #tpu.memory_space<vmem>>, vector<16xf32>,
          %get3A_171 = arith.index_cast %squeeze3A_162 : i32 to index
          %get3A_172 = arith.constant 16 : index
          %get3A_173 = tpu.vector_load %arg11[%get3A_171, %get3A_172] {strides = array<i32>} : memref<321x128xf32, #tpu.memory_space<vmem>>, vector<16xf32>,
          %get3A_174 = arith.index_cast %scan3A_155 : i32 to index
          %get3A_175 = arith.constant 16 : index
          %get3A_176 = tpu.vector_load %arg10[%get3A_174, %get3A_175] {strides = array<i32>} : memref<128x128xf32, #tpu.memory_space<vmem>>, vector<16xf32>,
          %max3A_177 = arith.maximumf %get3A_173, %get3A_176 : vector<16xf32>
          %swap3A_178 = arith.index_cast %squeeze3A_162 : i32 to index
          %swap3A_179 = arith.constant 16 : index
          %swap3A_180 = tpu.vector_load %arg11[%swap3A_178, %swap3A_179] {strides = array<i32>} : memref<321x128xf32, #tpu.memory_space<vmem>>, vector<16xf32>,
          tpu.vector_store %arg11[%swap3A_178, %swap3A_179], %max3A_177 {strides = array<i32>} : memref<321x128xf32, #tpu.memory_space<vmem>>, vector<16xf32>,
          %get3A_181 = arith.index_cast %squeeze3A_162 : i32 to index
          %get3A_182 = arith.constant 32 : index
          %get3A_183 = tpu.vector_load %arg11[%get3A_181, %get3A_182] {strides = array<i32>} : memref<321x128xf32, #tpu.memory_space<vmem>>, vector<16xf32>,
          %get3A_184 = arith.index_cast %scan3A_155 : i32 to index
          %get3A_185 = arith.constant 32 : index
          %get3A_186 = tpu.vector_load %arg10[%get3A_184, %get3A_185] {strides = array<i32>} : memref<128x128xf32, #tpu.memory_space<vmem>>, vector<16xf32>,
          %max3A_187 = arith.maximumf %get3A_183, %get3A_186 : vector<16xf32>
          %swap3A_188 = arith.index_cast %squeeze3A_162 : i32 to index
          %swap3A_189 = arith.constant 32 : index
          %swap3A_190 = tpu.vector_load %arg11[%swap3A_188, %swap3A_189] {strides = array<i32>} : memref<321x128xf32, #tpu.memory_space<vmem>>, vector<16xf32>,
          tpu.vector_store %arg11[%swap3A_188, %swap3A_189], %max3A_187 {strides = array<i32>} : memref<321x128xf32, #tpu.memory_space<vmem>>, vector<16xf32>,
          %get3A_191 = arith.index_cast %squeeze3A_162 : i32 to index
          %get3A_192 = arith.constant 48 : index
          %get3A_193 = tpu.vector_load %arg11[%get3A_191, %get3A_192] {strides = array<i32>} : memref<321x128xf32, #tpu.memory_space<vmem>>, vector<16xf32>,
          %get3A_194 = arith.index_cast %scan3A_155 : i32 to index
          %get3A_195 = arith.constant 48 : index
          %get3A_196 = tpu.vector_load %arg10[%get3A_194, %get3A_195] {strides = array<i32>} : memref<128x128xf32, #tpu.memory_space<vmem>>, vector<16xf32>,
          %max3A_197 = arith.maximumf %get3A_193, %get3A_196 : vector<16xf32>
          %swap3A_198 = arith.index_cast %squeeze3A_162 : i32 to index
          %swap3A_199 = arith.constant 48 : index
          %swap3A_200 = tpu.vector_load %arg11[%swap3A_198, %swap3A_199] {strides = array<i32>} : memref<321x128xf32, #tpu.memory_space<vmem>>, vector<16xf32>,
          tpu.vector_store %arg11[%swap3A_198, %swap3A_199], %max3A_197 {strides = array<i32>} : memref<321x128xf32, #tpu.memory_space<vmem>>, vector<16xf32>,
          %get3A_201 = arith.index_cast %squeeze3A_162 : i32 to index
          %get3A_202 = arith.constant 64 : index
          %get3A_203 = tpu.vector_load %arg11[%get3A_201, %get3A_202] {strides = array<i32>} : memref<321x128xf32, #tpu.memory_space<vmem>>, vector<16xf32>,
          %get3A_204 = arith.index_cast %scan3A_155 : i32 to index
          %get3A_205 = arith.constant 64 : index
          %get3A_206 = tpu.vector_load %arg10[%get3A_204, %get3A_205] {strides = array<i32>} : memref<128x128xf32, #tpu.memory_space<vmem>>, vector<16xf32>,
          %max3A_207 = arith.maximumf %get3A_203, %get3A_206 : vector<16xf32>
          %swap3A_208 = arith.index_cast %squeeze3A_162 : i32 to index
          %swap3A_209 = arith.constant 64 : index
          %swap3A_210 = tpu.vector_load %arg11[%swap3A_208, %swap3A_209] {strides = array<i32>} : memref<321x128xf32, #tpu.memory_space<vmem>>, vector<16xf32>,
          tpu.vector_store %arg11[%swap3A_208, %swap3A_209], %max3A_207 {strides = array<i32>} : memref<321x128xf32, #tpu.memory_space<vmem>>, vector<16xf32>,
          %get3A_211 = arith.index_cast %squeeze3A_162 : i32 to index
          %get3A_212 = arith.constant 80 : index
          %get3A_213 = tpu.vector_load %arg11[%get3A_211, %get3A_212] {strides = array<i32>} : memref<321x128xf32, #tpu.memory_space<vmem>>, vector<16xf32>,
          %get3A_214 = arith.index_cast %scan3A_155 : i32 to index
          %get3A_215 = arith.constant 80 : index
          %get3A_216 = tpu.vector_load %arg10[%get3A_214, %get3A_215] {strides = array<i32>} : memref<128x128xf32, #tpu.memory_space<vmem>>, vector<16xf32>,
          %max3A_217 = arith.maximumf %get3A_213, %get3A_216 : vector<16xf32>
          %swap3A_218 = arith.index_cast %squeeze3A_162 : i32 to index
          %swap3A_219 = arith.constant 80 : index
          %swap3A_220 = tpu.vector_load %arg11[%swap3A_218, %swap3A_219] {strides = array<i32>} : memref<321x128xf32, #tpu.memory_space<vmem>>, vector<16xf32>,
          tpu.vector_store %arg11[%swap3A_218, %swap3A_219], %max3A_217 {strides = array<i32>} : memref<321x128xf32, #tpu.memory_space<vmem>>, vector<16xf32>,
          %get3A_221 = arith.index_cast %squeeze3A_162 : i32 to index
          %get3A_222 = arith.constant 96 : index
          %get3A_223 = tpu.vector_load %arg11[%get3A_221, %get3A_222] {strides = array<i32>} : memref<321x128xf32, #tpu.memory_space<vmem>>, vector<16xf32>,
          %get3A_224 = arith.index_cast %scan3A_155 : i32 to index
          %get3A_225 = arith.constant 96 : index
          %get3A_226 = tpu.vector_load %arg10[%get3A_224, %get3A_225] {strides = array<i32>} : memref<128x128xf32, #tpu.memory_space<vmem>>, vector<16xf32>,
          %max3A_227 = arith.maximumf %get3A_223, %get3A_226 : vector<16xf32>
          %swap3A_228 = arith.index_cast %squeeze3A_162 : i32 to index
          %swap3A_229 = arith.constant 96 : index
          %swap3A_230 = tpu.vector_load %arg11[%swap3A_228, %swap3A_229] {strides = array<i32>} : memref<321x128xf32, #tpu.memory_space<vmem>>, vector<16xf32>,
          tpu.vector_store %arg11[%swap3A_228, %swap3A_229], %max3A_227 {strides = array<i32>} : memref<321x128xf32, #tpu.memory_space<vmem>>, vector<16xf32>,
          %get3A_231 = arith.index_cast %squeeze3A_162 : i32 to index
          %get3A_232 = arith.constant 112 : index
          %get3A_233 = tpu.vector_load %arg11[%get3A_231, %get3A_232] {strides = array<i32>} : memref<321x128xf32, #tpu.memory_space<vmem>>, vector<16xf32>,
          %get3A_234 = arith.index_cast %scan3A_155 : i32 to index
          %get3A_235 = arith.constant 112 : index
          %get3A_236 = tpu.vector_load %arg10[%get3A_234, %get3A_235] {strides = array<i32>} : memref<128x128xf32, #tpu.memory_space<vmem>>, vector<16xf32>,
          %max3A_237 = arith.maximumf %get3A_233, %get3A_236 : vector<16xf32>
          %swap3A_238 = arith.index_cast %squeeze3A_162 : i32 to index
          %swap3A_239 = arith.constant 112 : index
          %swap3A_240 = tpu.vector_load %arg11[%swap3A_238, %swap3A_239] {strides = array<i32>} : memref<321x128xf32, #tpu.memory_space<vmem>>, vector<16xf32>,
          tpu.vector_store %arg11[%swap3A_238, %swap3A_239], %max3A_237 {strides = array<i32>} : memref<321x128xf32, #tpu.memory_space<vmem>>, vector<16xf32>,
        }
        %scan3A_154 = arith.constant 128 : i32
      }
    }
    "tpu.region"() ({
      %run_scoped3A = tpu.sem_alloc : memref<!tpu.dma_semaphore, #tpu.memory_space<semaphore_mem>>
      %dma_start3A = arith.constant 0 : i32
      %dma_start3A_43 = arith.constant 0 : i32
      %dma_start3A_44 = tpu.memref_slice %arg11[%dma_start3A, %dma_start3A_43] : memref<321x128xf32, #tpu.memory_space<vmem>> -> memref<320x128xf32, #tpu.memory_space<vmem>>
      %dma_start3A_45 = arith.constant 0 : i32
      %dma_start3A_46 = tpu.memref_slice %arg6[%mul3A_2, %dma_start3A_45] : memref<10240x128xf32, #tpu.memory_space<hbm>> -> memref<320x128xf32, #tpu.memory_space<hbm>>
      %dma_start3A_47 = arith.constant 0 : i32
      %dma_start3A_48 = tpu.memref_slice %arg6[%mul3A_2, %dma_start3A_47] : memref<10240x128xf32, #tpu.memory_space<hbm>> -> memref<320x128xf32, #tpu.memory_space<hbm>>
      %dma_start3A_49 = arith.constant 0 : i32
      %dma_start3A_50 = arith.constant 0 : i32
      %dma_start3A_51 = tpu.memref_slice %arg11[%dma_start3A_49, %dma_start3A_50] : memref<321x128xf32, #tpu.memory_space<vmem>> -> memref<320x128xf32, #tpu.memory_space<vmem>>
      tpu.enqueue_dma source(%dma_start3A_51 : memref<320x128xf32, #tpu.memory_space<vmem>>) target(%dma_start3A_48 : memref<320x128xf32, #tpu.memory_space<hbm>>) target_semaphore(%run_scoped3A : memref<!tpu.dma_semaphore, #tpu.memory_space<semaphore_mem>>)
      %dma_wait3A = arith.constant 0 : i32
      %dma_wait3A_52 = arith.constant 0 : i32
      %dma_wait3A_53 = tpu.memref_slice %arg11[%dma_wait3A, %dma_wait3A_52] : memref<321x128xf32, #tpu.memory_space<vmem>> -> memref<320x128xf32, #tpu.memory_space<vmem>>
      %dma_wait3A_54 = arith.constant 0 : i32
      %dma_wait3A_55 = tpu.memref_slice %arg6[%mul3A_2, %dma_wait3A_54] : memref<10240x128xf32, #tpu.memory_space<hbm>> -> memref<320x128xf32, #tpu.memory_space<hbm>>
      %dma_wait3A_56 = arith.constant 0 : i32
      %dma_wait3A_57 = tpu.memref_slice %arg6[%mul3A_2, %dma_wait3A_56] : memref<10240x128xf32, #tpu.memory_space<hbm>> -> memref<320x128xf32, #tpu.memory_space<hbm>>
      %dma_wait3A_58 = arith.constant 0 : i32
      %dma_wait3A_59 = arith.constant 0 : i32
      %dma_wait3A_60 = tpu.memref_slice %arg11[%dma_wait3A_58, %dma_wait3A_59] : memref<321x128xf32, #tpu.memory_space<vmem>> -> memref<320x128xf32, #tpu.memory_space<vmem>>
      tpu.wait_dma2 semaphore(%run_scoped3A : memref<!tpu.dma_semaphore, #tpu.memory_space<semaphore_mem>>) src(%dma_wait3A_60 : memref<320x128xf32, #tpu.memory_space<vmem>>) dst(%dma_wait3A_57 : memref<320x128xf32, #tpu.memory_space<hbm>>)
      tpu.yield
    }) : () -> ()
    return
  }
}

#map = affine_map<(d0, d1) -> (0)>
module attributes {stable_mosaic.version = 14 : i64} {
  func.func @_build_body(%arg0: i32, %arg1: i32, %arg2: memref<320000xi32, #tpu.memory_space<hbm>>, %arg3: memref<320000xi32, #tpu.memory_space<hbm>>, %arg4: memref<10373120xi32, #tpu.memory_space<hbm>>, %arg5: memref<10373120xi32, #tpu.memory_space<hbm>>, %arg6: memref<512xi32, #tpu.memory_space<hbm>>, %arg7: memref<6400xi32, #tpu.memory_space<vmem>>, %arg8: memref<6400xi32, #tpu.memory_space<vmem>>, %arg9: memref<6448xi32, #tpu.memory_space<vmem>>, %arg10: memref<6448xi32, #tpu.memory_space<vmem>>) attributes {dimension_semantics = [#tpu.dimension_semantics<core_parallel>, #tpu.dimension_semantics<subcore_parallel>], iteration_bounds = array<i64: 2, 16>, scalar_prefetch = 0 : i64, scratch_operands = 4 : i64, tpu.core_type = #tpu.core_type<sc_vector_subcore>, window_params = [{transform_indices = #map}, {transform_indices = #map}, {transform_indices = #map}, {transform_indices = #map}, {transform_indices = #map}]} {
    %mul3A = arith.constant 2 : i32
    %mul3A_0 = arith.muli %arg1, %mul3A : i32
    %add3A = arith.addi %mul3A_0, %arg0 : i32
    %mul3A_1 = arith.constant 320 : i32
    %mul3A_2 = arith.muli %add3A, %mul3A_1 : i32
    %mul3A_3 = arith.constant 324160 : i32
    %mul3A_4 = arith.muli %add3A, %mul3A_3 : i32
    %broadcast_in_dim3A = arith.constant 320 : i32
    %broadcast_in_dim3A_5 = vector.broadcast %broadcast_in_dim3A : i32 to vector<16xi32>
    %broadcast_in_dim3A_6 = arith.constant 0 : i32
    %broadcast_in_dim3A_7 = vector.broadcast %broadcast_in_dim3A_6 : i32 to vector<16xi32>
    %scan3A = arith.constant 0 : i32
    %scan3A_8 = arith.constant 0 : i32
    %scan3A_9 = arith.constant 50 : i32
    %scan3A_10 = arith.addi %scan3A_8, %scan3A_9 : i32
    %scan3A_11 = arith.constant 1 : i32
    %scan3A_12 = scf.for %scan3A_124 = %scan3A_8 to %scan3A_10 step %scan3A_11 iter_args(%scan3A_125 = %scan3A) -> (i32)  : i32 {
      %mul3A_126 = arith.constant 6400 : i32
      %mul3A_127 = arith.muli %scan3A_124, %mul3A_126 : i32
      "tpu.region"() ({
        %run_scoped3A = tpu.sem_alloc : memref<!tpu.dma_semaphore, #tpu.memory_space<semaphore_mem>>
        %dma_start3A = tpu.memref_slice %arg2[%mul3A_127] : memref<320000xi32, #tpu.memory_space<hbm>> -> memref<6400xi32, #tpu.memory_space<hbm>>
        %dma_start3A_179 = tpu.memref_slice %arg2[%mul3A_127] : memref<320000xi32, #tpu.memory_space<hbm>> -> memref<6400xi32, #tpu.memory_space<hbm>>
        tpu.enqueue_dma source(%dma_start3A_179 : memref<6400xi32, #tpu.memory_space<hbm>>) target(%arg7 : memref<6400xi32, #tpu.memory_space<vmem>>) target_semaphore(%run_scoped3A : memref<!tpu.dma_semaphore, #tpu.memory_space<semaphore_mem>>)
        %dma_wait3A = tpu.memref_slice %arg2[%mul3A_127] : memref<320000xi32, #tpu.memory_space<hbm>> -> memref<6400xi32, #tpu.memory_space<hbm>>
        %dma_wait3A_180 = tpu.memref_slice %arg2[%mul3A_127] : memref<320000xi32, #tpu.memory_space<hbm>> -> memref<6400xi32, #tpu.memory_space<hbm>>
        tpu.wait_dma2 semaphore(%run_scoped3A : memref<!tpu.dma_semaphore, #tpu.memory_space<semaphore_mem>>) src(%dma_wait3A_180 : memref<6400xi32, #tpu.memory_space<hbm>>) dst(%arg7 : memref<6400xi32, #tpu.memory_space<vmem>>)
        tpu.yield
      }) : () -> ()
      %mul3A_128 = arith.constant 6400 : i32
      %mul3A_129 = arith.muli %scan3A_124, %mul3A_128 : i32
      "tpu.region"() ({
        %run_scoped3A = tpu.sem_alloc : memref<!tpu.dma_semaphore, #tpu.memory_space<semaphore_mem>>
        %dma_start3A = tpu.memref_slice %arg3[%mul3A_129] : memref<320000xi32, #tpu.memory_space<hbm>> -> memref<6400xi32, #tpu.memory_space<hbm>>
        %dma_start3A_179 = tpu.memref_slice %arg3[%mul3A_129] : memref<320000xi32, #tpu.memory_space<hbm>> -> memref<6400xi32, #tpu.memory_space<hbm>>
        tpu.enqueue_dma source(%dma_start3A_179 : memref<6400xi32, #tpu.memory_space<hbm>>) target(%arg8 : memref<6400xi32, #tpu.memory_space<vmem>>) target_semaphore(%run_scoped3A : memref<!tpu.dma_semaphore, #tpu.memory_space<semaphore_mem>>)
        %dma_wait3A = tpu.memref_slice %arg3[%mul3A_129] : memref<320000xi32, #tpu.memory_space<hbm>> -> memref<6400xi32, #tpu.memory_space<hbm>>
        %dma_wait3A_180 = tpu.memref_slice %arg3[%mul3A_129] : memref<320000xi32, #tpu.memory_space<hbm>> -> memref<6400xi32, #tpu.memory_space<hbm>>
        tpu.wait_dma2 semaphore(%run_scoped3A : memref<!tpu.dma_semaphore, #tpu.memory_space<semaphore_mem>>) src(%dma_wait3A_180 : memref<6400xi32, #tpu.memory_space<hbm>>) dst(%arg8 : memref<6400xi32, #tpu.memory_space<vmem>>)
        tpu.yield
      }) : () -> ()
      %scan3A_130 = arith.constant 0 : i32
      %scan3A_131 = arith.constant 0 : i32
      %scan3A_132 = arith.constant 400 : i32
      %scan3A_133 = arith.addi %scan3A_131, %scan3A_132 : i32
      %scan3A_134 = arith.constant 1 : i32
      %scan3A_135 = scf.for %scan3A_179 = %scan3A_131 to %scan3A_133 step %scan3A_134 iter_args(%scan3A_180 = %scan3A_130) -> (i32)  : i32 {
        %mul3A_181 = arith.constant 16 : i32
        %mul3A_182 = arith.muli %scan3A_179, %mul3A_181 : i32
        %get3A = arith.index_cast %mul3A_182 : i32 to index
        %get3A_183 = tpu.vector_load %arg8[%get3A] {strides = array<i32>} : memref<6400xi32, #tpu.memory_space<vmem>>, vector<16xi32>,
        %mul3A_184 = arith.constant 16 : i32
        %mul3A_185 = arith.muli %scan3A_179, %mul3A_184 : i32
        %get3A_186 = arith.index_cast %mul3A_185 : i32 to index
        %get3A_187 = tpu.vector_load %arg7[%get3A_186] {strides = array<i32>} : memref<6400xi32, #tpu.memory_space<vmem>>, vector<16xi32>,
        %ge3A = vector.broadcast %mul3A_2 : i32 to vector<16xi32>
        %ge3A_188 = arith.cmpi sge, %get3A_183, %ge3A : vector<16xi32>
        %add3A_189 = arith.constant 320 : i32
        %add3A_190 = arith.addi %mul3A_2, %add3A_189 : i32
        %lt3A = vector.broadcast %add3A_190 : i32 to vector<16xi32>
        %lt3A_191 = arith.cmpi slt, %get3A_183, %lt3A : vector<16xi32>
        %and3A_192 = arith.andi %ge3A_188, %lt3A_191 : vector<16xi1>
        %jit3A_193 = arith.constant 1 : i32
        %jit3A_194 = arith.constant 0 : i32
        %broadcast_in_dim3A_195 = vector.broadcast %jit3A_193 : i32 to vector<16xi32>
        %broadcast_in_dim3A_196 = vector.broadcast %jit3A_194 : i32 to vector<16xi32>
        %select_n3A_197 = arith.select %and3A_192, %broadcast_in_dim3A_195, %broadcast_in_dim3A_196 : vector<16xi1>, vector<16xi32>
        %broadcast_in_dim3A_198 = arith.constant true
        %broadcast_in_dim3A_199 = vector.broadcast %broadcast_in_dim3A_198 : i1 to vector<16xi1>
        %masked_cumsum3A = tpu.scan <sum>, %select_n3A_197 masked %broadcast_in_dim3A_199 : vector<16xi32>, vector<16xi1> -> vector<16xi32>
        %add3A_200 = vector.broadcast %scan3A_180 : i32 to vector<16xi32>
        %add3A_201 = arith.addi %add3A_200, %masked_cumsum3A : vector<16xi32>
        %sub3A_202 = arith.constant 1 : i32
        %sub3A_203 = vector.broadcast %sub3A_202 : i32 to vector<16xi32>
        %sub3A_204 = arith.subi %add3A_201, %sub3A_203 : vector<16xi32>
        tpu.vector_store_idx %arg9[%sub3A_204], %get3A_187 masked %and3A_192 : memref<6448xi32, #tpu.memory_space<vmem>>[vector<16xi32>], vector<16xi32>, vector<16xi1>
        %sub3A_205 = vector.broadcast %mul3A_2 : i32 to vector<16xi32>
        %sub3A_206 = arith.subi %get3A_183, %sub3A_205 : vector<16xi32>
        tpu.vector_store_idx %arg10[%sub3A_204], %sub3A_206 masked %and3A_192 : memref<6448xi32, #tpu.memory_space<vmem>>[vector<16xi32>], vector<16xi32>, vector<16xi1>
        %slice3A = vector.extract_strided_slice %masked_cumsum3A {offsets = [15], sizes = [1], strides = [1]} : vector<16xi32> to vector<1xi32>
        %squeeze3A = vector.extract %slice3A[0] : i32 from vector<1xi32>
        %add3A_207 = arith.addi %scan3A_180, %squeeze3A : i32
        scf.yield %add3A_207 : i32
      }
      %scan3A_136 = arith.constant 400 : i32
      %swap3A_137 = arith.index_cast %scan3A_135 : i32 to index
      %swap3A_138 = tpu.vector_load %arg9[%swap3A_137] {strides = array<i32>} : memref<6448xi32, #tpu.memory_space<vmem>>, vector<16xi32>,
      tpu.vector_store %arg9[%swap3A_137], %broadcast_in_dim3A_7 {strides = array<i32>} : memref<6448xi32, #tpu.memory_space<vmem>>, vector<16xi32>,
      %add3A_139 = arith.constant 16 : i32
      %add3A_140 = arith.addi %scan3A_135, %add3A_139 : i32
      %swap3A_141 = arith.index_cast %add3A_140 : i32 to index
      %swap3A_142 = tpu.vector_load %arg9[%swap3A_141] {strides = array<i32>} : memref<6448xi32, #tpu.memory_space<vmem>>, vector<16xi32>,
      tpu.vector_store %arg9[%swap3A_141], %broadcast_in_dim3A_7 {strides = array<i32>} : memref<6448xi32, #tpu.memory_space<vmem>>, vector<16xi32>,
      %swap3A_143 = arith.index_cast %scan3A_135 : i32 to index
      %swap3A_144 = tpu.vector_load %arg10[%swap3A_143] {strides = array<i32>} : memref<6448xi32, #tpu.memory_space<vmem>>, vector<16xi32>,
      tpu.vector_store %arg10[%swap3A_143], %broadcast_in_dim3A_5 {strides = array<i32>} : memref<6448xi32, #tpu.memory_space<vmem>>, vector<16xi32>,
      %add3A_145 = arith.constant 16 : i32
      %add3A_146 = arith.addi %scan3A_135, %add3A_145 : i32
      %swap3A_147 = arith.index_cast %add3A_146 : i32 to index
      %swap3A_148 = tpu.vector_load %arg10[%swap3A_147] {strides = array<i32>} : memref<6448xi32, #tpu.memory_space<vmem>>, vector<16xi32>,
      tpu.vector_store %arg10[%swap3A_147], %broadcast_in_dim3A_5 {strides = array<i32>} : memref<6448xi32, #tpu.memory_space<vmem>>, vector<16xi32>,
      %add3A_149 = arith.constant 32 : i32
      %add3A_150 = arith.addi %scan3A_135, %add3A_149 : i32
      %sub3A = arith.constant 1 : i32
      %sub3A_151 = arith.subi %add3A_150, %sub3A : i32
      %jit3A = arith.constant 32 : i32
      %div3A = arith.divsi %sub3A_151, %jit3A : i32
      %sign3A = arith.constant 0 : i32
      %sign3A_152 = arith.cmpi sgt, %sub3A_151, %sign3A : i32
      %sign3A_153 = arith.extui %sign3A_152 : i1 to i32
      %sign3A_154 = arith.constant 0 : i32
      %sign3A_155 = arith.cmpi slt, %sub3A_151, %sign3A_154 : i32
      %sign3A_156 = arith.extui %sign3A_155 : i1 to i32
      %sign3A_157 = arith.subi %sign3A_153, %sign3A_156 : i32
      %sign3A_158 = arith.constant 0 : i32
      %sign3A_159 = arith.cmpi sgt, %jit3A, %sign3A_158 : i32
      %sign3A_160 = arith.extui %sign3A_159 : i1 to i32
      %sign3A_161 = arith.constant 0 : i32
      %sign3A_162 = arith.cmpi slt, %jit3A, %sign3A_161 : i32
      %sign3A_163 = arith.extui %sign3A_162 : i1 to i32
      %sign3A_164 = arith.subi %sign3A_160, %sign3A_163 : i32
      %ne3A = arith.cmpi ne, %sign3A_157, %sign3A_164 : i32
      %rem3A = arith.remsi %sub3A_151, %jit3A : i32
      %ne3A_165 = arith.constant 0 : i32
      %ne3A_166 = arith.cmpi ne, %rem3A, %ne3A_165 : i32
      %and3A = arith.andi %ne3A, %ne3A_166 : i1
      %sub3A_167 = arith.constant 1 : i32
      %sub3A_168 = arith.subi %div3A, %sub3A_167 : i32
      %select_n3A = arith.select %and3A, %sub3A_168, %div3A : i32
      %while3A = arith.constant 0 : i32
      %while3A_169 = arith.constant 0 : i32
      %while3A_170 = arith.subi %select_n3A, %while3A_169 : i32
      %while3A_171 = arith.addi %while3A_169, %while3A_170 : i32
      %while3A_172 = arith.constant 1 : i32
      %while3A_173 = arith.divsi %while3A_170, %while3A_172 : i32
      %while3A_174 = arith.muli %while3A_173, %while3A_172 : i32
      %while3A_175 = arith.addi %while3A_169, %while3A_174 : i32
      %while3A_176 = arith.constant 1 : i32
      scf.for %while3A_179 = %while3A_169 to %while3A_175 step %while3A_176  : i32 {
        %add3A_180 = arith.addi %scan3A_125, %while3A_179 : i32
        %mul3A_181 = arith.constant 32 : i32
        %mul3A_182 = arith.muli %add3A_180, %mul3A_181 : i32
        %add3A_183 = arith.addi %mul3A_4, %mul3A_182 : i32
        %mul3A_184 = arith.constant 32 : i32
        %mul3A_185 = arith.muli %while3A_179, %mul3A_184 : i32
        "tpu.region"() ({
          %run_scoped3A = tpu.sem_alloc : memref<!tpu.dma_semaphore, #tpu.memory_space<semaphore_mem>>
          %dma_start3A = tpu.memref_slice %arg9[%mul3A_185] : memref<6448xi32, #tpu.memory_space<vmem>> -> memref<32xi32, #tpu.memory_space<vmem>>
          %dma_start3A_188 = tpu.memref_slice %arg4[%add3A_183] : memref<10373120xi32, #tpu.memory_space<hbm>> -> memref<32xi32, #tpu.memory_space<hbm>>
          %dma_start3A_189 = tpu.memref_slice %arg4[%add3A_183] : memref<10373120xi32, #tpu.memory_space<hbm>> -> memref<32xi32, #tpu.memory_space<hbm>>
          %dma_start3A_190 = tpu.memref_slice %arg9[%mul3A_185] : memref<6448xi32, #tpu.memory_space<vmem>> -> memref<32xi32, #tpu.memory_space<vmem>>
          tpu.enqueue_dma source(%dma_start3A_190 : memref<32xi32, #tpu.memory_space<vmem>>) target(%dma_start3A_189 : memref<32xi32, #tpu.memory_space<hbm>>) target_semaphore(%run_scoped3A : memref<!tpu.dma_semaphore, #tpu.memory_space<semaphore_mem>>)
          %dma_wait3A = tpu.memref_slice %arg9[%mul3A_185] : memref<6448xi32, #tpu.memory_space<vmem>> -> memref<32xi32, #tpu.memory_space<vmem>>
          %dma_wait3A_191 = tpu.memref_slice %arg4[%add3A_183] : memref<10373120xi32, #tpu.memory_space<hbm>> -> memref<32xi32, #tpu.memory_space<hbm>>
          %dma_wait3A_192 = tpu.memref_slice %arg4[%add3A_183] : memref<10373120xi32, #tpu.memory_space<hbm>> -> memref<32xi32, #tpu.memory_space<hbm>>
          %dma_wait3A_193 = tpu.memref_slice %arg9[%mul3A_185] : memref<6448xi32, #tpu.memory_space<vmem>> -> memref<32xi32, #tpu.memory_space<vmem>>
          tpu.wait_dma2 semaphore(%run_scoped3A : memref<!tpu.dma_semaphore, #tpu.memory_space<semaphore_mem>>) src(%dma_wait3A_193 : memref<32xi32, #tpu.memory_space<vmem>>) dst(%dma_wait3A_192 : memref<32xi32, #tpu.memory_space<hbm>>)
          tpu.yield
        }) : () -> ()
        %mul3A_186 = arith.constant 32 : i32
        %mul3A_187 = arith.muli %while3A_179, %mul3A_186 : i32
        "tpu.region"() ({
          %run_scoped3A = tpu.sem_alloc : memref<!tpu.dma_semaphore, #tpu.memory_space<semaphore_mem>>
          %dma_start3A = tpu.memref_slice %arg10[%mul3A_187] : memref<6448xi32, #tpu.memory_space<vmem>> -> memref<32xi32, #tpu.memory_space<vmem>>
          %dma_start3A_188 = tpu.memref_slice %arg5[%add3A_183] : memref<10373120xi32, #tpu.memory_space<hbm>> -> memref<32xi32, #tpu.memory_space<hbm>>
          %dma_start3A_189 = tpu.memref_slice %arg5[%add3A_183] : memref<10373120xi32, #tpu.memory_space<hbm>> -> memref<32xi32, #tpu.memory_space<hbm>>
          %dma_start3A_190 = tpu.memref_slice %arg10[%mul3A_187] : memref<6448xi32, #tpu.memory_space<vmem>> -> memref<32xi32, #tpu.memory_space<vmem>>
          tpu.enqueue_dma source(%dma_start3A_190 : memref<32xi32, #tpu.memory_space<vmem>>) target(%dma_start3A_189 : memref<32xi32, #tpu.memory_space<hbm>>) target_semaphore(%run_scoped3A : memref<!tpu.dma_semaphore, #tpu.memory_space<semaphore_mem>>)
          %dma_wait3A = tpu.memref_slice %arg10[%mul3A_187] : memref<6448xi32, #tpu.memory_space<vmem>> -> memref<32xi32, #tpu.memory_space<vmem>>
          %dma_wait3A_191 = tpu.memref_slice %arg5[%add3A_183] : memref<10373120xi32, #tpu.memory_space<hbm>> -> memref<32xi32, #tpu.memory_space<hbm>>
          %dma_wait3A_192 = tpu.memref_slice %arg5[%add3A_183] : memref<10373120xi32, #tpu.memory_space<hbm>> -> memref<32xi32, #tpu.memory_space<hbm>>
          %dma_wait3A_193 = tpu.memref_slice %arg10[%mul3A_187] : memref<6448xi32, #tpu.memory_space<vmem>> -> memref<32xi32, #tpu.memory_space<vmem>>
          tpu.wait_dma2 semaphore(%run_scoped3A : memref<!tpu.dma_semaphore, #tpu.memory_space<semaphore_mem>>) src(%dma_wait3A_193 : memref<32xi32, #tpu.memory_space<vmem>>) dst(%dma_wait3A_192 : memref<32xi32, #tpu.memory_space<hbm>>)
          tpu.yield
        }) : () -> ()
      }
      %while3A_177 = arith.constant 1 : i32
      scf.for %while3A_179 = %while3A_175 to %while3A_171 step %while3A_177  : i32 {
        %add3A_180 = arith.addi %scan3A_125, %while3A_179 : i32
        %mul3A_181 = arith.constant 32 : i32
        %mul3A_182 = arith.muli %add3A_180, %mul3A_181 : i32
        %add3A_183 = arith.addi %mul3A_4, %mul3A_182 : i32
        %mul3A_184 = arith.constant 32 : i32
        %mul3A_185 = arith.muli %while3A_179, %mul3A_184 : i32
        "tpu.region"() ({
          %run_scoped3A = tpu.sem_alloc : memref<!tpu.dma_semaphore, #tpu.memory_space<semaphore_mem>>
          %dma_start3A = tpu.memref_slice %arg9[%mul3A_185] : memref<6448xi32, #tpu.memory_space<vmem>> -> memref<32xi32, #tpu.memory_space<vmem>>
          %dma_start3A_188 = tpu.memref_slice %arg4[%add3A_183] : memref<10373120xi32, #tpu.memory_space<hbm>> -> memref<32xi32, #tpu.memory_space<hbm>>
          %dma_start3A_189 = tpu.memref_slice %arg4[%add3A_183] : memref<10373120xi32, #tpu.memory_space<hbm>> -> memref<32xi32, #tpu.memory_space<hbm>>
          %dma_start3A_190 = tpu.memref_slice %arg9[%mul3A_185] : memref<6448xi32, #tpu.memory_space<vmem>> -> memref<32xi32, #tpu.memory_space<vmem>>
          tpu.enqueue_dma source(%dma_start3A_190 : memref<32xi32, #tpu.memory_space<vmem>>) target(%dma_start3A_189 : memref<32xi32, #tpu.memory_space<hbm>>) target_semaphore(%run_scoped3A : memref<!tpu.dma_semaphore, #tpu.memory_space<semaphore_mem>>)
          %dma_wait3A = tpu.memref_slice %arg9[%mul3A_185] : memref<6448xi32, #tpu.memory_space<vmem>> -> memref<32xi32, #tpu.memory_space<vmem>>
          %dma_wait3A_191 = tpu.memref_slice %arg4[%add3A_183] : memref<10373120xi32, #tpu.memory_space<hbm>> -> memref<32xi32, #tpu.memory_space<hbm>>
          %dma_wait3A_192 = tpu.memref_slice %arg4[%add3A_183] : memref<10373120xi32, #tpu.memory_space<hbm>> -> memref<32xi32, #tpu.memory_space<hbm>>
          %dma_wait3A_193 = tpu.memref_slice %arg9[%mul3A_185] : memref<6448xi32, #tpu.memory_space<vmem>> -> memref<32xi32, #tpu.memory_space<vmem>>
          tpu.wait_dma2 semaphore(%run_scoped3A : memref<!tpu.dma_semaphore, #tpu.memory_space<semaphore_mem>>) src(%dma_wait3A_193 : memref<32xi32, #tpu.memory_space<vmem>>) dst(%dma_wait3A_192 : memref<32xi32, #tpu.memory_space<hbm>>)
          tpu.yield
        }) : () -> ()
        %mul3A_186 = arith.constant 32 : i32
        %mul3A_187 = arith.muli %while3A_179, %mul3A_186 : i32
        "tpu.region"() ({
          %run_scoped3A = tpu.sem_alloc : memref<!tpu.dma_semaphore, #tpu.memory_space<semaphore_mem>>
          %dma_start3A = tpu.memref_slice %arg10[%mul3A_187] : memref<6448xi32, #tpu.memory_space<vmem>> -> memref<32xi32, #tpu.memory_space<vmem>>
          %dma_start3A_188 = tpu.memref_slice %arg5[%add3A_183] : memref<10373120xi32, #tpu.memory_space<hbm>> -> memref<32xi32, #tpu.memory_space<hbm>>
          %dma_start3A_189 = tpu.memref_slice %arg5[%add3A_183] : memref<10373120xi32, #tpu.memory_space<hbm>> -> memref<32xi32, #tpu.memory_space<hbm>>
          %dma_start3A_190 = tpu.memref_slice %arg10[%mul3A_187] : memref<6448xi32, #tpu.memory_space<vmem>> -> memref<32xi32, #tpu.memory_space<vmem>>
          tpu.enqueue_dma source(%dma_start3A_190 : memref<32xi32, #tpu.memory_space<vmem>>) target(%dma_start3A_189 : memref<32xi32, #tpu.memory_space<hbm>>) target_semaphore(%run_scoped3A : memref<!tpu.dma_semaphore, #tpu.memory_space<semaphore_mem>>)
          %dma_wait3A = tpu.memref_slice %arg10[%mul3A_187] : memref<6448xi32, #tpu.memory_space<vmem>> -> memref<32xi32, #tpu.memory_space<vmem>>
          %dma_wait3A_191 = tpu.memref_slice %arg5[%add3A_183] : memref<10373120xi32, #tpu.memory_space<hbm>> -> memref<32xi32, #tpu.memory_space<hbm>>
          %dma_wait3A_192 = tpu.memref_slice %arg5[%add3A_183] : memref<10373120xi32, #tpu.memory_space<hbm>> -> memref<32xi32, #tpu.memory_space<hbm>>
          %dma_wait3A_193 = tpu.memref_slice %arg10[%mul3A_187] : memref<6448xi32, #tpu.memory_space<vmem>> -> memref<32xi32, #tpu.memory_space<vmem>>
          tpu.wait_dma2 semaphore(%run_scoped3A : memref<!tpu.dma_semaphore, #tpu.memory_space<semaphore_mem>>) src(%dma_wait3A_193 : memref<32xi32, #tpu.memory_space<vmem>>) dst(%dma_wait3A_192 : memref<32xi32, #tpu.memory_space<hbm>>)
          tpu.yield
        }) : () -> ()
      }
      %add3A_178 = arith.addi %scan3A_125, %select_n3A : i32
      scf.yield %add3A_178 : i32
    }
    %scan3A_13 = arith.constant 50 : i32
    %mul3A_14 = arith.constant 32 : i32
    %mul3A_15 = arith.muli %scan3A_12, %mul3A_14 : i32
    %swap3A = arith.constant 0 : index
    %swap3A_16 = tpu.vector_load %arg9[%swap3A] {strides = array<i32>} : memref<6448xi32, #tpu.memory_space<vmem>>, vector<16xi32>,
    tpu.vector_store %arg9[%swap3A], %broadcast_in_dim3A_7 {strides = array<i32>} : memref<6448xi32, #tpu.memory_space<vmem>>, vector<16xi32>,
    %swap3A_17 = arith.constant 0 : index
    %swap3A_18 = tpu.vector_load %arg10[%swap3A_17] {strides = array<i32>} : memref<6448xi32, #tpu.memory_space<vmem>>, vector<16xi32>,
    tpu.vector_store %arg10[%swap3A_17], %broadcast_in_dim3A_5 {strides = array<i32>} : memref<6448xi32, #tpu.memory_space<vmem>>, vector<16xi32>,
    %swap3A_19 = arith.constant 16 : index
    %swap3A_20 = tpu.vector_load %arg9[%swap3A_19] {strides = array<i32>} : memref<6448xi32, #tpu.memory_space<vmem>>, vector<16xi32>,
    tpu.vector_store %arg9[%swap3A_19], %broadcast_in_dim3A_7 {strides = array<i32>} : memref<6448xi32, #tpu.memory_space<vmem>>, vector<16xi32>,
    %swap3A_21 = arith.constant 16 : index
    %swap3A_22 = tpu.vector_load %arg10[%swap3A_21] {strides = array<i32>} : memref<6448xi32, #tpu.memory_space<vmem>>, vector<16xi32>,
    tpu.vector_store %arg10[%swap3A_21], %broadcast_in_dim3A_5 {strides = array<i32>} : memref<6448xi32, #tpu.memory_space<vmem>>, vector<16xi32>,
    %swap3A_23 = arith.constant 32 : index
    %swap3A_24 = tpu.vector_load %arg9[%swap3A_23] {strides = array<i32>} : memref<6448xi32, #tpu.memory_space<vmem>>, vector<16xi32>,
    tpu.vector_store %arg9[%swap3A_23], %broadcast_in_dim3A_7 {strides = array<i32>} : memref<6448xi32, #tpu.memory_space<vmem>>, vector<16xi32>,
    %swap3A_25 = arith.constant 32 : index
    %swap3A_26 = tpu.vector_load %arg10[%swap3A_25] {strides = array<i32>} : memref<6448xi32, #tpu.memory_space<vmem>>, vector<16xi32>,
    tpu.vector_store %arg10[%swap3A_25], %broadcast_in_dim3A_5 {strides = array<i32>} : memref<6448xi32, #tpu.memory_space<vmem>>, vector<16xi32>,
    %swap3A_27 = arith.constant 48 : index
    %swap3A_28 = tpu.vector_load %arg9[%swap3A_27] {strides = array<i32>} : memref<6448xi32, #tpu.memory_space<vmem>>, vector<16xi32>,
    tpu.vector_store %arg9[%swap3A_27], %broadcast_in_dim3A_7 {strides = array<i32>} : memref<6448xi32, #tpu.memory_space<vmem>>, vector<16xi32>,
    %swap3A_29 = arith.constant 48 : index
    %swap3A_30 = tpu.vector_load %arg10[%swap3A_29] {strides = array<i32>} : memref<6448xi32, #tpu.memory_space<vmem>>, vector<16xi32>,
    tpu.vector_store %arg10[%swap3A_29], %broadcast_in_dim3A_5 {strides = array<i32>} : memref<6448xi32, #tpu.memory_space<vmem>>, vector<16xi32>,
    %swap3A_31 = arith.constant 64 : index
    %swap3A_32 = tpu.vector_load %arg9[%swap3A_31] {strides = array<i32>} : memref<6448xi32, #tpu.memory_space<vmem>>, vector<16xi32>,
    tpu.vector_store %arg9[%swap3A_31], %broadcast_in_dim3A_7 {strides = array<i32>} : memref<6448xi32, #tpu.memory_space<vmem>>, vector<16xi32>,
    %swap3A_33 = arith.constant 64 : index
    %swap3A_34 = tpu.vector_load %arg10[%swap3A_33] {strides = array<i32>} : memref<6448xi32, #tpu.memory_space<vmem>>, vector<16xi32>,
    tpu.vector_store %arg10[%swap3A_33], %broadcast_in_dim3A_5 {strides = array<i32>} : memref<6448xi32, #tpu.memory_space<vmem>>, vector<16xi32>,
    %swap3A_35 = arith.constant 80 : index
    %swap3A_36 = tpu.vector_load %arg9[%swap3A_35] {strides = array<i32>} : memref<6448xi32, #tpu.memory_space<vmem>>, vector<16xi32>,
    tpu.vector_store %arg9[%swap3A_35], %broadcast_in_dim3A_7 {strides = array<i32>} : memref<6448xi32, #tpu.memory_space<vmem>>, vector<16xi32>,
    %swap3A_37 = arith.constant 80 : index
    %swap3A_38 = tpu.vector_load %arg10[%swap3A_37] {strides = array<i32>} : memref<6448xi32, #tpu.memory_space<vmem>>, vector<16xi32>,
    tpu.vector_store %arg10[%swap3A_37], %broadcast_in_dim3A_5 {strides = array<i32>} : memref<6448xi32, #tpu.memory_space<vmem>>, vector<16xi32>,
    %swap3A_39 = arith.constant 96 : index
    %swap3A_40 = tpu.vector_load %arg9[%swap3A_39] {strides = array<i32>} : memref<6448xi32, #tpu.memory_space<vmem>>, vector<16xi32>,
    tpu.vector_store %arg9[%swap3A_39], %broadcast_in_dim3A_7 {strides = array<i32>} : memref<6448xi32, #tpu.memory_space<vmem>>, vector<16xi32>,
    %swap3A_41 = arith.constant 96 : index
    %swap3A_42 = tpu.vector_load %arg10[%swap3A_41] {strides = array<i32>} : memref<6448xi32, #tpu.memory_space<vmem>>, vector<16xi32>,
    tpu.vector_store %arg10[%swap3A_41], %broadcast_in_dim3A_5 {strides = array<i32>} : memref<6448xi32, #tpu.memory_space<vmem>>, vector<16xi32>,
    %swap3A_43 = arith.constant 112 : index
    %swap3A_44 = tpu.vector_load %arg9[%swap3A_43] {strides = array<i32>} : memref<6448xi32, #tpu.memory_space<vmem>>, vector<16xi32>,
    tpu.vector_store %arg9[%swap3A_43], %broadcast_in_dim3A_7 {strides = array<i32>} : memref<6448xi32, #tpu.memory_space<vmem>>, vector<16xi32>,
    %swap3A_45 = arith.constant 112 : index
    %swap3A_46 = tpu.vector_load %arg10[%swap3A_45] {strides = array<i32>} : memref<6448xi32, #tpu.memory_space<vmem>>, vector<16xi32>,
    tpu.vector_store %arg10[%swap3A_45], %broadcast_in_dim3A_5 {strides = array<i32>} : memref<6448xi32, #tpu.memory_space<vmem>>, vector<16xi32>,
    %swap3A_47 = arith.constant 128 : index
    %swap3A_48 = tpu.vector_load %arg9[%swap3A_47] {strides = array<i32>} : memref<6448xi32, #tpu.memory_space<vmem>>, vector<16xi32>,
    tpu.vector_store %arg9[%swap3A_47], %broadcast_in_dim3A_7 {strides = array<i32>} : memref<6448xi32, #tpu.memory_space<vmem>>, vector<16xi32>,
    %swap3A_49 = arith.constant 128 : index
    %swap3A_50 = tpu.vector_load %arg10[%swap3A_49] {strides = array<i32>} : memref<6448xi32, #tpu.memory_space<vmem>>, vector<16xi32>,
    tpu.vector_store %arg10[%swap3A_49], %broadcast_in_dim3A_5 {strides = array<i32>} : memref<6448xi32, #tpu.memory_space<vmem>>, vector<16xi32>,
    %swap3A_51 = arith.constant 144 : index
    %swap3A_52 = tpu.vector_load %arg9[%swap3A_51] {strides = array<i32>} : memref<6448xi32, #tpu.memory_space<vmem>>, vector<16xi32>,
    tpu.vector_store %arg9[%swap3A_51], %broadcast_in_dim3A_7 {strides = array<i32>} : memref<6448xi32, #tpu.memory_space<vmem>>, vector<16xi32>,
    %swap3A_53 = arith.constant 144 : index
    %swap3A_54 = tpu.vector_load %arg10[%swap3A_53] {strides = array<i32>} : memref<6448xi32, #tpu.memory_space<vmem>>, vector<16xi32>,
    tpu.vector_store %arg10[%swap3A_53], %broadcast_in_dim3A_5 {strides = array<i32>} : memref<6448xi32, #tpu.memory_space<vmem>>, vector<16xi32>,
    %swap3A_55 = arith.constant 160 : index
    %swap3A_56 = tpu.vector_load %arg9[%swap3A_55] {strides = array<i32>} : memref<6448xi32, #tpu.memory_space<vmem>>, vector<16xi32>,
    tpu.vector_store %arg9[%swap3A_55], %broadcast_in_dim3A_7 {strides = array<i32>} : memref<6448xi32, #tpu.memory_space<vmem>>, vector<16xi32>,
    %swap3A_57 = arith.constant 160 : index
    %swap3A_58 = tpu.vector_load %arg10[%swap3A_57] {strides = array<i32>} : memref<6448xi32, #tpu.memory_space<vmem>>, vector<16xi32>,
    tpu.vector_store %arg10[%swap3A_57], %broadcast_in_dim3A_5 {strides = array<i32>} : memref<6448xi32, #tpu.memory_space<vmem>>, vector<16xi32>,
    %swap3A_59 = arith.constant 176 : index
    %swap3A_60 = tpu.vector_load %arg9[%swap3A_59] {strides = array<i32>} : memref<6448xi32, #tpu.memory_space<vmem>>, vector<16xi32>,
    tpu.vector_store %arg9[%swap3A_59], %broadcast_in_dim3A_7 {strides = array<i32>} : memref<6448xi32, #tpu.memory_space<vmem>>, vector<16xi32>,
    %swap3A_61 = arith.constant 176 : index
    %swap3A_62 = tpu.vector_load %arg10[%swap3A_61] {strides = array<i32>} : memref<6448xi32, #tpu.memory_space<vmem>>, vector<16xi32>,
    tpu.vector_store %arg10[%swap3A_61], %broadcast_in_dim3A_5 {strides = array<i32>} : memref<6448xi32, #tpu.memory_space<vmem>>, vector<16xi32>,
    %swap3A_63 = arith.constant 192 : index
    %swap3A_64 = tpu.vector_load %arg9[%swap3A_63] {strides = array<i32>} : memref<6448xi32, #tpu.memory_space<vmem>>, vector<16xi32>,
    tpu.vector_store %arg9[%swap3A_63], %broadcast_in_dim3A_7 {strides = array<i32>} : memref<6448xi32, #tpu.memory_space<vmem>>, vector<16xi32>,
    %swap3A_65 = arith.constant 192 : index
    %swap3A_66 = tpu.vector_load %arg10[%swap3A_65] {strides = array<i32>} : memref<6448xi32, #tpu.memory_space<vmem>>, vector<16xi32>,
    tpu.vector_store %arg10[%swap3A_65], %broadcast_in_dim3A_5 {strides = array<i32>} : memref<6448xi32, #tpu.memory_space<vmem>>, vector<16xi32>,
    %swap3A_67 = arith.constant 208 : index
    %swap3A_68 = tpu.vector_load %arg9[%swap3A_67] {strides = array<i32>} : memref<6448xi32, #tpu.memory_space<vmem>>, vector<16xi32>,
    tpu.vector_store %arg9[%swap3A_67], %broadcast_in_dim3A_7 {strides = array<i32>} : memref<6448xi32, #tpu.memory_space<vmem>>, vector<16xi32>,
    %swap3A_69 = arith.constant 208 : index
    %swap3A_70 = tpu.vector_load %arg10[%swap3A_69] {strides = array<i32>} : memref<6448xi32, #tpu.memory_space<vmem>>, vector<16xi32>,
    tpu.vector_store %arg10[%swap3A_69], %broadcast_in_dim3A_5 {strides = array<i32>} : memref<6448xi32, #tpu.memory_space<vmem>>, vector<16xi32>,
    %swap3A_71 = arith.constant 224 : index
    %swap3A_72 = tpu.vector_load %arg9[%swap3A_71] {strides = array<i32>} : memref<6448xi32, #tpu.memory_space<vmem>>, vector<16xi32>,
    tpu.vector_store %arg9[%swap3A_71], %broadcast_in_dim3A_7 {strides = array<i32>} : memref<6448xi32, #tpu.memory_space<vmem>>, vector<16xi32>,
    %swap3A_73 = arith.constant 224 : index
    %swap3A_74 = tpu.vector_load %arg10[%swap3A_73] {strides = array<i32>} : memref<6448xi32, #tpu.memory_space<vmem>>, vector<16xi32>,
    tpu.vector_store %arg10[%swap3A_73], %broadcast_in_dim3A_5 {strides = array<i32>} : memref<6448xi32, #tpu.memory_space<vmem>>, vector<16xi32>,
    %swap3A_75 = arith.constant 240 : index
    %swap3A_76 = tpu.vector_load %arg9[%swap3A_75] {strides = array<i32>} : memref<6448xi32, #tpu.memory_space<vmem>>, vector<16xi32>,
    tpu.vector_store %arg9[%swap3A_75], %broadcast_in_dim3A_7 {strides = array<i32>} : memref<6448xi32, #tpu.memory_space<vmem>>, vector<16xi32>,
    %swap3A_77 = arith.constant 240 : index
    %swap3A_78 = tpu.vector_load %arg10[%swap3A_77] {strides = array<i32>} : memref<6448xi32, #tpu.memory_space<vmem>>, vector<16xi32>,
    tpu.vector_store %arg10[%swap3A_77], %broadcast_in_dim3A_5 {strides = array<i32>} : memref<6448xi32, #tpu.memory_space<vmem>>, vector<16xi32>,
    %add3A_79 = arith.constant 0 : i32
    %add3A_80 = arith.addi %scan3A_12, %add3A_79 : i32
    %mul3A_81 = arith.constant 32 : i32
    %mul3A_82 = arith.muli %add3A_80, %mul3A_81 : i32
    %add3A_83 = arith.addi %mul3A_4, %mul3A_82 : i32
    "tpu.region"() ({
      %run_scoped3A = tpu.sem_alloc : memref<!tpu.dma_semaphore, #tpu.memory_space<semaphore_mem>>
      %dma_start3A = arith.constant 0 : i32
      %dma_start3A_124 = tpu.memref_slice %arg9[%dma_start3A] : memref<6448xi32, #tpu.memory_space<vmem>> -> memref<32xi32, #tpu.memory_space<vmem>>
      %dma_start3A_125 = tpu.memref_slice %arg4[%add3A_83] : memref<10373120xi32, #tpu.memory_space<hbm>> -> memref<32xi32, #tpu.memory_space<hbm>>
      %dma_start3A_126 = tpu.memref_slice %arg4[%add3A_83] : memref<10373120xi32, #tpu.memory_space<hbm>> -> memref<32xi32, #tpu.memory_space<hbm>>
      %dma_start3A_127 = arith.constant 0 : i32
      %dma_start3A_128 = tpu.memref_slice %arg9[%dma_start3A_127] : memref<6448xi32, #tpu.memory_space<vmem>> -> memref<32xi32, #tpu.memory_space<vmem>>
      tpu.enqueue_dma source(%dma_start3A_128 : memref<32xi32, #tpu.memory_space<vmem>>) target(%dma_start3A_126 : memref<32xi32, #tpu.memory_space<hbm>>) target_semaphore(%run_scoped3A : memref<!tpu.dma_semaphore, #tpu.memory_space<semaphore_mem>>)
      %dma_wait3A = arith.constant 0 : i32
      %dma_wait3A_129 = tpu.memref_slice %arg9[%dma_wait3A] : memref<6448xi32, #tpu.memory_space<vmem>> -> memref<32xi32, #tpu.memory_space<vmem>>
      %dma_wait3A_130 = tpu.memref_slice %arg4[%add3A_83] : memref<10373120xi32, #tpu.memory_space<hbm>> -> memref<32xi32, #tpu.memory_space<hbm>>
      %dma_wait3A_131 = tpu.memref_slice %arg4[%add3A_83] : memref<10373120xi32, #tpu.memory_space<hbm>> -> memref<32xi32, #tpu.memory_space<hbm>>
      %dma_wait3A_132 = arith.constant 0 : i32
      %dma_wait3A_133 = tpu.memref_slice %arg9[%dma_wait3A_132] : memref<6448xi32, #tpu.memory_space<vmem>> -> memref<32xi32, #tpu.memory_space<vmem>>
      tpu.wait_dma2 semaphore(%run_scoped3A : memref<!tpu.dma_semaphore, #tpu.memory_space<semaphore_mem>>) src(%dma_wait3A_133 : memref<32xi32, #tpu.memory_space<vmem>>) dst(%dma_wait3A_131 : memref<32xi32, #tpu.memory_space<hbm>>)
      tpu.yield
    }) : () -> ()
    "tpu.region"() ({
      %run_scoped3A = tpu.sem_alloc : memref<!tpu.dma_semaphore, #tpu.memory_space<semaphore_mem>>
      %dma_start3A = arith.constant 0 : i32
      %dma_start3A_124 = tpu.memref_slice %arg10[%dma_start3A] : memref<6448xi32, #tpu.memory_space<vmem>> -> memref<32xi32, #tpu.memory_space<vmem>>
      %dma_start3A_125 = tpu.memref_slice %arg5[%add3A_83] : memref<10373120xi32, #tpu.memory_space<hbm>> -> memref<32xi32, #tpu.memory_space<hbm>>
      %dma_start3A_126 = tpu.memref_slice %arg5[%add3A_83] : memref<10373120xi32, #tpu.memory_space<hbm>> -> memref<32xi32, #tpu.memory_space<hbm>>
      %dma_start3A_127 = arith.constant 0 : i32
      %dma_start3A_128 = tpu.memref_slice %arg10[%dma_start3A_127] : memref<6448xi32, #tpu.memory_space<vmem>> -> memref<32xi32, #tpu.memory_space<vmem>>
      tpu.enqueue_dma source(%dma_start3A_128 : memref<32xi32, #tpu.memory_space<vmem>>) target(%dma_start3A_126 : memref<32xi32, #tpu.memory_space<hbm>>) target_semaphore(%run_scoped3A : memref<!tpu.dma_semaphore, #tpu.memory_space<semaphore_mem>>)
      %dma_wait3A = arith.constant 0 : i32
      %dma_wait3A_129 = tpu.memref_slice %arg10[%dma_wait3A] : memref<6448xi32, #tpu.memory_space<vmem>> -> memref<32xi32, #tpu.memory_space<vmem>>
      %dma_wait3A_130 = tpu.memref_slice %arg5[%add3A_83] : memref<10373120xi32, #tpu.memory_space<hbm>> -> memref<32xi32, #tpu.memory_space<hbm>>
      %dma_wait3A_131 = tpu.memref_slice %arg5[%add3A_83] : memref<10373120xi32, #tpu.memory_space<hbm>> -> memref<32xi32, #tpu.memory_space<hbm>>
      %dma_wait3A_132 = arith.constant 0 : i32
      %dma_wait3A_133 = tpu.memref_slice %arg10[%dma_wait3A_132] : memref<6448xi32, #tpu.memory_space<vmem>> -> memref<32xi32, #tpu.memory_space<vmem>>
      tpu.wait_dma2 semaphore(%run_scoped3A : memref<!tpu.dma_semaphore, #tpu.memory_space<semaphore_mem>>) src(%dma_wait3A_133 : memref<32xi32, #tpu.memory_space<vmem>>) dst(%dma_wait3A_131 : memref<32xi32, #tpu.memory_space<hbm>>)
      tpu.yield
    }) : () -> ()
    %add3A_84 = arith.constant 1 : i32
    %add3A_85 = arith.addi %scan3A_12, %add3A_84 : i32
    %mul3A_86 = arith.constant 32 : i32
    %mul3A_87 = arith.muli %add3A_85, %mul3A_86 : i32
    %add3A_88 = arith.addi %mul3A_4, %mul3A_87 : i32
    "tpu.region"() ({
      %run_scoped3A = tpu.sem_alloc : memref<!tpu.dma_semaphore, #tpu.memory_space<semaphore_mem>>
      %dma_start3A = arith.constant 32 : i32
      %dma_start3A_124 = tpu.memref_slice %arg9[%dma_start3A] : memref<6448xi32, #tpu.memory_space<vmem>> -> memref<32xi32, #tpu.memory_space<vmem>>
      %dma_start3A_125 = tpu.memref_slice %arg4[%add3A_88] : memref<10373120xi32, #tpu.memory_space<hbm>> -> memref<32xi32, #tpu.memory_space<hbm>>
      %dma_start3A_126 = tpu.memref_slice %arg4[%add3A_88] : memref<10373120xi32, #tpu.memory_space<hbm>> -> memref<32xi32, #tpu.memory_space<hbm>>
      %dma_start3A_127 = arith.constant 32 : i32
      %dma_start3A_128 = tpu.memref_slice %arg9[%dma_start3A_127] : memref<6448xi32, #tpu.memory_space<vmem>> -> memref<32xi32, #tpu.memory_space<vmem>>
      tpu.enqueue_dma source(%dma_start3A_128 : memref<32xi32, #tpu.memory_space<vmem>>) target(%dma_start3A_126 : memref<32xi32, #tpu.memory_space<hbm>>) target_semaphore(%run_scoped3A : memref<!tpu.dma_semaphore, #tpu.memory_space<semaphore_mem>>)
      %dma_wait3A = arith.constant 32 : i32
      %dma_wait3A_129 = tpu.memref_slice %arg9[%dma_wait3A] : memref<6448xi32, #tpu.memory_space<vmem>> -> memref<32xi32, #tpu.memory_space<vmem>>
      %dma_wait3A_130 = tpu.memref_slice %arg4[%add3A_88] : memref<10373120xi32, #tpu.memory_space<hbm>> -> memref<32xi32, #tpu.memory_space<hbm>>
      %dma_wait3A_131 = tpu.memref_slice %arg4[%add3A_88] : memref<10373120xi32, #tpu.memory_space<hbm>> -> memref<32xi32, #tpu.memory_space<hbm>>
      %dma_wait3A_132 = arith.constant 32 : i32
      %dma_wait3A_133 = tpu.memref_slice %arg9[%dma_wait3A_132] : memref<6448xi32, #tpu.memory_space<vmem>> -> memref<32xi32, #tpu.memory_space<vmem>>
      tpu.wait_dma2 semaphore(%run_scoped3A : memref<!tpu.dma_semaphore, #tpu.memory_space<semaphore_mem>>) src(%dma_wait3A_133 : memref<32xi32, #tpu.memory_space<vmem>>) dst(%dma_wait3A_131 : memref<32xi32, #tpu.memory_space<hbm>>)
      tpu.yield
    }) : () -> ()
    "tpu.region"() ({
      %run_scoped3A = tpu.sem_alloc : memref<!tpu.dma_semaphore, #tpu.memory_space<semaphore_mem>>
      %dma_start3A = arith.constant 32 : i32
      %dma_start3A_124 = tpu.memref_slice %arg10[%dma_start3A] : memref<6448xi32, #tpu.memory_space<vmem>> -> memref<32xi32, #tpu.memory_space<vmem>>
      %dma_start3A_125 = tpu.memref_slice %arg5[%add3A_88] : memref<10373120xi32, #tpu.memory_space<hbm>> -> memref<32xi32, #tpu.memory_space<hbm>>
      %dma_start3A_126 = tpu.memref_slice %arg5[%add3A_88] : memref<10373120xi32, #tpu.memory_space<hbm>> -> memref<32xi32, #tpu.memory_space<hbm>>
      %dma_start3A_127 = arith.constant 32 : i32
      %dma_start3A_128 = tpu.memref_slice %arg10[%dma_start3A_127] : memref<6448xi32, #tpu.memory_space<vmem>> -> memref<32xi32, #tpu.memory_space<vmem>>
      tpu.enqueue_dma source(%dma_start3A_128 : memref<32xi32, #tpu.memory_space<vmem>>) target(%dma_start3A_126 : memref<32xi32, #tpu.memory_space<hbm>>) target_semaphore(%run_scoped3A : memref<!tpu.dma_semaphore, #tpu.memory_space<semaphore_mem>>)
      %dma_wait3A = arith.constant 32 : i32
      %dma_wait3A_129 = tpu.memref_slice %arg10[%dma_wait3A] : memref<6448xi32, #tpu.memory_space<vmem>> -> memref<32xi32, #tpu.memory_space<vmem>>
      %dma_wait3A_130 = tpu.memref_slice %arg5[%add3A_88] : memref<10373120xi32, #tpu.memory_space<hbm>> -> memref<32xi32, #tpu.memory_space<hbm>>
      %dma_wait3A_131 = tpu.memref_slice %arg5[%add3A_88] : memref<10373120xi32, #tpu.memory_space<hbm>> -> memref<32xi32, #tpu.memory_space<hbm>>
      %dma_wait3A_132 = arith.constant 32 : i32
      %dma_wait3A_133 = tpu.memref_slice %arg10[%dma_wait3A_132] : memref<6448xi32, #tpu.memory_space<vmem>> -> memref<32xi32, #tpu.memory_space<vmem>>
      tpu.wait_dma2 semaphore(%run_scoped3A : memref<!tpu.dma_semaphore, #tpu.memory_space<semaphore_mem>>) src(%dma_wait3A_133 : memref<32xi32, #tpu.memory_space<vmem>>) dst(%dma_wait3A_131 : memref<32xi32, #tpu.memory_space<hbm>>)
      tpu.yield
    }) : () -> ()
    %add3A_89 = arith.constant 2 : i32
    %add3A_90 = arith.addi %scan3A_12, %add3A_89 : i32
    %mul3A_91 = arith.constant 32 : i32
    %mul3A_92 = arith.muli %add3A_90, %mul3A_91 : i32
    %add3A_93 = arith.addi %mul3A_4, %mul3A_92 : i32
    "tpu.region"() ({
      %run_scoped3A = tpu.sem_alloc : memref<!tpu.dma_semaphore, #tpu.memory_space<semaphore_mem>>
      %dma_start3A = arith.constant 64 : i32
      %dma_start3A_124 = tpu.memref_slice %arg9[%dma_start3A] : memref<6448xi32, #tpu.memory_space<vmem>> -> memref<32xi32, #tpu.memory_space<vmem>>
      %dma_start3A_125 = tpu.memref_slice %arg4[%add3A_93] : memref<10373120xi32, #tpu.memory_space<hbm>> -> memref<32xi32, #tpu.memory_space<hbm>>
      %dma_start3A_126 = tpu.memref_slice %arg4[%add3A_93] : memref<10373120xi32, #tpu.memory_space<hbm>> -> memref<32xi32, #tpu.memory_space<hbm>>
      %dma_start3A_127 = arith.constant 64 : i32
      %dma_start3A_128 = tpu.memref_slice %arg9[%dma_start3A_127] : memref<6448xi32, #tpu.memory_space<vmem>> -> memref<32xi32, #tpu.memory_space<vmem>>
      tpu.enqueue_dma source(%dma_start3A_128 : memref<32xi32, #tpu.memory_space<vmem>>) target(%dma_start3A_126 : memref<32xi32, #tpu.memory_space<hbm>>) target_semaphore(%run_scoped3A : memref<!tpu.dma_semaphore, #tpu.memory_space<semaphore_mem>>)
      %dma_wait3A = arith.constant 64 : i32
      %dma_wait3A_129 = tpu.memref_slice %arg9[%dma_wait3A] : memref<6448xi32, #tpu.memory_space<vmem>> -> memref<32xi32, #tpu.memory_space<vmem>>
      %dma_wait3A_130 = tpu.memref_slice %arg4[%add3A_93] : memref<10373120xi32, #tpu.memory_space<hbm>> -> memref<32xi32, #tpu.memory_space<hbm>>
      %dma_wait3A_131 = tpu.memref_slice %arg4[%add3A_93] : memref<10373120xi32, #tpu.memory_space<hbm>> -> memref<32xi32, #tpu.memory_space<hbm>>
      %dma_wait3A_132 = arith.constant 64 : i32
      %dma_wait3A_133 = tpu.memref_slice %arg9[%dma_wait3A_132] : memref<6448xi32, #tpu.memory_space<vmem>> -> memref<32xi32, #tpu.memory_space<vmem>>
      tpu.wait_dma2 semaphore(%run_scoped3A : memref<!tpu.dma_semaphore, #tpu.memory_space<semaphore_mem>>) src(%dma_wait3A_133 : memref<32xi32, #tpu.memory_space<vmem>>) dst(%dma_wait3A_131 : memref<32xi32, #tpu.memory_space<hbm>>)
      tpu.yield
    }) : () -> ()
    "tpu.region"() ({
      %run_scoped3A = tpu.sem_alloc : memref<!tpu.dma_semaphore, #tpu.memory_space<semaphore_mem>>
      %dma_start3A = arith.constant 64 : i32
      %dma_start3A_124 = tpu.memref_slice %arg10[%dma_start3A] : memref<6448xi32, #tpu.memory_space<vmem>> -> memref<32xi32, #tpu.memory_space<vmem>>
      %dma_start3A_125 = tpu.memref_slice %arg5[%add3A_93] : memref<10373120xi32, #tpu.memory_space<hbm>> -> memref<32xi32, #tpu.memory_space<hbm>>
      %dma_start3A_126 = tpu.memref_slice %arg5[%add3A_93] : memref<10373120xi32, #tpu.memory_space<hbm>> -> memref<32xi32, #tpu.memory_space<hbm>>
      %dma_start3A_127 = arith.constant 64 : i32
      %dma_start3A_128 = tpu.memref_slice %arg10[%dma_start3A_127] : memref<6448xi32, #tpu.memory_space<vmem>> -> memref<32xi32, #tpu.memory_space<vmem>>
      tpu.enqueue_dma source(%dma_start3A_128 : memref<32xi32, #tpu.memory_space<vmem>>) target(%dma_start3A_126 : memref<32xi32, #tpu.memory_space<hbm>>) target_semaphore(%run_scoped3A : memref<!tpu.dma_semaphore, #tpu.memory_space<semaphore_mem>>)
      %dma_wait3A = arith.constant 64 : i32
      %dma_wait3A_129 = tpu.memref_slice %arg10[%dma_wait3A] : memref<6448xi32, #tpu.memory_space<vmem>> -> memref<32xi32, #tpu.memory_space<vmem>>
      %dma_wait3A_130 = tpu.memref_slice %arg5[%add3A_93] : memref<10373120xi32, #tpu.memory_space<hbm>> -> memref<32xi32, #tpu.memory_space<hbm>>
      %dma_wait3A_131 = tpu.memref_slice %arg5[%add3A_93] : memref<10373120xi32, #tpu.memory_space<hbm>> -> memref<32xi32, #tpu.memory_space<hbm>>
      %dma_wait3A_132 = arith.constant 64 : i32
      %dma_wait3A_133 = tpu.memref_slice %arg10[%dma_wait3A_132] : memref<6448xi32, #tpu.memory_space<vmem>> -> memref<32xi32, #tpu.memory_space<vmem>>
      tpu.wait_dma2 semaphore(%run_scoped3A : memref<!tpu.dma_semaphore, #tpu.memory_space<semaphore_mem>>) src(%dma_wait3A_133 : memref<32xi32, #tpu.memory_space<vmem>>) dst(%dma_wait3A_131 : memref<32xi32, #tpu.memory_space<hbm>>)
      tpu.yield
    }) : () -> ()
    %add3A_94 = arith.constant 3 : i32
    %add3A_95 = arith.addi %scan3A_12, %add3A_94 : i32
    %mul3A_96 = arith.constant 32 : i32
    %mul3A_97 = arith.muli %add3A_95, %mul3A_96 : i32
    %add3A_98 = arith.addi %mul3A_4, %mul3A_97 : i32
    "tpu.region"() ({
      %run_scoped3A = tpu.sem_alloc : memref<!tpu.dma_semaphore, #tpu.memory_space<semaphore_mem>>
      %dma_start3A = arith.constant 96 : i32
      %dma_start3A_124 = tpu.memref_slice %arg9[%dma_start3A] : memref<6448xi32, #tpu.memory_space<vmem>> -> memref<32xi32, #tpu.memory_space<vmem>>
      %dma_start3A_125 = tpu.memref_slice %arg4[%add3A_98] : memref<10373120xi32, #tpu.memory_space<hbm>> -> memref<32xi32, #tpu.memory_space<hbm>>
      %dma_start3A_126 = tpu.memref_slice %arg4[%add3A_98] : memref<10373120xi32, #tpu.memory_space<hbm>> -> memref<32xi32, #tpu.memory_space<hbm>>
      %dma_start3A_127 = arith.constant 96 : i32
      %dma_start3A_128 = tpu.memref_slice %arg9[%dma_start3A_127] : memref<6448xi32, #tpu.memory_space<vmem>> -> memref<32xi32, #tpu.memory_space<vmem>>
      tpu.enqueue_dma source(%dma_start3A_128 : memref<32xi32, #tpu.memory_space<vmem>>) target(%dma_start3A_126 : memref<32xi32, #tpu.memory_space<hbm>>) target_semaphore(%run_scoped3A : memref<!tpu.dma_semaphore, #tpu.memory_space<semaphore_mem>>)
      %dma_wait3A = arith.constant 96 : i32
      %dma_wait3A_129 = tpu.memref_slice %arg9[%dma_wait3A] : memref<6448xi32, #tpu.memory_space<vmem>> -> memref<32xi32, #tpu.memory_space<vmem>>
      %dma_wait3A_130 = tpu.memref_slice %arg4[%add3A_98] : memref<10373120xi32, #tpu.memory_space<hbm>> -> memref<32xi32, #tpu.memory_space<hbm>>
      %dma_wait3A_131 = tpu.memref_slice %arg4[%add3A_98] : memref<10373120xi32, #tpu.memory_space<hbm>> -> memref<32xi32, #tpu.memory_space<hbm>>
      %dma_wait3A_132 = arith.constant 96 : i32
      %dma_wait3A_133 = tpu.memref_slice %arg9[%dma_wait3A_132] : memref<6448xi32, #tpu.memory_space<vmem>> -> memref<32xi32, #tpu.memory_space<vmem>>
      tpu.wait_dma2 semaphore(%run_scoped3A : memref<!tpu.dma_semaphore, #tpu.memory_space<semaphore_mem>>) src(%dma_wait3A_133 : memref<32xi32, #tpu.memory_space<vmem>>) dst(%dma_wait3A_131 : memref<32xi32, #tpu.memory_space<hbm>>)
      tpu.yield
    }) : () -> ()
    "tpu.region"() ({
      %run_scoped3A = tpu.sem_alloc : memref<!tpu.dma_semaphore, #tpu.memory_space<semaphore_mem>>
      %dma_start3A = arith.constant 96 : i32
      %dma_start3A_124 = tpu.memref_slice %arg10[%dma_start3A] : memref<6448xi32, #tpu.memory_space<vmem>> -> memref<32xi32, #tpu.memory_space<vmem>>
      %dma_start3A_125 = tpu.memref_slice %arg5[%add3A_98] : memref<10373120xi32, #tpu.memory_space<hbm>> -> memref<32xi32, #tpu.memory_space<hbm>>
      %dma_start3A_126 = tpu.memref_slice %arg5[%add3A_98] : memref<10373120xi32, #tpu.memory_space<hbm>> -> memref<32xi32, #tpu.memory_space<hbm>>
      %dma_start3A_127 = arith.constant 96 : i32
      %dma_start3A_128 = tpu.memref_slice %arg10[%dma_start3A_127] : memref<6448xi32, #tpu.memory_space<vmem>> -> memref<32xi32, #tpu.memory_space<vmem>>
      tpu.enqueue_dma source(%dma_start3A_128 : memref<32xi32, #tpu.memory_space<vmem>>) target(%dma_start3A_126 : memref<32xi32, #tpu.memory_space<hbm>>) target_semaphore(%run_scoped3A : memref<!tpu.dma_semaphore, #tpu.memory_space<semaphore_mem>>)
      %dma_wait3A = arith.constant 96 : i32
      %dma_wait3A_129 = tpu.memref_slice %arg10[%dma_wait3A] : memref<6448xi32, #tpu.memory_space<vmem>> -> memref<32xi32, #tpu.memory_space<vmem>>
      %dma_wait3A_130 = tpu.memref_slice %arg5[%add3A_98] : memref<10373120xi32, #tpu.memory_space<hbm>> -> memref<32xi32, #tpu.memory_space<hbm>>
      %dma_wait3A_131 = tpu.memref_slice %arg5[%add3A_98] : memref<10373120xi32, #tpu.memory_space<hbm>> -> memref<32xi32, #tpu.memory_space<hbm>>
      %dma_wait3A_132 = arith.constant 96 : i32
      %dma_wait3A_133 = tpu.memref_slice %arg10[%dma_wait3A_132] : memref<6448xi32, #tpu.memory_space<vmem>> -> memref<32xi32, #tpu.memory_space<vmem>>
      tpu.wait_dma2 semaphore(%run_scoped3A : memref<!tpu.dma_semaphore, #tpu.memory_space<semaphore_mem>>) src(%dma_wait3A_133 : memref<32xi32, #tpu.memory_space<vmem>>) dst(%dma_wait3A_131 : memref<32xi32, #tpu.memory_space<hbm>>)
      tpu.yield
    }) : () -> ()
    %add3A_99 = arith.constant 4 : i32
    %add3A_100 = arith.addi %scan3A_12, %add3A_99 : i32
    %mul3A_101 = arith.constant 32 : i32
    %mul3A_102 = arith.muli %add3A_100, %mul3A_101 : i32
    %add3A_103 = arith.addi %mul3A_4, %mul3A_102 : i32
    "tpu.region"() ({
      %run_scoped3A = tpu.sem_alloc : memref<!tpu.dma_semaphore, #tpu.memory_space<semaphore_mem>>
      %dma_start3A = arith.constant 128 : i32
      %dma_start3A_124 = tpu.memref_slice %arg9[%dma_start3A] : memref<6448xi32, #tpu.memory_space<vmem>> -> memref<32xi32, #tpu.memory_space<vmem>>
      %dma_start3A_125 = tpu.memref_slice %arg4[%add3A_103] : memref<10373120xi32, #tpu.memory_space<hbm>> -> memref<32xi32, #tpu.memory_space<hbm>>
      %dma_start3A_126 = tpu.memref_slice %arg4[%add3A_103] : memref<10373120xi32, #tpu.memory_space<hbm>> -> memref<32xi32, #tpu.memory_space<hbm>>
      %dma_start3A_127 = arith.constant 128 : i32
      %dma_start3A_128 = tpu.memref_slice %arg9[%dma_start3A_127] : memref<6448xi32, #tpu.memory_space<vmem>> -> memref<32xi32, #tpu.memory_space<vmem>>
      tpu.enqueue_dma source(%dma_start3A_128 : memref<32xi32, #tpu.memory_space<vmem>>) target(%dma_start3A_126 : memref<32xi32, #tpu.memory_space<hbm>>) target_semaphore(%run_scoped3A : memref<!tpu.dma_semaphore, #tpu.memory_space<semaphore_mem>>)
      %dma_wait3A = arith.constant 128 : i32
      %dma_wait3A_129 = tpu.memref_slice %arg9[%dma_wait3A] : memref<6448xi32, #tpu.memory_space<vmem>> -> memref<32xi32, #tpu.memory_space<vmem>>
      %dma_wait3A_130 = tpu.memref_slice %arg4[%add3A_103] : memref<10373120xi32, #tpu.memory_space<hbm>> -> memref<32xi32, #tpu.memory_space<hbm>>
      %dma_wait3A_131 = tpu.memref_slice %arg4[%add3A_103] : memref<10373120xi32, #tpu.memory_space<hbm>> -> memref<32xi32, #tpu.memory_space<hbm>>
      %dma_wait3A_132 = arith.constant 128 : i32
      %dma_wait3A_133 = tpu.memref_slice %arg9[%dma_wait3A_132] : memref<6448xi32, #tpu.memory_space<vmem>> -> memref<32xi32, #tpu.memory_space<vmem>>
      tpu.wait_dma2 semaphore(%run_scoped3A : memref<!tpu.dma_semaphore, #tpu.memory_space<semaphore_mem>>) src(%dma_wait3A_133 : memref<32xi32, #tpu.memory_space<vmem>>) dst(%dma_wait3A_131 : memref<32xi32, #tpu.memory_space<hbm>>)
      tpu.yield
    }) : () -> ()
    "tpu.region"() ({
      %run_scoped3A = tpu.sem_alloc : memref<!tpu.dma_semaphore, #tpu.memory_space<semaphore_mem>>
      %dma_start3A = arith.constant 128 : i32
      %dma_start3A_124 = tpu.memref_slice %arg10[%dma_start3A] : memref<6448xi32, #tpu.memory_space<vmem>> -> memref<32xi32, #tpu.memory_space<vmem>>
      %dma_start3A_125 = tpu.memref_slice %arg5[%add3A_103] : memref<10373120xi32, #tpu.memory_space<hbm>> -> memref<32xi32, #tpu.memory_space<hbm>>
      %dma_start3A_126 = tpu.memref_slice %arg5[%add3A_103] : memref<10373120xi32, #tpu.memory_space<hbm>> -> memref<32xi32, #tpu.memory_space<hbm>>
      %dma_start3A_127 = arith.constant 128 : i32
      %dma_start3A_128 = tpu.memref_slice %arg10[%dma_start3A_127] : memref<6448xi32, #tpu.memory_space<vmem>> -> memref<32xi32, #tpu.memory_space<vmem>>
      tpu.enqueue_dma source(%dma_start3A_128 : memref<32xi32, #tpu.memory_space<vmem>>) target(%dma_start3A_126 : memref<32xi32, #tpu.memory_space<hbm>>) target_semaphore(%run_scoped3A : memref<!tpu.dma_semaphore, #tpu.memory_space<semaphore_mem>>)
      %dma_wait3A = arith.constant 128 : i32
      %dma_wait3A_129 = tpu.memref_slice %arg10[%dma_wait3A] : memref<6448xi32, #tpu.memory_space<vmem>> -> memref<32xi32, #tpu.memory_space<vmem>>
      %dma_wait3A_130 = tpu.memref_slice %arg5[%add3A_103] : memref<10373120xi32, #tpu.memory_space<hbm>> -> memref<32xi32, #tpu.memory_space<hbm>>
      %dma_wait3A_131 = tpu.memref_slice %arg5[%add3A_103] : memref<10373120xi32, #tpu.memory_space<hbm>> -> memref<32xi32, #tpu.memory_space<hbm>>
      %dma_wait3A_132 = arith.constant 128 : i32
      %dma_wait3A_133 = tpu.memref_slice %arg10[%dma_wait3A_132] : memref<6448xi32, #tpu.memory_space<vmem>> -> memref<32xi32, #tpu.memory_space<vmem>>
      tpu.wait_dma2 semaphore(%run_scoped3A : memref<!tpu.dma_semaphore, #tpu.memory_space<semaphore_mem>>) src(%dma_wait3A_133 : memref<32xi32, #tpu.memory_space<vmem>>) dst(%dma_wait3A_131 : memref<32xi32, #tpu.memory_space<hbm>>)
      tpu.yield
    }) : () -> ()
    %add3A_104 = arith.constant 5 : i32
    %add3A_105 = arith.addi %scan3A_12, %add3A_104 : i32
    %mul3A_106 = arith.constant 32 : i32
    %mul3A_107 = arith.muli %add3A_105, %mul3A_106 : i32
    %add3A_108 = arith.addi %mul3A_4, %mul3A_107 : i32
    "tpu.region"() ({
      %run_scoped3A = tpu.sem_alloc : memref<!tpu.dma_semaphore, #tpu.memory_space<semaphore_mem>>
      %dma_start3A = arith.constant 160 : i32
      %dma_start3A_124 = tpu.memref_slice %arg9[%dma_start3A] : memref<6448xi32, #tpu.memory_space<vmem>> -> memref<32xi32, #tpu.memory_space<vmem>>
      %dma_start3A_125 = tpu.memref_slice %arg4[%add3A_108] : memref<10373120xi32, #tpu.memory_space<hbm>> -> memref<32xi32, #tpu.memory_space<hbm>>
      %dma_start3A_126 = tpu.memref_slice %arg4[%add3A_108] : memref<10373120xi32, #tpu.memory_space<hbm>> -> memref<32xi32, #tpu.memory_space<hbm>>
      %dma_start3A_127 = arith.constant 160 : i32
      %dma_start3A_128 = tpu.memref_slice %arg9[%dma_start3A_127] : memref<6448xi32, #tpu.memory_space<vmem>> -> memref<32xi32, #tpu.memory_space<vmem>>
      tpu.enqueue_dma source(%dma_start3A_128 : memref<32xi32, #tpu.memory_space<vmem>>) target(%dma_start3A_126 : memref<32xi32, #tpu.memory_space<hbm>>) target_semaphore(%run_scoped3A : memref<!tpu.dma_semaphore, #tpu.memory_space<semaphore_mem>>)
      %dma_wait3A = arith.constant 160 : i32
      %dma_wait3A_129 = tpu.memref_slice %arg9[%dma_wait3A] : memref<6448xi32, #tpu.memory_space<vmem>> -> memref<32xi32, #tpu.memory_space<vmem>>
      %dma_wait3A_130 = tpu.memref_slice %arg4[%add3A_108] : memref<10373120xi32, #tpu.memory_space<hbm>> -> memref<32xi32, #tpu.memory_space<hbm>>
      %dma_wait3A_131 = tpu.memref_slice %arg4[%add3A_108] : memref<10373120xi32, #tpu.memory_space<hbm>> -> memref<32xi32, #tpu.memory_space<hbm>>
      %dma_wait3A_132 = arith.constant 160 : i32
      %dma_wait3A_133 = tpu.memref_slice %arg9[%dma_wait3A_132] : memref<6448xi32, #tpu.memory_space<vmem>> -> memref<32xi32, #tpu.memory_space<vmem>>
      tpu.wait_dma2 semaphore(%run_scoped3A : memref<!tpu.dma_semaphore, #tpu.memory_space<semaphore_mem>>) src(%dma_wait3A_133 : memref<32xi32, #tpu.memory_space<vmem>>) dst(%dma_wait3A_131 : memref<32xi32, #tpu.memory_space<hbm>>)
      tpu.yield
    }) : () -> ()
    "tpu.region"() ({
      %run_scoped3A = tpu.sem_alloc : memref<!tpu.dma_semaphore, #tpu.memory_space<semaphore_mem>>
      %dma_start3A = arith.constant 160 : i32
      %dma_start3A_124 = tpu.memref_slice %arg10[%dma_start3A] : memref<6448xi32, #tpu.memory_space<vmem>> -> memref<32xi32, #tpu.memory_space<vmem>>
      %dma_start3A_125 = tpu.memref_slice %arg5[%add3A_108] : memref<10373120xi32, #tpu.memory_space<hbm>> -> memref<32xi32, #tpu.memory_space<hbm>>
      %dma_start3A_126 = tpu.memref_slice %arg5[%add3A_108] : memref<10373120xi32, #tpu.memory_space<hbm>> -> memref<32xi32, #tpu.memory_space<hbm>>
      %dma_start3A_127 = arith.constant 160 : i32
      %dma_start3A_128 = tpu.memref_slice %arg10[%dma_start3A_127] : memref<6448xi32, #tpu.memory_space<vmem>> -> memref<32xi32, #tpu.memory_space<vmem>>
      tpu.enqueue_dma source(%dma_start3A_128 : memref<32xi32, #tpu.memory_space<vmem>>) target(%dma_start3A_126 : memref<32xi32, #tpu.memory_space<hbm>>) target_semaphore(%run_scoped3A : memref<!tpu.dma_semaphore, #tpu.memory_space<semaphore_mem>>)
      %dma_wait3A = arith.constant 160 : i32
      %dma_wait3A_129 = tpu.memref_slice %arg10[%dma_wait3A] : memref<6448xi32, #tpu.memory_space<vmem>> -> memref<32xi32, #tpu.memory_space<vmem>>
      %dma_wait3A_130 = tpu.memref_slice %arg5[%add3A_108] : memref<10373120xi32, #tpu.memory_space<hbm>> -> memref<32xi32, #tpu.memory_space<hbm>>
      %dma_wait3A_131 = tpu.memref_slice %arg5[%add3A_108] : memref<10373120xi32, #tpu.memory_space<hbm>> -> memref<32xi32, #tpu.memory_space<hbm>>
      %dma_wait3A_132 = arith.constant 160 : i32
      %dma_wait3A_133 = tpu.memref_slice %arg10[%dma_wait3A_132] : memref<6448xi32, #tpu.memory_space<vmem>> -> memref<32xi32, #tpu.memory_space<vmem>>
      tpu.wait_dma2 semaphore(%run_scoped3A : memref<!tpu.dma_semaphore, #tpu.memory_space<semaphore_mem>>) src(%dma_wait3A_133 : memref<32xi32, #tpu.memory_space<vmem>>) dst(%dma_wait3A_131 : memref<32xi32, #tpu.memory_space<hbm>>)
      tpu.yield
    }) : () -> ()
    %add3A_109 = arith.constant 6 : i32
    %add3A_110 = arith.addi %scan3A_12, %add3A_109 : i32
    %mul3A_111 = arith.constant 32 : i32
    %mul3A_112 = arith.muli %add3A_110, %mul3A_111 : i32
    %add3A_113 = arith.addi %mul3A_4, %mul3A_112 : i32
    "tpu.region"() ({
      %run_scoped3A = tpu.sem_alloc : memref<!tpu.dma_semaphore, #tpu.memory_space<semaphore_mem>>
      %dma_start3A = arith.constant 192 : i32
      %dma_start3A_124 = tpu.memref_slice %arg9[%dma_start3A] : memref<6448xi32, #tpu.memory_space<vmem>> -> memref<32xi32, #tpu.memory_space<vmem>>
      %dma_start3A_125 = tpu.memref_slice %arg4[%add3A_113] : memref<10373120xi32, #tpu.memory_space<hbm>> -> memref<32xi32, #tpu.memory_space<hbm>>
      %dma_start3A_126 = tpu.memref_slice %arg4[%add3A_113] : memref<10373120xi32, #tpu.memory_space<hbm>> -> memref<32xi32, #tpu.memory_space<hbm>>
      %dma_start3A_127 = arith.constant 192 : i32
      %dma_start3A_128 = tpu.memref_slice %arg9[%dma_start3A_127] : memref<6448xi32, #tpu.memory_space<vmem>> -> memref<32xi32, #tpu.memory_space<vmem>>
      tpu.enqueue_dma source(%dma_start3A_128 : memref<32xi32, #tpu.memory_space<vmem>>) target(%dma_start3A_126 : memref<32xi32, #tpu.memory_space<hbm>>) target_semaphore(%run_scoped3A : memref<!tpu.dma_semaphore, #tpu.memory_space<semaphore_mem>>)
      %dma_wait3A = arith.constant 192 : i32
      %dma_wait3A_129 = tpu.memref_slice %arg9[%dma_wait3A] : memref<6448xi32, #tpu.memory_space<vmem>> -> memref<32xi32, #tpu.memory_space<vmem>>
      %dma_wait3A_130 = tpu.memref_slice %arg4[%add3A_113] : memref<10373120xi32, #tpu.memory_space<hbm>> -> memref<32xi32, #tpu.memory_space<hbm>>
      %dma_wait3A_131 = tpu.memref_slice %arg4[%add3A_113] : memref<10373120xi32, #tpu.memory_space<hbm>> -> memref<32xi32, #tpu.memory_space<hbm>>
      %dma_wait3A_132 = arith.constant 192 : i32
      %dma_wait3A_133 = tpu.memref_slice %arg9[%dma_wait3A_132] : memref<6448xi32, #tpu.memory_space<vmem>> -> memref<32xi32, #tpu.memory_space<vmem>>
      tpu.wait_dma2 semaphore(%run_scoped3A : memref<!tpu.dma_semaphore, #tpu.memory_space<semaphore_mem>>) src(%dma_wait3A_133 : memref<32xi32, #tpu.memory_space<vmem>>) dst(%dma_wait3A_131 : memref<32xi32, #tpu.memory_space<hbm>>)
      tpu.yield
    }) : () -> ()
    "tpu.region"() ({
      %run_scoped3A = tpu.sem_alloc : memref<!tpu.dma_semaphore, #tpu.memory_space<semaphore_mem>>
      %dma_start3A = arith.constant 192 : i32
      %dma_start3A_124 = tpu.memref_slice %arg10[%dma_start3A] : memref<6448xi32, #tpu.memory_space<vmem>> -> memref<32xi32, #tpu.memory_space<vmem>>
      %dma_start3A_125 = tpu.memref_slice %arg5[%add3A_113] : memref<10373120xi32, #tpu.memory_space<hbm>> -> memref<32xi32, #tpu.memory_space<hbm>>
      %dma_start3A_126 = tpu.memref_slice %arg5[%add3A_113] : memref<10373120xi32, #tpu.memory_space<hbm>> -> memref<32xi32, #tpu.memory_space<hbm>>
      %dma_start3A_127 = arith.constant 192 : i32
      %dma_start3A_128 = tpu.memref_slice %arg10[%dma_start3A_127] : memref<6448xi32, #tpu.memory_space<vmem>> -> memref<32xi32, #tpu.memory_space<vmem>>
      tpu.enqueue_dma source(%dma_start3A_128 : memref<32xi32, #tpu.memory_space<vmem>>) target(%dma_start3A_126 : memref<32xi32, #tpu.memory_space<hbm>>) target_semaphore(%run_scoped3A : memref<!tpu.dma_semaphore, #tpu.memory_space<semaphore_mem>>)
      %dma_wait3A = arith.constant 192 : i32
      %dma_wait3A_129 = tpu.memref_slice %arg10[%dma_wait3A] : memref<6448xi32, #tpu.memory_space<vmem>> -> memref<32xi32, #tpu.memory_space<vmem>>
      %dma_wait3A_130 = tpu.memref_slice %arg5[%add3A_113] : memref<10373120xi32, #tpu.memory_space<hbm>> -> memref<32xi32, #tpu.memory_space<hbm>>
      %dma_wait3A_131 = tpu.memref_slice %arg5[%add3A_113] : memref<10373120xi32, #tpu.memory_space<hbm>> -> memref<32xi32, #tpu.memory_space<hbm>>
      %dma_wait3A_132 = arith.constant 192 : i32
      %dma_wait3A_133 = tpu.memref_slice %arg10[%dma_wait3A_132] : memref<6448xi32, #tpu.memory_space<vmem>> -> memref<32xi32, #tpu.memory_space<vmem>>
      tpu.wait_dma2 semaphore(%run_scoped3A : memref<!tpu.dma_semaphore, #tpu.memory_space<semaphore_mem>>) src(%dma_wait3A_133 : memref<32xi32, #tpu.memory_space<vmem>>) dst(%dma_wait3A_131 : memref<32xi32, #tpu.memory_space<hbm>>)
      tpu.yield
    }) : () -> ()
    %add3A_114 = arith.constant 7 : i32
    %add3A_115 = arith.addi %scan3A_12, %add3A_114 : i32
    %mul3A_116 = arith.constant 32 : i32
    %mul3A_117 = arith.muli %add3A_115, %mul3A_116 : i32
    %add3A_118 = arith.addi %mul3A_4, %mul3A_117 : i32
    "tpu.region"() ({
      %run_scoped3A = tpu.sem_alloc : memref<!tpu.dma_semaphore, #tpu.memory_space<semaphore_mem>>
      %dma_start3A = arith.constant 224 : i32
      %dma_start3A_124 = tpu.memref_slice %arg9[%dma_start3A] : memref<6448xi32, #tpu.memory_space<vmem>> -> memref<32xi32, #tpu.memory_space<vmem>>
      %dma_start3A_125 = tpu.memref_slice %arg4[%add3A_118] : memref<10373120xi32, #tpu.memory_space<hbm>> -> memref<32xi32, #tpu.memory_space<hbm>>
      %dma_start3A_126 = tpu.memref_slice %arg4[%add3A_118] : memref<10373120xi32, #tpu.memory_space<hbm>> -> memref<32xi32, #tpu.memory_space<hbm>>
      %dma_start3A_127 = arith.constant 224 : i32
      %dma_start3A_128 = tpu.memref_slice %arg9[%dma_start3A_127] : memref<6448xi32, #tpu.memory_space<vmem>> -> memref<32xi32, #tpu.memory_space<vmem>>
      tpu.enqueue_dma source(%dma_start3A_128 : memref<32xi32, #tpu.memory_space<vmem>>) target(%dma_start3A_126 : memref<32xi32, #tpu.memory_space<hbm>>) target_semaphore(%run_scoped3A : memref<!tpu.dma_semaphore, #tpu.memory_space<semaphore_mem>>)
      %dma_wait3A = arith.constant 224 : i32
      %dma_wait3A_129 = tpu.memref_slice %arg9[%dma_wait3A] : memref<6448xi32, #tpu.memory_space<vmem>> -> memref<32xi32, #tpu.memory_space<vmem>>
      %dma_wait3A_130 = tpu.memref_slice %arg4[%add3A_118] : memref<10373120xi32, #tpu.memory_space<hbm>> -> memref<32xi32, #tpu.memory_space<hbm>>
      %dma_wait3A_131 = tpu.memref_slice %arg4[%add3A_118] : memref<10373120xi32, #tpu.memory_space<hbm>> -> memref<32xi32, #tpu.memory_space<hbm>>
      %dma_wait3A_132 = arith.constant 224 : i32
      %dma_wait3A_133 = tpu.memref_slice %arg9[%dma_wait3A_132] : memref<6448xi32, #tpu.memory_space<vmem>> -> memref<32xi32, #tpu.memory_space<vmem>>
      tpu.wait_dma2 semaphore(%run_scoped3A : memref<!tpu.dma_semaphore, #tpu.memory_space<semaphore_mem>>) src(%dma_wait3A_133 : memref<32xi32, #tpu.memory_space<vmem>>) dst(%dma_wait3A_131 : memref<32xi32, #tpu.memory_space<hbm>>)
      tpu.yield
    }) : () -> ()
    "tpu.region"() ({
      %run_scoped3A = tpu.sem_alloc : memref<!tpu.dma_semaphore, #tpu.memory_space<semaphore_mem>>
      %dma_start3A = arith.constant 224 : i32
      %dma_start3A_124 = tpu.memref_slice %arg10[%dma_start3A] : memref<6448xi32, #tpu.memory_space<vmem>> -> memref<32xi32, #tpu.memory_space<vmem>>
      %dma_start3A_125 = tpu.memref_slice %arg5[%add3A_118] : memref<10373120xi32, #tpu.memory_space<hbm>> -> memref<32xi32, #tpu.memory_space<hbm>>
      %dma_start3A_126 = tpu.memref_slice %arg5[%add3A_118] : memref<10373120xi32, #tpu.memory_space<hbm>> -> memref<32xi32, #tpu.memory_space<hbm>>
      %dma_start3A_127 = arith.constant 224 : i32
      %dma_start3A_128 = tpu.memref_slice %arg10[%dma_start3A_127] : memref<6448xi32, #tpu.memory_space<vmem>> -> memref<32xi32, #tpu.memory_space<vmem>>
      tpu.enqueue_dma source(%dma_start3A_128 : memref<32xi32, #tpu.memory_space<vmem>>) target(%dma_start3A_126 : memref<32xi32, #tpu.memory_space<hbm>>) target_semaphore(%run_scoped3A : memref<!tpu.dma_semaphore, #tpu.memory_space<semaphore_mem>>)
      %dma_wait3A = arith.constant 224 : i32
      %dma_wait3A_129 = tpu.memref_slice %arg10[%dma_wait3A] : memref<6448xi32, #tpu.memory_space<vmem>> -> memref<32xi32, #tpu.memory_space<vmem>>
      %dma_wait3A_130 = tpu.memref_slice %arg5[%add3A_118] : memref<10373120xi32, #tpu.memory_space<hbm>> -> memref<32xi32, #tpu.memory_space<hbm>>
      %dma_wait3A_131 = tpu.memref_slice %arg5[%add3A_118] : memref<10373120xi32, #tpu.memory_space<hbm>> -> memref<32xi32, #tpu.memory_space<hbm>>
      %dma_wait3A_132 = arith.constant 224 : i32
      %dma_wait3A_133 = tpu.memref_slice %arg10[%dma_wait3A_132] : memref<6448xi32, #tpu.memory_space<vmem>> -> memref<32xi32, #tpu.memory_space<vmem>>
      tpu.wait_dma2 semaphore(%run_scoped3A : memref<!tpu.dma_semaphore, #tpu.memory_space<semaphore_mem>>) src(%dma_wait3A_133 : memref<32xi32, #tpu.memory_space<vmem>>) dst(%dma_wait3A_131 : memref<32xi32, #tpu.memory_space<hbm>>)
      tpu.yield
    }) : () -> ()
    %broadcast_in_dim3A_119 = vector.broadcast %mul3A_15 : i32 to vector<16xi32>
    %swap3A_120 = arith.constant 0 : index
    %swap3A_121 = tpu.vector_load %arg8[%swap3A_120] {strides = array<i32>} : memref<6400xi32, #tpu.memory_space<vmem>>, vector<16xi32>,
    tpu.vector_store %arg8[%swap3A_120], %broadcast_in_dim3A_119 {strides = array<i32>} : memref<6400xi32, #tpu.memory_space<vmem>>, vector<16xi32>,
    %mul3A_122 = arith.constant 16 : i32
    %mul3A_123 = arith.muli %add3A, %mul3A_122 : i32
    "tpu.region"() ({
      %run_scoped3A = tpu.sem_alloc : memref<!tpu.dma_semaphore, #tpu.memory_space<semaphore_mem>>
      %dma_start3A = arith.constant 0 : i32
      %dma_start3A_124 = tpu.memref_slice %arg8[%dma_start3A] : memref<6400xi32, #tpu.memory_space<vmem>> -> memref<16xi32, #tpu.memory_space<vmem>>
      %dma_start3A_125 = tpu.memref_slice %arg6[%mul3A_123] : memref<512xi32, #tpu.memory_space<hbm>> -> memref<16xi32, #tpu.memory_space<hbm>>
      %dma_start3A_126 = tpu.memref_slice %arg6[%mul3A_123] : memref<512xi32, #tpu.memory_space<hbm>> -> memref<16xi32, #tpu.memory_space<hbm>>
      %dma_start3A_127 = arith.constant 0 : i32
      %dma_start3A_128 = tpu.memref_slice %arg8[%dma_start3A_127] : memref<6400xi32, #tpu.memory_space<vmem>> -> memref<16xi32, #tpu.memory_space<vmem>>
      tpu.enqueue_dma source(%dma_start3A_128 : memref<16xi32, #tpu.memory_space<vmem>>) target(%dma_start3A_126 : memref<16xi32, #tpu.memory_space<hbm>>) target_semaphore(%run_scoped3A : memref<!tpu.dma_semaphore, #tpu.memory_space<semaphore_mem>>)
      %dma_wait3A = arith.constant 0 : i32
      %dma_wait3A_129 = tpu.memref_slice %arg8[%dma_wait3A] : memref<6400xi32, #tpu.memory_space<vmem>> -> memref<16xi32, #tpu.memory_space<vmem>>
      %dma_wait3A_130 = tpu.memref_slice %arg6[%mul3A_123] : memref<512xi32, #tpu.memory_space<hbm>> -> memref<16xi32, #tpu.memory_space<hbm>>
      %dma_wait3A_131 = tpu.memref_slice %arg6[%mul3A_123] : memref<512xi32, #tpu.memory_space<hbm>> -> memref<16xi32, #tpu.memory_space<hbm>>
      %dma_wait3A_132 = arith.constant 0 : i32
      %dma_wait3A_133 = tpu.memref_slice %arg8[%dma_wait3A_132] : memref<6400xi32, #tpu.memory_space<vmem>> -> memref<16xi32, #tpu.memory_space<vmem>>
      tpu.wait_dma2 semaphore(%run_scoped3A : memref<!tpu.dma_semaphore, #tpu.memory_space<semaphore_mem>>) src(%dma_wait3A_133 : memref<16xi32, #tpu.memory_space<vmem>>) dst(%dma_wait3A_131 : memref<16xi32, #tpu.memory_space<hbm>>)
      tpu.yield
    }) : () -> ()
    return
  }
}

module attributes {stable_mosaic.version = 14 : i64} {
  func.func @_mm_mid_body(%arg0: i32, %arg1: memref<2000x128xf32, #tpu.memory_space<vmem>>, %arg2: memref<2000x128xf32, #tpu.memory_space<vmem>>, %arg3: memref<128x128xf32, #tpu.memory_space<vmem>>, %arg4: memref<128x128xf32, #tpu.memory_space<vmem>>, %arg5: memref<1x128xf32, #tpu.memory_space<vmem>>, %arg6: memref<128x128xf32, #tpu.memory_space<vmem>>, %arg7: memref<1x128xf32, #tpu.memory_space<vmem>>, %arg8: memref<2000x128xf32, #tpu.memory_space<vmem>>, %arg9: memref<2000x128xf32, #tpu.memory_space<vmem>>) attributes {dimension_semantics = [#tpu.dimension_semantics<arbitrary>], iteration_bounds = array<i64: 5>, scalar_prefetch = 0 : i64, scratch_operands = 0 : i64, tpu.core_type = #tpu.core_type<tc>, window_params = [{transform_indices = @transform_0, window_bounds = array<i64: 2000, 128>}, {transform_indices = @transform_1, window_bounds = array<i64: 2000, 128>}, {pipeline_mode = #tpu.pipeline_mode<synchronous>, transform_indices = @transform_2, window_bounds = array<i64: 128, 128>}, {pipeline_mode = #tpu.pipeline_mode<synchronous>, transform_indices = @transform_3, window_bounds = array<i64: 128, 128>}, {pipeline_mode = #tpu.pipeline_mode<synchronous>, transform_indices = @transform_4, window_bounds = array<i64: 1, 128>}, {pipeline_mode = #tpu.pipeline_mode<synchronous>, transform_indices = @transform_5, window_bounds = array<i64: 128, 128>}, {pipeline_mode = #tpu.pipeline_mode<synchronous>, transform_indices = @transform_6, window_bounds = array<i64: 1, 128>}, {transform_indices = @transform_7, window_bounds = array<i64: 2000, 128>}, {transform_indices = @transform_8, window_bounds = array<i64: 2000, 128>}]} {
    %get3A = arith.constant 0 : index
    %get3A_0 = arith.constant 0 : index
    %get3A_1 = vector.load %arg1[%get3A, %get3A_0] : memref<2000x128xf32, #tpu.memory_space<vmem>>, vector<2000x128xf32>
    %get3A_2 = arith.constant 0 : index
    %get3A_3 = arith.constant 0 : index
    %get3A_4 = vector.load %arg3[%get3A_2, %get3A_3] : memref<128x128xf32, #tpu.memory_space<vmem>>, vector<128x128xf32>
    %dot_general3A = arith.constant dense<0.000000e+00> : vector<2000x128xf32>
    %dot_general3A_5 = tpu.matmul %get3A_1, %get3A_4, %dot_general3A {dimension_numbers = #tpu.dot_dimension_numbers<[1], [1], [0], [0], [0, 0, 1, 0], [], []>, transpose_lhs_hint = false} : vector<2000x128xf32>, vector<128x128xf32>, vector<2000x128xf32> -> vector<2000x128xf32>
    %get3A_6 = arith.constant 0 : index
    %get3A_7 = arith.constant 0 : index
    %get3A_8 = vector.load %arg2[%get3A_6, %get3A_7] : memref<2000x128xf32, #tpu.memory_space<vmem>>, vector<2000x128xf32>
    %get3A_9 = arith.constant 0 : index
    %get3A_10 = arith.constant 0 : index
    %get3A_11 = vector.load %arg4[%get3A_9, %get3A_10] : memref<128x128xf32, #tpu.memory_space<vmem>>, vector<128x128xf32>
    %dot_general3A_12 = arith.constant dense<0.000000e+00> : vector<2000x128xf32>
    %dot_general3A_13 = tpu.matmul %get3A_8, %get3A_11, %dot_general3A_12 {dimension_numbers = #tpu.dot_dimension_numbers<[1], [1], [0], [0], [0, 0, 1, 0], [], []>, transpose_lhs_hint = false} : vector<2000x128xf32>, vector<128x128xf32>, vector<2000x128xf32> -> vector<2000x128xf32>
    %add3A = arith.addf %dot_general3A_5, %dot_general3A_13 : vector<2000x128xf32>
    %get3A_14 = arith.constant 0 : index
    %get3A_15 = arith.constant 0 : index
    %get3A_16 = vector.load %arg5[%get3A_14, %get3A_15] : memref<1x128xf32, #tpu.memory_space<vmem>>, vector<1x128xf32>
    %add3A_17 = vector.broadcast %get3A_16 : vector<1x128xf32> to vector<2000x128xf32>
    %add3A_18 = arith.addf %add3A, %add3A_17 : vector<2000x128xf32>
    %gt3A = arith.constant 0.000000e+00 : f32
    %gt3A_19 = vector.broadcast %gt3A : f32 to vector<2000x128xf32>
    %gt3A_20 = arith.cmpf ogt, %add3A_18, %gt3A_19 : vector<2000x128xf32>
    %mul3A = arith.constant 0.00999999977 : f32
    %mul3A_21 = vector.broadcast %mul3A : f32 to vector<2000x128xf32>
    %mul3A_22 = arith.mulf %mul3A_21, %add3A_18 : vector<2000x128xf32>
    %select_n3A = arith.select %gt3A_20, %add3A_18, %mul3A_22 : vector<2000x128xi1>, vector<2000x128xf32>
    %swap3A = arith.constant 0 : index
    %swap3A_23 = arith.constant 0 : index
    %swap3A_24 = vector.load %arg8[%swap3A, %swap3A_23] : memref<2000x128xf32, #tpu.memory_space<vmem>>, vector<2000x128xf32>
    tpu.vector_store %arg8[%swap3A, %swap3A_23], %select_n3A {strides = array<i32>} : memref<2000x128xf32, #tpu.memory_space<vmem>>, vector<2000x128xf32>,
    %get3A_25 = arith.constant 0 : index
    %get3A_26 = arith.constant 0 : index
    %get3A_27 = vector.load %arg6[%get3A_25, %get3A_26] : memref<128x128xf32, #tpu.memory_space<vmem>>, vector<128x128xf32>
    %dot_general3A_28 = arith.constant dense<0.000000e+00> : vector<2000x128xf32>
    %dot_general3A_29 = tpu.matmul %select_n3A, %get3A_27, %dot_general3A_28 {dimension_numbers = #tpu.dot_dimension_numbers<[1], [1], [0], [0], [0, 0, 1, 0], [], []>, transpose_lhs_hint = false} : vector<2000x128xf32>, vector<128x128xf32>, vector<2000x128xf32> -> vector<2000x128xf32>
    %get3A_30 = arith.constant 0 : index
    %get3A_31 = arith.constant 0 : index
    %get3A_32 = vector.load %arg7[%get3A_30, %get3A_31] : memref<1x128xf32, #tpu.memory_space<vmem>>, vector<1x128xf32>
    %add3A_33 = vector.broadcast %get3A_32 : vector<1x128xf32> to vector<2000x128xf32>
    %add3A_34 = arith.addf %dot_general3A_29, %add3A_33 : vector<2000x128xf32>
    %max3A = arith.constant 0.000000e+00 : f32
    %max3A_35 = vector.broadcast %max3A : f32 to vector<2000x128xf32>
    %max3A_36 = arith.maximumf %add3A_34, %max3A_35 : vector<2000x128xf32>
    %swap3A_37 = arith.constant 0 : index
    %swap3A_38 = arith.constant 0 : index
    %swap3A_39 = vector.load %arg9[%swap3A_37, %swap3A_38] : memref<2000x128xf32, #tpu.memory_space<vmem>>, vector<2000x128xf32>
    tpu.vector_store %arg9[%swap3A_37, %swap3A_38], %max3A_36 {strides = array<i32>} : memref<2000x128xf32, #tpu.memory_space<vmem>>, vector<2000x128xf32>,
    return
  }
  func.func @transform_0(%arg0: i32) -> (i32, i32) {
    %c0_i32 = arith.constant 0 : i32
    %c0_i32_0 = arith.constant 0 : i32
    return %arg0, %c0_i32 : i32, i32
  }
  func.func @transform_1(%arg0: i32) -> (i32, i32) {
    %c0_i32 = arith.constant 0 : i32
    %c0_i32_0 = arith.constant 0 : i32
    return %arg0, %c0_i32 : i32, i32
  }
  func.func @transform_2(%arg0: i32) -> (i32, i32) {
    %c0_i32 = arith.constant 0 : i32
    %c0_i32_0 = arith.constant 0 : i32
    %c0_i32_1 = arith.constant 0 : i32
    return %c0_i32, %c0_i32_0 : i32, i32
  }
  func.func @transform_3(%arg0: i32) -> (i32, i32) {
    %c0_i32 = arith.constant 0 : i32
    %c0_i32_0 = arith.constant 0 : i32
    %c0_i32_1 = arith.constant 0 : i32
    return %c0_i32, %c0_i32_0 : i32, i32
  }
  func.func @transform_4(%arg0: i32) -> (i32, i32) {
    %c0_i32 = arith.constant 0 : i32
    %c0_i32_0 = arith.constant 0 : i32
    %c0_i32_1 = arith.constant 0 : i32
    return %c0_i32, %c0_i32_0 : i32, i32
  }
  func.func @transform_5(%arg0: i32) -> (i32, i32) {
    %c0_i32 = arith.constant 0 : i32
    %c0_i32_0 = arith.constant 0 : i32
    %c0_i32_1 = arith.constant 0 : i32
    return %c0_i32, %c0_i32_0 : i32, i32
  }
  func.func @transform_6(%arg0: i32) -> (i32, i32) {
    %c0_i32 = arith.constant 0 : i32
    %c0_i32_0 = arith.constant 0 : i32
    %c0_i32_1 = arith.constant 0 : i32
    return %c0_i32, %c0_i32_0 : i32, i32
  }
  func.func @transform_7(%arg0: i32) -> (i32, i32) {
    %c0_i32 = arith.constant 0 : i32
    %c0_i32_0 = arith.constant 0 : i32
    return %arg0, %c0_i32 : i32, i32
  }
  func.func @transform_8(%arg0: i32) -> (i32, i32) {
    %c0_i32 = arith.constant 0 : i32
    %c0_i32_0 = arith.constant 0 : i32
    return %arg0, %c0_i32 : i32, i32
  }
}

module attributes {stable_mosaic.version = 14 : i64} {
  func.func @_mm_pool_body(%arg0: i32, %arg1: memref<2000x128xf32, #tpu.memory_space<vmem>>, %arg2: memref<128x128xf32, #tpu.memory_space<vmem>>, %arg3: memref<1x128xf32, #tpu.memory_space<vmem>>, %arg4: memref<2000x128xf32, #tpu.memory_space<vmem>>) attributes {dimension_semantics = [#tpu.dimension_semantics<arbitrary>], iteration_bounds = array<i64: 5>, scalar_prefetch = 0 : i64, scratch_operands = 0 : i64, tpu.core_type = #tpu.core_type<tc>, window_params = [{transform_indices = @transform_0, window_bounds = array<i64: 2000, 128>}, {pipeline_mode = #tpu.pipeline_mode<synchronous>, transform_indices = @transform_1, window_bounds = array<i64: 128, 128>}, {pipeline_mode = #tpu.pipeline_mode<synchronous>, transform_indices = @transform_2, window_bounds = array<i64: 1, 128>}, {transform_indices = @transform_3, window_bounds = array<i64: 2000, 128>}]} {
    %get3A = arith.constant 0 : index
    %get3A_0 = arith.constant 0 : index
    %get3A_1 = vector.load %arg1[%get3A, %get3A_0] : memref<2000x128xf32, #tpu.memory_space<vmem>>, vector<2000x128xf32>
    %get3A_2 = arith.constant 0 : index
    %get3A_3 = arith.constant 0 : index
    %get3A_4 = vector.load %arg2[%get3A_2, %get3A_3] : memref<128x128xf32, #tpu.memory_space<vmem>>, vector<128x128xf32>
    %dot_general3A = arith.constant dense<0.000000e+00> : vector<2000x128xf32>
    %dot_general3A_5 = tpu.matmul %get3A_1, %get3A_4, %dot_general3A {dimension_numbers = #tpu.dot_dimension_numbers<[1], [1], [0], [0], [0, 0, 1, 0], [], []>, transpose_lhs_hint = false} : vector<2000x128xf32>, vector<128x128xf32>, vector<2000x128xf32> -> vector<2000x128xf32>
    %get3A_6 = arith.constant 0 : index
    %get3A_7 = arith.constant 0 : index
    %get3A_8 = vector.load %arg3[%get3A_6, %get3A_7] : memref<1x128xf32, #tpu.memory_space<vmem>>, vector<1x128xf32>
    %add3A = vector.broadcast %get3A_8 : vector<1x128xf32> to vector<2000x128xf32>
    %add3A_9 = arith.addf %dot_general3A_5, %add3A : vector<2000x128xf32>
    %max3A = arith.constant 0.000000e+00 : f32
    %max3A_10 = vector.broadcast %max3A : f32 to vector<2000x128xf32>
    %max3A_11 = arith.maximumf %add3A_9, %max3A_10 : vector<2000x128xf32>
    %swap3A = arith.constant 0 : index
    %swap3A_12 = arith.constant 0 : index
    %swap3A_13 = vector.load %arg4[%swap3A, %swap3A_12] : memref<2000x128xf32, #tpu.memory_space<vmem>>, vector<2000x128xf32>
    tpu.vector_store %arg4[%swap3A, %swap3A_12], %max3A_11 {strides = array<i32>} : memref<2000x128xf32, #tpu.memory_space<vmem>>, vector<2000x128xf32>,
    return
  }
  func.func @transform_0(%arg0: i32) -> (i32, i32) {
    %c0_i32 = arith.constant 0 : i32
    %c0_i32_0 = arith.constant 0 : i32
    return %arg0, %c0_i32 : i32, i32
  }
  func.func @transform_1(%arg0: i32) -> (i32, i32) {
    %c0_i32 = arith.constant 0 : i32
    %c0_i32_0 = arith.constant 0 : i32
    %c0_i32_1 = arith.constant 0 : i32
    return %c0_i32, %c0_i32_0 : i32, i32
  }
  func.func @transform_2(%arg0: i32) -> (i32, i32) {
    %c0_i32 = arith.constant 0 : i32
    %c0_i32_0 = arith.constant 0 : i32
    %c0_i32_1 = arith.constant 0 : i32
    return %c0_i32, %c0_i32_0 : i32, i32
  }
  func.func @transform_3(%arg0: i32) -> (i32, i32) {
    %c0_i32 = arith.constant 0 : i32
    %c0_i32_0 = arith.constant 0 : i32
    return %arg0, %c0_i32 : i32, i32
  }
}

module attributes {stable_mosaic.version = 14 : i64} {
  func.func @_mm_head_body(%arg0: i32, %arg1: memref<2000x128xf32, #tpu.memory_space<vmem>>, %arg2: memref<2000x128xf32, #tpu.memory_space<vmem>>, %arg3: memref<128x128xf32, #tpu.memory_space<vmem>>, %arg4: memref<128x128xf32, #tpu.memory_space<vmem>>, %arg5: memref<1x128xf32, #tpu.memory_space<vmem>>, %arg6: memref<128x128xf32, #tpu.memory_space<vmem>>, %arg7: memref<1x128xf32, #tpu.memory_space<vmem>>, %arg8: memref<128x128xf32, #tpu.memory_space<vmem>>, %arg9: memref<1x128xf32, #tpu.memory_space<vmem>>, %arg10: memref<128x128xf32, #tpu.memory_space<vmem>>, %arg11: memref<1x128xf32, #tpu.memory_space<vmem>>, %arg12: memref<128x128xf32, #tpu.memory_space<vmem>>, %arg13: memref<1x128xf32, #tpu.memory_space<vmem>>, %arg14: memref<64x128xf32, #tpu.memory_space<vmem>>, %arg15: memref<1x64xf32, #tpu.memory_space<vmem>>, %arg16: memref<2000x64xf32, #tpu.memory_space<vmem>>) attributes {dimension_semantics = [#tpu.dimension_semantics<arbitrary>], iteration_bounds = array<i64: 5>, scalar_prefetch = 0 : i64, scratch_operands = 0 : i64, tpu.core_type = #tpu.core_type<tc>, window_params = [{transform_indices = @transform_0, window_bounds = array<i64: 2000, 128>}, {transform_indices = @transform_1, window_bounds = array<i64: 2000, 128>}, {pipeline_mode = #tpu.pipeline_mode<synchronous>, transform_indices = @transform_2, window_bounds = array<i64: 128, 128>}, {pipeline_mode = #tpu.pipeline_mode<synchronous>, transform_indices = @transform_3, window_bounds = array<i64: 128, 128>}, {pipeline_mode = #tpu.pipeline_mode<synchronous>, transform_indices = @transform_4, window_bounds = array<i64: 1, 128>}, {pipeline_mode = #tpu.pipeline_mode<synchronous>, transform_indices = @transform_5, window_bounds = array<i64: 128, 128>}, {pipeline_mode = #tpu.pipeline_mode<synchronous>, transform_indices = @transform_6, window_bounds = array<i64: 1, 128>}, {pipeline_mode = #tpu.pipeline_mode<synchronous>, transform_indices = @transform_7, window_bounds = array<i64: 128, 128>}, {pipeline_mode = #tpu.pipeline_mode<synchronous>, transform_indices = @transform_8, window_bounds = array<i64: 1, 128>}, {pipeline_mode = #tpu.pipeline_mode<synchronous>, transform_indices = @transform_9, window_bounds = array<i64: 128, 128>}, {pipeline_mode = #tpu.pipeline_mode<synchronous>, transform_indices = @transform_10, window_bounds = array<i64: 1, 128>}, {pipeline_mode = #tpu.pipeline_mode<synchronous>, transform_indices = @transform_11, window_bounds = array<i64: 128, 128>}, {pipeline_mode = #tpu.pipeline_mode<synchronous>, transform_indices = @transform_12, window_bounds = array<i64: 1, 128>}, {pipeline_mode = #tpu.pipeline_mode<synchronous>, transform_indices = @transform_13, window_bounds = array<i64: 64, 128>}, {pipeline_mode = #tpu.pipeline_mode<synchronous>, transform_indices = @transform_14, window_bounds = array<i64: 1, 64>}, {transform_indices = @transform_15, window_bounds = array<i64: 2000, 64>}]} {
    %get3A = arith.constant 0 : index
    %get3A_0 = arith.constant 0 : index
    %get3A_1 = vector.load %arg1[%get3A, %get3A_0] : memref<2000x128xf32, #tpu.memory_space<vmem>>, vector<2000x128xf32>
    %get3A_2 = arith.constant 0 : index
    %get3A_3 = arith.constant 0 : index
    %get3A_4 = vector.load %arg3[%get3A_2, %get3A_3] : memref<128x128xf32, #tpu.memory_space<vmem>>, vector<128x128xf32>
    %dot_general3A = arith.constant dense<0.000000e+00> : vector<2000x128xf32>
    %dot_general3A_5 = tpu.matmul %get3A_1, %get3A_4, %dot_general3A {dimension_numbers = #tpu.dot_dimension_numbers<[1], [1], [0], [0], [0, 0, 1, 0], [], []>, transpose_lhs_hint = false} : vector<2000x128xf32>, vector<128x128xf32>, vector<2000x128xf32> -> vector<2000x128xf32>
    %get3A_6 = arith.constant 0 : index
    %get3A_7 = arith.constant 0 : index
    %get3A_8 = vector.load %arg2[%get3A_6, %get3A_7] : memref<2000x128xf32, #tpu.memory_space<vmem>>, vector<2000x128xf32>
    %get3A_9 = arith.constant 0 : index
    %get3A_10 = arith.constant 0 : index
    %get3A_11 = vector.load %arg4[%get3A_9, %get3A_10] : memref<128x128xf32, #tpu.memory_space<vmem>>, vector<128x128xf32>
    %dot_general3A_12 = arith.constant dense<0.000000e+00> : vector<2000x128xf32>
    %dot_general3A_13 = tpu.matmul %get3A_8, %get3A_11, %dot_general3A_12 {dimension_numbers = #tpu.dot_dimension_numbers<[1], [1], [0], [0], [0, 0, 1, 0], [], []>, transpose_lhs_hint = false} : vector<2000x128xf32>, vector<128x128xf32>, vector<2000x128xf32> -> vector<2000x128xf32>
    %add3A = arith.addf %dot_general3A_5, %dot_general3A_13 : vector<2000x128xf32>
    %get3A_14 = arith.constant 0 : index
    %get3A_15 = arith.constant 0 : index
    %get3A_16 = vector.load %arg5[%get3A_14, %get3A_15] : memref<1x128xf32, #tpu.memory_space<vmem>>, vector<1x128xf32>
    %add3A_17 = vector.broadcast %get3A_16 : vector<1x128xf32> to vector<2000x128xf32>
    %add3A_18 = arith.addf %add3A, %add3A_17 : vector<2000x128xf32>
    %gt3A = arith.constant 0.000000e+00 : f32
    %gt3A_19 = vector.broadcast %gt3A : f32 to vector<2000x128xf32>
    %gt3A_20 = arith.cmpf ogt, %add3A_18, %gt3A_19 : vector<2000x128xf32>
    %mul3A = arith.constant 0.00999999977 : f32
    %mul3A_21 = vector.broadcast %mul3A : f32 to vector<2000x128xf32>
    %mul3A_22 = arith.mulf %mul3A_21, %add3A_18 : vector<2000x128xf32>
    %select_n3A = arith.select %gt3A_20, %add3A_18, %mul3A_22 : vector<2000x128xi1>, vector<2000x128xf32>
    %get3A_23 = arith.constant 0 : index
    %get3A_24 = arith.constant 0 : index
    %get3A_25 = vector.load %arg6[%get3A_23, %get3A_24] : memref<128x128xf32, #tpu.memory_space<vmem>>, vector<128x128xf32>
    %dot_general3A_26 = arith.constant dense<0.000000e+00> : vector<2000x128xf32>
    %dot_general3A_27 = tpu.matmul %select_n3A, %get3A_25, %dot_general3A_26 {dimension_numbers = #tpu.dot_dimension_numbers<[1], [1], [0], [0], [0, 0, 1, 0], [], []>, transpose_lhs_hint = false} : vector<2000x128xf32>, vector<128x128xf32>, vector<2000x128xf32> -> vector<2000x128xf32>
    %get3A_28 = arith.constant 0 : index
    %get3A_29 = arith.constant 0 : index
    %get3A_30 = vector.load %arg7[%get3A_28, %get3A_29] : memref<1x128xf32, #tpu.memory_space<vmem>>, vector<1x128xf32>
    %add3A_31 = vector.broadcast %get3A_30 : vector<1x128xf32> to vector<2000x128xf32>
    %add3A_32 = arith.addf %dot_general3A_27, %add3A_31 : vector<2000x128xf32>
    %gt3A_33 = arith.constant 0.000000e+00 : f32
    %gt3A_34 = vector.broadcast %gt3A_33 : f32 to vector<2000x128xf32>
    %gt3A_35 = arith.cmpf ogt, %add3A_32, %gt3A_34 : vector<2000x128xf32>
    %mul3A_36 = arith.constant 0.00999999977 : f32
    %mul3A_37 = vector.broadcast %mul3A_36 : f32 to vector<2000x128xf32>
    %mul3A_38 = arith.mulf %mul3A_37, %add3A_32 : vector<2000x128xf32>
    %select_n3A_39 = arith.select %gt3A_35, %add3A_32, %mul3A_38 : vector<2000x128xi1>, vector<2000x128xf32>
    %get3A_40 = arith.constant 0 : index
    %get3A_41 = arith.constant 0 : index
    %get3A_42 = vector.load %arg8[%get3A_40, %get3A_41] : memref<128x128xf32, #tpu.memory_space<vmem>>, vector<128x128xf32>
    %dot_general3A_43 = arith.constant dense<0.000000e+00> : vector<2000x128xf32>
    %dot_general3A_44 = tpu.matmul %select_n3A_39, %get3A_42, %dot_general3A_43 {dimension_numbers = #tpu.dot_dimension_numbers<[1], [1], [0], [0], [0, 0, 1, 0], [], []>, transpose_lhs_hint = false} : vector<2000x128xf32>, vector<128x128xf32>, vector<2000x128xf32> -> vector<2000x128xf32>
    %get3A_45 = arith.constant 0 : index
    %get3A_46 = arith.constant 0 : index
    %get3A_47 = vector.load %arg9[%get3A_45, %get3A_46] : memref<1x128xf32, #tpu.memory_space<vmem>>, vector<1x128xf32>
    %add3A_48 = vector.broadcast %get3A_47 : vector<1x128xf32> to vector<2000x128xf32>
    %add3A_49 = arith.addf %dot_general3A_44, %add3A_48 : vector<2000x128xf32>
    %gt3A_50 = arith.constant 0.000000e+00 : f32
    %gt3A_51 = vector.broadcast %gt3A_50 : f32 to vector<2000x128xf32>
    %gt3A_52 = arith.cmpf ogt, %add3A_49, %gt3A_51 : vector<2000x128xf32>
    %mul3A_53 = arith.constant 0.00999999977 : f32
    %mul3A_54 = vector.broadcast %mul3A_53 : f32 to vector<2000x128xf32>
    %mul3A_55 = arith.mulf %mul3A_54, %add3A_49 : vector<2000x128xf32>
    %select_n3A_56 = arith.select %gt3A_52, %add3A_49, %mul3A_55 : vector<2000x128xi1>, vector<2000x128xf32>
    %get3A_57 = arith.constant 0 : index
    %get3A_58 = arith.constant 0 : index
    %get3A_59 = vector.load %arg10[%get3A_57, %get3A_58] : memref<128x128xf32, #tpu.memory_space<vmem>>, vector<128x128xf32>
    %dot_general3A_60 = arith.constant dense<0.000000e+00> : vector<2000x128xf32>
    %dot_general3A_61 = tpu.matmul %select_n3A_56, %get3A_59, %dot_general3A_60 {dimension_numbers = #tpu.dot_dimension_numbers<[1], [1], [0], [0], [0, 0, 1, 0], [], []>, transpose_lhs_hint = false} : vector<2000x128xf32>, vector<128x128xf32>, vector<2000x128xf32> -> vector<2000x128xf32>
    %get3A_62 = arith.constant 0 : index
    %get3A_63 = arith.constant 0 : index
    %get3A_64 = vector.load %arg11[%get3A_62, %get3A_63] : memref<1x128xf32, #tpu.memory_space<vmem>>, vector<1x128xf32>
    %add3A_65 = vector.broadcast %get3A_64 : vector<1x128xf32> to vector<2000x128xf32>
    %add3A_66 = arith.addf %dot_general3A_61, %add3A_65 : vector<2000x128xf32>
    %gt3A_67 = arith.constant 0.000000e+00 : f32
    %gt3A_68 = vector.broadcast %gt3A_67 : f32 to vector<2000x128xf32>
    %gt3A_69 = arith.cmpf ogt, %add3A_66, %gt3A_68 : vector<2000x128xf32>
    %mul3A_70 = arith.constant 0.00999999977 : f32
    %mul3A_71 = vector.broadcast %mul3A_70 : f32 to vector<2000x128xf32>
    %mul3A_72 = arith.mulf %mul3A_71, %add3A_66 : vector<2000x128xf32>
    %select_n3A_73 = arith.select %gt3A_69, %add3A_66, %mul3A_72 : vector<2000x128xi1>, vector<2000x128xf32>
    %get3A_74 = arith.constant 0 : index
    %get3A_75 = arith.constant 0 : index
    %get3A_76 = vector.load %arg12[%get3A_74, %get3A_75] : memref<128x128xf32, #tpu.memory_space<vmem>>, vector<128x128xf32>
    %dot_general3A_77 = arith.constant dense<0.000000e+00> : vector<2000x128xf32>
    %dot_general3A_78 = tpu.matmul %select_n3A_73, %get3A_76, %dot_general3A_77 {dimension_numbers = #tpu.dot_dimension_numbers<[1], [1], [0], [0], [0, 0, 1, 0], [], []>, transpose_lhs_hint = false} : vector<2000x128xf32>, vector<128x128xf32>, vector<2000x128xf32> -> vector<2000x128xf32>
    %get3A_79 = arith.constant 0 : index
    %get3A_80 = arith.constant 0 : index
    %get3A_81 = vector.load %arg13[%get3A_79, %get3A_80] : memref<1x128xf32, #tpu.memory_space<vmem>>, vector<1x128xf32>
    %add3A_82 = vector.broadcast %get3A_81 : vector<1x128xf32> to vector<2000x128xf32>
    %add3A_83 = arith.addf %dot_general3A_78, %add3A_82 : vector<2000x128xf32>
    %gt3A_84 = arith.constant 0.000000e+00 : f32
    %gt3A_85 = vector.broadcast %gt3A_84 : f32 to vector<2000x128xf32>
    %gt3A_86 = arith.cmpf ogt, %add3A_83, %gt3A_85 : vector<2000x128xf32>
    %mul3A_87 = arith.constant 0.00999999977 : f32
    %mul3A_88 = vector.broadcast %mul3A_87 : f32 to vector<2000x128xf32>
    %mul3A_89 = arith.mulf %mul3A_88, %add3A_83 : vector<2000x128xf32>
    %select_n3A_90 = arith.select %gt3A_86, %add3A_83, %mul3A_89 : vector<2000x128xi1>, vector<2000x128xf32>
    %get3A_91 = arith.constant 0 : index
    %get3A_92 = arith.constant 0 : index
    %get3A_93 = vector.load %arg14[%get3A_91, %get3A_92] : memref<64x128xf32, #tpu.memory_space<vmem>>, vector<64x128xf32>
    %dot_general3A_94 = arith.constant dense<0.000000e+00> : vector<2000x64xf32>
    %dot_general3A_95 = tpu.matmul %select_n3A_90, %get3A_93, %dot_general3A_94 {dimension_numbers = #tpu.dot_dimension_numbers<[1], [1], [0], [0], [0, 0, 1, 0], [], []>, transpose_lhs_hint = false} : vector<2000x128xf32>, vector<64x128xf32>, vector<2000x64xf32> -> vector<2000x64xf32>
    %get3A_96 = arith.constant 0 : index
    %get3A_97 = arith.constant 0 : index
    %get3A_98 = vector.load %arg15[%get3A_96, %get3A_97] : memref<1x64xf32, #tpu.memory_space<vmem>>, vector<1x64xf32>
    %add3A_99 = vector.broadcast %get3A_98 : vector<1x64xf32> to vector<2000x64xf32>
    %add3A_100 = arith.addf %dot_general3A_95, %add3A_99 : vector<2000x64xf32>
    %swap3A = arith.constant 0 : index
    %swap3A_101 = arith.constant 0 : index
    %swap3A_102 = vector.load %arg16[%swap3A, %swap3A_101] : memref<2000x64xf32, #tpu.memory_space<vmem>>, vector<2000x64xf32>
    tpu.vector_store %arg16[%swap3A, %swap3A_101], %add3A_100 {strides = array<i32>} : memref<2000x64xf32, #tpu.memory_space<vmem>>, vector<2000x64xf32>,
    return
  }
  func.func @transform_0(%arg0: i32) -> (i32, i32) {
    %c0_i32 = arith.constant 0 : i32
    %c0_i32_0 = arith.constant 0 : i32
    return %arg0, %c0_i32 : i32, i32
  }
  func.func @transform_1(%arg0: i32) -> (i32, i32) {
    %c0_i32 = arith.constant 0 : i32
    %c0_i32_0 = arith.constant 0 : i32
    return %arg0, %c0_i32 : i32, i32
  }
  func.func @transform_2(%arg0: i32) -> (i32, i32) {
    %c0_i32 = arith.constant 0 : i32
    %c0_i32_0 = arith.constant 0 : i32
    %c0_i32_1 = arith.constant 0 : i32
    return %c0_i32, %c0_i32_0 : i32, i32
  }
  func.func @transform_3(%arg0: i32) -> (i32, i32) {
    %c0_i32 = arith.constant 0 : i32
    %c0_i32_0 = arith.constant 0 : i32
    %c0_i32_1 = arith.constant 0 : i32
    return %c0_i32, %c0_i32_0 : i32, i32
  }
  func.func @transform_4(%arg0: i32) -> (i32, i32) {
    %c0_i32 = arith.constant 0 : i32
    %c0_i32_0 = arith.constant 0 : i32
    %c0_i32_1 = arith.constant 0 : i32
    return %c0_i32, %c0_i32_0 : i32, i32
  }
  func.func @transform_5(%arg0: i32) -> (i32, i32) {
    %c0_i32 = arith.constant 0 : i32
    %c0_i32_0 = arith.constant 0 : i32
    %c0_i32_1 = arith.constant 0 : i32
    return %c0_i32, %c0_i32_0 : i32, i32
  }
  func.func @transform_6(%arg0: i32) -> (i32, i32) {
    %c0_i32 = arith.constant 0 : i32
    %c0_i32_0 = arith.constant 0 : i32
    %c0_i32_1 = arith.constant 0 : i32
    return %c0_i32, %c0_i32_0 : i32, i32
  }
  func.func @transform_7(%arg0: i32) -> (i32, i32) {
    %c0_i32 = arith.constant 0 : i32
    %c0_i32_0 = arith.constant 0 : i32
    %c0_i32_1 = arith.constant 0 : i32
    return %c0_i32, %c0_i32_0 : i32, i32
  }
  func.func @transform_8(%arg0: i32) -> (i32, i32) {
    %c0_i32 = arith.constant 0 : i32
    %c0_i32_0 = arith.constant 0 : i32
    %c0_i32_1 = arith.constant 0 : i32
    return %c0_i32, %c0_i32_0 : i32, i32
  }
  func.func @transform_9(%arg0: i32) -> (i32, i32) {
    %c0_i32 = arith.constant 0 : i32
    %c0_i32_0 = arith.constant 0 : i32
    %c0_i32_1 = arith.constant 0 : i32
    return %c0_i32, %c0_i32_0 : i32, i32
  }
  func.func @transform_10(%arg0: i32) -> (i32, i32) {
    %c0_i32 = arith.constant 0 : i32
    %c0_i32_0 = arith.constant 0 : i32
    %c0_i32_1 = arith.constant 0 : i32
    return %c0_i32, %c0_i32_0 : i32, i32
  }
  func.func @transform_11(%arg0: i32) -> (i32, i32) {
    %c0_i32 = arith.constant 0 : i32
    %c0_i32_0 = arith.constant 0 : i32
    %c0_i32_1 = arith.constant 0 : i32
    return %c0_i32, %c0_i32_0 : i32, i32
  }
  func.func @transform_12(%arg0: i32) -> (i32, i32) {
    %c0_i32 = arith.constant 0 : i32
    %c0_i32_0 = arith.constant 0 : i32
    %c0_i32_1 = arith.constant 0 : i32
    return %c0_i32, %c0_i32_0 : i32, i32
  }
  func.func @transform_13(%arg0: i32) -> (i32, i32) {
    %c0_i32 = arith.constant 0 : i32
    %c0_i32_0 = arith.constant 0 : i32
    %c0_i32_1 = arith.constant 0 : i32
    return %c0_i32, %c0_i32_0 : i32, i32
  }
  func.func @transform_14(%arg0: i32) -> (i32, i32) {
    %c0_i32 = arith.constant 0 : i32
    %c0_i32_0 = arith.constant 0 : i32
    %c0_i32_1 = arith.constant 0 : i32
    return %c0_i32, %c0_i32_0 : i32, i32
  }
  func.func @transform_15(%arg0: i32) -> (i32, i32) {
    %c0_i32 = arith.constant 0 : i32
    %c0_i32_0 = arith.constant 0 : i32
    return %arg0, %c0_i32 : i32, i32
  }
}

</mosaic_0001>

<sc_bundles>
// kernel: kernel.11.cloned.1.call-start
scs
__scs_entry_jumppad:
0x0: {  	(pc) =	sbr.rel $0x88, $3  }
0x1: {  	(tag) =	ssettag $0x0;
	lr =	simm.s32 $0x1  }
0x2: {  	[smem:$0x3F8B] =	sst lr;
	_ =	strace $0xD0000000  }
0x3: {  	_ = 	snop  }
0x4: {  	_ = 	snop  }
0x5: {  	_ = 	snop  }
0x6: {  	_ = 	snop  }
0x7: {  	_ = 	snop  }
__scs_overlays_trampoline_lowered:
0x8: {  	[smem:$0x3F9A] =	sst s0  }
0x9: {  	[smem:$0x3F9B] =	sst s1  }
0xa: {  	[smem:$0x3F9C] =	sst s2  }
0xb: {  	[smem:$0x3F9D] =	sst s3  }
0xc: {  	[smem:$0x3F9E] =	sst s4  }
0xd: {  	[smem:$0x3F9F] =	sst s5  }
0xe: {  	[smem:$0x3FA0] =	sst s6  }
0xf: {  	[smem:$0x3FA1] =	sst s7  }
0x10: {  	[smem:$0x3FA2] =	sst s8  }
0x11: {  	[smem:$0x3FA3] =	sst s9;
	s0 =	simm.s32 @!p0 $0x0  }
0x12: {  	s1 =	sld [smem:$0x3F89];
	s0 =	simm.s32 @p0 $0x1  }
0x13: {  	[smem:$0x3FA4] =	sst s0;
	s0 =	simm.s32 @!p1 $0x0  }
0x14: {  	s2 =	sld [smem:$0x3F88];
	s0 =	simm.s32 @p1 $0x1  }
0x15: {  	[smem:$0x3FA5] =	sst s0;
	s0 =	simm.s32 @!p2 $0x0  }
0x16: {  	s3 =	sld [smem:$0x3FDB];
	s0 =	simm.s32 @p2 $0x1  }
0x17: {  	s4 =	simm.s32 $0x1BF5;
	[smem:$0x3FA7] =	sst s0  }
0x18: {  	s0 =	sld [smem:$0x3F8A];
	_ =	swait.ge [sflag:s4], $0x0  }
0x19: {  	s7 =	sld [smem:$0x3F8B]  }
0x1a: {  	s8 =	sadd.s32 $0xFFFFE003, lr  }
0x1b: {  	s9 =	sadd.s32 $0xFFFFFEF7, lr;
	s5 =	simm.s32 $0xFFFFFFFF;
	p2 =	slt.u32 s8, $0xFFFFF086  }
0x1c: {  	p1 =	slt.u32 s9, $0xF7A;
	s5 =	simm.s32 @!p2 $0x0  }
0x1d: {  	s5 =	simm.s32 @p1 $0x1;
	p0 =	seq.s32 s7, s2  }
0x1e: {  	s7 =	smul.u32 @!p0 $0xF7A, s2;
	p2 =	seq.s32 @!p0 s5, $0x0  }
0x1f: {  	s9 =	smul.u32 $0xF7A, s1;
	s8 =	simm.s32 @!p0 $0x1BF5;
	p2 =	por !p2, p0  }
0x20: {  	[sflag:s8] =	ssyncset.s32 @!p0 $0xFFFFF086;
	s6 =	sadd.s32 @!p0 s3, s7;
	s7 =	simm.s32 @!p0 $0x108  }
0x21: {  	s3 =	sadd.s32 s3, s9;
	s6 =	sadd.s32 @!p0 $0x88, s6;
	s7 =	simm.s32 @p2 $0x1082  }
0x22: {  	[simem:s7], [sflag:s8] =	dma.local @!p0 [hbm:s6], $0xF7A  }
0x23: {  	s9 =	sor.u32 $0xD0000000, s2;
	s6 =	simm.s32 $0x108;
	_ =	swait.ge @!p0 [sflag:s8], $0x0  }
0x24: {  	s3 =	sadd.s32 $0x88, s3;
	s6 =	simm.s32 @!p1 $0x1082;
	[sflag:s4] =	ssyncset.s32 $0xFFFFF086  }
0x25: {  	[simem:s6], [sflag:s4] =	dma.local [hbm:s3], $0xF7A  }
0x26: {  	[smem:$0x3F8B] =	sst s1;
	(tag) =	ssettag s2;
	_ =	strace s9  }
0x27: {  	s1 =	sld [smem:$0x3F9B]  }
0x28: {  	s2 =	sld [smem:$0x3F9C]  }
0x29: {  	s4 =	sld [smem:$0x3F9E]  }
0x2a: {  	p0 =	seq.s32 s5, $0x0;
	s5 =	sld [smem:$0x3F9F]  }
0x2b: {  	s6 =	sld [smem:$0x3FA0]  }
0x2c: {  	s7 =	sld [smem:$0x3FA1]  }
0x2d: {  	s3 =	simm.s32 $0x108;
	s8 =	sld [smem:$0x3FA2]  }
0x2e: {  	s3 =	simm.s32 @!p0 $0x1082;
	s9 =	sld [smem:$0x3FA3]  }
0x2f: {  	lr =	sadd.s32 s0, s3;
	s0 =	sld [smem:$0x3F9A]  }
0x30: {  	s3 =	sld [smem:$0x3F9D]  }
0x31: {  	[smem:$0x3FA6] =	sst s10  }
0x32: {  	s10 =	sld [smem:$0x3FA4];
	_ =	sdelay $0x3  }
0x33: {  	p0 =	seq.s32 s10, $0x1;
	s10 =	sld [smem:$0x3FA6];
	_ =	sdelay $0x3  }
0x34: {  	[smem:$0x3FA6] =	sst s10  }
0x35: {  	s10 =	sld [smem:$0x3FA5];
	_ =	sdelay $0x3  }
0x36: {  	p1 =	seq.s32 s10, $0x1;
	s10 =	sld [smem:$0x3FA6];
	_ =	sdelay $0x3  }
0x37: {  	[smem:$0x3FA6] =	sst s10  }
0x38: {  	s10 =	sld [smem:$0x3FA7]  }
0x39: {  	_ = 	snop;
	(pc) =	sbr.ind lr, $3  }
0x3a: {  	_ = 	snop  }
0x3b: {  	_ = 	snop  }
0x3c: {  	p2 =	seq.s32 s10, $0x1;
	s10 =	sld [smem:$0x3FA6]  }
0x3d: {  	_ =	shalt  }
0x3e: {  	_ =	shalt  }
0x3f: {  	_ =	shalt  }
0x40: {  	_ =	shalt  }
0x41: {  	_ =	shalt  }
0x42: {  	_ =	shalt  }
0x43: {  	_ =	shalt  }
0x44: {  	_ =	shalt  }
0x45: {  	_ =	shalt  }
0x46: {  	_ =	shalt  }
0x47: {  	_ =	shalt  }
0x48: {  	_ =	shalt  }
0x49: {  	_ =	shalt  }
0x4a: {  	_ =	shalt  }
0x4b: {  	_ =	shalt  }
0x4c: {  	_ =	shalt  }
0x4d: {  	_ =	shalt  }
0x4e: {  	_ =	shalt  }
0x4f: {  	_ =	shalt  }
0x50: {  	_ =	shalt  }
0x51: {  	_ =	shalt  }
0x52: {  	_ =	shalt  }
0x53: {  	_ =	shalt  }
0x54: {  	_ =	shalt  }
0x55: {  	_ =	shalt  }
0x56: {  	_ =	shalt  }
0x57: {  	_ =	shalt  }
0x58: {  	_ =	shalt  }
0x59: {  	_ =	shalt  }
0x5a: {  	_ =	shalt  }
0x5b: {  	_ =	shalt  }
0x5c: {  	_ =	shalt  }
0x5d: {  	_ =	shalt  }
0x5e: {  	_ =	shalt  }
0x5f: {  	_ =	shalt  }
0x60: {  	_ =	shalt  }
0x61: {  	_ =	shalt  }
0x62: {  	_ =	shalt  }
0x63: {  	_ =	shalt  }
0x64: {  	_ =	shalt  }
0x65: {  	_ =	shalt  }
0x66: {  	_ =	shalt  }
0x67: {  	_ =	shalt  }
0x68: {  	_ =	shalt  }
0x69: {  	_ =	shalt  }
0x6a: {  	_ =	shalt  }
0x6b: {  	_ =	shalt  }
0x6c: {  	_ =	shalt  }
0x6d: {  	_ =	shalt  }
0x6e: {  	_ =	shalt  }
0x6f: {  	_ =	shalt  }
0x70: {  	_ =	shalt  }
0x71: {  	_ =	shalt  }
0x72: {  	_ =	shalt  }
0x73: {  	_ =	shalt  }
0x74: {  	_ =	shalt  }
0x75: {  	_ =	shalt  }
0x76: {  	_ =	shalt  }
0x77: {  	_ =	shalt  }
0x78: {  	_ =	shalt  }
0x79: {  	_ =	shalt  }
0x7a: {  	_ =	shalt  }
0x7b: {  	_ =	shalt  }
0x7c: {  	_ =	shalt  }
0x7d: {  	_ =	shalt  }
0x7e: {  	_ =	shalt  }
0x7f: {  	_ =	shalt  }
0x80: {  	_ =	shalt  }
0x81: {  	_ =	shalt  }
0x82: {  	_ =	shalt  }
0x83: {  	_ =	shalt  }
0x84: {  	_ =	shalt  }
0x85: {  	_ =	shalt  }
0x86: {  	_ =	shalt  }
0x87: {  	_ =	shalt  }
.Lfunc_end0:
.L_simem_size_0:
called_computation.1_lowered:
.L_overlay_start_0:
0x88: {  	s2 =	sld [smem:$0x3FD9]  }
0x89: {  	s3 =	sld [smem:$0x3FFE];
	_ =	sdelay $0x1  }
0x8a: {  	s1 =	srdreg.scid  }
0x8b: {  	s0 =	sand.u32 $0x1, s1  }
0x8c: {  	s16 =	sshll.u32 s0, $0xA;
	s2 =	sadd.s32 s3, s2  }
0x8d: {  	s2 =	sadd.s32 s2, s16  }
0x8e: {  	[smem:$0x3FB2] =	sst s2  }
0x8f: {  	_ = 	snop  }
0x90: {  	(tm) =	ssettm $0x1  }
0x91: {  	s17 =	sld [smem:$0x3FFB];
	_ =	sdelay $0x3  }
0x92: {  	_ =	strace s17  }
0x93: {  	s2 =	sld [smem:$0x3FFC];
	_ =	sdelay $0x3  }
0x94: {  	_ =	strace s2  }
0x95: {  	s2 =	sld [smem:$0x3FFD];
	_ =	sdelay $0x3  }
0x96: {  	_ =	strace s2  }
0x97: {  	_ =	strace $0x8FFFFFFF  }
0x98: {  	s18 =	sld [smem:$0x3FDB];
	_ =	sdelay $0x1  }
0x99: {  	s19 =	simm.s32 $_scs_section_size  }
0x9a: {  	s4 =	simm.s32 $_size__tile_overlayer_lowered;
	s5 =	simm.s32 $_tile_overlayer_lowered  }
0x9b: {  	s22 =	simm.s32 $0x1BFF;
	s21 =	sshll.u32 s5, $0x1;
	s2 =	sadd.s32 s19, s18  }
0x9c: {  	s6 =	simm.s32 $0x0;
	s20 =	sshll.u32 s4, $0x1;
	s4 =	sadd.s32 s21, s2  }
0x9d: {  	[timem:s6], [sflag:s22] =	dma.local [hbm:s4], s20  }
0x9e: {  	_ =	swait.ge [sflag:s22], s20  }
0x9f: {  	s3 =	ssub.s32 $0x0, s20;
	[sflag:s22] =	ssyncset.done $0x0  }
0xa0: {  	[sflag:s22] =	ssyncadd.s32 s3;
	_ =	sdelay $0x1  }
0xa1: {  	s23 =	simm.s32 $0x1B8B  }
0xa2: {  	_ =	swait.ge [sflag:s23], $0x1  }
0xa3: {  	[sflag:s23] =	ssyncset.done $0x0  }
0xa4: {  	s25 =	simm.s32 $0x1B8E;
	s24 =	sld [smem:$0x3FFE];
	[sflag:s23] =	ssyncadd.s32 $0xFFFFFFFF  }
0xa5: {  	s26 =	simm.s32 $execute0_lowered;
	[smem:$0x3FD2] =	sst s25  }
0xa6: {  	s4 =	sshll.u32 s26, $0x1;
	_ =	strace $0x80000049;
	[dreg:$0x1] =	wrdreg $0xFFFFFFFF  }
0xa7: {  	s28 =	simm.s32 $_size_execute0_lowered;
	s2 =	sadd.s32 s2, s4;
	[dreg:$0x0] =	wrdreg $0x0  }
0xa8: {  	s4 =	sshll.u32 s28, $0x1;
	[dreg:$0x2] =	wrdreg s2  }
0xa9: {  	[dreg:$0x3] =	wrdreg s4  }
0xaa: {  	[dreg:$0x4] =	wrdreg $0xC0  }
0xab: {  	_ =	task [dreg:s6], $0x5FFFF  }
0xac: {  	[dreg:$0x1] =	wrdreg $0xFFFFFFFF  }
0xad: {  	[dreg:$0x0] =	wrdreg $0x60  }
0xae: {  	[dreg:$0x2] =	wrdreg s24  }
0xaf: {  	[dreg:$0x3] =	wrdreg $0x9  }
0xb0: {  	_ =	task.clear_ibuf [dreg:s6], $0x4FFFF;
	_ =	strace $0x90000049  }
0xb1: {  	s29 =	simm.s32 $0x9;
	_ =	strace $0x8000004B  }
0xb2: {  	_ =	swait.ge [sflag:s29], $0x1  }
0xb3: {  	[sflag:s29] =	ssyncadd.s32 $0xFFFFFFFF  }
0xb4: {  	_ =	strace $0x9000004B  }
0xb5: {  	_ =	sfence  }
0xb6: {  	s30 =	sld [smem:$0x0];
	_ =	sdelay $0x2  }
0xb7: {  	s31 =	sshll.u32 s1, $0xD;
	s1 =	sshrl.u32 s1, $0x2  }
0xb8: {  	s3 =	sand.u32 $0x4000, s31;
	s1 =	sadd.s32 s1, s30  }
0xb9: {  	s0 =	sor.u32 s3, s0;
	s1 =	sshll.u32 s1, $0x11  }
0xba: {  	s0 =	sor.u32 s1, s0  }
0xbb: {  	s0 =	sadd.s32 $0x8F2B, s0  }
0xbc: {  	[sflag:s0] =	ssyncadd.remote.s32 $0x1  }
0xbd: {  	_ =	sfence.sel $0xFFFF  }
0xbe: {  	[dreg:$0x0] =	wrdreg $0xFFFFFFFF;
	(pc) =	sbr.abs _section_cstart, $3  }
0xbf: {  	[dreg:$0x1] =	wrdreg $0xFFFFFFFF  }
0xc0: {  	_ =	task.clear_ibuf [dreg:s6], $0x2FFFF;
	_ =	strace $0x9FFFFFFF  }
0xc1: {  	(tm) =	ssettm $0x7FFFFFFF  }
tec
execute0_lowered:
.L_overlay_start_1:
0x0: {  	(tag) =	ssettag $0x1  }
0x1: {  	s0 =	rddreg [dreg:$0x0];
	s2 =	simm.s32 $0x0;
	s1 =	srdreg.scid  }
0x2: {  	s3 =	stileid.u32;
	s11 =	simm.s32 $0x3;
	s12 =	simm.s32 $0x1  }
0x3: {  	s13 =	simm.s32 $0x80;
	s14 =	simm.s32 $0x1080;
	s15 =	simm.s32 $0x5080  }
0x4: {  	s16 =	simm.s32 $0x2;
	s17 =	simm.s32 $0x9080;
	s18 =	simm.s32 $0x0  }
0x5: {  	s21 =	simm.s32 $0x0;
	[smem:$0x7FF] =	sst s2;
	s1 =	sand.u32 $0x1, s1  }
0x6: {  	s5 =	sshll.u32 s3, $0x1;
	s3 =	sadd.s32 $0x287200, s0;
	s4 =	sadd.s32 $0xDC00, s0  }
.Ltmp0:
0x7: {  	_ =	strace $0x8000004A;
	s6 =	sor.u32 s1, s5;
	(pc) =	sbr.rel .LBB2_1-.Ltmp0, $4  }
0x8: {  	s1 =	ssub.s32 $0x2, s1;
	s5 =	sadd.s32 $0x14A600, s0;
	s8 =	smul.u32 $0x1400, s6  }
0x9: {  	s7 =	sshll.u32 s6, $0x1;
	s9 =	sshrl.u32 s1, $0x1;
	s6 =	smul.u32 $0x4F240, s6  }
0xa: {  	s7 =	sadd.s32 s7, s0;
	s1 =	ssub.s32 s1, s9;
	s0 =	sadd.s32 s8, s0  }
0xb: {  	v0 =	vimm.f32 $0.0e+00;
	s7 =	sadd.s32 $0x287000, s7;
	s9 =	smax.u32 s1, $0x1;
	s8 =	sadd.s32 $0x2AE400, s0  }
.LBB2_12:
0xc: {  	s18 =	sadd.s32 $0x1, s18  }
0xd: {  	p0 =	sne.s32 s18, s9  }
.Ltmp1:
0xe: {  	_ = 	snop;
	(pc) =	sbr.rel @!p0 .LBB2_13-.Ltmp1, $4  }
0xf: {  	[hbm4b:s8+s2] =	stream.linear.scatter [tilespmem:s17], [sflag:$0x3], $0xA000, $0x38;
	[tilespmem:$0x13480] =	vst v63  }
0x10: {  	_ =	swait.ge [sflag:s11], $0xA000  }
0x11: {  	[sflag:s11] =	ssyncset.done $0x0  }
0x12: {  	[sflag:s11] =	ssyncadd.s32 $0xFFFF6000  }
.LBB2_1:
0x13: {  	s0 =	simm.s32 $0x0;
	s19 =	simm.s32 $0x200  }
.LBB2_2:
0x14: {  	p0 =	sne.s32 s19, $0x28000;
	[tilespmem:s0+$0x90F0] =	vst v0  }
0x15: {  	[tilespmem:s0+$0x9080] =	vst v0  }
0x16: {  	[tilespmem:s0+$0x9090] =	vst v0  }
.Ltmp2:
0x17: {  	[tilespmem:s0+$0x90A0] =	vst v0;
	(pc) =	sbr.rel @p0 .LBB2_2-.Ltmp2, $4  }
0x18: {  	[tilespmem:s0+$0x90B0] =	vst v0  }
0x19: {  	[tilespmem:s0+$0x90C0] =	vst v0  }
0x1a: {  	[tilespmem:s0+$0x90D0] =	vst v0  }
0x1b: {  	[tilespmem:s0+$0x90E0] =	vst v0;
	s0 =	sshra.s32 s19, $0x2;
	s19 =	sadd.s32 $0x200, s19  }
0x1c: {  	[tilespmem:s0+$0x90F0] =	vst v0  }
0x1d: {  	[tilespmem:s0+$0x9080] =	vst v0  }
0x1e: {  	[tilespmem:s0+$0x9090] =	vst v0  }
0x1f: {  	[tilespmem:s0+$0x90A0] =	vst v0  }
0x20: {  	[tilespmem:s0+$0x90B0] =	vst v0  }
0x21: {  	[tilespmem:s0+$0x90C0] =	vst v0  }
0x22: {  	[tilespmem:s0+$0x90D0] =	vst v0  }
0x23: {  	[tilespmem:s0+$0x90E0] =	vst v0;
	s29 =	simm.s32 $0x800  }
0x24: {  	[tilespmem:s29], [sflag:$0x3] =	stream.linear.gather [hbm4b:s7+s2], $0x10, $0x38;
	[tilespmem:$0x13480] =	vst v63  }
0x25: {  	_ =	swait.ge [sflag:s11], $0x10  }
0x26: {  	[sflag:s11] =	ssyncset.done $0x0  }
0x27: {  	[sflag:s11] =	ssyncadd.s32 $0xFFFFFFF0  }
0x28: {  	v1 =	vld [tilespmem:$0x800];
	_ =	sdelay $0x4  }
0x29: {  	(v2sf) =	vpush v1, $0x0;
	_ =	sdelay $0xe  }
0x2a: {  	s19 =	spop (v2sf)  }
0x2b: {  	s30 =	sadd.s32 $0x7FF, s19  }
0x2c: {  	s1 =	sand.u32 $0x7FF, s30  }
0x2d: {  	s31 =	sshra.s32 s30, $0x1F;
	p1 =	slt.s32 s30, $0x1;
	p0 =	sne.s32 s1, $0x0  }
0x2e: {  	s1 =	sshrl.u32 s31, $0x15;
	p0 =	por !p1, !p0  }
0x2f: {  	s0 =	sadd.s32 s1, s30;
	s1 =	simm.s32 $0x1;
	p0 =	por !p0, !p0  }
0x30: {  	s0 =	sshra.s32 s0, $0xB;
	s1 =	simm.s32 @!p0 $0x0  }
0x31: {  	s20 =	ssub.s32 s0, s1  }
0x32: {  	p0 =	slt.s32 s20, $0x1  }
.Ltmp3:
0x33: {  	_ = 	snop;
	(pc) =	sbr.rel @p0 .LBB2_12-.Ltmp3, $1  }
0x34: {  	_ =	sdelay $0x3  }
.Ltmp4:
0x35: {  	(pc) =	sbr.rel .LBB2_5-.Ltmp4, $3  }
0x36: {  	_ =	sdelay $0x1  }
0x37: {  	s0 =	sand.u32 $0xFF, s19  }
0x38: {  	s22 =	simm.s32 $0x0;
	p0 =	sne.s32 s0, $0x1  }
.LBB2_11:
0x39: {  	s22 =	sadd.s32 $0x1, s22  }
0x3a: {  	p1 =	sne.s32 s22, s20  }
.Ltmp5:
0x3b: {  	_ = 	snop;
	(pc) =	sbr.rel @!p1 .LBB2_12-.Ltmp5, $1  }
0x3c: {  	_ =	sdelay $0x3  }
.LBB2_5:
0x3d: {  	s0 =	sshll.u32 s22, $0xB  }
0x3e: {  	s1 =	sadd.s32 s6, s0  }
0x3f: {  	s1 =	sshrl.u32 s1, $0x3  }
0x40: {  	s0 =	ssub.s32 s19, s0;
	s23 =	sadd.s32 s4, s1  }
0x41: {  	[tilespmem:s21], [sflag:$0x3] =	stream.linear.gather [hbm4b:s23+s21], $0x800, $0x38;
	[tilespmem:$0x13480] =	vst v63  }
0x42: {  	s0 =	sadd.s32 $0xFF, s0;
	_ =	swait.ge [sflag:s11], $0x800  }
0x43: {  	s1 =	sadd.s32 s5, s1;
	s31 =	sshra.s32 s0, $0x1F;
	[sflag:s11] =	ssyncset.done $0x0  }
0x44: {  	p1 =	slt.s32 s0, $0x1;
	s23 =	simm.s32 $0x800;
	[sflag:s11] =	ssyncadd.s32 $0xFFFFF800  }
0x45: {  	[tilespmem:s23], [sflag:$0x3] =	stream.linear.gather [hbm4b:s1+s21], $0x800, $0x38;
	[tilespmem:$0x13480] =	vst v63  }
0x46: {  	p1 =	por !p1, !p0;
	s1 =	sshrl.u32 s31, $0x18  }
0x47: {  	p1 =	por !p1, !p1;
	s0 =	sadd.s32 s1, s0;
	s1 =	simm.s32 $0x1  }
0x48: {  	s0 =	sshra.s32 s0, $0x8;
	s1 =	simm.s32 @!p1 $0x0  }
0x49: {  	s0 =	ssub.s32 s0, s1  }
0x4a: {  	s24 =	sshll.u32 s0, $0x1  }
0x4b: {  	p1 =	slt.s32 s24, $0x10  }
0x4c: {  	s24 =	simm.s32 @!p1 $0x10  }
0x4d: {  	s25 =	sshra.s32 s24, $0x1  }
0x4e: {  	p1 =	slt.s32 s25, $0x1  }
.Ltmp6:
0x4f: {  	_ = 	snop;
	(pc) =	sbr.rel @p1 .LBB2_11-.Ltmp6, $4  }
0x50: {  	_ =	swait.ge [sflag:s11], $0x800  }
0x51: {  	[sflag:s11] =	ssyncset.done $0x0  }
0x52: {  	s26 =	simm.s32 $0x880;
	s28 =	simm.s32 $0x0;
	[sflag:s11] =	ssyncadd.s32 $0xFFFFF800  }
0x53: {  	[tilespmem:s14], [sflag:$0x1] =	stream.indirect.gather [hbm4b:s3+s13], $0x80, s21, s13, $0xb8;
	[tilespmem:$0x13480] =	vst v63  }
.LBB2_6:
0x54: {  	s0 =	sshll.u32 s28, $0x8  }
0x55: {  	v1 =	vmov s23;
	s0 =	sor.u32 $0x80, s0  }
0x56: {  	[tilespmem:s15], [sflag:$0x2] =	stream.indirect.gather [hbm4b:s3+s13], $0x80, s0, s13, $0xb8;
	[tilespmem:$0x13480] =	vst v63  }
0x57: {  	_ =	swait.ge [sflag:s12], $0x4000  }
0x58: {  	[sflag:s12] =	ssyncset.done $0x0  }
0x59: {  	s1 =	simm.s32 $0x0;
	[sflag:s12] =	ssyncadd.s32 $0xFFFFC000  }
0x5a: {  	v2 =	vld.idx.msk [tilespmem:v1+s1+$0x0 ss:$0x1], $0xffff;
	_ =	sdelay $0x4  }
0x5b: {  	(v2sf) =	vpush v2, $0x0;
	_ =	sdelay $0xe  }
0x5c: {  	s10 =	spop (v2sf)  }
0x5d: {  	s29 =	simm.s32 $0x10C0;
	s0 =	sshll.u32 s10, $0x9  }
0x5e: {  	v2 =	vld [tilespmem:s29+$0xFFFFFFC0];
	s30 =	sshra.s32 s0, $0x2  }
0x5f: {  	v3 =	vld [tilespmem:s30+$0x9080];
	_ =	sdelay $0x4  }
0x60: {  	v2 =	vmax.f32 v3, v2  }
0x61: {  	[tilespmem:s30+$0x9080] =	vst v2;
	v2 =	vld [tilespmem:s30+$0x9090]  }
0x62: {  	v3 =	vld [tilespmem:s29+$0xFFFFFFD0];
	_ =	sdelay $0x4  }
0x63: {  	v2 =	vmax.f32 v2, v3  }
0x64: {  	[tilespmem:s30+$0x9090] =	vst v2;
	v2 =	vld [tilespmem:s30+$0x90A0]  }
0x65: {  	v3 =	vld [tilespmem:s29+$0xFFFFFFE0];
	_ =	sdelay $0x4  }
0x66: {  	v2 =	vmax.f32 v2, v3  }
0x67: {  	[tilespmem:s30+$0x90A0] =	vst v2;
	v2 =	vld [tilespmem:s30+$0x90B0]  }
0x68: {  	v3 =	vld [tilespmem:s29+$0xFFFFFFF0];
	_ =	sdelay $0x4  }
0x69: {  	v2 =	vmax.f32 v2, v3  }
0x6a: {  	[tilespmem:s30+$0x90B0] =	vst v2;
	v2 =	vld [tilespmem:s30+$0x90C0]  }
0x6b: {  	v3 =	vld [tilespmem:s29+$0x0];
	_ =	sdelay $0x4  }
0x6c: {  	v2 =	vmax.f32 v2, v3  }
0x6d: {  	[tilespmem:s30+$0x90C0] =	vst v2;
	v2 =	vld [tilespmem:s30+$0x90D0]  }
0x6e: {  	v3 =	vld [tilespmem:s29+$0x10];
	_ =	sdelay $0x4  }
0x6f: {  	v2 =	vmax.f32 v2, v3  }
0x70: {  	[tilespmem:s30+$0x90D0] =	vst v2;
	v2 =	vld [tilespmem:s30+$0x90E0]  }
0x71: {  	v3 =	vld [tilespmem:s29+$0x20];
	_ =	sdelay $0x4  }
0x72: {  	v2 =	vmax.f32 v2, v3  }
0x73: {  	[tilespmem:s30+$0x90E0] =	vst v2;
	v2 =	vld [tilespmem:s30+$0x90F0]  }
0x74: {  	v3 =	vld [tilespmem:s29+$0x30];
	_ =	sdelay $0x4  }
0x75: {  	s31 =	simm.s32 $0x4;
	s0 =	simm.s32 $0x8;
	v2 =	vmax.f32 v2, v3  }
.LBB2_7:
0x76: {  	s10 =	sshra.s32 s31, $0x2  }
0x77: {  	[tilespmem:s30+$0x90F0] =	vst v2;
	s29 =	sadd.s32 $0x80, s29;
	s31 =	smov.u32 s0;
	s1 =	sadd.s32 $0x4, s0  }
0x78: {  	p1 =	sne.s32 s0, $0x1FC;
	v2 =	vld.idx.msk [tilespmem:v1+s10+$0x0 ss:$0x1], $0xffff;
	_ =	sdelay $0x5  }
0x79: {  	(v2sf) =	vpush v2, $0x0;
	_ =	sdelay $0xe  }
0x7a: {  	s0 =	spop (v2sf)  }
0x7b: {  	s0 =	sshll.u32 s0, $0x9  }
0x7c: {  	s30 =	sshra.s32 s0, $0x2;
	v2 =	vld [tilespmem:s29+$0xFFFFFFC0]  }
0x7d: {  	v3 =	vld [tilespmem:s30+$0x9080];
	_ =	sdelay $0x4  }
0x7e: {  	v2 =	vmax.f32 v3, v2  }
0x7f: {  	[tilespmem:s30+$0x9080] =	vst v2;
	v2 =	vld [tilespmem:s30+$0x9090]  }
0x80: {  	v3 =	vld [tilespmem:s29+$0xFFFFFFD0];
	_ =	sdelay $0x4  }
0x81: {  	v2 =	vmax.f32 v2, v3  }
0x82: {  	[tilespmem:s30+$0x9090] =	vst v2;
	v2 =	vld [tilespmem:s30+$0x90A0]  }
0x83: {  	v3 =	vld [tilespmem:s29+$0xFFFFFFE0];
	_ =	sdelay $0x4  }
0x84: {  	v2 =	vmax.f32 v2, v3  }
0x85: {  	[tilespmem:s30+$0x90A0] =	vst v2;
	v2 =	vld [tilespmem:s30+$0x90B0]  }
0x86: {  	v3 =	vld [tilespmem:s29+$0xFFFFFFF0];
	_ =	sdelay $0x4  }
0x87: {  	v2 =	vmax.f32 v2, v3  }
0x88: {  	[tilespmem:s30+$0x90B0] =	vst v2;
	v2 =	vld [tilespmem:s30+$0x90C0]  }
0x89: {  	v3 =	vld [tilespmem:s29+$0x0];
	_ =	sdelay $0x4  }
0x8a: {  	v2 =	vmax.f32 v2, v3  }
0x8b: {  	[tilespmem:s30+$0x90C0] =	vst v2;
	v2 =	vld [tilespmem:s30+$0x90D0]  }
0x8c: {  	v3 =	vld [tilespmem:s29+$0x10];
	_ =	sdelay $0x4  }
0x8d: {  	v2 =	vmax.f32 v2, v3  }
0x8e: {  	[tilespmem:s30+$0x90D0] =	vst v2;
	v2 =	vld [tilespmem:s30+$0x90E0]  }
0x8f: {  	v3 =	vld [tilespmem:s29+$0x20];
	_ =	sdelay $0x4  }
0x90: {  	v2 =	vmax.f32 v2, v3  }
0x91: {  	[tilespmem:s30+$0x90E0] =	vst v2;
	v2 =	vld [tilespmem:s30+$0x90F0]  }
0x92: {  	v3 =	vld [tilespmem:s29+$0x30]  }
.Ltmp7:
0x93: {  	(pc) =	sbr.rel @p1 .LBB2_7-.Ltmp7, $2  }
0x94: {  	_ =	sdelay $0x2  }
0x95: {  	s0 =	smov.u32 s1;
	v2 =	vmax.f32 v2, v3  }
0x96: {  	_ =	sdelay $0x2  }
0x97: {  	s0 =	sshra.s32 s31, $0x2;
	[tilespmem:s30+$0x90F0] =	vst v2  }
0x98: {  	v1 =	vld.idx.msk [tilespmem:v1+s0+$0x0 ss:$0x1], $0xffff;
	_ =	sdelay $0x4  }
0x99: {  	(v2sf) =	vpush v1, $0x0;
	_ =	sdelay $0xe  }
0x9a: {  	s10 =	spop (v2sf)  }
0x9b: {  	s1 =	sadd.s32 $0x80, s29;
	s0 =	sshll.u32 s10, $0x9  }
0x9c: {  	v1 =	vld [tilespmem:s1+$0xFFFFFFC0];
	s0 =	sshra.s32 s0, $0x2  }
0x9d: {  	v2 =	vld [tilespmem:s0+$0x9080];
	_ =	sdelay $0x4  }
0x9e: {  	v1 =	vmax.f32 v2, v1  }
0x9f: {  	[tilespmem:s0+$0x9080] =	vst v1;
	v1 =	vld [tilespmem:s0+$0x9090]  }
0xa0: {  	v2 =	vld [tilespmem:s1+$0xFFFFFFD0];
	_ =	sdelay $0x4  }
0xa1: {  	v1 =	vmax.f32 v1, v2  }
0xa2: {  	[tilespmem:s0+$0x9090] =	vst v1;
	v1 =	vld [tilespmem:s0+$0x90A0]  }
0xa3: {  	v2 =	vld [tilespmem:s1+$0xFFFFFFE0];
	_ =	sdelay $0x4  }
0xa4: {  	v1 =	vmax.f32 v1, v2  }
0xa5: {  	[tilespmem:s0+$0x90A0] =	vst v1;
	v1 =	vld [tilespmem:s0+$0x90B0]  }
0xa6: {  	v2 =	vld [tilespmem:s1+$0xFFFFFFF0];
	_ =	sdelay $0x4  }
0xa7: {  	v1 =	vmax.f32 v1, v2  }
0xa8: {  	[tilespmem:s0+$0x90B0] =	vst v1;
	v1 =	vld [tilespmem:s0+$0x90C0]  }
0xa9: {  	v2 =	vld [tilespmem:s1+$0x0];
	_ =	sdelay $0x4  }
0xaa: {  	v1 =	vmax.f32 v1, v2  }
0xab: {  	[tilespmem:s0+$0x90C0] =	vst v1;
	v1 =	vld [tilespmem:s0+$0x90D0]  }
0xac: {  	v2 =	vld [tilespmem:s1+$0x10];
	_ =	sdelay $0x4  }
0xad: {  	v1 =	vmax.f32 v1, v2  }
0xae: {  	[tilespmem:s0+$0x90D0] =	vst v1;
	v1 =	vld [tilespmem:s0+$0x90E0]  }
0xaf: {  	v2 =	vld [tilespmem:s1+$0x20];
	_ =	sdelay $0x4  }
0xb0: {  	v1 =	vmax.f32 v1, v2  }
0xb1: {  	[tilespmem:s0+$0x90E0] =	vst v1;
	v1 =	vld [tilespmem:s0+$0x90F0]  }
0xb2: {  	v2 =	vld [tilespmem:s1+$0x30];
	_ =	sdelay $0x1  }
0xb3: {  	s10 =	sshll.u32 s28, $0x1  }
0xb4: {  	s1 =	sadd.s32 $0x2, s10  }
0xb5: {  	p1 =	sge.s32 s1, s24  }
0xb6: {  	s1 =	sshll.u32 @!p1 s1, $0x9;
	v1 =	vmax.f32 v1, v2  }
0xb7: {  	s10 =	simm.s32 @!p1 $0x1080;
	[tilespmem:s0+$0x90F0] =	vst v1;
	s0 =	sshra.s32 @!p1 s1, $0x2;
	s1 =	simm.s32 @!p1 $0x80;
	v1 =	vmov s26  }
0xb8: {  	[tilespmem:s10], [sflag:$0x1] =	stream.indirect.gather @!p1 [hbm4b:s3+s1], $0x80, s0, s1, $0xb8;
	[tilespmem:$0x13480] =	vst v63  }
0xb9: {  	_ =	swait.ge [sflag:s16], $0x4000  }
0xba: {  	[sflag:s16] =	ssyncset.done $0x0  }
0xbb: {  	s1 =	simm.s32 $0x0;
	[sflag:s16] =	ssyncadd.s32 $0xFFFFC000  }
0xbc: {  	v2 =	vld.idx.msk [tilespmem:v1+s1+$0x0 ss:$0x1], $0xffff;
	_ =	sdelay $0x4  }
0xbd: {  	(v2sf) =	vpush v2, $0x0;
	_ =	sdelay $0xe  }
0xbe: {  	s10 =	spop (v2sf)  }
0xbf: {  	s29 =	simm.s32 $0x50C0;
	s0 =	sshll.u32 s10, $0x9  }
0xc0: {  	v2 =	vld [tilespmem:s29+$0xFFFFFFC0];
	s30 =	sshra.s32 s0, $0x2  }
0xc1: {  	v3 =	vld [tilespmem:s30+$0x9080];
	_ =	sdelay $0x4  }
0xc2: {  	v2 =	vmax.f32 v3, v2  }
0xc3: {  	[tilespmem:s30+$0x9080] =	vst v2;
	v2 =	vld [tilespmem:s30+$0x9090]  }
0xc4: {  	v3 =	vld [tilespmem:s29+$0xFFFFFFD0];
	_ =	sdelay $0x4  }
0xc5: {  	v2 =	vmax.f32 v2, v3  }
0xc6: {  	[tilespmem:s30+$0x9090] =	vst v2;
	v2 =	vld [tilespmem:s30+$0x90A0]  }
0xc7: {  	v3 =	vld [tilespmem:s29+$0xFFFFFFE0];
	_ =	sdelay $0x4  }
0xc8: {  	v2 =	vmax.f32 v2, v3  }
0xc9: {  	[tilespmem:s30+$0x90A0] =	vst v2;
	v2 =	vld [tilespmem:s30+$0x90B0]  }
0xca: {  	v3 =	vld [tilespmem:s29+$0xFFFFFFF0];
	_ =	sdelay $0x4  }
0xcb: {  	v2 =	vmax.f32 v2, v3  }
0xcc: {  	[tilespmem:s30+$0x90B0] =	vst v2;
	v2 =	vld [tilespmem:s30+$0x90C0]  }
0xcd: {  	v3 =	vld [tilespmem:s29+$0x0];
	_ =	sdelay $0x4  }
0xce: {  	v2 =	vmax.f32 v2, v3  }
0xcf: {  	[tilespmem:s30+$0x90C0] =	vst v2;
	v2 =	vld [tilespmem:s30+$0x90D0]  }
0xd0: {  	v3 =	vld [tilespmem:s29+$0x10];
	_ =	sdelay $0x4  }
0xd1: {  	v2 =	vmax.f32 v2, v3  }
0xd2: {  	[tilespmem:s30+$0x90D0] =	vst v2;
	v2 =	vld [tilespmem:s30+$0x90E0]  }
0xd3: {  	v3 =	vld [tilespmem:s29+$0x20];
	_ =	sdelay $0x4  }
0xd4: {  	v2 =	vmax.f32 v2, v3  }
0xd5: {  	[tilespmem:s30+$0x90E0] =	vst v2;
	v2 =	vld [tilespmem:s30+$0x90F0]  }
0xd6: {  	v3 =	vld [tilespmem:s29+$0x30];
	_ =	sdelay $0x4  }
0xd7: {  	s31 =	simm.s32 $0x4;
	s1 =	simm.s32 $0x8;
	v2 =	vmax.f32 v2, v3  }
.LBB2_9:
0xd8: {  	s10 =	sshra.s32 s31, $0x2  }
0xd9: {  	[tilespmem:s30+$0x90F0] =	vst v2;
	s29 =	sadd.s32 $0x80, s29;
	s31 =	smov.u32 s1;
	s0 =	sadd.s32 $0x4, s1  }
0xda: {  	p1 =	sne.s32 s1, $0x1FC;
	v2 =	vld.idx.msk [tilespmem:v1+s10+$0x0 ss:$0x1], $0xffff;
	_ =	sdelay $0x5  }
0xdb: {  	(v2sf) =	vpush v2, $0x0;
	_ =	sdelay $0xe  }
0xdc: {  	s1 =	spop (v2sf)  }
0xdd: {  	s1 =	sshll.u32 s1, $0x9  }
0xde: {  	s30 =	sshra.s32 s1, $0x2;
	v2 =	vld [tilespmem:s29+$0xFFFFFFC0]  }
0xdf: {  	v3 =	vld [tilespmem:s30+$0x9080];
	_ =	sdelay $0x4  }
0xe0: {  	v2 =	vmax.f32 v3, v2  }
0xe1: {  	[tilespmem:s30+$0x9080] =	vst v2;
	v2 =	vld [tilespmem:s30+$0x9090]  }
0xe2: {  	v3 =	vld [tilespmem:s29+$0xFFFFFFD0];
	_ =	sdelay $0x4  }
0xe3: {  	v2 =	vmax.f32 v2, v3  }
0xe4: {  	[tilespmem:s30+$0x9090] =	vst v2;
	v2 =	vld [tilespmem:s30+$0x90A0]  }
0xe5: {  	v3 =	vld [tilespmem:s29+$0xFFFFFFE0];
	_ =	sdelay $0x4  }
0xe6: {  	v2 =	vmax.f32 v2, v3  }
0xe7: {  	[tilespmem:s30+$0x90A0] =	vst v2;
	v2 =	vld [tilespmem:s30+$0x90B0]  }
0xe8: {  	v3 =	vld [tilespmem:s29+$0xFFFFFFF0];
	_ =	sdelay $0x4  }
0xe9: {  	v2 =	vmax.f32 v2, v3  }
0xea: {  	[tilespmem:s30+$0x90B0] =	vst v2;
	v2 =	vld [tilespmem:s30+$0x90C0]  }
0xeb: {  	v3 =	vld [tilespmem:s29+$0x0];
	_ =	sdelay $0x4  }
0xec: {  	v2 =	vmax.f32 v2, v3  }
0xed: {  	[tilespmem:s30+$0x90C0] =	vst v2;
	v2 =	vld [tilespmem:s30+$0x90D0]  }
0xee: {  	v3 =	vld [tilespmem:s29+$0x10];
	_ =	sdelay $0x4  }
0xef: {  	v2 =	vmax.f32 v2, v3  }
0xf0: {  	[tilespmem:s30+$0x90D0] =	vst v2;
	v2 =	vld [tilespmem:s30+$0x90E0]  }
0xf1: {  	v3 =	vld [tilespmem:s29+$0x20];
	_ =	sdelay $0x4  }
0xf2: {  	v2 =	vmax.f32 v2, v3  }
0xf3: {  	[tilespmem:s30+$0x90E0] =	vst v2;
	v2 =	vld [tilespmem:s30+$0x90F0]  }
0xf4: {  	v3 =	vld [tilespmem:s29+$0x30]  }
.Ltmp8:
0xf5: {  	(pc) =	sbr.rel @p1 .LBB2_9-.Ltmp8, $2  }
0xf6: {  	_ =	sdelay $0x2  }
0xf7: {  	s1 =	smov.u32 s0;
	v2 =	vmax.f32 v2, v3  }
0xf8: {  	_ =	sdelay $0x2  }
0xf9: {  	s0 =	sshra.s32 s31, $0x2;
	[tilespmem:s30+$0x90F0] =	vst v2  }
0xfa: {  	v1 =	vld.idx.msk [tilespmem:v1+s0+$0x0 ss:$0x1], $0xffff;
	_ =	sdelay $0x4  }
0xfb: {  	(v2sf) =	vpush v1, $0x0;
	_ =	sdelay $0xe  }
0xfc: {  	s31 =	spop (v2sf)  }
0xfd: {  	s1 =	sadd.s32 $0x80, s29;
	s0 =	sshll.u32 s31, $0x9  }
0xfe: {  	v1 =	vld [tilespmem:s1+$0xFFFFFFC0];
	s0 =	sshra.s32 s0, $0x2  }
0xff: {  	v2 =	vld [tilespmem:s0+$0x9080];
	_ =	sdelay $0x4  }
0x100: {  	v1 =	vmax.f32 v2, v1  }
0x101: {  	[tilespmem:s0+$0x9080] =	vst v1;
	v1 =	vld [tilespmem:s0+$0x9090]  }
0x102: {  	v2 =	vld [tilespmem:s1+$0xFFFFFFD0];
	_ =	sdelay $0x4  }
0x103: {  	v1 =	vmax.f32 v1, v2  }
0x104: {  	[tilespmem:s0+$0x9090] =	vst v1;
	v1 =	vld [tilespmem:s0+$0x90A0]  }
0x105: {  	v2 =	vld [tilespmem:s1+$0xFFFFFFE0];
	_ =	sdelay $0x4  }
0x106: {  	v1 =	vmax.f32 v1, v2  }
0x107: {  	[tilespmem:s0+$0x90A0] =	vst v1;
	v1 =	vld [tilespmem:s0+$0x90B0]  }
0x108: {  	v2 =	vld [tilespmem:s1+$0xFFFFFFF0];
	_ =	sdelay $0x4  }
0x109: {  	v1 =	vmax.f32 v1, v2  }
0x10a: {  	[tilespmem:s0+$0x90B0] =	vst v1;
	v1 =	vld [tilespmem:s0+$0x90C0]  }
0x10b: {  	v2 =	vld [tilespmem:s1+$0x0];
	_ =	sdelay $0x4  }
0x10c: {  	v1 =	vmax.f32 v1, v2  }
0x10d: {  	[tilespmem:s0+$0x90C0] =	vst v1;
	v1 =	vld [tilespmem:s0+$0x90D0]  }
0x10e: {  	v2 =	vld [tilespmem:s1+$0x10];
	_ =	sdelay $0x4  }
0x10f: {  	v1 =	vmax.f32 v1, v2  }
0x110: {  	[tilespmem:s0+$0x90D0] =	vst v1;
	v1 =	vld [tilespmem:s0+$0x90E0]  }
0x111: {  	v2 =	vld [tilespmem:s1+$0x20];
	_ =	sdelay $0x4  }
0x112: {  	v1 =	vmax.f32 v1, v2  }
0x113: {  	[tilespmem:s0+$0x90E0] =	vst v1;
	v1 =	vld [tilespmem:s0+$0x90F0]  }
0x114: {  	s28 =	sadd.s32 $0x1, s28;
	v2 =	vld [tilespmem:s1+$0x30]  }
0x115: {  	p1 =	sne.s32 s28, s25  }
.Ltmp9:
0x116: {  	_ = 	snop;
	(pc) =	sbr.rel @p1 .LBB2_6-.Ltmp9, $4  }
.Ltmp10:
0x117: {  	_ = 	snop;
	(pc) =	sbr.rel @!p1 .LBB2_11-.Ltmp10, $4  }
0x118: {  	_ = 	snop  }
0x119: {  	v1 =	vmax.f32 v1, v2  }
0x11a: {  	s23 =	sadd.s32 $0x100, s23;
	s26 =	sadd.s32 $0x100, s26;
	[tilespmem:s0+$0x90F0] =	vst v1  }
0x11b: {  	_ = 	snop  }
.LBB2_13:
0x11c: {  	_ =	sfence.sel $0x180000  }
0x11d: {  	[bflag:$0x0] =	sbarrier.arrive $0xFFFF  }
0x11e: {  	_ =	strace $0x9000004A  }
0x11f: {  	s0 =	stileid.u32;
	[bflag:$0x2] =	sbarrier.arrive $0xFFFF  }
0x120: {  	p0 =	sne.s32 s0, $0x0;
	s0 =	rddreg [dreg:$0x1]  }
0x121: {  	s0 =	sadd.s32 @!p0 $0x100000, s0  }
0x122: {  	[sflag:s0] =	ssyncadd.tile.s32 @!p0 $0x1;
	_ =	shalt  }
.Lfunc_end2:
_tile_overlayer_lowered:
.L_overlay_start_2:
0x123: {  	(tag) =	ssettag $0x2  }
0x124: {  	s0 =	rddreg [dreg:$0x0];
	s2 =	stileid.u32  }
0x125: {  	s1 =	rddreg [dreg:$0x1];
	p0 =	sne.s32 s2, $0x0  }
0x126: {  	s3 =	rddreg [dreg:$0x2];
	[bflag:$0x3] =	sbarrier.arrive $0xFFFF;
	s2 =	simm.s32 @!p0 $0x1C03  }
0x127: {  	[timem:s3], [sflag:s2] =	dma.local @!p0 [hbm:s0], s1  }
0x128: {  	s0 =	simm.s32 @!p0 $0x3  }
0x129: {  	_ =	swait.ge @!p0 [sflag:s0], s1  }
0x12a: {  	s1 =	ssub.s32 @!p0 $0x0, s1;
	[sflag:s0] =	ssyncset.done @!p0 $0x0  }
0x12b: {  	[sflag:s0] =	ssyncadd.s32 @!p0 s1  }
0x12c: {  	[bflag:$0x3] =	sbarrier.arrive $0xFFFF  }
0x12d: {  	_ =	shalt  }

// kernel: kernel.14.cloned.1.call-start
scs
__scs_entry_jumppad:
0x0: {  	(pc) =	sbr.rel $0x88, $3  }
0x1: {  	(tag) =	ssettag $0x0;
	lr =	simm.s32 $0x1  }
0x2: {  	[smem:$0x3F8B] =	sst lr;
	_ =	strace $0xD0000000  }
0x3: {  	_ = 	snop  }
0x4: {  	_ = 	snop  }
0x5: {  	_ = 	snop  }
0x6: {  	_ = 	snop  }
0x7: {  	_ = 	snop  }
__scs_overlays_trampoline_lowered:
0x8: {  	[smem:$0x3F9A] =	sst s0  }
0x9: {  	[smem:$0x3F9B] =	sst s1  }
0xa: {  	[smem:$0x3F9C] =	sst s2  }
0xb: {  	[smem:$0x3F9D] =	sst s3  }
0xc: {  	[smem:$0x3F9E] =	sst s4  }
0xd: {  	[smem:$0x3F9F] =	sst s5  }
0xe: {  	[smem:$0x3FA0] =	sst s6  }
0xf: {  	[smem:$0x3FA1] =	sst s7  }
0x10: {  	[smem:$0x3FA2] =	sst s8  }
0x11: {  	[smem:$0x3FA3] =	sst s9;
	s0 =	simm.s32 @!p0 $0x0  }
0x12: {  	s1 =	sld [smem:$0x3F89];
	s0 =	simm.s32 @p0 $0x1  }
0x13: {  	[smem:$0x3FA4] =	sst s0;
	s0 =	simm.s32 @!p1 $0x0  }
0x14: {  	s2 =	sld [smem:$0x3F88];
	s0 =	simm.s32 @p1 $0x1  }
0x15: {  	[smem:$0x3FA5] =	sst s0;
	s0 =	simm.s32 @!p2 $0x0  }
0x16: {  	s3 =	sld [smem:$0x3FDB];
	s0 =	simm.s32 @p2 $0x1  }
0x17: {  	s4 =	simm.s32 $0x1BF5;
	[smem:$0x3FA7] =	sst s0  }
0x18: {  	s0 =	sld [smem:$0x3F8A];
	_ =	swait.ge [sflag:s4], $0x0  }
0x19: {  	s7 =	sld [smem:$0x3F8B]  }
0x1a: {  	s8 =	sadd.s32 $0xFFFFE003, lr  }
0x1b: {  	s9 =	sadd.s32 $0xFFFFFEF7, lr;
	s5 =	simm.s32 $0xFFFFFFFF;
	p2 =	slt.u32 s8, $0xFFFFF086  }
0x1c: {  	p1 =	slt.u32 s9, $0xF7A;
	s5 =	simm.s32 @!p2 $0x0  }
0x1d: {  	s5 =	simm.s32 @p1 $0x1;
	p0 =	seq.s32 s7, s2  }
0x1e: {  	s7 =	smul.u32 @!p0 $0xF7A, s2;
	p2 =	seq.s32 @!p0 s5, $0x0  }
0x1f: {  	s9 =	smul.u32 $0xF7A, s1;
	s8 =	simm.s32 @!p0 $0x1BF5;
	p2 =	por !p2, p0  }
0x20: {  	[sflag:s8] =	ssyncset.s32 @!p0 $0xFFFFF086;
	s6 =	sadd.s32 @!p0 s3, s7;
	s7 =	simm.s32 @!p0 $0x108  }
0x21: {  	s3 =	sadd.s32 s3, s9;
	s6 =	sadd.s32 @!p0 $0x88, s6;
	s7 =	simm.s32 @p2 $0x1082  }
0x22: {  	[simem:s7], [sflag:s8] =	dma.local @!p0 [hbm:s6], $0xF7A  }
0x23: {  	s9 =	sor.u32 $0xD0000000, s2;
	s6 =	simm.s32 $0x108;
	_ =	swait.ge @!p0 [sflag:s8], $0x0  }
0x24: {  	s3 =	sadd.s32 $0x88, s3;
	s6 =	simm.s32 @!p1 $0x1082;
	[sflag:s4] =	ssyncset.s32 $0xFFFFF086  }
0x25: {  	[simem:s6], [sflag:s4] =	dma.local [hbm:s3], $0xF7A  }
0x26: {  	[smem:$0x3F8B] =	sst s1;
	(tag) =	ssettag s2;
	_ =	strace s9  }
0x27: {  	s1 =	sld [smem:$0x3F9B]  }
0x28: {  	s2 =	sld [smem:$0x3F9C]  }
0x29: {  	s4 =	sld [smem:$0x3F9E]  }
0x2a: {  	p0 =	seq.s32 s5, $0x0;
	s5 =	sld [smem:$0x3F9F]  }
0x2b: {  	s6 =	sld [smem:$0x3FA0]  }
0x2c: {  	s7 =	sld [smem:$0x3FA1]  }
0x2d: {  	s3 =	simm.s32 $0x108;
	s8 =	sld [smem:$0x3FA2]  }
0x2e: {  	s3 =	simm.s32 @!p0 $0x1082;
	s9 =	sld [smem:$0x3FA3]  }
0x2f: {  	lr =	sadd.s32 s0, s3;
	s0 =	sld [smem:$0x3F9A]  }
0x30: {  	s3 =	sld [smem:$0x3F9D]  }
0x31: {  	[smem:$0x3FA6] =	sst s10  }
0x32: {  	s10 =	sld [smem:$0x3FA4];
	_ =	sdelay $0x3  }
0x33: {  	p0 =	seq.s32 s10, $0x1;
	s10 =	sld [smem:$0x3FA6];
	_ =	sdelay $0x3  }
0x34: {  	[smem:$0x3FA6] =	sst s10  }
0x35: {  	s10 =	sld [smem:$0x3FA5];
	_ =	sdelay $0x3  }
0x36: {  	p1 =	seq.s32 s10, $0x1;
	s10 =	sld [smem:$0x3FA6];
	_ =	sdelay $0x3  }
0x37: {  	[smem:$0x3FA6] =	sst s10  }
0x38: {  	s10 =	sld [smem:$0x3FA7]  }
0x39: {  	_ = 	snop;
	(pc) =	sbr.ind lr, $3  }
0x3a: {  	_ = 	snop  }
0x3b: {  	_ = 	snop  }
0x3c: {  	p2 =	seq.s32 s10, $0x1;
	s10 =	sld [smem:$0x3FA6]  }
0x3d: {  	_ =	shalt  }
0x3e: {  	_ =	shalt  }
0x3f: {  	_ =	shalt  }
0x40: {  	_ =	shalt  }
0x41: {  	_ =	shalt  }
0x42: {  	_ =	shalt  }
0x43: {  	_ =	shalt  }
0x44: {  	_ =	shalt  }
0x45: {  	_ =	shalt  }
0x46: {  	_ =	shalt  }
0x47: {  	_ =	shalt  }
0x48: {  	_ =	shalt  }
0x49: {  	_ =	shalt  }
0x4a: {  	_ =	shalt  }
0x4b: {  	_ =	shalt  }
0x4c: {  	_ =	shalt  }
0x4d: {  	_ =	shalt  }
0x4e: {  	_ =	shalt  }
0x4f: {  	_ =	shalt  }
0x50: {  	_ =	shalt  }
0x51: {  	_ =	shalt  }
0x52: {  	_ =	shalt  }
0x53: {  	_ =	shalt  }
0x54: {  	_ =	shalt  }
0x55: {  	_ =	shalt  }
0x56: {  	_ =	shalt  }
0x57: {  	_ =	shalt  }
0x58: {  	_ =	shalt  }
0x59: {  	_ =	shalt  }
0x5a: {  	_ =	shalt  }
0x5b: {  	_ =	shalt  }
0x5c: {  	_ =	shalt  }
0x5d: {  	_ =	shalt  }
0x5e: {  	_ =	shalt  }
0x5f: {  	_ =	shalt  }
0x60: {  	_ =	shalt  }
0x61: {  	_ =	shalt  }
0x62: {  	_ =	shalt  }
0x63: {  	_ =	shalt  }
0x64: {  	_ =	shalt  }
0x65: {  	_ =	shalt  }
0x66: {  	_ =	shalt  }
0x67: {  	_ =	shalt  }
0x68: {  	_ =	shalt  }
0x69: {  	_ =	shalt  }
0x6a: {  	_ =	shalt  }
0x6b: {  	_ =	shalt  }
0x6c: {  	_ =	shalt  }
0x6d: {  	_ =	shalt  }
0x6e: {  	_ =	shalt  }
0x6f: {  	_ =	shalt  }
0x70: {  	_ =	shalt  }
0x71: {  	_ =	shalt  }
0x72: {  	_ =	shalt  }
0x73: {  	_ =	shalt  }
0x74: {  	_ =	shalt  }
0x75: {  	_ =	shalt  }
0x76: {  	_ =	shalt  }
0x77: {  	_ =	shalt  }
0x78: {  	_ =	shalt  }
0x79: {  	_ =	shalt  }
0x7a: {  	_ =	shalt  }
0x7b: {  	_ =	shalt  }
0x7c: {  	_ =	shalt  }
0x7d: {  	_ =	shalt  }
0x7e: {  	_ =	shalt  }
0x7f: {  	_ =	shalt  }
0x80: {  	_ =	shalt  }
0x81: {  	_ =	shalt  }
0x82: {  	_ =	shalt  }
0x83: {  	_ =	shalt  }
0x84: {  	_ =	shalt  }
0x85: {  	_ =	shalt  }
0x86: {  	_ =	shalt  }
0x87: {  	_ =	shalt  }
.Lfunc_end0:
.L_simem_size_0:
called_computation.2_lowered:
.L_overlay_start_0:
0x88: {  	s2 =	sld [smem:$0x3FD9]  }
0x89: {  	s3 =	sld [smem:$0x3FFE];
	_ =	sdelay $0x1  }
0x8a: {  	s1 =	srdreg.scid  }
0x8b: {  	s0 =	sand.u32 $0x1, s1  }
0x8c: {  	s16 =	sshll.u32 s0, $0xA;
	s2 =	sadd.s32 s3, s2  }
0x8d: {  	s2 =	sadd.s32 s2, s16  }
0x8e: {  	[smem:$0x3FB2] =	sst s2  }
0x8f: {  	_ = 	snop  }
0x90: {  	(tm) =	ssettm $0x1  }
0x91: {  	s17 =	sld [smem:$0x3FFB];
	_ =	sdelay $0x3  }
0x92: {  	_ =	strace s17  }
0x93: {  	s2 =	sld [smem:$0x3FFC];
	_ =	sdelay $0x3  }
0x94: {  	_ =	strace s2  }
0x95: {  	s2 =	sld [smem:$0x3FFD];
	_ =	sdelay $0x3  }
0x96: {  	_ =	strace s2  }
0x97: {  	_ =	strace $0x8FFFFFFF  }
0x98: {  	s18 =	sld [smem:$0x3FDB];
	_ =	sdelay $0x1  }
0x99: {  	s19 =	simm.s32 $_scs_section_size  }
0x9a: {  	s4 =	simm.s32 $_size__tile_overlayer_lowered;
	s5 =	simm.s32 $_tile_overlayer_lowered  }
0x9b: {  	s22 =	simm.s32 $0x1BFF;
	s21 =	sshll.u32 s5, $0x1;
	s2 =	sadd.s32 s19, s18  }
0x9c: {  	s6 =	simm.s32 $0x0;
	s20 =	sshll.u32 s4, $0x1;
	s4 =	sadd.s32 s21, s2  }
0x9d: {  	[timem:s6], [sflag:s22] =	dma.local [hbm:s4], s20  }
0x9e: {  	_ =	swait.ge [sflag:s22], s20  }
0x9f: {  	s3 =	ssub.s32 $0x0, s20;
	[sflag:s22] =	ssyncset.done $0x0  }
0xa0: {  	[sflag:s22] =	ssyncadd.s32 s3;
	_ =	sdelay $0x1  }
0xa1: {  	s23 =	simm.s32 $0x1B8B  }
0xa2: {  	_ =	swait.ge [sflag:s23], $0x1  }
0xa3: {  	[sflag:s23] =	ssyncset.done $0x0  }
0xa4: {  	s25 =	simm.s32 $0x1B8E;
	s24 =	sld [smem:$0x3FFE];
	[sflag:s23] =	ssyncadd.s32 $0xFFFFFFFF  }
0xa5: {  	s26 =	simm.s32 $execute0_lowered;
	[smem:$0x3FD2] =	sst s25  }
0xa6: {  	s4 =	sshll.u32 s26, $0x1;
	_ =	strace $0x8000004C;
	[dreg:$0x1] =	wrdreg $0xFFFFFFFF  }
0xa7: {  	s28 =	simm.s32 $_size_execute0_lowered;
	s2 =	sadd.s32 s2, s4;
	[dreg:$0x0] =	wrdreg $0x0  }
0xa8: {  	s4 =	sshll.u32 s28, $0x1;
	[dreg:$0x2] =	wrdreg s2  }
0xa9: {  	[dreg:$0x3] =	wrdreg s4  }
0xaa: {  	[dreg:$0x4] =	wrdreg $0xC0  }
0xab: {  	_ =	task [dreg:s6], $0x5FFFF  }
0xac: {  	[dreg:$0x1] =	wrdreg $0xFFFFFFFF  }
0xad: {  	[dreg:$0x0] =	wrdreg $0x60  }
0xae: {  	[dreg:$0x2] =	wrdreg s24  }
0xaf: {  	[dreg:$0x3] =	wrdreg $0x9  }
0xb0: {  	_ =	task.clear_ibuf [dreg:s6], $0x4FFFF;
	_ =	strace $0x9000004C  }
0xb1: {  	s29 =	simm.s32 $0x9;
	_ =	strace $0x8000004E  }
0xb2: {  	_ =	swait.ge [sflag:s29], $0x1  }
0xb3: {  	[sflag:s29] =	ssyncadd.s32 $0xFFFFFFFF  }
0xb4: {  	_ =	strace $0x9000004E  }
0xb5: {  	_ =	sfence  }
0xb6: {  	s30 =	sld [smem:$0x0];
	_ =	sdelay $0x2  }
0xb7: {  	s31 =	sshll.u32 s1, $0xD;
	s1 =	sshrl.u32 s1, $0x2  }
0xb8: {  	s3 =	sand.u32 $0x4000, s31;
	s1 =	sadd.s32 s1, s30  }
0xb9: {  	s0 =	sor.u32 s3, s0;
	s1 =	sshll.u32 s1, $0x11  }
0xba: {  	s0 =	sor.u32 s1, s0  }
0xbb: {  	s0 =	sadd.s32 $0x8F2B, s0  }
0xbc: {  	[sflag:s0] =	ssyncadd.remote.s32 $0x1  }
0xbd: {  	_ =	sfence.sel $0xFFFF  }
0xbe: {  	[dreg:$0x0] =	wrdreg $0xFFFFFFFF;
	(pc) =	sbr.abs _section_cstart, $3  }
0xbf: {  	[dreg:$0x1] =	wrdreg $0xFFFFFFFF  }
0xc0: {  	_ =	task.clear_ibuf [dreg:s6], $0x2FFFF;
	_ =	strace $0x9FFFFFFF  }
0xc1: {  	(tm) =	ssettm $0x7FFFFFFF  }
tec
execute0_lowered:
.L_overlay_start_1:
0x0: {  	(tag) =	ssettag $0x1  }
0x1: {  	s0 =	rddreg [dreg:$0x0];
	s2 =	simm.s32 $0x0;
	s1 =	srdreg.scid  }
0x2: {  	s3 =	stileid.u32;
	s11 =	simm.s32 $0x3;
	s12 =	simm.s32 $0x1  }
0x3: {  	s13 =	simm.s32 $0x80;
	s14 =	simm.s32 $0x1080;
	s15 =	simm.s32 $0x5080  }
0x4: {  	s16 =	simm.s32 $0x2;
	s17 =	simm.s32 $0x9080;
	s18 =	simm.s32 $0x0  }
0x5: {  	s21 =	simm.s32 $0x0;
	[smem:$0x7FF] =	sst s2;
	s1 =	sand.u32 $0x1, s1  }
0x6: {  	s5 =	sshll.u32 s3, $0x1;
	s3 =	sadd.s32 $0x287200, s0;
	s4 =	sadd.s32 $0xDC00, s0  }
.Ltmp0:
0x7: {  	_ =	strace $0x8000004D;
	s6 =	sor.u32 s1, s5;
	(pc) =	sbr.rel .LBB2_1-.Ltmp0, $4  }
0x8: {  	s1 =	ssub.s32 $0x2, s1;
	s5 =	sadd.s32 $0x14A600, s0;
	s8 =	smul.u32 $0x1400, s6  }
0x9: {  	s7 =	sshll.u32 s6, $0x1;
	s9 =	sshrl.u32 s1, $0x1;
	s6 =	smul.u32 $0x4F240, s6  }
0xa: {  	s7 =	sadd.s32 s7, s0;
	s1 =	ssub.s32 s1, s9;
	s0 =	sadd.s32 s8, s0  }
0xb: {  	v0 =	vimm.f32 $0.0e+00;
	s7 =	sadd.s32 $0x287000, s7;
	s9 =	smax.u32 s1, $0x1;
	s8 =	sadd.s32 $0x2AE400, s0  }
.LBB2_12:
0xc: {  	s18 =	sadd.s32 $0x1, s18  }
0xd: {  	p0 =	sne.s32 s18, s9  }
.Ltmp1:
0xe: {  	_ = 	snop;
	(pc) =	sbr.rel @!p0 .LBB2_13-.Ltmp1, $4  }
0xf: {  	[hbm4b:s8+s2] =	stream.linear.scatter [tilespmem:s17], [sflag:$0x3], $0xA000, $0x38;
	[tilespmem:$0x13480] =	vst v63  }
0x10: {  	_ =	swait.ge [sflag:s11], $0xA000  }
0x11: {  	[sflag:s11] =	ssyncset.done $0x0  }
0x12: {  	[sflag:s11] =	ssyncadd.s32 $0xFFFF6000  }
.LBB2_1:
0x13: {  	s0 =	simm.s32 $0x0;
	s19 =	simm.s32 $0x200  }
.LBB2_2:
0x14: {  	p0 =	sne.s32 s19, $0x28000;
	[tilespmem:s0+$0x90F0] =	vst v0  }
0x15: {  	[tilespmem:s0+$0x9080] =	vst v0  }
0x16: {  	[tilespmem:s0+$0x9090] =	vst v0  }
.Ltmp2:
0x17: {  	[tilespmem:s0+$0x90A0] =	vst v0;
	(pc) =	sbr.rel @p0 .LBB2_2-.Ltmp2, $4  }
0x18: {  	[tilespmem:s0+$0x90B0] =	vst v0  }
0x19: {  	[tilespmem:s0+$0x90C0] =	vst v0  }
0x1a: {  	[tilespmem:s0+$0x90D0] =	vst v0  }
0x1b: {  	[tilespmem:s0+$0x90E0] =	vst v0;
	s0 =	sshra.s32 s19, $0x2;
	s19 =	sadd.s32 $0x200, s19  }
0x1c: {  	[tilespmem:s0+$0x90F0] =	vst v0  }
0x1d: {  	[tilespmem:s0+$0x9080] =	vst v0  }
0x1e: {  	[tilespmem:s0+$0x9090] =	vst v0  }
0x1f: {  	[tilespmem:s0+$0x90A0] =	vst v0  }
0x20: {  	[tilespmem:s0+$0x90B0] =	vst v0  }
0x21: {  	[tilespmem:s0+$0x90C0] =	vst v0  }
0x22: {  	[tilespmem:s0+$0x90D0] =	vst v0  }
0x23: {  	[tilespmem:s0+$0x90E0] =	vst v0;
	s29 =	simm.s32 $0x800  }
0x24: {  	[tilespmem:s29], [sflag:$0x3] =	stream.linear.gather [hbm4b:s7+s2], $0x10, $0x38;
	[tilespmem:$0x13480] =	vst v63  }
0x25: {  	_ =	swait.ge [sflag:s11], $0x10  }
0x26: {  	[sflag:s11] =	ssyncset.done $0x0  }
0x27: {  	[sflag:s11] =	ssyncadd.s32 $0xFFFFFFF0  }
0x28: {  	v1 =	vld [tilespmem:$0x800];
	_ =	sdelay $0x4  }
0x29: {  	(v2sf) =	vpush v1, $0x0;
	_ =	sdelay $0xe  }
0x2a: {  	s19 =	spop (v2sf)  }
0x2b: {  	s30 =	sadd.s32 $0x7FF, s19  }
0x2c: {  	s1 =	sand.u32 $0x7FF, s30  }
0x2d: {  	s31 =	sshra.s32 s30, $0x1F;
	p1 =	slt.s32 s30, $0x1;
	p0 =	sne.s32 s1, $0x0  }
0x2e: {  	s1 =	sshrl.u32 s31, $0x15;
	p0 =	por !p1, !p0  }
0x2f: {  	s0 =	sadd.s32 s1, s30;
	s1 =	simm.s32 $0x1;
	p0 =	por !p0, !p0  }
0x30: {  	s0 =	sshra.s32 s0, $0xB;
	s1 =	simm.s32 @!p0 $0x0  }
0x31: {  	s20 =	ssub.s32 s0, s1  }
0x32: {  	p0 =	slt.s32 s20, $0x1  }
.Ltmp3:
0x33: {  	_ = 	snop;
	(pc) =	sbr.rel @p0 .LBB2_12-.Ltmp3, $1  }
0x34: {  	_ =	sdelay $0x3  }
.Ltmp4:
0x35: {  	(pc) =	sbr.rel .LBB2_5-.Ltmp4, $3  }
0x36: {  	_ =	sdelay $0x1  }
0x37: {  	s0 =	sand.u32 $0xFF, s19  }
0x38: {  	s22 =	simm.s32 $0x0;
	p0 =	sne.s32 s0, $0x1  }
.LBB2_11:
0x39: {  	s22 =	sadd.s32 $0x1, s22  }
0x3a: {  	p1 =	sne.s32 s22, s20  }
.Ltmp5:
0x3b: {  	_ = 	snop;
	(pc) =	sbr.rel @!p1 .LBB2_12-.Ltmp5, $1  }
0x3c: {  	_ =	sdelay $0x3  }
.LBB2_5:
0x3d: {  	s0 =	sshll.u32 s22, $0xB  }
0x3e: {  	s1 =	sadd.s32 s6, s0  }
0x3f: {  	s1 =	sshrl.u32 s1, $0x3  }
0x40: {  	s0 =	ssub.s32 s19, s0;
	s23 =	sadd.s32 s4, s1  }
0x41: {  	[tilespmem:s21], [sflag:$0x3] =	stream.linear.gather [hbm4b:s23+s21], $0x800, $0x38;
	[tilespmem:$0x13480] =	vst v63  }
0x42: {  	s0 =	sadd.s32 $0xFF, s0;
	_ =	swait.ge [sflag:s11], $0x800  }
0x43: {  	s1 =	sadd.s32 s5, s1;
	s31 =	sshra.s32 s0, $0x1F;
	[sflag:s11] =	ssyncset.done $0x0  }
0x44: {  	p1 =	slt.s32 s0, $0x1;
	s23 =	simm.s32 $0x800;
	[sflag:s11] =	ssyncadd.s32 $0xFFFFF800  }
0x45: {  	[tilespmem:s23], [sflag:$0x3] =	stream.linear.gather [hbm4b:s1+s21], $0x800, $0x38;
	[tilespmem:$0x13480] =	vst v63  }
0x46: {  	p1 =	por !p1, !p0;
	s1 =	sshrl.u32 s31, $0x18  }
0x47: {  	p1 =	por !p1, !p1;
	s0 =	sadd.s32 s1, s0;
	s1 =	simm.s32 $0x1  }
0x48: {  	s0 =	sshra.s32 s0, $0x8;
	s1 =	simm.s32 @!p1 $0x0  }
0x49: {  	s0 =	ssub.s32 s0, s1  }
0x4a: {  	s24 =	sshll.u32 s0, $0x1  }
0x4b: {  	p1 =	slt.s32 s24, $0x10  }
0x4c: {  	s24 =	simm.s32 @!p1 $0x10  }
0x4d: {  	s25 =	sshra.s32 s24, $0x1  }
0x4e: {  	p1 =	slt.s32 s25, $0x1  }
.Ltmp6:
0x4f: {  	_ = 	snop;
	(pc) =	sbr.rel @p1 .LBB2_11-.Ltmp6, $4  }
0x50: {  	_ =	swait.ge [sflag:s11], $0x800  }
0x51: {  	[sflag:s11] =	ssyncset.done $0x0  }
0x52: {  	s26 =	simm.s32 $0x880;
	s28 =	simm.s32 $0x0;
	[sflag:s11] =	ssyncadd.s32 $0xFFFFF800  }
0x53: {  	[tilespmem:s14], [sflag:$0x1] =	stream.indirect.gather [hbm4b:s3+s13], $0x80, s21, s13, $0xb8;
	[tilespmem:$0x13480] =	vst v63  }
.LBB2_6:
0x54: {  	s0 =	sshll.u32 s28, $0x8  }
0x55: {  	v1 =	vmov s23;
	s0 =	sor.u32 $0x80, s0  }
0x56: {  	[tilespmem:s15], [sflag:$0x2] =	stream.indirect.gather [hbm4b:s3+s13], $0x80, s0, s13, $0xb8;
	[tilespmem:$0x13480] =	vst v63  }
0x57: {  	_ =	swait.ge [sflag:s12], $0x4000  }
0x58: {  	[sflag:s12] =	ssyncset.done $0x0  }
0x59: {  	s1 =	simm.s32 $0x0;
	[sflag:s12] =	ssyncadd.s32 $0xFFFFC000  }
0x5a: {  	v2 =	vld.idx.msk [tilespmem:v1+s1+$0x0 ss:$0x1], $0xffff;
	_ =	sdelay $0x4  }
0x5b: {  	(v2sf) =	vpush v2, $0x0;
	_ =	sdelay $0xe  }
0x5c: {  	s10 =	spop (v2sf)  }
0x5d: {  	s29 =	simm.s32 $0x10C0;
	s0 =	sshll.u32 s10, $0x9  }
0x5e: {  	v2 =	vld [tilespmem:s29+$0xFFFFFFC0];
	s30 =	sshra.s32 s0, $0x2  }
0x5f: {  	v3 =	vld [tilespmem:s30+$0x9080];
	_ =	sdelay $0x4  }
0x60: {  	v2 =	vmax.f32 v3, v2  }
0x61: {  	[tilespmem:s30+$0x9080] =	vst v2;
	v2 =	vld [tilespmem:s30+$0x9090]  }
0x62: {  	v3 =	vld [tilespmem:s29+$0xFFFFFFD0];
	_ =	sdelay $0x4  }
0x63: {  	v2 =	vmax.f32 v2, v3  }
0x64: {  	[tilespmem:s30+$0x9090] =	vst v2;
	v2 =	vld [tilespmem:s30+$0x90A0]  }
0x65: {  	v3 =	vld [tilespmem:s29+$0xFFFFFFE0];
	_ =	sdelay $0x4  }
0x66: {  	v2 =	vmax.f32 v2, v3  }
0x67: {  	[tilespmem:s30+$0x90A0] =	vst v2;
	v2 =	vld [tilespmem:s30+$0x90B0]  }
0x68: {  	v3 =	vld [tilespmem:s29+$0xFFFFFFF0];
	_ =	sdelay $0x4  }
0x69: {  	v2 =	vmax.f32 v2, v3  }
0x6a: {  	[tilespmem:s30+$0x90B0] =	vst v2;
	v2 =	vld [tilespmem:s30+$0x90C0]  }
0x6b: {  	v3 =	vld [tilespmem:s29+$0x0];
	_ =	sdelay $0x4  }
0x6c: {  	v2 =	vmax.f32 v2, v3  }
0x6d: {  	[tilespmem:s30+$0x90C0] =	vst v2;
	v2 =	vld [tilespmem:s30+$0x90D0]  }
0x6e: {  	v3 =	vld [tilespmem:s29+$0x10];
	_ =	sdelay $0x4  }
0x6f: {  	v2 =	vmax.f32 v2, v3  }
0x70: {  	[tilespmem:s30+$0x90D0] =	vst v2;
	v2 =	vld [tilespmem:s30+$0x90E0]  }
0x71: {  	v3 =	vld [tilespmem:s29+$0x20];
	_ =	sdelay $0x4  }
0x72: {  	v2 =	vmax.f32 v2, v3  }
0x73: {  	[tilespmem:s30+$0x90E0] =	vst v2;
	v2 =	vld [tilespmem:s30+$0x90F0]  }
0x74: {  	v3 =	vld [tilespmem:s29+$0x30];
	_ =	sdelay $0x4  }
0x75: {  	s31 =	simm.s32 $0x4;
	s0 =	simm.s32 $0x8;
	v2 =	vmax.f32 v2, v3  }
.LBB2_7:
0x76: {  	s10 =	sshra.s32 s31, $0x2  }
0x77: {  	[tilespmem:s30+$0x90F0] =	vst v2;
	s29 =	sadd.s32 $0x80, s29;
	s31 =	smov.u32 s0;
	s1 =	sadd.s32 $0x4, s0  }
0x78: {  	p1 =	sne.s32 s0, $0x1FC;
	v2 =	vld.idx.msk [tilespmem:v1+s10+$0x0 ss:$0x1], $0xffff;
	_ =	sdelay $0x5  }
0x79: {  	(v2sf) =	vpush v2, $0x0;
	_ =	sdelay $0xe  }
0x7a: {  	s0 =	spop (v2sf)  }
0x7b: {  	s0 =	sshll.u32 s0, $0x9  }
0x7c: {  	s30 =	sshra.s32 s0, $0x2;
	v2 =	vld [tilespmem:s29+$0xFFFFFFC0]  }
0x7d: {  	v3 =	vld [tilespmem:s30+$0x9080];
	_ =	sdelay $0x4  }
0x7e: {  	v2 =	vmax.f32 v3, v2  }
0x7f: {  	[tilespmem:s30+$0x9080] =	vst v2;
	v2 =	vld [tilespmem:s30+$0x9090]  }
0x80: {  	v3 =	vld [tilespmem:s29+$0xFFFFFFD0];
	_ =	sdelay $0x4  }
0x81: {  	v2 =	vmax.f32 v2, v3  }
0x82: {  	[tilespmem:s30+$0x9090] =	vst v2;
	v2 =	vld [tilespmem:s30+$0x90A0]  }
0x83: {  	v3 =	vld [tilespmem:s29+$0xFFFFFFE0];
	_ =	sdelay $0x4  }
0x84: {  	v2 =	vmax.f32 v2, v3  }
0x85: {  	[tilespmem:s30+$0x90A0] =	vst v2;
	v2 =	vld [tilespmem:s30+$0x90B0]  }
0x86: {  	v3 =	vld [tilespmem:s29+$0xFFFFFFF0];
	_ =	sdelay $0x4  }
0x87: {  	v2 =	vmax.f32 v2, v3  }
0x88: {  	[tilespmem:s30+$0x90B0] =	vst v2;
	v2 =	vld [tilespmem:s30+$0x90C0]  }
0x89: {  	v3 =	vld [tilespmem:s29+$0x0];
	_ =	sdelay $0x4  }
0x8a: {  	v2 =	vmax.f32 v2, v3  }
0x8b: {  	[tilespmem:s30+$0x90C0] =	vst v2;
	v2 =	vld [tilespmem:s30+$0x90D0]  }
0x8c: {  	v3 =	vld [tilespmem:s29+$0x10];
	_ =	sdelay $0x4  }
0x8d: {  	v2 =	vmax.f32 v2, v3  }
0x8e: {  	[tilespmem:s30+$0x90D0] =	vst v2;
	v2 =	vld [tilespmem:s30+$0x90E0]  }
0x8f: {  	v3 =	vld [tilespmem:s29+$0x20];
	_ =	sdelay $0x4  }
0x90: {  	v2 =	vmax.f32 v2, v3  }
0x91: {  	[tilespmem:s30+$0x90E0] =	vst v2;
	v2 =	vld [tilespmem:s30+$0x90F0]  }
0x92: {  	v3 =	vld [tilespmem:s29+$0x30]  }
.Ltmp7:
0x93: {  	(pc) =	sbr.rel @p1 .LBB2_7-.Ltmp7, $2  }
0x94: {  	_ =	sdelay $0x2  }
0x95: {  	s0 =	smov.u32 s1;
	v2 =	vmax.f32 v2, v3  }
0x96: {  	_ =	sdelay $0x2  }
0x97: {  	s0 =	sshra.s32 s31, $0x2;
	[tilespmem:s30+$0x90F0] =	vst v2  }
0x98: {  	v1 =	vld.idx.msk [tilespmem:v1+s0+$0x0 ss:$0x1], $0xffff;
	_ =	sdelay $0x4  }
0x99: {  	(v2sf) =	vpush v1, $0x0;
	_ =	sdelay $0xe  }
0x9a: {  	s10 =	spop (v2sf)  }
0x9b: {  	s1 =	sadd.s32 $0x80, s29;
	s0 =	sshll.u32 s10, $0x9  }
0x9c: {  	v1 =	vld [tilespmem:s1+$0xFFFFFFC0];
	s0 =	sshra.s32 s0, $0x2  }
0x9d: {  	v2 =	vld [tilespmem:s0+$0x9080];
	_ =	sdelay $0x4  }
0x9e: {  	v1 =	vmax.f32 v2, v1  }
0x9f: {  	[tilespmem:s0+$0x9080] =	vst v1;
	v1 =	vld [tilespmem:s0+$0x9090]  }
0xa0: {  	v2 =	vld [tilespmem:s1+$0xFFFFFFD0];
	_ =	sdelay $0x4  }
0xa1: {  	v1 =	vmax.f32 v1, v2  }
0xa2: {  	[tilespmem:s0+$0x9090] =	vst v1;
	v1 =	vld [tilespmem:s0+$0x90A0]  }
0xa3: {  	v2 =	vld [tilespmem:s1+$0xFFFFFFE0];
	_ =	sdelay $0x4  }
0xa4: {  	v1 =	vmax.f32 v1, v2  }
0xa5: {  	[tilespmem:s0+$0x90A0] =	vst v1;
	v1 =	vld [tilespmem:s0+$0x90B0]  }
0xa6: {  	v2 =	vld [tilespmem:s1+$0xFFFFFFF0];
	_ =	sdelay $0x4  }
0xa7: {  	v1 =	vmax.f32 v1, v2  }
0xa8: {  	[tilespmem:s0+$0x90B0] =	vst v1;
	v1 =	vld [tilespmem:s0+$0x90C0]  }
0xa9: {  	v2 =	vld [tilespmem:s1+$0x0];
	_ =	sdelay $0x4  }
0xaa: {  	v1 =	vmax.f32 v1, v2  }
0xab: {  	[tilespmem:s0+$0x90C0] =	vst v1;
	v1 =	vld [tilespmem:s0+$0x90D0]  }
0xac: {  	v2 =	vld [tilespmem:s1+$0x10];
	_ =	sdelay $0x4  }
0xad: {  	v1 =	vmax.f32 v1, v2  }
0xae: {  	[tilespmem:s0+$0x90D0] =	vst v1;
	v1 =	vld [tilespmem:s0+$0x90E0]  }
0xaf: {  	v2 =	vld [tilespmem:s1+$0x20];
	_ =	sdelay $0x4  }
0xb0: {  	v1 =	vmax.f32 v1, v2  }
0xb1: {  	[tilespmem:s0+$0x90E0] =	vst v1;
	v1 =	vld [tilespmem:s0+$0x90F0]  }
0xb2: {  	v2 =	vld [tilespmem:s1+$0x30];
	_ =	sdelay $0x1  }
0xb3: {  	s10 =	sshll.u32 s28, $0x1  }
0xb4: {  	s1 =	sadd.s32 $0x2, s10  }
0xb5: {  	p1 =	sge.s32 s1, s24  }
0xb6: {  	s1 =	sshll.u32 @!p1 s1, $0x9;
	v1 =	vmax.f32 v1, v2  }
0xb7: {  	s10 =	simm.s32 @!p1 $0x1080;
	[tilespmem:s0+$0x90F0] =	vst v1;
	s0 =	sshra.s32 @!p1 s1, $0x2;
	s1 =	simm.s32 @!p1 $0x80;
	v1 =	vmov s26  }
0xb8: {  	[tilespmem:s10], [sflag:$0x1] =	stream.indirect.gather @!p1 [hbm4b:s3+s1], $0x80, s0, s1, $0xb8;
	[tilespmem:$0x13480] =	vst v63  }
0xb9: {  	_ =	swait.ge [sflag:s16], $0x4000  }
0xba: {  	[sflag:s16] =	ssyncset.done $0x0  }
0xbb: {  	s1 =	simm.s32 $0x0;
	[sflag:s16] =	ssyncadd.s32 $0xFFFFC000  }
0xbc: {  	v2 =	vld.idx.msk [tilespmem:v1+s1+$0x0 ss:$0x1], $0xffff;
	_ =	sdelay $0x4  }
0xbd: {  	(v2sf) =	vpush v2, $0x0;
	_ =	sdelay $0xe  }
0xbe: {  	s10 =	spop (v2sf)  }
0xbf: {  	s29 =	simm.s32 $0x50C0;
	s0 =	sshll.u32 s10, $0x9  }
0xc0: {  	v2 =	vld [tilespmem:s29+$0xFFFFFFC0];
	s30 =	sshra.s32 s0, $0x2  }
0xc1: {  	v3 =	vld [tilespmem:s30+$0x9080];
	_ =	sdelay $0x4  }
0xc2: {  	v2 =	vmax.f32 v3, v2  }
0xc3: {  	[tilespmem:s30+$0x9080] =	vst v2;
	v2 =	vld [tilespmem:s30+$0x9090]  }
0xc4: {  	v3 =	vld [tilespmem:s29+$0xFFFFFFD0];
	_ =	sdelay $0x4  }
0xc5: {  	v2 =	vmax.f32 v2, v3  }
0xc6: {  	[tilespmem:s30+$0x9090] =	vst v2;
	v2 =	vld [tilespmem:s30+$0x90A0]  }
0xc7: {  	v3 =	vld [tilespmem:s29+$0xFFFFFFE0];
	_ =	sdelay $0x4  }
0xc8: {  	v2 =	vmax.f32 v2, v3  }
0xc9: {  	[tilespmem:s30+$0x90A0] =	vst v2;
	v2 =	vld [tilespmem:s30+$0x90B0]  }
0xca: {  	v3 =	vld [tilespmem:s29+$0xFFFFFFF0];
	_ =	sdelay $0x4  }
0xcb: {  	v2 =	vmax.f32 v2, v3  }
0xcc: {  	[tilespmem:s30+$0x90B0] =	vst v2;
	v2 =	vld [tilespmem:s30+$0x90C0]  }
0xcd: {  	v3 =	vld [tilespmem:s29+$0x0];
	_ =	sdelay $0x4  }
0xce: {  	v2 =	vmax.f32 v2, v3  }
0xcf: {  	[tilespmem:s30+$0x90C0] =	vst v2;
	v2 =	vld [tilespmem:s30+$0x90D0]  }
0xd0: {  	v3 =	vld [tilespmem:s29+$0x10];
	_ =	sdelay $0x4  }
0xd1: {  	v2 =	vmax.f32 v2, v3  }
0xd2: {  	[tilespmem:s30+$0x90D0] =	vst v2;
	v2 =	vld [tilespmem:s30+$0x90E0]  }
0xd3: {  	v3 =	vld [tilespmem:s29+$0x20];
	_ =	sdelay $0x4  }
0xd4: {  	v2 =	vmax.f32 v2, v3  }
0xd5: {  	[tilespmem:s30+$0x90E0] =	vst v2;
	v2 =	vld [tilespmem:s30+$0x90F0]  }
0xd6: {  	v3 =	vld [tilespmem:s29+$0x30];
	_ =	sdelay $0x4  }
0xd7: {  	s31 =	simm.s32 $0x4;
	s1 =	simm.s32 $0x8;
	v2 =	vmax.f32 v2, v3  }
.LBB2_9:
0xd8: {  	s10 =	sshra.s32 s31, $0x2  }
0xd9: {  	[tilespmem:s30+$0x90F0] =	vst v2;
	s29 =	sadd.s32 $0x80, s29;
	s31 =	smov.u32 s1;
	s0 =	sadd.s32 $0x4, s1  }
0xda: {  	p1 =	sne.s32 s1, $0x1FC;
	v2 =	vld.idx.msk [tilespmem:v1+s10+$0x0 ss:$0x1], $0xffff;
	_ =	sdelay $0x5  }
0xdb: {  	(v2sf) =	vpush v2, $0x0;
	_ =	sdelay $0xe  }
0xdc: {  	s1 =	spop (v2sf)  }
0xdd: {  	s1 =	sshll.u32 s1, $0x9  }
0xde: {  	s30 =	sshra.s32 s1, $0x2;
	v2 =	vld [tilespmem:s29+$0xFFFFFFC0]  }
0xdf: {  	v3 =	vld [tilespmem:s30+$0x9080];
	_ =	sdelay $0x4  }
0xe0: {  	v2 =	vmax.f32 v3, v2  }
0xe1: {  	[tilespmem:s30+$0x9080] =	vst v2;
	v2 =	vld [tilespmem:s30+$0x9090]  }
0xe2: {  	v3 =	vld [tilespmem:s29+$0xFFFFFFD0];
	_ =	sdelay $0x4  }
0xe3: {  	v2 =	vmax.f32 v2, v3  }
0xe4: {  	[tilespmem:s30+$0x9090] =	vst v2;
	v2 =	vld [tilespmem:s30+$0x90A0]  }
0xe5: {  	v3 =	vld [tilespmem:s29+$0xFFFFFFE0];
	_ =	sdelay $0x4  }
0xe6: {  	v2 =	vmax.f32 v2, v3  }
0xe7: {  	[tilespmem:s30+$0x90A0] =	vst v2;
	v2 =	vld [tilespmem:s30+$0x90B0]  }
0xe8: {  	v3 =	vld [tilespmem:s29+$0xFFFFFFF0];
	_ =	sdelay $0x4  }
0xe9: {  	v2 =	vmax.f32 v2, v3  }
0xea: {  	[tilespmem:s30+$0x90B0] =	vst v2;
	v2 =	vld [tilespmem:s30+$0x90C0]  }
0xeb: {  	v3 =	vld [tilespmem:s29+$0x0];
	_ =	sdelay $0x4  }
0xec: {  	v2 =	vmax.f32 v2, v3  }
0xed: {  	[tilespmem:s30+$0x90C0] =	vst v2;
	v2 =	vld [tilespmem:s30+$0x90D0]  }
0xee: {  	v3 =	vld [tilespmem:s29+$0x10];
	_ =	sdelay $0x4  }
0xef: {  	v2 =	vmax.f32 v2, v3  }
0xf0: {  	[tilespmem:s30+$0x90D0] =	vst v2;
	v2 =	vld [tilespmem:s30+$0x90E0]  }
0xf1: {  	v3 =	vld [tilespmem:s29+$0x20];
	_ =	sdelay $0x4  }
0xf2: {  	v2 =	vmax.f32 v2, v3  }
0xf3: {  	[tilespmem:s30+$0x90E0] =	vst v2;
	v2 =	vld [tilespmem:s30+$0x90F0]  }
0xf4: {  	v3 =	vld [tilespmem:s29+$0x30]  }
.Ltmp8:
0xf5: {  	(pc) =	sbr.rel @p1 .LBB2_9-.Ltmp8, $2  }
0xf6: {  	_ =	sdelay $0x2  }
0xf7: {  	s1 =	smov.u32 s0;
	v2 =	vmax.f32 v2, v3  }
0xf8: {  	_ =	sdelay $0x2  }
0xf9: {  	s0 =	sshra.s32 s31, $0x2;
	[tilespmem:s30+$0x90F0] =	vst v2  }
0xfa: {  	v1 =	vld.idx.msk [tilespmem:v1+s0+$0x0 ss:$0x1], $0xffff;
	_ =	sdelay $0x4  }
0xfb: {  	(v2sf) =	vpush v1, $0x0;
	_ =	sdelay $0xe  }
0xfc: {  	s31 =	spop (v2sf)  }
0xfd: {  	s1 =	sadd.s32 $0x80, s29;
	s0 =	sshll.u32 s31, $0x9  }
0xfe: {  	v1 =	vld [tilespmem:s1+$0xFFFFFFC0];
	s0 =	sshra.s32 s0, $0x2  }
0xff: {  	v2 =	vld [tilespmem:s0+$0x9080];
	_ =	sdelay $0x4  }
0x100: {  	v1 =	vmax.f32 v2, v1  }
0x101: {  	[tilespmem:s0+$0x9080] =	vst v1;
	v1 =	vld [tilespmem:s0+$0x9090]  }
0x102: {  	v2 =	vld [tilespmem:s1+$0xFFFFFFD0];
	_ =	sdelay $0x4  }
0x103: {  	v1 =	vmax.f32 v1, v2  }
0x104: {  	[tilespmem:s0+$0x9090] =	vst v1;
	v1 =	vld [tilespmem:s0+$0x90A0]  }
0x105: {  	v2 =	vld [tilespmem:s1+$0xFFFFFFE0];
	_ =	sdelay $0x4  }
0x106: {  	v1 =	vmax.f32 v1, v2  }
0x107: {  	[tilespmem:s0+$0x90A0] =	vst v1;
	v1 =	vld [tilespmem:s0+$0x90B0]  }
0x108: {  	v2 =	vld [tilespmem:s1+$0xFFFFFFF0];
	_ =	sdelay $0x4  }
0x109: {  	v1 =	vmax.f32 v1, v2  }
0x10a: {  	[tilespmem:s0+$0x90B0] =	vst v1;
	v1 =	vld [tilespmem:s0+$0x90C0]  }
0x10b: {  	v2 =	vld [tilespmem:s1+$0x0];
	_ =	sdelay $0x4  }
0x10c: {  	v1 =	vmax.f32 v1, v2  }
0x10d: {  	[tilespmem:s0+$0x90C0] =	vst v1;
	v1 =	vld [tilespmem:s0+$0x90D0]  }
0x10e: {  	v2 =	vld [tilespmem:s1+$0x10];
	_ =	sdelay $0x4  }
0x10f: {  	v1 =	vmax.f32 v1, v2  }
0x110: {  	[tilespmem:s0+$0x90D0] =	vst v1;
	v1 =	vld [tilespmem:s0+$0x90E0]  }
0x111: {  	v2 =	vld [tilespmem:s1+$0x20];
	_ =	sdelay $0x4  }
0x112: {  	v1 =	vmax.f32 v1, v2  }
0x113: {  	[tilespmem:s0+$0x90E0] =	vst v1;
	v1 =	vld [tilespmem:s0+$0x90F0]  }
0x114: {  	s28 =	sadd.s32 $0x1, s28;
	v2 =	vld [tilespmem:s1+$0x30]  }
0x115: {  	p1 =	sne.s32 s28, s25  }
.Ltmp9:
0x116: {  	_ = 	snop;
	(pc) =	sbr.rel @p1 .LBB2_6-.Ltmp9, $4  }
.Ltmp10:
0x117: {  	_ = 	snop;
	(pc) =	sbr.rel @!p1 .LBB2_11-.Ltmp10, $4  }
0x118: {  	_ = 	snop  }
0x119: {  	v1 =	vmax.f32 v1, v2  }
0x11a: {  	s23 =	sadd.s32 $0x100, s23;
	s26 =	sadd.s32 $0x100, s26;
	[tilespmem:s0+$0x90F0] =	vst v1  }
0x11b: {  	_ = 	snop  }
.LBB2_13:
0x11c: {  	_ =	sfence.sel $0x180000  }
0x11d: {  	[bflag:$0x0] =	sbarrier.arrive $0xFFFF  }
0x11e: {  	_ =	strace $0x9000004D  }
0x11f: {  	s0 =	stileid.u32;
	[bflag:$0x2] =	sbarrier.arrive $0xFFFF  }
0x120: {  	p0 =	sne.s32 s0, $0x0;
	s0 =	rddreg [dreg:$0x1]  }
0x121: {  	s0 =	sadd.s32 @!p0 $0x100000, s0  }
0x122: {  	[sflag:s0] =	ssyncadd.tile.s32 @!p0 $0x1;
	_ =	shalt  }
.Lfunc_end2:
_tile_overlayer_lowered:
.L_overlay_start_2:
0x123: {  	(tag) =	ssettag $0x2  }
0x124: {  	s0 =	rddreg [dreg:$0x0];
	s2 =	stileid.u32  }
0x125: {  	s1 =	rddreg [dreg:$0x1];
	p0 =	sne.s32 s2, $0x0  }
0x126: {  	s3 =	rddreg [dreg:$0x2];
	[bflag:$0x3] =	sbarrier.arrive $0xFFFF;
	s2 =	simm.s32 @!p0 $0x1C03  }
0x127: {  	[timem:s3], [sflag:s2] =	dma.local @!p0 [hbm:s0], s1  }
0x128: {  	s0 =	simm.s32 @!p0 $0x3  }
0x129: {  	_ =	swait.ge @!p0 [sflag:s0], s1  }
0x12a: {  	s1 =	ssub.s32 @!p0 $0x0, s1;
	[sflag:s0] =	ssyncset.done @!p0 $0x0  }
0x12b: {  	[sflag:s0] =	ssyncadd.s32 @!p0 s1  }
0x12c: {  	[bflag:$0x3] =	sbarrier.arrive $0xFFFF  }
0x12d: {  	_ =	shalt  }

// kernel: kernel.8.cloned.1.call-start
scs
__scs_entry_jumppad:
0x0: {  	(pc) =	sbr.rel $0x88, $3  }
0x1: {  	(tag) =	ssettag $0x0;
	lr =	simm.s32 $0x1  }
0x2: {  	[smem:$0x3F8B] =	sst lr;
	_ =	strace $0xD0000000  }
0x3: {  	_ = 	snop  }
0x4: {  	_ = 	snop  }
0x5: {  	_ = 	snop  }
0x6: {  	_ = 	snop  }
0x7: {  	_ = 	snop  }
__scs_overlays_trampoline_lowered:
0x8: {  	[smem:$0x3F9A] =	sst s0  }
0x9: {  	[smem:$0x3F9B] =	sst s1  }
0xa: {  	[smem:$0x3F9C] =	sst s2  }
0xb: {  	[smem:$0x3F9D] =	sst s3  }
0xc: {  	[smem:$0x3F9E] =	sst s4  }
0xd: {  	[smem:$0x3F9F] =	sst s5  }
0xe: {  	[smem:$0x3FA0] =	sst s6  }
0xf: {  	[smem:$0x3FA1] =	sst s7  }
0x10: {  	[smem:$0x3FA2] =	sst s8  }
0x11: {  	[smem:$0x3FA3] =	sst s9;
	s0 =	simm.s32 @!p0 $0x0  }
0x12: {  	s1 =	sld [smem:$0x3F89];
	s0 =	simm.s32 @p0 $0x1  }
0x13: {  	[smem:$0x3FA4] =	sst s0;
	s0 =	simm.s32 @!p1 $0x0  }
0x14: {  	s2 =	sld [smem:$0x3F88];
	s0 =	simm.s32 @p1 $0x1  }
0x15: {  	[smem:$0x3FA5] =	sst s0;
	s0 =	simm.s32 @!p2 $0x0  }
0x16: {  	s3 =	sld [smem:$0x3FDB];
	s0 =	simm.s32 @p2 $0x1  }
0x17: {  	s4 =	simm.s32 $0x1BF5;
	[smem:$0x3FA7] =	sst s0  }
0x18: {  	s0 =	sld [smem:$0x3F8A];
	_ =	swait.ge [sflag:s4], $0x0  }
0x19: {  	s7 =	sld [smem:$0x3F8B]  }
0x1a: {  	s8 =	sadd.s32 $0xFFFFE003, lr  }
0x1b: {  	s9 =	sadd.s32 $0xFFFFFEF7, lr;
	s5 =	simm.s32 $0xFFFFFFFF;
	p2 =	slt.u32 s8, $0xFFFFF086  }
0x1c: {  	p1 =	slt.u32 s9, $0xF7A;
	s5 =	simm.s32 @!p2 $0x0  }
0x1d: {  	s5 =	simm.s32 @p1 $0x1;
	p0 =	seq.s32 s7, s2  }
0x1e: {  	s7 =	smul.u32 @!p0 $0xF7A, s2;
	p2 =	seq.s32 @!p0 s5, $0x0  }
0x1f: {  	s9 =	smul.u32 $0xF7A, s1;
	s8 =	simm.s32 @!p0 $0x1BF5;
	p2 =	por !p2, p0  }
0x20: {  	[sflag:s8] =	ssyncset.s32 @!p0 $0xFFFFF086;
	s6 =	sadd.s32 @!p0 s3, s7;
	s7 =	simm.s32 @!p0 $0x108  }
0x21: {  	s3 =	sadd.s32 s3, s9;
	s6 =	sadd.s32 @!p0 $0x88, s6;
	s7 =	simm.s32 @p2 $0x1082  }
0x22: {  	[simem:s7], [sflag:s8] =	dma.local @!p0 [hbm:s6], $0xF7A  }
0x23: {  	s9 =	sor.u32 $0xD0000000, s2;
	s6 =	simm.s32 $0x108;
	_ =	swait.ge @!p0 [sflag:s8], $0x0  }
0x24: {  	s3 =	sadd.s32 $0x88, s3;
	s6 =	simm.s32 @!p1 $0x1082;
	[sflag:s4] =	ssyncset.s32 $0xFFFFF086  }
0x25: {  	[simem:s6], [sflag:s4] =	dma.local [hbm:s3], $0xF7A  }
0x26: {  	[smem:$0x3F8B] =	sst s1;
	(tag) =	ssettag s2;
	_ =	strace s9  }
0x27: {  	s1 =	sld [smem:$0x3F9B]  }
0x28: {  	s2 =	sld [smem:$0x3F9C]  }
0x29: {  	s4 =	sld [smem:$0x3F9E]  }
0x2a: {  	p0 =	seq.s32 s5, $0x0;
	s5 =	sld [smem:$0x3F9F]  }
0x2b: {  	s6 =	sld [smem:$0x3FA0]  }
0x2c: {  	s7 =	sld [smem:$0x3FA1]  }
0x2d: {  	s3 =	simm.s32 $0x108;
	s8 =	sld [smem:$0x3FA2]  }
0x2e: {  	s3 =	simm.s32 @!p0 $0x1082;
	s9 =	sld [smem:$0x3FA3]  }
0x2f: {  	lr =	sadd.s32 s0, s3;
	s0 =	sld [smem:$0x3F9A]  }
0x30: {  	s3 =	sld [smem:$0x3F9D]  }
0x31: {  	[smem:$0x3FA6] =	sst s10  }
0x32: {  	s10 =	sld [smem:$0x3FA4];
	_ =	sdelay $0x3  }
0x33: {  	p0 =	seq.s32 s10, $0x1;
	s10 =	sld [smem:$0x3FA6];
	_ =	sdelay $0x3  }
0x34: {  	[smem:$0x3FA6] =	sst s10  }
0x35: {  	s10 =	sld [smem:$0x3FA5];
	_ =	sdelay $0x3  }
0x36: {  	p1 =	seq.s32 s10, $0x1;
	s10 =	sld [smem:$0x3FA6];
	_ =	sdelay $0x3  }
0x37: {  	[smem:$0x3FA6] =	sst s10  }
0x38: {  	s10 =	sld [smem:$0x3FA7]  }
0x39: {  	_ = 	snop;
	(pc) =	sbr.ind lr, $3  }
0x3a: {  	_ = 	snop  }
0x3b: {  	_ = 	snop  }
0x3c: {  	p2 =	seq.s32 s10, $0x1;
	s10 =	sld [smem:$0x3FA6]  }
0x3d: {  	_ =	shalt  }
0x3e: {  	_ =	shalt  }
0x3f: {  	_ =	shalt  }
0x40: {  	_ =	shalt  }
0x41: {  	_ =	shalt  }
0x42: {  	_ =	shalt  }
0x43: {  	_ =	shalt  }
0x44: {  	_ =	shalt  }
0x45: {  	_ =	shalt  }
0x46: {  	_ =	shalt  }
0x47: {  	_ =	shalt  }
0x48: {  	_ =	shalt  }
0x49: {  	_ =	shalt  }
0x4a: {  	_ =	shalt  }
0x4b: {  	_ =	shalt  }
0x4c: {  	_ =	shalt  }
0x4d: {  	_ =	shalt  }
0x4e: {  	_ =	shalt  }
0x4f: {  	_ =	shalt  }
0x50: {  	_ =	shalt  }
0x51: {  	_ =	shalt  }
0x52: {  	_ =	shalt  }
0x53: {  	_ =	shalt  }
0x54: {  	_ =	shalt  }
0x55: {  	_ =	shalt  }
0x56: {  	_ =	shalt  }
0x57: {  	_ =	shalt  }
0x58: {  	_ =	shalt  }
0x59: {  	_ =	shalt  }
0x5a: {  	_ =	shalt  }
0x5b: {  	_ =	shalt  }
0x5c: {  	_ =	shalt  }
0x5d: {  	_ =	shalt  }
0x5e: {  	_ =	shalt  }
0x5f: {  	_ =	shalt  }
0x60: {  	_ =	shalt  }
0x61: {  	_ =	shalt  }
0x62: {  	_ =	shalt  }
0x63: {  	_ =	shalt  }
0x64: {  	_ =	shalt  }
0x65: {  	_ =	shalt  }
0x66: {  	_ =	shalt  }
0x67: {  	_ =	shalt  }
0x68: {  	_ =	shalt  }
0x69: {  	_ =	shalt  }
0x6a: {  	_ =	shalt  }
0x6b: {  	_ =	shalt  }
0x6c: {  	_ =	shalt  }
0x6d: {  	_ =	shalt  }
0x6e: {  	_ =	shalt  }
0x6f: {  	_ =	shalt  }
0x70: {  	_ =	shalt  }
0x71: {  	_ =	shalt  }
0x72: {  	_ =	shalt  }
0x73: {  	_ =	shalt  }
0x74: {  	_ =	shalt  }
0x75: {  	_ =	shalt  }
0x76: {  	_ =	shalt  }
0x77: {  	_ =	shalt  }
0x78: {  	_ =	shalt  }
0x79: {  	_ =	shalt  }
0x7a: {  	_ =	shalt  }
0x7b: {  	_ =	shalt  }
0x7c: {  	_ =	shalt  }
0x7d: {  	_ =	shalt  }
0x7e: {  	_ =	shalt  }
0x7f: {  	_ =	shalt  }
0x80: {  	_ =	shalt  }
0x81: {  	_ =	shalt  }
0x82: {  	_ =	shalt  }
0x83: {  	_ =	shalt  }
0x84: {  	_ =	shalt  }
0x85: {  	_ =	shalt  }
0x86: {  	_ =	shalt  }
0x87: {  	_ =	shalt  }
.Lfunc_end0:
.L_simem_size_0:
called_computation_lowered:
.L_overlay_start_0:
0x88: {  	s2 =	sld [smem:$0x3FD9]  }
0x89: {  	s3 =	sld [smem:$0x3FFE];
	_ =	sdelay $0x1  }
0x8a: {  	s1 =	srdreg.scid  }
0x8b: {  	s0 =	sand.u32 $0x1, s1  }
0x8c: {  	s17 =	sshll.u32 s0, $0xA;
	s2 =	sadd.s32 s3, s2  }
0x8d: {  	s2 =	sadd.s32 s2, s17  }
0x8e: {  	[smem:$0x3FB2] =	sst s2  }
0x8f: {  	_ = 	snop  }
0x90: {  	s2 =	sld [smem:$0x3FD0];
	(tm) =	ssettm $0x1  }
0x91: {  	s18 =	sld [smem:$0x3FFB];
	_ =	sdelay $0x3  }
0x92: {  	_ =	strace s18  }
0x93: {  	s3 =	sld [smem:$0x3FFC];
	_ =	sdelay $0x3  }
0x94: {  	_ =	strace s3  }
0x95: {  	s3 =	sld [smem:$0x3FFD];
	_ =	sdelay $0x3  }
0x96: {  	_ =	strace s3  }
0x97: {  	_ =	strace $0x8FFFFFFF  }
0x98: {  	s19 =	sld [smem:$0x3FDB];
	_ =	sdelay $0x1  }
0x99: {  	s4 =	simm.s32 $_scs_section_size  }
0x9a: {  	s5 =	simm.s32 $_size__tile_overlayer_lowered;
	s6 =	simm.s32 $_tile_overlayer_lowered  }
0x9b: {  	s22 =	simm.s32 $0x1BFF;
	s21 =	sshll.u32 s6, $0x1;
	s3 =	sadd.s32 s4, s19  }
0x9c: {  	s7 =	simm.s32 $0x0;
	s20 =	sshll.u32 s5, $0x1;
	s5 =	sadd.s32 s21, s3  }
0x9d: {  	[timem:s7], [sflag:s22] =	dma.local [hbm:s5], s20  }
0x9e: {  	_ =	swait.ge [sflag:s22], s20  }
0x9f: {  	s4 =	ssub.s32 $0x0, s20;
	[sflag:s22] =	ssyncset.done $0x0  }
0xa0: {  	[sflag:s22] =	ssyncadd.s32 s4;
	_ =	sdelay $0x1  }
0xa1: {  	s23 =	simm.s32 $0x1B8B  }
0xa2: {  	_ =	swait.ge [sflag:s23], $0x1  }
0xa3: {  	[sflag:s23] =	ssyncset.done $0x0  }
0xa4: {  	s25 =	simm.s32 $0x1B8E;
	s24 =	sld [smem:$0x3FFE];
	[sflag:s23] =	ssyncadd.s32 $0xFFFFFFFF  }
0xa5: {  	s26 =	simm.s32 $execute0_lowered;
	[smem:$0x3FD2] =	sst s25  }
0xa6: {  	s5 =	sshll.u32 s26, $0x1;
	_ =	strace $0x80000046;
	[dreg:$0x1] =	wrdreg $0xFFFFFFFF  }
0xa7: {  	s28 =	simm.s32 $_size_execute0_lowered;
	s3 =	sadd.s32 s3, s5;
	[dreg:$0x0] =	wrdreg $0x0  }
0xa8: {  	s5 =	sshll.u32 s28, $0x1;
	[dreg:$0x2] =	wrdreg s3  }
0xa9: {  	[dreg:$0x3] =	wrdreg s5  }
0xaa: {  	[dreg:$0x4] =	wrdreg $0xC0  }
0xab: {  	_ =	task [dreg:s7], $0x5FFFF  }
0xac: {  	[dreg:$0x1] =	wrdreg $0xFFFFFFFF  }
0xad: {  	[dreg:$0x0] =	wrdreg $0x60  }
0xae: {  	[dreg:$0x2] =	wrdreg s24  }
0xaf: {  	[dreg:$0x3] =	wrdreg s2  }
0xb0: {  	[dreg:$0x4] =	wrdreg $0x9  }
0xb1: {  	_ =	task.clear_ibuf [dreg:s7], $0x5FFFF;
	_ =	strace $0x90000046  }
0xb2: {  	s29 =	simm.s32 $0x9;
	_ =	strace $0x80000048  }
0xb3: {  	_ =	swait.ge [sflag:s29], $0x1  }
0xb4: {  	[sflag:s29] =	ssyncadd.s32 $0xFFFFFFFF  }
0xb5: {  	_ =	strace $0x90000048  }
0xb6: {  	_ =	sfence  }
0xb7: {  	s30 =	sld [smem:$0x0];
	_ =	sdelay $0x2  }
0xb8: {  	s31 =	sshll.u32 s1, $0xD;
	s1 =	sshrl.u32 s1, $0x2  }
0xb9: {  	s3 =	sand.u32 $0x4000, s31;
	s1 =	sadd.s32 s1, s30  }
0xba: {  	s0 =	sor.u32 s3, s0;
	s1 =	sshll.u32 s1, $0x11  }
0xbb: {  	s0 =	sor.u32 s1, s0  }
0xbc: {  	s0 =	sadd.s32 $0x8F2B, s0  }
0xbd: {  	[sflag:s0] =	ssyncadd.remote.s32 $0x1  }
0xbe: {  	_ =	sfence.sel $0xFFFF  }
0xbf: {  	[dreg:$0x0] =	wrdreg $0xFFFFFFFF;
	(pc) =	sbr.abs _section_cstart, $3  }
0xc0: {  	[dreg:$0x1] =	wrdreg $0xFFFFFFFF  }
0xc1: {  	_ =	task.clear_ibuf [dreg:s7], $0x2FFFF;
	_ =	strace $0x9FFFFFFF  }
0xc2: {  	(tm) =	ssettm $0x7FFFFFFF  }
0xc3: {  	_ =	shalt  }
tec
execute0_lowered:
.L_overlay_start_1:
0x0: {  	(tag) =	ssettag $0x1  }
0x1: {  	s0 =	rddreg [dreg:$0x0]  }
0x2: {  	s2 =	rddreg [dreg:$0x1];
	s3 =	simm.s32 $0x0  }
0x3: {  	s1 =	srdreg.scid;
	s11 =	stileid.u32;
	s18 =	simm.s32 $0x1  }
0x4: {  	s19 =	simm.s32 $0x1900;
	s20 =	simm.s32 $0x3200;
	s21 =	simm.s32 $0x4B80  }
0x5: {  	s25 =	simm.s32 $0x0;
	[smem:$0x7FF] =	sst s3;
	s1 =	sand.u32 $0x1, s1  }
0x6: {  	s4 =	sshll.u32 s11, $0x1;
	s7 =	sadd.s32 $0x14A600, s0;
	s17 =	smul.u32 $0x9E480, s11  }
0x7: {  	s6 =	sor.u32 s1, s4;
	s9 =	ssub.s32 $0x2, s1;
	s1 =	smul.u32 $0x4F240, s1  }
0x8: {  	s5 =	sadd.s32 $0xDC00, s0;
	_ =	strace $0x80000047;
	s22 =	smul.u32 $0x140, s6  }
0x9: {  	s4 =	sadd.s32 $0x3E00, s0;
	s8 =	sshll.u32 s6, $0x1;
	s6 =	smul.u32 $0x4F240, s6  }
.Ltmp0:
0xa: {  	s31 =	sshrl.u32 s9, $0x1;
	s0 =	sadd.s32 s8, s0;
	(pc) =	sbr.rel .LBB2_1-.Ltmp0, $4  }
0xb: {  	s16 =	ssub.s32 s9, s31;
	s17 =	sadd.s32 s1, s17;
	s23 =	sadd.s32 $0x140, s22  }
0xc: {  	s8 =	sor.u32 $0x20, s6;
	s9 =	sadd.s32 $0x40, s6;
	s10 =	sadd.s32 $0x60, s6  }
0xd: {  	v2 =	vimm.s32 $0x0;
	s11 =	sadd.s32 $0x80, s6;
	s12 =	sadd.s32 $0xA0, s6;
	s13 =	sadd.s32 $0xC0, s6  }
0xe: {  	v3 =	vimm.s32 $0x140;
	s14 =	sadd.s32 $0xE0, s6;
	s15 =	sadd.s32 $0x287000, s0;
	s16 =	smax.u32 s16, $0x1;
	v0 =	vmov s22;
	v1 =	vmov s23  }
.LBB2_12:
0xf: {  	[tilespmem:$0x3200] =	vst v2  }
0x10: {  	[tilespmem:$0x4B80] =	vst v3  }
0x11: {  	[tilespmem:$0x3210] =	vst v2  }
0x12: {  	[tilespmem:$0x4B90] =	vst v3  }
0x13: {  	[tilespmem:$0x3220] =	vst v2  }
0x14: {  	[tilespmem:$0x4BA0] =	vst v3  }
0x15: {  	[tilespmem:$0x3230] =	vst v2  }
0x16: {  	[tilespmem:$0x4BB0] =	vst v3  }
0x17: {  	[tilespmem:$0x3240] =	vst v2  }
0x18: {  	[tilespmem:$0x4BC0] =	vst v3  }
0x19: {  	[tilespmem:$0x3250] =	vst v2  }
0x1a: {  	[tilespmem:$0x4BD0] =	vst v3  }
0x1b: {  	[tilespmem:$0x3260] =	vst v2  }
0x1c: {  	[tilespmem:$0x4BE0] =	vst v3  }
0x1d: {  	[tilespmem:$0x3270] =	vst v2  }
0x1e: {  	[tilespmem:$0x4BF0] =	vst v3  }
0x1f: {  	[tilespmem:$0x3280] =	vst v2  }
0x20: {  	[tilespmem:$0x4C00] =	vst v3  }
0x21: {  	[tilespmem:$0x3290] =	vst v2  }
0x22: {  	[tilespmem:$0x4C10] =	vst v3  }
0x23: {  	[tilespmem:$0x32A0] =	vst v2  }
0x24: {  	[tilespmem:$0x4C20] =	vst v3  }
0x25: {  	[tilespmem:$0x32B0] =	vst v2  }
0x26: {  	[tilespmem:$0x4C30] =	vst v3  }
0x27: {  	[tilespmem:$0x32C0] =	vst v2  }
0x28: {  	[tilespmem:$0x4C40] =	vst v3  }
0x29: {  	[tilespmem:$0x32D0] =	vst v2  }
0x2a: {  	[tilespmem:$0x4C50] =	vst v3  }
0x2b: {  	s26 =	sshll.u32 s26, $0x5;
	[tilespmem:$0x32E0] =	vst v2  }
0x2c: {  	[tilespmem:$0x4C60] =	vst v3;
	s0 =	sadd.s32 s6, s26  }
0x2d: {  	[tilespmem:$0x32F0] =	vst v2;
	s0 =	sshrl.u32 s0, $0x3  }
0x2e: {  	[tilespmem:$0x4C70] =	vst v3;
	s1 =	sadd.s32 s5, s0  }
0x2f: {  	[hbm4b:s1+s3] =	stream.linear.scatter [tilespmem:s20], [sflag:$0x1], $0x20, $0x38;
	[tilespmem:$0x6500] =	vst v63  }
0x30: {  	_ =	swait.ge [sflag:s18], $0x20  }
0x31: {  	[sflag:s18] =	ssyncset.done $0x0  }
0x32: {  	s0 =	sadd.s32 s7, s0;
	[sflag:s18] =	ssyncadd.s32 $0xFFFFFFE0  }
0x33: {  	[hbm4b:s0+s3] =	stream.linear.scatter [tilespmem:s21], [sflag:$0x1], $0x20, $0x38;
	[tilespmem:$0x6500] =	vst v63  }
0x34: {  	s29 =	sadd.s32 s26, s8;
	_ =	swait.ge [sflag:s18], $0x20  }
0x35: {  	s0 =	sshrl.u32 s29, $0x3;
	[sflag:s18] =	ssyncset.done $0x0  }
0x36: {  	s22 =	simm.s32 $0x3220;
	s30 =	sadd.s32 s5, s0;
	[sflag:s18] =	ssyncadd.s32 $0xFFFFFFE0  }
0x37: {  	[hbm4b:s30+s3] =	stream.linear.scatter [tilespmem:s22], [sflag:$0x1], $0x20, $0x38;
	[tilespmem:$0x6500] =	vst v63  }
0x38: {  	_ =	swait.ge [sflag:s18], $0x20  }
0x39: {  	[sflag:s18] =	ssyncset.done $0x0  }
0x3a: {  	s31 =	simm.s32 $0x4BA0;
	s0 =	sadd.s32 s7, s0;
	[sflag:s18] =	ssyncadd.s32 $0xFFFFFFE0  }
0x3b: {  	[hbm4b:s0+s3] =	stream.linear.scatter [tilespmem:s31], [sflag:$0x1], $0x20, $0x38;
	[tilespmem:$0x6500] =	vst v63  }
0x3c: {  	s1 =	sadd.s32 s26, s9;
	_ =	swait.ge [sflag:s18], $0x20  }
0x3d: {  	s0 =	sshrl.u32 s1, $0x3;
	[sflag:s18] =	ssyncset.done $0x0  }
0x3e: {  	s23 =	simm.s32 $0x3240;
	s22 =	sadd.s32 s5, s0;
	[sflag:s18] =	ssyncadd.s32 $0xFFFFFFE0  }
0x3f: {  	[hbm4b:s22+s3] =	stream.linear.scatter [tilespmem:s23], [sflag:$0x1], $0x20, $0x38;
	[tilespmem:$0x6500] =	vst v63  }
0x40: {  	_ =	swait.ge [sflag:s18], $0x20  }
0x41: {  	[sflag:s18] =	ssyncset.done $0x0  }
0x42: {  	s24 =	simm.s32 $0x4BC0;
	s0 =	sadd.s32 s7, s0;
	[sflag:s18] =	ssyncadd.s32 $0xFFFFFFE0  }
0x43: {  	[hbm4b:s0+s3] =	stream.linear.scatter [tilespmem:s24], [sflag:$0x1], $0x20, $0x38;
	[tilespmem:$0x6500] =	vst v63  }
0x44: {  	s28 =	sadd.s32 s26, s10;
	_ =	swait.ge [sflag:s18], $0x20  }
0x45: {  	s0 =	sshrl.u32 s28, $0x3;
	[sflag:s18] =	ssyncset.done $0x0  }
0x46: {  	s30 =	simm.s32 $0x3260;
	s29 =	sadd.s32 s5, s0;
	[sflag:s18] =	ssyncadd.s32 $0xFFFFFFE0  }
0x47: {  	[hbm4b:s29+s3] =	stream.linear.scatter [tilespmem:s30], [sflag:$0x1], $0x20, $0x38;
	[tilespmem:$0x6500] =	vst v63  }
0x48: {  	_ =	swait.ge [sflag:s18], $0x20  }
0x49: {  	[sflag:s18] =	ssyncset.done $0x0  }
0x4a: {  	s31 =	simm.s32 $0x4BE0;
	s0 =	sadd.s32 s7, s0;
	[sflag:s18] =	ssyncadd.s32 $0xFFFFFFE0  }
0x4b: {  	[hbm4b:s0+s3] =	stream.linear.scatter [tilespmem:s31], [sflag:$0x1], $0x20, $0x38;
	[tilespmem:$0x6500] =	vst v63  }
0x4c: {  	s1 =	sadd.s32 s26, s11;
	_ =	swait.ge [sflag:s18], $0x20  }
0x4d: {  	s0 =	sshrl.u32 s1, $0x3;
	[sflag:s18] =	ssyncset.done $0x0  }
0x4e: {  	s23 =	simm.s32 $0x3280;
	s22 =	sadd.s32 s5, s0;
	[sflag:s18] =	ssyncadd.s32 $0xFFFFFFE0  }
0x4f: {  	[hbm4b:s22+s3] =	stream.linear.scatter [tilespmem:s23], [sflag:$0x1], $0x20, $0x38;
	[tilespmem:$0x6500] =	vst v63  }
0x50: {  	_ =	swait.ge [sflag:s18], $0x20  }
0x51: {  	[sflag:s18] =	ssyncset.done $0x0  }
0x52: {  	s24 =	simm.s32 $0x4C00;
	s0 =	sadd.s32 s7, s0;
	[sflag:s18] =	ssyncadd.s32 $0xFFFFFFE0  }
0x53: {  	[hbm4b:s0+s3] =	stream.linear.scatter [tilespmem:s24], [sflag:$0x1], $0x20, $0x38;
	[tilespmem:$0x6500] =	vst v63  }
0x54: {  	s28 =	sadd.s32 s26, s12;
	_ =	swait.ge [sflag:s18], $0x20  }
0x55: {  	s0 =	sshrl.u32 s28, $0x3;
	[sflag:s18] =	ssyncset.done $0x0  }
0x56: {  	s30 =	simm.s32 $0x32A0;
	s29 =	sadd.s32 s5, s0;
	[sflag:s18] =	ssyncadd.s32 $0xFFFFFFE0  }
0x57: {  	[hbm4b:s29+s3] =	stream.linear.scatter [tilespmem:s30], [sflag:$0x1], $0x20, $0x38;
	[tilespmem:$0x6500] =	vst v63  }
0x58: {  	_ =	swait.ge [sflag:s18], $0x20  }
0x59: {  	[sflag:s18] =	ssyncset.done $0x0  }
0x5a: {  	s31 =	simm.s32 $0x4C20;
	s0 =	sadd.s32 s7, s0;
	[sflag:s18] =	ssyncadd.s32 $0xFFFFFFE0  }
0x5b: {  	[hbm4b:s0+s3] =	stream.linear.scatter [tilespmem:s31], [sflag:$0x1], $0x20, $0x38;
	[tilespmem:$0x6500] =	vst v63  }
0x5c: {  	s1 =	sadd.s32 s26, s13;
	_ =	swait.ge [sflag:s18], $0x20  }
0x5d: {  	s0 =	sshrl.u32 s1, $0x3;
	[sflag:s18] =	ssyncset.done $0x0  }
0x5e: {  	s23 =	simm.s32 $0x32C0;
	s22 =	sadd.s32 s5, s0;
	[sflag:s18] =	ssyncadd.s32 $0xFFFFFFE0  }
0x5f: {  	[hbm4b:s22+s3] =	stream.linear.scatter [tilespmem:s23], [sflag:$0x1], $0x20, $0x38;
	[tilespmem:$0x6500] =	vst v63  }
0x60: {  	_ =	swait.ge [sflag:s18], $0x20  }
0x61: {  	[sflag:s18] =	ssyncset.done $0x0  }
0x62: {  	s24 =	simm.s32 $0x4C40;
	s0 =	sadd.s32 s7, s0;
	[sflag:s18] =	ssyncadd.s32 $0xFFFFFFE0  }
0x63: {  	[hbm4b:s0+s3] =	stream.linear.scatter [tilespmem:s24], [sflag:$0x1], $0x20, $0x38;
	[tilespmem:$0x6500] =	vst v63  }
0x64: {  	s28 =	sadd.s32 s26, s14;
	_ =	swait.ge [sflag:s18], $0x20  }
0x65: {  	s0 =	sshrl.u32 s28, $0x3;
	[sflag:s18] =	ssyncset.done $0x0  }
0x66: {  	s30 =	simm.s32 $0x32E0;
	s29 =	sadd.s32 s5, s0;
	[sflag:s18] =	ssyncadd.s32 $0xFFFFFFE0  }
0x67: {  	[hbm4b:s29+s3] =	stream.linear.scatter [tilespmem:s30], [sflag:$0x1], $0x20, $0x38;
	[tilespmem:$0x6500] =	vst v63  }
0x68: {  	_ =	swait.ge [sflag:s18], $0x20  }
0x69: {  	[sflag:s18] =	ssyncset.done $0x0  }
0x6a: {  	s31 =	simm.s32 $0x4C60;
	s0 =	sadd.s32 s7, s0;
	[sflag:s18] =	ssyncadd.s32 $0xFFFFFFE0  }
0x6b: {  	[hbm4b:s0+s3] =	stream.linear.scatter [tilespmem:s31], [sflag:$0x1], $0x20, $0x38;
	[tilespmem:$0x6500] =	vst v63  }
0x6c: {  	_ =	swait.ge [sflag:s18], $0x20  }
0x6d: {  	s25 =	sadd.s32 $0x1, s25;
	[sflag:s18] =	ssyncset.done $0x0  }
0x6e: {  	v4 =	vmov s26;
	p0 =	sne.s32 s25, s16;
	[sflag:s18] =	ssyncadd.s32 $0xFFFFFFE0  }
.Ltmp1:
0x6f: {  	[tilespmem:$0x1900] =	vst v4;
	(pc) =	sbr.rel @!p0 .LBB2_13-.Ltmp1, $4  }
0x70: {  	[hbm4b:s15+s3] =	stream.linear.scatter [tilespmem:s19], [sflag:$0x1], $0x10, $0x38;
	[tilespmem:$0x6500] =	vst v63  }
0x71: {  	_ =	swait.ge [sflag:s18], $0x10  }
0x72: {  	[sflag:s18] =	ssyncset.done $0x0  }
0x73: {  	[sflag:s18] =	ssyncadd.s32 $0xFFFFFFF0  }
.LBB2_1:
.Ltmp2:
0x74: {  	(pc) =	sbr.rel .LBB2_2-.Ltmp2, $2  }
0x75: {  	_ =	sdelay $0x2  }
0x76: {  	s26 =	simm.s32 $0x0;
	s28 =	simm.s32 $0x0  }
.LBB2_6:
0x77: {  	s22 =	simm.s32 $0x3200  }
.LBB2_10:
0x78: {  	s1 =	sadd.s32 @p0 $0x20, s22  }
0x79: {  	s24 =	sadd.s32 s5, s0;
	[sflag:s18] =	ssyncadd.s32 @p0 $0xFFFFFFE0;
	s30 =	smov.u32 @p0 s1  }
0x7a: {  	[hbm4b:s24+s3] =	stream.linear.scatter [tilespmem:s30], [sflag:$0x1], $0x20, $0x38;
	[tilespmem:$0x6500] =	vst v63  }
0x7b: {  	_ =	swait.ge [sflag:s18], $0x20  }
0x7c: {  	[sflag:s18] =	ssyncset.done $0x0  }
0x7d: {  	s30 =	sadd.s32 s7, s0;
	[sflag:s18] =	ssyncadd.s32 $0xFFFFFFE0  }
0x7e: {  	[hbm4b:s30+s3] =	stream.linear.scatter [tilespmem:s31], [sflag:$0x1], $0x20, $0x38;
	[tilespmem:$0x6500] =	vst v63  }
0x7f: {  	_ =	swait.ge [sflag:s18], $0x20  }
0x80: {  	[sflag:s18] =	ssyncset.done $0x0  }
0x81: {  	[sflag:s18] =	ssyncadd.s32 $0xFFFFFFE0  }
.LBB2_11:
0x82: {  	s28 =	sadd.s32 $0x1, s28  }
0x83: {  	p0 =	sne.s32 s28, $0x32  }
.Ltmp3:
0x84: {  	_ = 	snop;
	(pc) =	sbr.rel @!p0 .LBB2_12-.Ltmp3, $2  }
0x85: {  	_ =	sdelay $0x2  }
0x86: {  	s26 =	sadd.s32 s26, s29  }
.LBB2_2:
0x87: {  	s0 =	smul.u32 $0x320, s28;
	_ =	sdelay $0x1  }
0x88: {  	s29 =	simm.s32 $0x0;
	s1 =	sadd.s32 s4, s0  }
0x89: {  	[tilespmem:s29], [sflag:$0x1] =	stream.linear.gather [hbm4b:s1+s29], $0x1900, $0x38;
	[tilespmem:$0x6500] =	vst v63  }
0x8a: {  	_ =	swait.ge [sflag:s18], $0x1900  }
0x8b: {  	[sflag:s18] =	ssyncset.done $0x0  }
0x8c: {  	s0 =	sadd.s32 s2, s0;
	[sflag:s18] =	ssyncadd.s32 $0xFFFFE700  }
0x8d: {  	[tilespmem:s19], [sflag:$0x1] =	stream.linear.gather [hbm4b:s0+s29], $0x1900, $0x38;
	[tilespmem:$0x6500] =	vst v63  }
0x8e: {  	_ =	swait.ge [sflag:s18], $0x1900  }
0x8f: {  	[sflag:s18] =	ssyncset.done $0x0  }
0x90: {  	s31 =	simm.s32 $0x0;
	[sflag:s18] =	ssyncadd.s32 $0xFFFFE700  }
0x91: {  	v4 =	vld [tilespmem:s31+$0x1900];
	_ =	sdelay $0x4  }
0x92: {  	vm0 =	vge.s32 v4, v0;
	vm1 =	vlt.s32 v4, v1  }
0x93: {  	vm0 =	vmand vm0, vm1  }
0x94: {  	v5 =	vsel vm0, $0x1, v2  }
0x95: {  	(xrf0) =	vadd.scan.msk.s32 $0xffff, v5;
	_ =	sdelay $0x2  }
0x96: {  	v5 =	vmov s29  }
0x97: {  	v5 =	vadd.s32 $0xFFFFFFFF, v5  }
0x98: {  	v5 =	vbroadcast v5, $0x0  }
0x99: {  	v6, _, _ =	vpop (xrf0)  }
0x9a: {  	v7 =	vld [tilespmem:s31+$0x0];
	v5 =	vadd.s32 v6, v5;
	(v2sf) =	vpush v6, $0xF;
	_ =	sdelay $0x4  }
0x9b: {  	v4 =	vsub.s32 v4, v0;
	[tilespmem:v5+s20+$0x0] =	vst.idx.msk vm0, v7  }
0x9c: {  	s30 =	simm.s32 $0x10;
	s0 =	simm.s32 $0x80;
	[tilespmem:v5+s21+$0x0] =	vst.idx.msk vm0, v4  }
.LBB2_3:
0x9d: {  	p0 =	sne.s32 s0, $0x63C0;
	v4 =	vld [tilespmem:s30+$0x1900];
	_ =	sdelay $0x4  }
0x9e: {  	vm0 =	vge.s32 v4, v0;
	vm1 =	vlt.s32 v4, v1;
	v4 =	vsub.s32 v4, v0  }
0x9f: {  	vm0 =	vmand vm0, vm1  }
0xa0: {  	v5 =	vsel vm0, $0x1, v2  }
0xa1: {  	(xrf0) =	vadd.scan.msk.s32 $0xffff, v5;
	s1 =	spop (v2sf)  }
0xa2: {  	s29 =	sadd.s32 s29, s1  }
0xa3: {  	v5 =	vmov s29  }
0xa4: {  	v5 =	vadd.s32 $0xFFFFFFFF, v5  }
0xa5: {  	v5 =	vbroadcast v5, $0x0;
	_ =	sdelay $0x1  }
0xa6: {  	v6, _, _ =	vpop (xrf0)  }
0xa7: {  	v7 =	vld [tilespmem:s30+$0x0];
	v5 =	vadd.s32 v6, v5;
	(v2sf) =	vpush v6, $0xF;
	_ =	sdelay $0x1  }
.Ltmp4:
0xa8: {  	(pc) =	sbr.rel @p0 .LBB2_3-.Ltmp4, $3  }
0xa9: {  	_ =	sdelay $0x1  }
0xaa: {  	[tilespmem:v5+s20+$0x0] =	vst.idx.msk vm0, v7  }
0xab: {  	s30 =	sshra.s32 s0, $0x2;
	s0 =	sadd.s32 $0x40, s0;
	[tilespmem:v5+s21+$0x0] =	vst.idx.msk vm0, v4  }
0xac: {  	v4 =	vld [tilespmem:s30+$0x1900];
	_ =	sdelay $0x4  }
0xad: {  	vm0 =	vge.s32 v4, v0;
	vm1 =	vlt.s32 v4, v1  }
0xae: {  	vm0 =	vmand vm0, vm1  }
0xaf: {  	v5 =	vsel vm0, $0x1, v2  }
0xb0: {  	(xrf0) =	vadd.scan.msk.s32 $0xffff, v5;
	_ =	sdelay $0x5  }
0xb1: {  	v5, _, _ =	vpop (xrf0)  }
0xb2: {  	(v2sf) =	vpush v5, $0xF;
	_ =	sdelay $0xc  }
0xb3: {  	s0 =	spop (v2sf)  }
0xb4: {  	s0 =	sadd.s32 s29, s0  }
0xb5: {  	v6 =	vmov s0;
	s1 =	spop (v2sf)  }
0xb6: {  	v6 =	vadd.s32 $0xFFFFFFFF, v6;
	s0 =	sadd.s32 s0, s1  }
0xb7: {  	v6 =	vbroadcast v6, $0x0;
	s1 =	sadd.s32 $0x1F, s0  }
0xb8: {  	s22 =	sand.u32 $0x1F, s1  }
0xb9: {  	v7 =	vld [tilespmem:s30+$0x0];
	v5 =	vadd.s32 v5, v6;
	s31 =	sshra.s32 s1, $0x1F;
	p1 =	slt.s32 s1, $0x1;
	p0 =	sne.s32 s22, $0x0  }
0xba: {  	s22 =	sshrl.u32 s31, $0x1B;
	p0 =	por !p1, !p0  }
0xbb: {  	s1 =	sadd.s32 s22, s1;
	s22 =	simm.s32 $0x1;
	p0 =	por !p0, !p0  }
0xbc: {  	s1 =	sshra.s32 s1, $0x5;
	s22 =	simm.s32 @!p0 $0x0  }
0xbd: {  	s29 =	ssub.s32 s1, s22  }
0xbe: {  	v4 =	vsub.s32 v4, v0;
	[tilespmem:v5+s20+$0x0] =	vst.idx.msk vm0, v7;
	p0 =	slt.s32 s29, $0x1  }
.Ltmp5:
0xbf: {  	[tilespmem:v5+s21+$0x0] =	vst.idx.msk vm0, v4;
	(pc) =	sbr.rel @p0 .LBB2_11-.Ltmp5, $4  }
0xc0: {  	[tilespmem:s0+$0x3200] =	vst v2  }
0xc1: {  	[tilespmem:s0+$0x3210] =	vst v2  }
0xc2: {  	[tilespmem:s0+$0x4B80] =	vst v3  }
0xc3: {  	[tilespmem:s0+$0x4B90] =	vst v3  }
0xc4: {  	p1 =	sne.s32 s29, $0x1  }
.Ltmp6:
0xc5: {  	_ = 	snop;
	(pc) =	sbr.rel @!p1 .LBB2_6-.Ltmp6, $4  }
0xc6: {  	_ = 	snop  }
0xc7: {  	s0 =	sshll.u32 s26, $0x5  }
0xc8: {  	s30 =	simm.s32 $0x3200;
	s31 =	simm.s32 $0x4B80;
	s1 =	sadd.s32 s0, s17  }
0xc9: {  	s22 =	sadd.s32 $0xFFFFFFFF, s29;
	p0 =	por $0x0, $0x0;
	s0 =	sshrl.u32 s1, $0x3  }
0xca: {  	s23 =	sadd.s32 s5, s0  }
0xcb: {  	[hbm4b:s23+s3] =	stream.linear.scatter [tilespmem:s30], [sflag:$0x1], $0x20, $0x38;
	[tilespmem:$0x6500] =	vst v63  }
0xcc: {  	p1 =	sne.s32 s22, $0x1;
	_ =	swait.ge [sflag:s18], $0x20  }
.Ltmp7:
0xcd: {  	s24 =	sadd.s32 s7, s0;
	[sflag:s18] =	ssyncset.done $0x0;
	(pc) =	sbr.rel @!p1 .LBB2_8-.Ltmp7, $4  }
0xce: {  	s1 =	sadd.s32 $0x20, s1;
	p0 =	por $0x1, $0x1;
	[sflag:s18] =	ssyncadd.s32 $0xFFFFFFE0  }
0xcf: {  	[hbm4b:s24+s3] =	stream.linear.scatter [tilespmem:s31], [sflag:$0x1], $0x20, $0x38;
	[tilespmem:$0x6500] =	vst v63  }
0xd0: {  	s23 =	sadd.s32 $0xFFFFFFFF, s22;
	s0 =	sshrl.u32 s1, $0x3;
	_ =	swait.ge [sflag:s18], $0x20  }
0xd1: {  	s22 =	simm.s32 $0x3200;
	s31 =	simm.s32 $0x4BA0;
	[sflag:s18] =	ssyncset.done $0x0  }
.LBB2_9:
0xd2: {  	s24 =	sadd.s32 s5, s0;
	[sflag:s18] =	ssyncadd.s32 $0xFFFFFFE0;
	s22 =	sadd.s32 $0x20, s22  }
0xd3: {  	[hbm4b:s24+s3] =	stream.linear.scatter [tilespmem:s22], [sflag:$0x1], $0x20, $0x38;
	[tilespmem:$0x6500] =	vst v63  }
0xd4: {  	p1 =	sne.s32 s23, $0x1;
	s23 =	sadd.s32 $0xFFFFFFFF, s23;
	_ =	swait.ge [sflag:s18], $0x20  }
.Ltmp8:
0xd5: {  	[sflag:s18] =	ssyncset.done $0x0;
	(pc) =	sbr.rel @p1 .LBB2_9-.Ltmp8, $4  }
0xd6: {  	s0 =	sadd.s32 s7, s0;
	[sflag:s18] =	ssyncadd.s32 $0xFFFFFFE0  }
0xd7: {  	[hbm4b:s0+s3] =	stream.linear.scatter [tilespmem:s31], [sflag:$0x1], $0x20, $0x38;
	[tilespmem:$0x6500] =	vst v63  }
0xd8: {  	s1 =	sadd.s32 $0x20, s1;
	_ =	swait.ge [sflag:s18], $0x20  }
0xd9: {  	s0 =	sshrl.u32 s1, $0x3;
	s31 =	sadd.s32 $0x20, s31;
	[sflag:s18] =	ssyncset.done $0x0  }
.Ltmp9:
0xda: {  	_ = 	snop;
	(pc) =	sbr.rel .LBB2_10-.Ltmp9, $1  }
0xdb: {  	_ =	sdelay $0x3  }
.LBB2_8:
.Ltmp10:
0xdc: {  	(pc) =	sbr.rel .LBB2_10-.Ltmp10, $2  }
0xdd: {  	_ =	sdelay $0x2  }
0xde: {  	s22 =	simm.s32 $0x3200  }
.LBB2_13:
0xdf: {  	_ =	sfence.sel $0x180000  }
0xe0: {  	[bflag:$0x0] =	sbarrier.arrive $0xFFFF  }
0xe1: {  	_ =	strace $0x90000047  }
0xe2: {  	s0 =	stileid.u32;
	[bflag:$0x2] =	sbarrier.arrive $0xFFFF  }
0xe3: {  	p0 =	sne.s32 s0, $0x0;
	s0 =	rddreg [dreg:$0x2]  }
0xe4: {  	s0 =	sadd.s32 @!p0 $0x100000, s0  }
0xe5: {  	[sflag:s0] =	ssyncadd.tile.s32 @!p0 $0x1;
	_ =	shalt  }
.Lfunc_end2:
_tile_overlayer_lowered:
.L_overlay_start_2:
0xe6: {  	(tag) =	ssettag $0x2  }
0xe7: {  	s0 =	rddreg [dreg:$0x0];
	s2 =	stileid.u32  }
0xe8: {  	s1 =	rddreg [dreg:$0x1];
	p0 =	sne.s32 s2, $0x0  }
0xe9: {  	s3 =	rddreg [dreg:$0x2];
	[bflag:$0x3] =	sbarrier.arrive $0xFFFF;
	s2 =	simm.s32 @!p0 $0x1C01  }
0xea: {  	[timem:s3], [sflag:s2] =	dma.local @!p0 [hbm:s0], s1  }
0xeb: {  	s0 =	simm.s32 @!p0 $0x1  }
0xec: {  	_ =	swait.ge @!p0 [sflag:s0], s1  }
0xed: {  	s1 =	ssub.s32 @!p0 $0x0, s1;
	[sflag:s0] =	ssyncset.done @!p0 $0x0  }
0xee: {  	[sflag:s0] =	ssyncadd.s32 @!p0 s1  }
0xef: {  	[bflag:$0x3] =	sbarrier.arrive $0xFFFF  }
0xf0: {  	_ =	shalt  }

</sc_bundles>
